<compile_context>
chip_gen: v7x
topology: tpu7x:2x2x1
jax: 0.10.2.dev20260603
libtpu: 0.0.44.dev20260713+nightly
codegen_flags: <defaults>
</compile_context>

<pallas_src>
import functools

import jax
import jax.numpy as jnp
from jax import lax
from jax.experimental import pallas as pl
from jax.experimental.pallas import tpu as pltpu
from jax.experimental.pallas import tpu_sc as plsc

N = 10000
E = 320000
D = 128
P = 16
W = 2 * D
DA = D + P
NC = 2
NS = 16
NW = NC * NS
EW = E // NW

CHG = 80
NCHG = EW // CHG
CHS = 80
NCHS = EW // CHS

RPT = 624
REM0 = NS * RPT
REM = N - REM0


def _sc_gather_body(hp_hbm, src_hbm, dst_hbm,
                    hps_hbm, hpd_hbm,
                    idxs_v, idxd_v, rows_v, rowd_v, sems, semd):
    c = lax.axis_index("c")
    s = lax.axis_index("s")
    wid = s * NC + c

    def body(i, carry):
        base = wid * EW + i * CHG
        pltpu.sync_copy(src_hbm.at[pl.ds(base, CHG)], idxs_v)
        pltpu.sync_copy(dst_hbm.at[pl.ds(base, CHG)], idxd_v)
        cps = pltpu.async_copy(hp_hbm.at[idxs_v], rows_v, sems)
        cpd = pltpu.async_copy(hp_hbm.at[idxd_v], rowd_v, semd)
        cps.wait()
        pltpu.sync_copy(rows_v, hps_hbm.at[pl.ds(base, CHG)])
        cpd.wait()
        pltpu.sync_copy(rowd_v, hpd_hbm.at[pl.ds(base, CHG)])
        return carry

    lax.fori_loop(0, NCHG, body, 0)


def _sc_scatter_body(ef_hbm, aux_hbm, dst_hbm, z_hbm,
                     agg0_hbm, agg1_hbm, aux0_hbm, aux1_hbm,
                     idx_v, vval, sh):
    c = lax.axis_index("c")
    s = lax.axis_index("s")
    wid = s * NC + c
    row0 = s * RPT

    def _zero():
        pltpu.sync_copy(z_hbm.at[pl.ds(row0, RPT)], sh.at[pl.ds(row0, RPT)])

        @pl.when(s == NS - 1)
        def _():
            pltpu.sync_copy(z_hbm.at[pl.ds(REM0, REM)], sh.at[pl.ds(REM0, REM)])

    def _accumulate(val_hbm):
        def body(i, carry):
            base = wid * EW + i * CHS
            pltpu.sync_copy(dst_hbm.at[pl.ds(base, CHS)], idx_v)
            pltpu.sync_copy(val_hbm.at[pl.ds(base, CHS)], vval)
            pltpu.sync_copy(vval, sh.at[idx_v], add=True)
            return carry
        lax.fori_loop(0, NCHS, body, 0)

    def _writeout(o0_hbm, o1_hbm):
        @pl.when(c == 0)
        def _():
            pltpu.sync_copy(sh.at[pl.ds(row0, RPT)], o0_hbm.at[pl.ds(row0, RPT)])

            @pl.when(s == NS - 1)
            def _():
                pltpu.sync_copy(sh.at[pl.ds(REM0, REM)], o0_hbm.at[pl.ds(REM0, REM)])

        @pl.when(c == 1)
        def _():
            pltpu.sync_copy(sh.at[pl.ds(row0, RPT)], o1_hbm.at[pl.ds(row0, RPT)])

            @pl.when(s == NS - 1)
            def _():
                pltpu.sync_copy(sh.at[pl.ds(REM0, REM)], o1_hbm.at[pl.ds(REM0, REM)])

    _zero()
    plsc.subcore_barrier()
    _accumulate(ef_hbm)
    plsc.subcore_barrier()
    _writeout(agg0_hbm, agg1_hbm)
    _zero()
    plsc.subcore_barrier()
    _accumulate(aux_hbm)
    plsc.subcore_barrier()
    _writeout(aux0_hbm, aux1_hbm)


@functools.lru_cache(maxsize=None)
def _sc_kernels():
    mesh = plsc.VectorSubcoreMesh(core_axis_name="c", subcore_axis_name="s")
    gather = pl.kernel(
        _sc_gather_body,
        out_type=[
            jax.ShapeDtypeStruct((E, W), jnp.float32),
            jax.ShapeDtypeStruct((E, W), jnp.float32),
        ],
        mesh=mesh,
        scratch_types=[
            pltpu.VMEM((CHG,), jnp.int32),
            pltpu.VMEM((CHG,), jnp.int32),
            pltpu.VMEM((CHG, W), jnp.float32),
            pltpu.VMEM((CHG, W), jnp.float32),
            pltpu.SemaphoreType.DMA,
            pltpu.SemaphoreType.DMA,
        ],
    )
    scatter = pl.kernel(
        _sc_scatter_body,
        out_type=[
            jax.ShapeDtypeStruct((N, D), jnp.float32),
            jax.ShapeDtypeStruct((N, D), jnp.float32),
            jax.ShapeDtypeStruct((N, D), jnp.float32),
            jax.ShapeDtypeStruct((N, D), jnp.float32),
        ],
        mesh=mesh,
        scratch_types=[
            pltpu.VMEM((CHS,), jnp.int32),
            pltpu.VMEM((CHS, D), jnp.float32),
            pltpu.VMEM_SHARED((N, D), jnp.float32),
        ],
    )
    return gather, scatter


def _silu(x):
    return x * jax.nn.sigmoid(x)


EB = 2000
NB = 2000

_row = lambda i: (i, 0)
_row1 = lambda i: (i, 1)
_fix = lambda i: (0, 0)


def _edge_phase(hps, hpd, w1, b1, w2, b2, cw1, cb1, cw2):
    def body(hs_ref, ps_ref, hd_ref, pd_ref, w1_ref,
             b1_ref, w2_ref, b2_ref, cw1_ref, cb1_ref, cw2_ref,
             ef_ref, aux_ref):
        ev = pd_ref[:, :P] - ps_ref[:, :P]
        dist = jnp.sum(ev * ev, axis=1, keepdims=True)
        e_in = jnp.concatenate([hs_ref[...], hd_ref[...], dist], axis=1)
        t = e_in @ w1_ref[...] + b1_ref[...]
        ef = _silu(_silu(t) @ w2_ref[...] + b2_ref[...])
        v = _silu(ef @ cw1_ref[...] + cb1_ref[...])
        cw = v @ cw2_ref[...]
        ef_ref[...] = ef
        lane = lax.broadcasted_iota(jnp.int32, (EB, D), 1)
        evw = jnp.pad(ev, ((0, 0), (0, D - P))) * cw
        aux_ref[...] = jnp.where(lane == P - 1, 1.0, evw)

    return pl.pallas_call(
        body,
        grid=(E // EB,),
        in_specs=[
            pl.BlockSpec((EB, D), _row),
            pl.BlockSpec((EB, D), _row1),
            pl.BlockSpec((EB, D), _row),
            pl.BlockSpec((EB, D), _row1),
            pl.BlockSpec((2 * D + 1, D), _fix),
            pl.BlockSpec((1, D), _fix),
            pl.BlockSpec((D, D), _fix),
            pl.BlockSpec((1, D), _fix),
            pl.BlockSpec((D, D), _fix),
            pl.BlockSpec((1, D), _fix),
            pl.BlockSpec((D, 1), _fix),
        ],
        out_specs=[
            pl.BlockSpec((EB, D), _row),
            pl.BlockSpec((EB, D), _row),
        ],
        out_shape=[
            jax.ShapeDtypeStruct((E, D), jnp.float32),
            jax.ShapeDtypeStruct((E, D), jnp.float32),
        ],
    )(hps, hps, hpd, hpd, w1, b1, w2, b2, cw1, cb1, cw2)


def _node_phase(hp, agg0, agg1, aux0, aux1, nw1, nb1, nw2, nb2):
    def body(h_ref, p_ref, agg0_ref, agg1_ref, aux0_ref, aux1_ref,
             w1_ref, b1_ref, w2_ref, b2_ref, o_ref):
        h = h_ref[...]
        agg = agg0_ref[...] + agg1_ref[...]
        na = jnp.concatenate([h, agg], axis=1)
        t = _silu(na @ w1_ref[...] + b1_ref[...])
        h_new = h + t @ w2_ref[...] + b2_ref[...]
        aux = aux0_ref[...] + aux1_ref[...]
        deg = jnp.maximum(aux[:, P - 1:P], 1.0)
        lane = lax.broadcasted_iota(jnp.int32, (NB, D), 1)
        p_new = p_ref[...] + jnp.where(lane < 3, aux, 0.0) / deg
        o_ref[...] = jnp.concatenate([h_new, p_new], axis=1)

    return pl.pallas_call(
        body,
        grid=(N // NB,),
        in_specs=[
            pl.BlockSpec((NB, D), _row),
            pl.BlockSpec((NB, D), _row1),
            pl.BlockSpec((NB, D), _row),
            pl.BlockSpec((NB, D), _row),
            pl.BlockSpec((NB, D), _row),
            pl.BlockSpec((NB, D), _row),
            pl.BlockSpec((2 * D, D), _fix),
            pl.BlockSpec((1, D), _fix),
            pl.BlockSpec((D, D), _fix),
            pl.BlockSpec((1, D), _fix),
        ],
        out_specs=pl.BlockSpec((NB, W), _row),
        out_shape=jax.ShapeDtypeStruct((N, W), jnp.float32),
    )(hp, hp, agg0, agg1, aux0, aux1, nw1, nb1, nw2, nb2)


def kernel(x, pos, edge_index, embed_W, embed_b, edge_W1, edge_b1, edge_W2,
           edge_b2, node_W1, node_b1, node_W2, node_b2, coord_W1, coord_b1,
           coord_W2, out_W1, out_b1, out_W2, out_b2):
    L = edge_W1.shape[0]
    src = edge_index[0]
    dst = edge_index[1]
    p128 = jnp.pad(pos, ((0, 0), (0, D - 3)))
    z128 = jnp.zeros((N, D), jnp.float32)

    def embed_body(x_ref, p_ref, w_ref, b_ref, o_ref):
        h = _silu(x_ref[...] @ w_ref[...] + b_ref[...])
        o_ref[...] = jnp.concatenate([h, p_ref[...]], axis=1)
    hp = pl.pallas_call(
        embed_body,
        grid=(N // NB,),
        in_specs=[
            pl.BlockSpec((NB, D), _row),
            pl.BlockSpec((NB, D), _row),
            pl.BlockSpec((D, D), _fix),
            pl.BlockSpec((1, D), _fix),
        ],
        out_specs=pl.BlockSpec((NB, W), _row),
        out_shape=jax.ShapeDtypeStruct((N, W), jnp.float32),
    )(x, p128, embed_W, embed_b[None])

    sc_gather, sc_scatter = _sc_kernels()
    for l in range(L):
        hps, hpd = sc_gather(hp, src, dst)
        ef, aux = _edge_phase(
            hps, hpd, edge_W1[l], edge_b1[l][None], edge_W2[l],
            edge_b2[l][None], coord_W1[l], coord_b1[l][None], coord_W2[l])
        agg0, agg1, aux0, aux1 = sc_scatter(ef, aux, dst, z128)
        hp = _node_phase(hp, agg0, agg1, aux0, aux1,
                         node_W1[l], node_b1[l][None],
                         node_W2[l], node_b2[l][None])

    def out_body(h_ref, w1_ref, b1_ref, w2_ref, b2_ref, o_ref):
        t = _silu(h_ref[...] @ w1_ref[...] + b1_ref[...])
        o_ref[...] = t @ w2_ref[...] + b2_ref[...]
    out = pl.pallas_call(
        out_body,
        grid=(N // NB,),
        in_specs=[
            pl.BlockSpec((NB, D), _row),
            pl.BlockSpec((D, D), _fix),
            pl.BlockSpec((1, D), _fix),
            pl.BlockSpec((D, D), _fix),
            pl.BlockSpec((1, D), _fix),
        ],
        out_specs=pl.BlockSpec((NB, D), _row),
        out_shape=jax.ShapeDtypeStruct((N, D), jnp.float32),
    )(hp, out_W1, out_b1[None], out_W2, out_b2[None])

    return (out, hp[:, D:D + 3])

# --- scband reference (transcript-rebuilt; emitter-appended) ---
"""Pipeline reference for scband-egnn-36163624632810 (READ-ONLY COPY).

The authoritative reference and input builder live on the scoring server;
editing this copy changes nothing except your own understanding.
"""

import jax, jax.numpy as jnp
import numpy as np

N_NODES = 10000
N_EDGES = 320000
D = 128
L = 4

def _init(k, shape, fan_in):
    return (jax.random.normal(k, shape, dtype=jnp.float32) * (1.0 / np.sqrt(fan_in))).astype(jnp.float32)

def setup_inputs(seed: int = 0):
    key = jax.random.key(seed)
    ks = jax.random.split(key, 16)
    inp = {}
    inp["x"] = jax.random.normal(ks[0], (N_NODES, D), dtype=jnp.float32)
    inp["pos"] = jax.random.normal(ks[1], (N_NODES, 3), dtype=jnp.float32)
    inp["edge_index"] = jax.random.randint(ks[2], (2, N_EDGES), 0, N_NODES, dtype=jnp.int32)
    inp["embed_W"] = _init(ks[3], (D, D), D)
    inp["embed_b"] = jnp.zeros((D,), jnp.float32)
    inp["edge_W1"] = _init(ks[4], (L, 2 * D + 1, D), 2 * D + 1)
    inp["edge_b1"] = jnp.zeros((L, D), jnp.float32)
    inp["edge_W2"] = _init(ks[5], (L, D, D), D)
    inp["edge_b2"] = jnp.zeros((L, D), jnp.float32)
    inp["node_W1"] = _init(ks[6], (L, 2 * D, D), 2 * D)
    inp["node_b1"] = jnp.zeros((L, D), jnp.float32)
    inp["node_W2"] = _init(ks[7], (L, D, D), D)
    inp["node_b2"] = jnp.zeros((L, D), jnp.float32)
    inp["coord_W1"] = _init(ks[8], (L, D, D), D)
    inp["coord_b1"] = jnp.zeros((L, D), jnp.float32)
    inp["coord_W2"] = _init(ks[9], (L, D, 1), D)
    inp["out_W1"] = _init(ks[10], (D, D), D)
    inp["out_b1"] = jnp.zeros((D,), jnp.float32)
    inp["out_W2"] = _init(ks[11], (D, D), D)
    inp["out_b2"] = jnp.zeros((D,), jnp.float32)
    return inp

def reference(x, pos, edge_index, embed_W, embed_b, edge_W1, edge_b1, edge_W2, edge_b2, node_W1, node_b1, node_W2, node_b2, coord_W1, coord_b1, coord_W2, out_W1, out_b1, out_W2, out_b2):
    silu = jax.nn.silu
    src = edge_index[0]
    dst = edge_index[1]
    n = x.shape[0]
    h = silu(x @ embed_W + embed_b)
    p = pos
    degree = jnp.maximum(jnp.bincount(dst, length=n).astype(jnp.float32)[:, None], 1.0)
    for l in range(L):
        edge_vec = p[dst] - p[src]
        edge_dist_sq = jnp.sum(edge_vec ** 2, axis=-1, keepdims=True)
        e_in = jnp.concatenate([h[src], h[dst], edge_dist_sq], axis=-1)
        ef = silu(silu(e_in @ edge_W1[l] + edge_b1[l]) @ edge_W2[l] + edge_b2[l])
        agg = jnp.zeros_like(h).at[dst].add(ef)
        h_new = silu(jnp.concatenate([h, agg], axis=-1) @ node_W1[l] + node_b1[l]) @ node_W2[l] + node_b2[l]
        cw = silu(ef @ coord_W1[l] + coord_b1[l]) @ coord_W2[l]
        cd = jnp.zeros_like(p).at[dst].add(edge_vec * cw)
        p = p + cd / degree
        h = h + h_new
    out = silu(h @ out_W1 + out_b1) @ out_W2 + out_b2
    return (out, p)

if __name__ == "__main__":
    import jax
    _d = setup_inputs()
    print(jax.jit(kernel)(*tuple(_d.values())))

</pallas_src>

<mosaic_0001>
#map = affine_map<(d0, d1) -> (0, 0)>
#map1 = affine_map<(d0, d1) -> (0)>
module attributes {stable_mosaic.version = 14 : i64} {
  func.func @_sc_scatter_body(%arg0: i32, %arg1: i32, %arg2: memref<320000x128xf32, #tpu.memory_space<hbm>>, %arg3: memref<320000x128xf32, #tpu.memory_space<hbm>>, %arg4: memref<320000xi32, #tpu.memory_space<hbm>>, %arg5: memref<10000x128xf32, #tpu.memory_space<hbm>>, %arg6: memref<10000x128xf32, #tpu.memory_space<hbm>>, %arg7: memref<10000x128xf32, #tpu.memory_space<hbm>>, %arg8: memref<10000x128xf32, #tpu.memory_space<hbm>>, %arg9: memref<10000x128xf32, #tpu.memory_space<hbm>>, %arg10: memref<80xi32, #tpu.memory_space<vmem>>, %arg11: memref<80x128xf32, #tpu.memory_space<vmem>>, %arg12: memref<10000x128xf32, #tpu.memory_space<vmem_shared>>) attributes {dimension_semantics = [#tpu.dimension_semantics<core_parallel>, #tpu.dimension_semantics<subcore_parallel>], iteration_bounds = array<i64: 2, 16>, scalar_prefetch = 0 : i64, scratch_operands = 3 : i64, tpu.core_type = #tpu.core_type<sc_vector_subcore>, window_params = [{transform_indices = #map}, {transform_indices = #map}, {transform_indices = #map1}, {transform_indices = #map}, {transform_indices = #map}, {transform_indices = #map}, {transform_indices = #map}, {transform_indices = #map}]} {
    %mul3A = arith.constant 2 : i32
    %mul3A_0 = arith.muli %arg1, %mul3A : i32
    %add3A = arith.addi %mul3A_0, %arg0 : i32
    %mul3A_1 = arith.constant 624 : i32
    %mul3A_2 = arith.muli %arg1, %mul3A_1 : i32
    "tpu.region"() ({
      %run_scoped3A = tpu.sem_alloc : memref<!tpu.dma_semaphore, #tpu.memory_space<semaphore_mem>>
      %dma_start3A = arith.constant 0 : i32
      %dma_start3A_44 = tpu.memref_slice %arg12[%mul3A_2, %dma_start3A] : memref<10000x128xf32, #tpu.memory_space<vmem_shared>> -> memref<624x128xf32, #tpu.memory_space<vmem_shared>>
      %dma_start3A_45 = arith.constant 0 : i32
      %dma_start3A_46 = tpu.memref_slice %arg5[%mul3A_2, %dma_start3A_45] : memref<10000x128xf32, #tpu.memory_space<hbm>> -> memref<624x128xf32, #tpu.memory_space<hbm>>
      tpu.enqueue_dma source(%dma_start3A_46 : memref<624x128xf32, #tpu.memory_space<hbm>>) target(%dma_start3A_44 : memref<624x128xf32, #tpu.memory_space<vmem_shared>>) target_semaphore(%run_scoped3A : memref<!tpu.dma_semaphore, #tpu.memory_space<semaphore_mem>>)
      %dma_wait3A = arith.constant 0 : i32
      %dma_wait3A_47 = tpu.memref_slice %arg12[%mul3A_2, %dma_wait3A] : memref<10000x128xf32, #tpu.memory_space<vmem_shared>> -> memref<624x128xf32, #tpu.memory_space<vmem_shared>>
      %dma_wait3A_48 = arith.constant 0 : i32
      %dma_wait3A_49 = tpu.memref_slice %arg5[%mul3A_2, %dma_wait3A_48] : memref<10000x128xf32, #tpu.memory_space<hbm>> -> memref<624x128xf32, #tpu.memory_space<hbm>>
      tpu.wait_dma2 semaphore(%run_scoped3A : memref<!tpu.dma_semaphore, #tpu.memory_space<semaphore_mem>>) src(%dma_wait3A_49 : memref<624x128xf32, #tpu.memory_space<hbm>>) dst(%dma_wait3A_47 : memref<624x128xf32, #tpu.memory_space<vmem_shared>>)
      tpu.yield
    }) : () -> ()
    %eq3A = arith.constant 15 : i32
    %eq3A_3 = arith.cmpi eq, %arg1, %eq3A : i32
    %convert_element_type3A = arith.extui %eq3A_3 : i1 to i32
    %cond3A = arith.constant 0 : i32
    %cond3A_4 = arith.cmpi ne, %convert_element_type3A, %cond3A : i32
    scf.if %cond3A_4 {
      "tpu.region"() ({
        %run_scoped3A = tpu.sem_alloc : memref<!tpu.dma_semaphore, #tpu.memory_space<semaphore_mem>>
        %dma_start3A = arith.constant 9984 : i32
        %dma_start3A_44 = arith.constant 0 : i32
        %dma_start3A_45 = tpu.memref_slice %arg12[%dma_start3A, %dma_start3A_44] : memref<10000x128xf32, #tpu.memory_space<vmem_shared>> -> memref<16x128xf32, #tpu.memory_space<vmem_shared>>
        %dma_start3A_46 = arith.constant 9984 : i32
        %dma_start3A_47 = arith.constant 0 : i32
        %dma_start3A_48 = tpu.memref_slice %arg5[%dma_start3A_46, %dma_start3A_47] : memref<10000x128xf32, #tpu.memory_space<hbm>> -> memref<16x128xf32, #tpu.memory_space<hbm>>
        tpu.enqueue_dma source(%dma_start3A_48 : memref<16x128xf32, #tpu.memory_space<hbm>>) target(%dma_start3A_45 : memref<16x128xf32, #tpu.memory_space<vmem_shared>>) target_semaphore(%run_scoped3A : memref<!tpu.dma_semaphore, #tpu.memory_space<semaphore_mem>>)
        %dma_wait3A = arith.constant 9984 : i32
        %dma_wait3A_49 = arith.constant 0 : i32
        %dma_wait3A_50 = tpu.memref_slice %arg12[%dma_wait3A, %dma_wait3A_49] : memref<10000x128xf32, #tpu.memory_space<vmem_shared>> -> memref<16x128xf32, #tpu.memory_space<vmem_shared>>
        %dma_wait3A_51 = arith.constant 9984 : i32
        %dma_wait3A_52 = arith.constant 0 : i32
        %dma_wait3A_53 = tpu.memref_slice %arg5[%dma_wait3A_51, %dma_wait3A_52] : memref<10000x128xf32, #tpu.memory_space<hbm>> -> memref<16x128xf32, #tpu.memory_space<hbm>>
        tpu.wait_dma2 semaphore(%run_scoped3A : memref<!tpu.dma_semaphore, #tpu.memory_space<semaphore_mem>>) src(%dma_wait3A_53 : memref<16x128xf32, #tpu.memory_space<hbm>>) dst(%dma_wait3A_50 : memref<16x128xf32, #tpu.memory_space<vmem_shared>>)
        tpu.yield
      }) : () -> ()
    } else {
    }
    %barrier3A = arith.constant 0 : index
    tpu.barrier barrier_id(%barrier3A)
    %scan3A = arith.constant 0 : i32
    %scan3A_5 = arith.constant 0 : i32
    %scan3A_6 = arith.constant 125 : i32
    %scan3A_7 = arith.addi %scan3A_5, %scan3A_6 : i32
    %scan3A_8 = arith.constant 1 : i32
    scf.for %scan3A_44 = %scan3A_5 to %scan3A_7 step %scan3A_8  : i32 {
      %mul3A_45 = arith.constant 10000 : i32
      %mul3A_46 = arith.muli %add3A, %mul3A_45 : i32
      %mul3A_47 = arith.constant 80 : i32
      %mul3A_48 = arith.muli %scan3A_44, %mul3A_47 : i32
      %add3A_49 = arith.addi %mul3A_46, %mul3A_48 : i32
      "tpu.region"() ({
        %run_scoped3A = tpu.sem_alloc : memref<!tpu.dma_semaphore, #tpu.memory_space<semaphore_mem>>
        %dma_start3A = tpu.memref_slice %arg4[%add3A_49] : memref<320000xi32, #tpu.memory_space<hbm>> -> memref<80xi32, #tpu.memory_space<hbm>>
        %dma_start3A_50 = tpu.memref_slice %arg4[%add3A_49] : memref<320000xi32, #tpu.memory_space<hbm>> -> memref<80xi32, #tpu.memory_space<hbm>>
        tpu.enqueue_dma source(%dma_start3A_50 : memref<80xi32, #tpu.memory_space<hbm>>) target(%arg10 : memref<80xi32, #tpu.memory_space<vmem>>) target_semaphore(%run_scoped3A : memref<!tpu.dma_semaphore, #tpu.memory_space<semaphore_mem>>)
        %dma_wait3A = tpu.memref_slice %arg4[%add3A_49] : memref<320000xi32, #tpu.memory_space<hbm>> -> memref<80xi32, #tpu.memory_space<hbm>>
        %dma_wait3A_51 = tpu.memref_slice %arg4[%add3A_49] : memref<320000xi32, #tpu.memory_space<hbm>> -> memref<80xi32, #tpu.memory_space<hbm>>
        tpu.wait_dma2 semaphore(%run_scoped3A : memref<!tpu.dma_semaphore, #tpu.memory_space<semaphore_mem>>) src(%dma_wait3A_51 : memref<80xi32, #tpu.memory_space<hbm>>) dst(%arg10 : memref<80xi32, #tpu.memory_space<vmem>>)
        tpu.yield
      }) : () -> ()
      "tpu.region"() ({
        %run_scoped3A = tpu.sem_alloc : memref<!tpu.dma_semaphore, #tpu.memory_space<semaphore_mem>>
        %dma_start3A = arith.constant 0 : i32
        %dma_start3A_50 = tpu.memref_slice %arg2[%add3A_49, %dma_start3A] : memref<320000x128xf32, #tpu.memory_space<hbm>> -> memref<80x128xf32, #tpu.memory_space<hbm>>
        %dma_start3A_51 = arith.constant 0 : i32
        %dma_start3A_52 = tpu.memref_slice %arg2[%add3A_49, %dma_start3A_51] : memref<320000x128xf32, #tpu.memory_space<hbm>> -> memref<80x128xf32, #tpu.memory_space<hbm>>
        tpu.enqueue_dma source(%dma_start3A_52 : memref<80x128xf32, #tpu.memory_space<hbm>>) target(%arg11 : memref<80x128xf32, #tpu.memory_space<vmem>>) target_semaphore(%run_scoped3A : memref<!tpu.dma_semaphore, #tpu.memory_space<semaphore_mem>>)
        %dma_wait3A = arith.constant 0 : i32
        %dma_wait3A_53 = tpu.memref_slice %arg2[%add3A_49, %dma_wait3A] : memref<320000x128xf32, #tpu.memory_space<hbm>> -> memref<80x128xf32, #tpu.memory_space<hbm>>
        %dma_wait3A_54 = arith.constant 0 : i32
        %dma_wait3A_55 = tpu.memref_slice %arg2[%add3A_49, %dma_wait3A_54] : memref<320000x128xf32, #tpu.memory_space<hbm>> -> memref<80x128xf32, #tpu.memory_space<hbm>>
        tpu.wait_dma2 semaphore(%run_scoped3A : memref<!tpu.dma_semaphore, #tpu.memory_space<semaphore_mem>>) src(%dma_wait3A_55 : memref<80x128xf32, #tpu.memory_space<hbm>>) dst(%arg11 : memref<80x128xf32, #tpu.memory_space<vmem>>)
        tpu.yield
      }) : () -> ()
      "tpu.region"() ({
        %run_scoped3A = tpu.sem_alloc : memref<!tpu.dma_semaphore, #tpu.memory_space<semaphore_mem>>
        %dma_start3A = arith.constant 0 : i32
        %dma_start3A_50 = arith.constant 0 : i32
        %dma_start3A_51 = tpu.memref_slice %arg12[%dma_start3A, %dma_start3A_50] : memref<10000x128xf32, #tpu.memory_space<vmem_shared>> -> memref<10000x128xf32, #tpu.memory_space<vmem_shared>>
        tpu.enqueue_indirect_dma source(%arg11 : memref<80x128xf32, #tpu.memory_space<vmem>>) target(%dma_start3A_51 : memref<10000x128xf32, #tpu.memory_space<vmem_shared>>) offsets(%arg10 : memref<80xi32, #tpu.memory_space<vmem>>) semaphore(%run_scoped3A : memref<!tpu.dma_semaphore, #tpu.memory_space<semaphore_mem>>) {add = true}
        %dma_wait3A = arith.constant 0 : i32
        %dma_wait3A_52 = arith.constant 0 : i32
        %dma_wait3A_53 = tpu.memref_slice %arg12[%dma_wait3A, %dma_wait3A_52] : memref<10000x128xf32, #tpu.memory_space<vmem_shared>> -> memref<10000x128xf32, #tpu.memory_space<vmem_shared>>
        tpu.wait_indirect_dma semaphore(%run_scoped3A : memref<!tpu.dma_semaphore, #tpu.memory_space<semaphore_mem>>) src(%arg11 : memref<80x128xf32, #tpu.memory_space<vmem>>) dst(%dma_wait3A_53 : memref<10000x128xf32, #tpu.memory_space<vmem_shared>>)
        tpu.yield
      }) : () -> ()
    }
    %scan3A_9 = arith.constant 125 : i32
    %barrier3A_10 = arith.constant 0 : index
    tpu.barrier barrier_id(%barrier3A_10)
    %eq3A_11 = arith.constant 0 : i32
    %eq3A_12 = arith.cmpi eq, %arg0, %eq3A_11 : i32
    %convert_element_type3A_13 = arith.extui %eq3A_12 : i1 to i32
    %cond3A_14 = arith.constant 0 : i32
    %cond3A_15 = arith.cmpi ne, %convert_element_type3A_13, %cond3A_14 : i32
    scf.if %cond3A_15 {
      "tpu.region"() ({
        %run_scoped3A = tpu.sem_alloc : memref<!tpu.dma_semaphore, #tpu.memory_space<semaphore_mem>>
        %dma_start3A = arith.constant 0 : i32
        %dma_start3A_49 = tpu.memref_slice %arg6[%mul3A_2, %dma_start3A] : memref<10000x128xf32, #tpu.memory_space<hbm>> -> memref<624x128xf32, #tpu.memory_space<hbm>>
        %dma_start3A_50 = arith.constant 0 : i32
        %dma_start3A_51 = tpu.memref_slice %arg12[%mul3A_2, %dma_start3A_50] : memref<10000x128xf32, #tpu.memory_space<vmem_shared>> -> memref<624x128xf32, #tpu.memory_space<vmem_shared>>
        tpu.enqueue_dma source(%dma_start3A_51 : memref<624x128xf32, #tpu.memory_space<vmem_shared>>) target(%dma_start3A_49 : memref<624x128xf32, #tpu.memory_space<hbm>>) target_semaphore(%run_scoped3A : memref<!tpu.dma_semaphore, #tpu.memory_space<semaphore_mem>>)
        %dma_wait3A = arith.constant 0 : i32
        %dma_wait3A_52 = tpu.memref_slice %arg6[%mul3A_2, %dma_wait3A] : memref<10000x128xf32, #tpu.memory_space<hbm>> -> memref<624x128xf32, #tpu.memory_space<hbm>>
        %dma_wait3A_53 = arith.constant 0 : i32
        %dma_wait3A_54 = tpu.memref_slice %arg12[%mul3A_2, %dma_wait3A_53] : memref<10000x128xf32, #tpu.memory_space<vmem_shared>> -> memref<624x128xf32, #tpu.memory_space<vmem_shared>>
        tpu.wait_dma2 semaphore(%run_scoped3A : memref<!tpu.dma_semaphore, #tpu.memory_space<semaphore_mem>>) src(%dma_wait3A_54 : memref<624x128xf32, #tpu.memory_space<vmem_shared>>) dst(%dma_wait3A_52 : memref<624x128xf32, #tpu.memory_space<hbm>>)
        tpu.yield
      }) : () -> ()
      %eq3A_44 = arith.constant 15 : i32
      %eq3A_45 = arith.cmpi eq, %arg1, %eq3A_44 : i32
      %convert_element_type3A_46 = arith.extui %eq3A_45 : i1 to i32
      %cond3A_47 = arith.constant 0 : i32
      %cond3A_48 = arith.cmpi ne, %convert_element_type3A_46, %cond3A_47 : i32
      scf.if %cond3A_48 {
        "tpu.region"() ({
          %run_scoped3A = tpu.sem_alloc : memref<!tpu.dma_semaphore, #tpu.memory_space<semaphore_mem>>
          %dma_start3A = arith.constant 9984 : i32
          %dma_start3A_49 = arith.constant 0 : i32
          %dma_start3A_50 = tpu.memref_slice %arg6[%dma_start3A, %dma_start3A_49] : memref<10000x128xf32, #tpu.memory_space<hbm>> -> memref<16x128xf32, #tpu.memory_space<hbm>>
          %dma_start3A_51 = arith.constant 9984 : i32
          %dma_start3A_52 = arith.constant 0 : i32
          %dma_start3A_53 = tpu.memref_slice %arg12[%dma_start3A_51, %dma_start3A_52] : memref<10000x128xf32, #tpu.memory_space<vmem_shared>> -> memref<16x128xf32, #tpu.memory_space<vmem_shared>>
          tpu.enqueue_dma source(%dma_start3A_53 : memref<16x128xf32, #tpu.memory_space<vmem_shared>>) target(%dma_start3A_50 : memref<16x128xf32, #tpu.memory_space<hbm>>) target_semaphore(%run_scoped3A : memref<!tpu.dma_semaphore, #tpu.memory_space<semaphore_mem>>)
          %dma_wait3A = arith.constant 9984 : i32
          %dma_wait3A_54 = arith.constant 0 : i32
          %dma_wait3A_55 = tpu.memref_slice %arg6[%dma_wait3A, %dma_wait3A_54] : memref<10000x128xf32, #tpu.memory_space<hbm>> -> memref<16x128xf32, #tpu.memory_space<hbm>>
          %dma_wait3A_56 = arith.constant 9984 : i32
          %dma_wait3A_57 = arith.constant 0 : i32
          %dma_wait3A_58 = tpu.memref_slice %arg12[%dma_wait3A_56, %dma_wait3A_57] : memref<10000x128xf32, #tpu.memory_space<vmem_shared>> -> memref<16x128xf32, #tpu.memory_space<vmem_shared>>
          tpu.wait_dma2 semaphore(%run_scoped3A : memref<!tpu.dma_semaphore, #tpu.memory_space<semaphore_mem>>) src(%dma_wait3A_58 : memref<16x128xf32, #tpu.memory_space<vmem_shared>>) dst(%dma_wait3A_55 : memref<16x128xf32, #tpu.memory_space<hbm>>)
          tpu.yield
        }) : () -> ()
      } else {
      }
    } else {
    }
    %eq3A_16 = arith.constant 1 : i32
    %eq3A_17 = arith.cmpi eq, %arg0, %eq3A_16 : i32
    %convert_element_type3A_18 = arith.extui %eq3A_17 : i1 to i32
    %cond3A_19 = arith.constant 0 : i32
    %cond3A_20 = arith.cmpi ne, %convert_element_type3A_18, %cond3A_19 : i32
    scf.if %cond3A_20 {
      "tpu.region"() ({
        %run_scoped3A = tpu.sem_alloc : memref<!tpu.dma_semaphore, #tpu.memory_space<semaphore_mem>>
        %dma_start3A = arith.constant 0 : i32
        %dma_start3A_49 = tpu.memref_slice %arg7[%mul3A_2, %dma_start3A] : memref<10000x128xf32, #tpu.memory_space<hbm>> -> memref<624x128xf32, #tpu.memory_space<hbm>>
        %dma_start3A_50 = arith.constant 0 : i32
        %dma_start3A_51 = tpu.memref_slice %arg12[%mul3A_2, %dma_start3A_50] : memref<10000x128xf32, #tpu.memory_space<vmem_shared>> -> memref<624x128xf32, #tpu.memory_space<vmem_shared>>
        tpu.enqueue_dma source(%dma_start3A_51 : memref<624x128xf32, #tpu.memory_space<vmem_shared>>) target(%dma_start3A_49 : memref<624x128xf32, #tpu.memory_space<hbm>>) target_semaphore(%run_scoped3A : memref<!tpu.dma_semaphore, #tpu.memory_space<semaphore_mem>>)
        %dma_wait3A = arith.constant 0 : i32
        %dma_wait3A_52 = tpu.memref_slice %arg7[%mul3A_2, %dma_wait3A] : memref<10000x128xf32, #tpu.memory_space<hbm>> -> memref<624x128xf32, #tpu.memory_space<hbm>>
        %dma_wait3A_53 = arith.constant 0 : i32
        %dma_wait3A_54 = tpu.memref_slice %arg12[%mul3A_2, %dma_wait3A_53] : memref<10000x128xf32, #tpu.memory_space<vmem_shared>> -> memref<624x128xf32, #tpu.memory_space<vmem_shared>>
        tpu.wait_dma2 semaphore(%run_scoped3A : memref<!tpu.dma_semaphore, #tpu.memory_space<semaphore_mem>>) src(%dma_wait3A_54 : memref<624x128xf32, #tpu.memory_space<vmem_shared>>) dst(%dma_wait3A_52 : memref<624x128xf32, #tpu.memory_space<hbm>>)
        tpu.yield
      }) : () -> ()
      %eq3A_44 = arith.constant 15 : i32
      %eq3A_45 = arith.cmpi eq, %arg1, %eq3A_44 : i32
      %convert_element_type3A_46 = arith.extui %eq3A_45 : i1 to i32
      %cond3A_47 = arith.constant 0 : i32
      %cond3A_48 = arith.cmpi ne, %convert_element_type3A_46, %cond3A_47 : i32
      scf.if %cond3A_48 {
        "tpu.region"() ({
          %run_scoped3A = tpu.sem_alloc : memref<!tpu.dma_semaphore, #tpu.memory_space<semaphore_mem>>
          %dma_start3A = arith.constant 9984 : i32
          %dma_start3A_49 = arith.constant 0 : i32
          %dma_start3A_50 = tpu.memref_slice %arg7[%dma_start3A, %dma_start3A_49] : memref<10000x128xf32, #tpu.memory_space<hbm>> -> memref<16x128xf32, #tpu.memory_space<hbm>>
          %dma_start3A_51 = arith.constant 9984 : i32
          %dma_start3A_52 = arith.constant 0 : i32
          %dma_start3A_53 = tpu.memref_slice %arg12[%dma_start3A_51, %dma_start3A_52] : memref<10000x128xf32, #tpu.memory_space<vmem_shared>> -> memref<16x128xf32, #tpu.memory_space<vmem_shared>>
          tpu.enqueue_dma source(%dma_start3A_53 : memref<16x128xf32, #tpu.memory_space<vmem_shared>>) target(%dma_start3A_50 : memref<16x128xf32, #tpu.memory_space<hbm>>) target_semaphore(%run_scoped3A : memref<!tpu.dma_semaphore, #tpu.memory_space<semaphore_mem>>)
          %dma_wait3A = arith.constant 9984 : i32
          %dma_wait3A_54 = arith.constant 0 : i32
          %dma_wait3A_55 = tpu.memref_slice %arg7[%dma_wait3A, %dma_wait3A_54] : memref<10000x128xf32, #tpu.memory_space<hbm>> -> memref<16x128xf32, #tpu.memory_space<hbm>>
          %dma_wait3A_56 = arith.constant 9984 : i32
          %dma_wait3A_57 = arith.constant 0 : i32
          %dma_wait3A_58 = tpu.memref_slice %arg12[%dma_wait3A_56, %dma_wait3A_57] : memref<10000x128xf32, #tpu.memory_space<vmem_shared>> -> memref<16x128xf32, #tpu.memory_space<vmem_shared>>
          tpu.wait_dma2 semaphore(%run_scoped3A : memref<!tpu.dma_semaphore, #tpu.memory_space<semaphore_mem>>) src(%dma_wait3A_58 : memref<16x128xf32, #tpu.memory_space<vmem_shared>>) dst(%dma_wait3A_55 : memref<16x128xf32, #tpu.memory_space<hbm>>)
          tpu.yield
        }) : () -> ()
      } else {
      }
    } else {
    }
    "tpu.region"() ({
      %run_scoped3A = tpu.sem_alloc : memref<!tpu.dma_semaphore, #tpu.memory_space<semaphore_mem>>
      %dma_start3A = arith.constant 0 : i32
      %dma_start3A_44 = tpu.memref_slice %arg12[%mul3A_2, %dma_start3A] : memref<10000x128xf32, #tpu.memory_space<vmem_shared>> -> memref<624x128xf32, #tpu.memory_space<vmem_shared>>
      %dma_start3A_45 = arith.constant 0 : i32
      %dma_start3A_46 = tpu.memref_slice %arg5[%mul3A_2, %dma_start3A_45] : memref<10000x128xf32, #tpu.memory_space<hbm>> -> memref<624x128xf32, #tpu.memory_space<hbm>>
      tpu.enqueue_dma source(%dma_start3A_46 : memref<624x128xf32, #tpu.memory_space<hbm>>) target(%dma_start3A_44 : memref<624x128xf32, #tpu.memory_space<vmem_shared>>) target_semaphore(%run_scoped3A : memref<!tpu.dma_semaphore, #tpu.memory_space<semaphore_mem>>)
      %dma_wait3A = arith.constant 0 : i32
      %dma_wait3A_47 = tpu.memref_slice %arg12[%mul3A_2, %dma_wait3A] : memref<10000x128xf32, #tpu.memory_space<vmem_shared>> -> memref<624x128xf32, #tpu.memory_space<vmem_shared>>
      %dma_wait3A_48 = arith.constant 0 : i32
      %dma_wait3A_49 = tpu.memref_slice %arg5[%mul3A_2, %dma_wait3A_48] : memref<10000x128xf32, #tpu.memory_space<hbm>> -> memref<624x128xf32, #tpu.memory_space<hbm>>
      tpu.wait_dma2 semaphore(%run_scoped3A : memref<!tpu.dma_semaphore, #tpu.memory_space<semaphore_mem>>) src(%dma_wait3A_49 : memref<624x128xf32, #tpu.memory_space<hbm>>) dst(%dma_wait3A_47 : memref<624x128xf32, #tpu.memory_space<vmem_shared>>)
      tpu.yield
    }) : () -> ()
    %eq3A_21 = arith.constant 15 : i32
    %eq3A_22 = arith.cmpi eq, %arg1, %eq3A_21 : i32
    %convert_element_type3A_23 = arith.extui %eq3A_22 : i1 to i32
    %cond3A_24 = arith.constant 0 : i32
    %cond3A_25 = arith.cmpi ne, %convert_element_type3A_23, %cond3A_24 : i32
    scf.if %cond3A_25 {
      "tpu.region"() ({
        %run_scoped3A = tpu.sem_alloc : memref<!tpu.dma_semaphore, #tpu.memory_space<semaphore_mem>>
        %dma_start3A = arith.constant 9984 : i32
        %dma_start3A_44 = arith.constant 0 : i32
        %dma_start3A_45 = tpu.memref_slice %arg12[%dma_start3A, %dma_start3A_44] : memref<10000x128xf32, #tpu.memory_space<vmem_shared>> -> memref<16x128xf32, #tpu.memory_space<vmem_shared>>
        %dma_start3A_46 = arith.constant 9984 : i32
        %dma_start3A_47 = arith.constant 0 : i32
        %dma_start3A_48 = tpu.memref_slice %arg5[%dma_start3A_46, %dma_start3A_47] : memref<10000x128xf32, #tpu.memory_space<hbm>> -> memref<16x128xf32, #tpu.memory_space<hbm>>
        tpu.enqueue_dma source(%dma_start3A_48 : memref<16x128xf32, #tpu.memory_space<hbm>>) target(%dma_start3A_45 : memref<16x128xf32, #tpu.memory_space<vmem_shared>>) target_semaphore(%run_scoped3A : memref<!tpu.dma_semaphore, #tpu.memory_space<semaphore_mem>>)
        %dma_wait3A = arith.constant 9984 : i32
        %dma_wait3A_49 = arith.constant 0 : i32
        %dma_wait3A_50 = tpu.memref_slice %arg12[%dma_wait3A, %dma_wait3A_49] : memref<10000x128xf32, #tpu.memory_space<vmem_shared>> -> memref<16x128xf32, #tpu.memory_space<vmem_shared>>
        %dma_wait3A_51 = arith.constant 9984 : i32
        %dma_wait3A_52 = arith.constant 0 : i32
        %dma_wait3A_53 = tpu.memref_slice %arg5[%dma_wait3A_51, %dma_wait3A_52] : memref<10000x128xf32, #tpu.memory_space<hbm>> -> memref<16x128xf32, #tpu.memory_space<hbm>>
        tpu.wait_dma2 semaphore(%run_scoped3A : memref<!tpu.dma_semaphore, #tpu.memory_space<semaphore_mem>>) src(%dma_wait3A_53 : memref<16x128xf32, #tpu.memory_space<hbm>>) dst(%dma_wait3A_50 : memref<16x128xf32, #tpu.memory_space<vmem_shared>>)
        tpu.yield
      }) : () -> ()
    } else {
    }
    %barrier3A_26 = arith.constant 0 : index
    tpu.barrier barrier_id(%barrier3A_26)
    %scan3A_27 = arith.constant 0 : i32
    %scan3A_28 = arith.constant 0 : i32
    %scan3A_29 = arith.constant 125 : i32
    %scan3A_30 = arith.addi %scan3A_28, %scan3A_29 : i32
    %scan3A_31 = arith.constant 1 : i32
    scf.for %scan3A_44 = %scan3A_28 to %scan3A_30 step %scan3A_31  : i32 {
      %mul3A_45 = arith.constant 10000 : i32
      %mul3A_46 = arith.muli %add3A, %mul3A_45 : i32
      %mul3A_47 = arith.constant 80 : i32
      %mul3A_48 = arith.muli %scan3A_44, %mul3A_47 : i32
      %add3A_49 = arith.addi %mul3A_46, %mul3A_48 : i32
      "tpu.region"() ({
        %run_scoped3A = tpu.sem_alloc : memref<!tpu.dma_semaphore, #tpu.memory_space<semaphore_mem>>
        %dma_start3A = tpu.memref_slice %arg4[%add3A_49] : memref<320000xi32, #tpu.memory_space<hbm>> -> memref<80xi32, #tpu.memory_space<hbm>>
        %dma_start3A_50 = tpu.memref_slice %arg4[%add3A_49] : memref<320000xi32, #tpu.memory_space<hbm>> -> memref<80xi32, #tpu.memory_space<hbm>>
        tpu.enqueue_dma source(%dma_start3A_50 : memref<80xi32, #tpu.memory_space<hbm>>) target(%arg10 : memref<80xi32, #tpu.memory_space<vmem>>) target_semaphore(%run_scoped3A : memref<!tpu.dma_semaphore, #tpu.memory_space<semaphore_mem>>)
        %dma_wait3A = tpu.memref_slice %arg4[%add3A_49] : memref<320000xi32, #tpu.memory_space<hbm>> -> memref<80xi32, #tpu.memory_space<hbm>>
        %dma_wait3A_51 = tpu.memref_slice %arg4[%add3A_49] : memref<320000xi32, #tpu.memory_space<hbm>> -> memref<80xi32, #tpu.memory_space<hbm>>
        tpu.wait_dma2 semaphore(%run_scoped3A : memref<!tpu.dma_semaphore, #tpu.memory_space<semaphore_mem>>) src(%dma_wait3A_51 : memref<80xi32, #tpu.memory_space<hbm>>) dst(%arg10 : memref<80xi32, #tpu.memory_space<vmem>>)
        tpu.yield
      }) : () -> ()
      "tpu.region"() ({
        %run_scoped3A = tpu.sem_alloc : memref<!tpu.dma_semaphore, #tpu.memory_space<semaphore_mem>>
        %dma_start3A = arith.constant 0 : i32
        %dma_start3A_50 = tpu.memref_slice %arg3[%add3A_49, %dma_start3A] : memref<320000x128xf32, #tpu.memory_space<hbm>> -> memref<80x128xf32, #tpu.memory_space<hbm>>
        %dma_start3A_51 = arith.constant 0 : i32
        %dma_start3A_52 = tpu.memref_slice %arg3[%add3A_49, %dma_start3A_51] : memref<320000x128xf32, #tpu.memory_space<hbm>> -> memref<80x128xf32, #tpu.memory_space<hbm>>
        tpu.enqueue_dma source(%dma_start3A_52 : memref<80x128xf32, #tpu.memory_space<hbm>>) target(%arg11 : memref<80x128xf32, #tpu.memory_space<vmem>>) target_semaphore(%run_scoped3A : memref<!tpu.dma_semaphore, #tpu.memory_space<semaphore_mem>>)
        %dma_wait3A = arith.constant 0 : i32
        %dma_wait3A_53 = tpu.memref_slice %arg3[%add3A_49, %dma_wait3A] : memref<320000x128xf32, #tpu.memory_space<hbm>> -> memref<80x128xf32, #tpu.memory_space<hbm>>
        %dma_wait3A_54 = arith.constant 0 : i32
        %dma_wait3A_55 = tpu.memref_slice %arg3[%add3A_49, %dma_wait3A_54] : memref<320000x128xf32, #tpu.memory_space<hbm>> -> memref<80x128xf32, #tpu.memory_space<hbm>>
        tpu.wait_dma2 semaphore(%run_scoped3A : memref<!tpu.dma_semaphore, #tpu.memory_space<semaphore_mem>>) src(%dma_wait3A_55 : memref<80x128xf32, #tpu.memory_space<hbm>>) dst(%arg11 : memref<80x128xf32, #tpu.memory_space<vmem>>)
        tpu.yield
      }) : () -> ()
      "tpu.region"() ({
        %run_scoped3A = tpu.sem_alloc : memref<!tpu.dma_semaphore, #tpu.memory_space<semaphore_mem>>
        %dma_start3A = arith.constant 0 : i32
        %dma_start3A_50 = arith.constant 0 : i32
        %dma_start3A_51 = tpu.memref_slice %arg12[%dma_start3A, %dma_start3A_50] : memref<10000x128xf32, #tpu.memory_space<vmem_shared>> -> memref<10000x128xf32, #tpu.memory_space<vmem_shared>>
        tpu.enqueue_indirect_dma source(%arg11 : memref<80x128xf32, #tpu.memory_space<vmem>>) target(%dma_start3A_51 : memref<10000x128xf32, #tpu.memory_space<vmem_shared>>) offsets(%arg10 : memref<80xi32, #tpu.memory_space<vmem>>) semaphore(%run_scoped3A : memref<!tpu.dma_semaphore, #tpu.memory_space<semaphore_mem>>) {add = true}
        %dma_wait3A = arith.constant 0 : i32
        %dma_wait3A_52 = arith.constant 0 : i32
        %dma_wait3A_53 = tpu.memref_slice %arg12[%dma_wait3A, %dma_wait3A_52] : memref<10000x128xf32, #tpu.memory_space<vmem_shared>> -> memref<10000x128xf32, #tpu.memory_space<vmem_shared>>
        tpu.wait_indirect_dma semaphore(%run_scoped3A : memref<!tpu.dma_semaphore, #tpu.memory_space<semaphore_mem>>) src(%arg11 : memref<80x128xf32, #tpu.memory_space<vmem>>) dst(%dma_wait3A_53 : memref<10000x128xf32, #tpu.memory_space<vmem_shared>>)
        tpu.yield
      }) : () -> ()
    }
    %scan3A_32 = arith.constant 125 : i32
    %barrier3A_33 = arith.constant 0 : index
    tpu.barrier barrier_id(%barrier3A_33)
    %eq3A_34 = arith.constant 0 : i32
    %eq3A_35 = arith.cmpi eq, %arg0, %eq3A_34 : i32
    %convert_element_type3A_36 = arith.extui %eq3A_35 : i1 to i32
    %cond3A_37 = arith.constant 0 : i32
    %cond3A_38 = arith.cmpi ne, %convert_element_type3A_36, %cond3A_37 : i32
    scf.if %cond3A_38 {
      "tpu.region"() ({
        %run_scoped3A = tpu.sem_alloc : memref<!tpu.dma_semaphore, #tpu.memory_space<semaphore_mem>>
        %dma_start3A = arith.constant 0 : i32
        %dma_start3A_49 = tpu.memref_slice %arg8[%mul3A_2, %dma_start3A] : memref<10000x128xf32, #tpu.memory_space<hbm>> -> memref<624x128xf32, #tpu.memory_space<hbm>>
        %dma_start3A_50 = arith.constant 0 : i32
        %dma_start3A_51 = tpu.memref_slice %arg12[%mul3A_2, %dma_start3A_50] : memref<10000x128xf32, #tpu.memory_space<vmem_shared>> -> memref<624x128xf32, #tpu.memory_space<vmem_shared>>
        tpu.enqueue_dma source(%dma_start3A_51 : memref<624x128xf32, #tpu.memory_space<vmem_shared>>) target(%dma_start3A_49 : memref<624x128xf32, #tpu.memory_space<hbm>>) target_semaphore(%run_scoped3A : memref<!tpu.dma_semaphore, #tpu.memory_space<semaphore_mem>>)
        %dma_wait3A = arith.constant 0 : i32
        %dma_wait3A_52 = tpu.memref_slice %arg8[%mul3A_2, %dma_wait3A] : memref<10000x128xf32, #tpu.memory_space<hbm>> -> memref<624x128xf32, #tpu.memory_space<hbm>>
        %dma_wait3A_53 = arith.constant 0 : i32
        %dma_wait3A_54 = tpu.memref_slice %arg12[%mul3A_2, %dma_wait3A_53] : memref<10000x128xf32, #tpu.memory_space<vmem_shared>> -> memref<624x128xf32, #tpu.memory_space<vmem_shared>>
        tpu.wait_dma2 semaphore(%run_scoped3A : memref<!tpu.dma_semaphore, #tpu.memory_space<semaphore_mem>>) src(%dma_wait3A_54 : memref<624x128xf32, #tpu.memory_space<vmem_shared>>) dst(%dma_wait3A_52 : memref<624x128xf32, #tpu.memory_space<hbm>>)
        tpu.yield
      }) : () -> ()
      %eq3A_44 = arith.constant 15 : i32
      %eq3A_45 = arith.cmpi eq, %arg1, %eq3A_44 : i32
      %convert_element_type3A_46 = arith.extui %eq3A_45 : i1 to i32
      %cond3A_47 = arith.constant 0 : i32
      %cond3A_48 = arith.cmpi ne, %convert_element_type3A_46, %cond3A_47 : i32
      scf.if %cond3A_48 {
        "tpu.region"() ({
          %run_scoped3A = tpu.sem_alloc : memref<!tpu.dma_semaphore, #tpu.memory_space<semaphore_mem>>
          %dma_start3A = arith.constant 9984 : i32
          %dma_start3A_49 = arith.constant 0 : i32
          %dma_start3A_50 = tpu.memref_slice %arg8[%dma_start3A, %dma_start3A_49] : memref<10000x128xf32, #tpu.memory_space<hbm>> -> memref<16x128xf32, #tpu.memory_space<hbm>>
          %dma_start3A_51 = arith.constant 9984 : i32
          %dma_start3A_52 = arith.constant 0 : i32
          %dma_start3A_53 = tpu.memref_slice %arg12[%dma_start3A_51, %dma_start3A_52] : memref<10000x128xf32, #tpu.memory_space<vmem_shared>> -> memref<16x128xf32, #tpu.memory_space<vmem_shared>>
          tpu.enqueue_dma source(%dma_start3A_53 : memref<16x128xf32, #tpu.memory_space<vmem_shared>>) target(%dma_start3A_50 : memref<16x128xf32, #tpu.memory_space<hbm>>) target_semaphore(%run_scoped3A : memref<!tpu.dma_semaphore, #tpu.memory_space<semaphore_mem>>)
          %dma_wait3A = arith.constant 9984 : i32
          %dma_wait3A_54 = arith.constant 0 : i32
          %dma_wait3A_55 = tpu.memref_slice %arg8[%dma_wait3A, %dma_wait3A_54] : memref<10000x128xf32, #tpu.memory_space<hbm>> -> memref<16x128xf32, #tpu.memory_space<hbm>>
          %dma_wait3A_56 = arith.constant 9984 : i32
          %dma_wait3A_57 = arith.constant 0 : i32
          %dma_wait3A_58 = tpu.memref_slice %arg12[%dma_wait3A_56, %dma_wait3A_57] : memref<10000x128xf32, #tpu.memory_space<vmem_shared>> -> memref<16x128xf32, #tpu.memory_space<vmem_shared>>
          tpu.wait_dma2 semaphore(%run_scoped3A : memref<!tpu.dma_semaphore, #tpu.memory_space<semaphore_mem>>) src(%dma_wait3A_58 : memref<16x128xf32, #tpu.memory_space<vmem_shared>>) dst(%dma_wait3A_55 : memref<16x128xf32, #tpu.memory_space<hbm>>)
          tpu.yield
        }) : () -> ()
      } else {
      }
    } else {
    }
    %eq3A_39 = arith.constant 1 : i32
    %eq3A_40 = arith.cmpi eq, %arg0, %eq3A_39 : i32
    %convert_element_type3A_41 = arith.extui %eq3A_40 : i1 to i32
    %cond3A_42 = arith.constant 0 : i32
    %cond3A_43 = arith.cmpi ne, %convert_element_type3A_41, %cond3A_42 : i32
    scf.if %cond3A_43 {
      "tpu.region"() ({
        %run_scoped3A = tpu.sem_alloc : memref<!tpu.dma_semaphore, #tpu.memory_space<semaphore_mem>>
        %dma_start3A = arith.constant 0 : i32
        %dma_start3A_49 = tpu.memref_slice %arg9[%mul3A_2, %dma_start3A] : memref<10000x128xf32, #tpu.memory_space<hbm>> -> memref<624x128xf32, #tpu.memory_space<hbm>>
        %dma_start3A_50 = arith.constant 0 : i32
        %dma_start3A_51 = tpu.memref_slice %arg12[%mul3A_2, %dma_start3A_50] : memref<10000x128xf32, #tpu.memory_space<vmem_shared>> -> memref<624x128xf32, #tpu.memory_space<vmem_shared>>
        tpu.enqueue_dma source(%dma_start3A_51 : memref<624x128xf32, #tpu.memory_space<vmem_shared>>) target(%dma_start3A_49 : memref<624x128xf32, #tpu.memory_space<hbm>>) target_semaphore(%run_scoped3A : memref<!tpu.dma_semaphore, #tpu.memory_space<semaphore_mem>>)
        %dma_wait3A = arith.constant 0 : i32
        %dma_wait3A_52 = tpu.memref_slice %arg9[%mul3A_2, %dma_wait3A] : memref<10000x128xf32, #tpu.memory_space<hbm>> -> memref<624x128xf32, #tpu.memory_space<hbm>>
        %dma_wait3A_53 = arith.constant 0 : i32
        %dma_wait3A_54 = tpu.memref_slice %arg12[%mul3A_2, %dma_wait3A_53] : memref<10000x128xf32, #tpu.memory_space<vmem_shared>> -> memref<624x128xf32, #tpu.memory_space<vmem_shared>>
        tpu.wait_dma2 semaphore(%run_scoped3A : memref<!tpu.dma_semaphore, #tpu.memory_space<semaphore_mem>>) src(%dma_wait3A_54 : memref<624x128xf32, #tpu.memory_space<vmem_shared>>) dst(%dma_wait3A_52 : memref<624x128xf32, #tpu.memory_space<hbm>>)
        tpu.yield
      }) : () -> ()
      %eq3A_44 = arith.constant 15 : i32
      %eq3A_45 = arith.cmpi eq, %arg1, %eq3A_44 : i32
      %convert_element_type3A_46 = arith.extui %eq3A_45 : i1 to i32
      %cond3A_47 = arith.constant 0 : i32
      %cond3A_48 = arith.cmpi ne, %convert_element_type3A_46, %cond3A_47 : i32
      scf.if %cond3A_48 {
        "tpu.region"() ({
          %run_scoped3A = tpu.sem_alloc : memref<!tpu.dma_semaphore, #tpu.memory_space<semaphore_mem>>
          %dma_start3A = arith.constant 9984 : i32
          %dma_start3A_49 = arith.constant 0 : i32
          %dma_start3A_50 = tpu.memref_slice %arg9[%dma_start3A, %dma_start3A_49] : memref<10000x128xf32, #tpu.memory_space<hbm>> -> memref<16x128xf32, #tpu.memory_space<hbm>>
          %dma_start3A_51 = arith.constant 9984 : i32
          %dma_start3A_52 = arith.constant 0 : i32
          %dma_start3A_53 = tpu.memref_slice %arg12[%dma_start3A_51, %dma_start3A_52] : memref<10000x128xf32, #tpu.memory_space<vmem_shared>> -> memref<16x128xf32, #tpu.memory_space<vmem_shared>>
          tpu.enqueue_dma source(%dma_start3A_53 : memref<16x128xf32, #tpu.memory_space<vmem_shared>>) target(%dma_start3A_50 : memref<16x128xf32, #tpu.memory_space<hbm>>) target_semaphore(%run_scoped3A : memref<!tpu.dma_semaphore, #tpu.memory_space<semaphore_mem>>)
          %dma_wait3A = arith.constant 9984 : i32
          %dma_wait3A_54 = arith.constant 0 : i32
          %dma_wait3A_55 = tpu.memref_slice %arg9[%dma_wait3A, %dma_wait3A_54] : memref<10000x128xf32, #tpu.memory_space<hbm>> -> memref<16x128xf32, #tpu.memory_space<hbm>>
          %dma_wait3A_56 = arith.constant 9984 : i32
          %dma_wait3A_57 = arith.constant 0 : i32
          %dma_wait3A_58 = tpu.memref_slice %arg12[%dma_wait3A_56, %dma_wait3A_57] : memref<10000x128xf32, #tpu.memory_space<vmem_shared>> -> memref<16x128xf32, #tpu.memory_space<vmem_shared>>
          tpu.wait_dma2 semaphore(%run_scoped3A : memref<!tpu.dma_semaphore, #tpu.memory_space<semaphore_mem>>) src(%dma_wait3A_58 : memref<16x128xf32, #tpu.memory_space<vmem_shared>>) dst(%dma_wait3A_55 : memref<16x128xf32, #tpu.memory_space<hbm>>)
          tpu.yield
        }) : () -> ()
      } else {
      }
    } else {
    }
    return
  }
}

#map = affine_map<(d0, d1) -> (0, 0)>
#map1 = affine_map<(d0, d1) -> (0)>
module attributes {stable_mosaic.version = 14 : i64} {
  func.func @_sc_gather_body(%arg0: i32, %arg1: i32, %arg2: memref<10000x256xf32, #tpu.memory_space<hbm>>, %arg3: memref<320000xi32, #tpu.memory_space<hbm>>, %arg4: memref<320000xi32, #tpu.memory_space<hbm>>, %arg5: memref<320000x256xf32, #tpu.memory_space<hbm>>, %arg6: memref<320000x256xf32, #tpu.memory_space<hbm>>, %arg7: memref<80xi32, #tpu.memory_space<vmem>>, %arg8: memref<80xi32, #tpu.memory_space<vmem>>, %arg9: memref<80x256xf32, #tpu.memory_space<vmem>>, %arg10: memref<80x256xf32, #tpu.memory_space<vmem>>, %arg11: memref<!tpu.dma_semaphore, #tpu.memory_space<semaphore_mem>>, %arg12: memref<!tpu.dma_semaphore, #tpu.memory_space<semaphore_mem>>) attributes {dimension_semantics = [#tpu.dimension_semantics<core_parallel>, #tpu.dimension_semantics<subcore_parallel>], iteration_bounds = array<i64: 2, 16>, scalar_prefetch = 0 : i64, scratch_operands = 6 : i64, tpu.core_type = #tpu.core_type<sc_vector_subcore>, window_params = [{transform_indices = #map}, {transform_indices = #map1}, {transform_indices = #map1}, {transform_indices = #map}, {transform_indices = #map}]} {
    %mul3A = arith.constant 2 : i32
    %mul3A_0 = arith.muli %arg1, %mul3A : i32
    %add3A = arith.addi %mul3A_0, %arg0 : i32
    %scan3A = arith.constant 0 : i32
    %scan3A_1 = arith.constant 0 : i32
    %scan3A_2 = arith.constant 125 : i32
    %scan3A_3 = arith.addi %scan3A_1, %scan3A_2 : i32
    %scan3A_4 = arith.constant 1 : i32
    scf.for %scan3A_6 = %scan3A_1 to %scan3A_3 step %scan3A_4  : i32 {
      %mul3A_7 = arith.constant 10000 : i32
      %mul3A_8 = arith.muli %add3A, %mul3A_7 : i32
      %mul3A_9 = arith.constant 80 : i32
      %mul3A_10 = arith.muli %scan3A_6, %mul3A_9 : i32
      %add3A_11 = arith.addi %mul3A_8, %mul3A_10 : i32
      "tpu.region"() ({
        %run_scoped3A = tpu.sem_alloc : memref<!tpu.dma_semaphore, #tpu.memory_space<semaphore_mem>>
        %dma_start3A_22 = tpu.memref_slice %arg3[%add3A_11] : memref<320000xi32, #tpu.memory_space<hbm>> -> memref<80xi32, #tpu.memory_space<hbm>>
        %dma_start3A_23 = tpu.memref_slice %arg3[%add3A_11] : memref<320000xi32, #tpu.memory_space<hbm>> -> memref<80xi32, #tpu.memory_space<hbm>>
        tpu.enqueue_dma source(%dma_start3A_23 : memref<80xi32, #tpu.memory_space<hbm>>) target(%arg7 : memref<80xi32, #tpu.memory_space<vmem>>) target_semaphore(%run_scoped3A : memref<!tpu.dma_semaphore, #tpu.memory_space<semaphore_mem>>)
        %dma_wait3A_24 = tpu.memref_slice %arg3[%add3A_11] : memref<320000xi32, #tpu.memory_space<hbm>> -> memref<80xi32, #tpu.memory_space<hbm>>
        %dma_wait3A_25 = tpu.memref_slice %arg3[%add3A_11] : memref<320000xi32, #tpu.memory_space<hbm>> -> memref<80xi32, #tpu.memory_space<hbm>>
        tpu.wait_dma2 semaphore(%run_scoped3A : memref<!tpu.dma_semaphore, #tpu.memory_space<semaphore_mem>>) src(%dma_wait3A_25 : memref<80xi32, #tpu.memory_space<hbm>>) dst(%arg7 : memref<80xi32, #tpu.memory_space<vmem>>)
        tpu.yield
      }) : () -> ()
      "tpu.region"() ({
        %run_scoped3A = tpu.sem_alloc : memref<!tpu.dma_semaphore, #tpu.memory_space<semaphore_mem>>
        %dma_start3A_22 = tpu.memref_slice %arg4[%add3A_11] : memref<320000xi32, #tpu.memory_space<hbm>> -> memref<80xi32, #tpu.memory_space<hbm>>
        %dma_start3A_23 = tpu.memref_slice %arg4[%add3A_11] : memref<320000xi32, #tpu.memory_space<hbm>> -> memref<80xi32, #tpu.memory_space<hbm>>
        tpu.enqueue_dma source(%dma_start3A_23 : memref<80xi32, #tpu.memory_space<hbm>>) target(%arg8 : memref<80xi32, #tpu.memory_space<vmem>>) target_semaphore(%run_scoped3A : memref<!tpu.dma_semaphore, #tpu.memory_space<semaphore_mem>>)
        %dma_wait3A_24 = tpu.memref_slice %arg4[%add3A_11] : memref<320000xi32, #tpu.memory_space<hbm>> -> memref<80xi32, #tpu.memory_space<hbm>>
        %dma_wait3A_25 = tpu.memref_slice %arg4[%add3A_11] : memref<320000xi32, #tpu.memory_space<hbm>> -> memref<80xi32, #tpu.memory_space<hbm>>
        tpu.wait_dma2 semaphore(%run_scoped3A : memref<!tpu.dma_semaphore, #tpu.memory_space<semaphore_mem>>) src(%dma_wait3A_25 : memref<80xi32, #tpu.memory_space<hbm>>) dst(%arg8 : memref<80xi32, #tpu.memory_space<vmem>>)
        tpu.yield
      }) : () -> ()
      %dma_start3A = arith.constant 0 : i32
      %dma_start3A_12 = arith.constant 0 : i32
      %dma_start3A_13 = tpu.memref_slice %arg2[%dma_start3A, %dma_start3A_12] : memref<10000x256xf32, #tpu.memory_space<hbm>> -> memref<10000x256xf32, #tpu.memory_space<hbm>>
      tpu.enqueue_indirect_dma source(%dma_start3A_13 : memref<10000x256xf32, #tpu.memory_space<hbm>>) target(%arg9 : memref<80x256xf32, #tpu.memory_space<vmem>>) offsets(%arg7 : memref<80xi32, #tpu.memory_space<vmem>>) semaphore(%arg11 : memref<!tpu.dma_semaphore, #tpu.memory_space<semaphore_mem>>)
      %dma_start3A_14 = arith.constant 0 : i32
      %dma_start3A_15 = arith.constant 0 : i32
      %dma_start3A_16 = tpu.memref_slice %arg2[%dma_start3A_14, %dma_start3A_15] : memref<10000x256xf32, #tpu.memory_space<hbm>> -> memref<10000x256xf32, #tpu.memory_space<hbm>>
      tpu.enqueue_indirect_dma source(%dma_start3A_16 : memref<10000x256xf32, #tpu.memory_space<hbm>>) target(%arg10 : memref<80x256xf32, #tpu.memory_space<vmem>>) offsets(%arg8 : memref<80xi32, #tpu.memory_space<vmem>>) semaphore(%arg12 : memref<!tpu.dma_semaphore, #tpu.memory_space<semaphore_mem>>)
      %dma_wait3A = arith.constant 0 : i32
      %dma_wait3A_17 = arith.constant 0 : i32
      %dma_wait3A_18 = tpu.memref_slice %arg2[%dma_wait3A, %dma_wait3A_17] : memref<10000x256xf32, #tpu.memory_space<hbm>> -> memref<10000x256xf32, #tpu.memory_space<hbm>>
      tpu.wait_indirect_dma semaphore(%arg11 : memref<!tpu.dma_semaphore, #tpu.memory_space<semaphore_mem>>) src(%dma_wait3A_18 : memref<10000x256xf32, #tpu.memory_space<hbm>>) dst(%arg9 : memref<80x256xf32, #tpu.memory_space<vmem>>)
      "tpu.region"() ({
        %run_scoped3A = tpu.sem_alloc : memref<!tpu.dma_semaphore, #tpu.memory_space<semaphore_mem>>
        %dma_start3A_22 = arith.constant 0 : i32
        %dma_start3A_23 = tpu.memref_slice %arg5[%add3A_11, %dma_start3A_22] : memref<320000x256xf32, #tpu.memory_space<hbm>> -> memref<80x256xf32, #tpu.memory_space<hbm>>
        %dma_start3A_24 = arith.constant 0 : i32
        %dma_start3A_25 = tpu.memref_slice %arg5[%add3A_11, %dma_start3A_24] : memref<320000x256xf32, #tpu.memory_space<hbm>> -> memref<80x256xf32, #tpu.memory_space<hbm>>
        tpu.enqueue_dma source(%arg9 : memref<80x256xf32, #tpu.memory_space<vmem>>) target(%dma_start3A_25 : memref<80x256xf32, #tpu.memory_space<hbm>>) target_semaphore(%run_scoped3A : memref<!tpu.dma_semaphore, #tpu.memory_space<semaphore_mem>>)
        %dma_wait3A_26 = arith.constant 0 : i32
        %dma_wait3A_27 = tpu.memref_slice %arg5[%add3A_11, %dma_wait3A_26] : memref<320000x256xf32, #tpu.memory_space<hbm>> -> memref<80x256xf32, #tpu.memory_space<hbm>>
        %dma_wait3A_28 = arith.constant 0 : i32
        %dma_wait3A_29 = tpu.memref_slice %arg5[%add3A_11, %dma_wait3A_28] : memref<320000x256xf32, #tpu.memory_space<hbm>> -> memref<80x256xf32, #tpu.memory_space<hbm>>
        tpu.wait_dma2 semaphore(%run_scoped3A : memref<!tpu.dma_semaphore, #tpu.memory_space<semaphore_mem>>) src(%arg9 : memref<80x256xf32, #tpu.memory_space<vmem>>) dst(%dma_wait3A_29 : memref<80x256xf32, #tpu.memory_space<hbm>>)
        tpu.yield
      }) : () -> ()
      %dma_wait3A_19 = arith.constant 0 : i32
      %dma_wait3A_20 = arith.constant 0 : i32
      %dma_wait3A_21 = tpu.memref_slice %arg2[%dma_wait3A_19, %dma_wait3A_20] : memref<10000x256xf32, #tpu.memory_space<hbm>> -> memref<10000x256xf32, #tpu.memory_space<hbm>>
      tpu.wait_indirect_dma semaphore(%arg12 : memref<!tpu.dma_semaphore, #tpu.memory_space<semaphore_mem>>) src(%dma_wait3A_21 : memref<10000x256xf32, #tpu.memory_space<hbm>>) dst(%arg10 : memref<80x256xf32, #tpu.memory_space<vmem>>)
      "tpu.region"() ({
        %run_scoped3A = tpu.sem_alloc : memref<!tpu.dma_semaphore, #tpu.memory_space<semaphore_mem>>
        %dma_start3A_22 = arith.constant 0 : i32
        %dma_start3A_23 = tpu.memref_slice %arg6[%add3A_11, %dma_start3A_22] : memref<320000x256xf32, #tpu.memory_space<hbm>> -> memref<80x256xf32, #tpu.memory_space<hbm>>
        %dma_start3A_24 = arith.constant 0 : i32
        %dma_start3A_25 = tpu.memref_slice %arg6[%add3A_11, %dma_start3A_24] : memref<320000x256xf32, #tpu.memory_space<hbm>> -> memref<80x256xf32, #tpu.memory_space<hbm>>
        tpu.enqueue_dma source(%arg10 : memref<80x256xf32, #tpu.memory_space<vmem>>) target(%dma_start3A_25 : memref<80x256xf32, #tpu.memory_space<hbm>>) target_semaphore(%run_scoped3A : memref<!tpu.dma_semaphore, #tpu.memory_space<semaphore_mem>>)
        %dma_wait3A_26 = arith.constant 0 : i32
        %dma_wait3A_27 = tpu.memref_slice %arg6[%add3A_11, %dma_wait3A_26] : memref<320000x256xf32, #tpu.memory_space<hbm>> -> memref<80x256xf32, #tpu.memory_space<hbm>>
        %dma_wait3A_28 = arith.constant 0 : i32
        %dma_wait3A_29 = tpu.memref_slice %arg6[%add3A_11, %dma_wait3A_28] : memref<320000x256xf32, #tpu.memory_space<hbm>> -> memref<80x256xf32, #tpu.memory_space<hbm>>
        tpu.wait_dma2 semaphore(%run_scoped3A : memref<!tpu.dma_semaphore, #tpu.memory_space<semaphore_mem>>) src(%arg10 : memref<80x256xf32, #tpu.memory_space<vmem>>) dst(%dma_wait3A_29 : memref<80x256xf32, #tpu.memory_space<hbm>>)
        tpu.yield
      }) : () -> ()
    }
    %scan3A_5 = arith.constant 125 : i32
    return
  }
}

#map = affine_map<(d0, d1) -> (0, 0)>
#map1 = affine_map<(d0, d1) -> (0)>
module attributes {stable_mosaic.version = 14 : i64} {
  func.func @_sc_scatter_body(%arg0: i32, %arg1: i32, %arg2: memref<320000x128xf32, #tpu.memory_space<hbm>>, %arg3: memref<320000x128xf32, #tpu.memory_space<hbm>>, %arg4: memref<320000xi32, #tpu.memory_space<hbm>>, %arg5: memref<10000x128xf32, #tpu.memory_space<hbm>>, %arg6: memref<10000x128xf32, #tpu.memory_space<hbm>>, %arg7: memref<10000x128xf32, #tpu.memory_space<hbm>>, %arg8: memref<10000x128xf32, #tpu.memory_space<hbm>>, %arg9: memref<10000x128xf32, #tpu.memory_space<hbm>>, %arg10: memref<80xi32, #tpu.memory_space<vmem>>, %arg11: memref<80x128xf32, #tpu.memory_space<vmem>>, %arg12: memref<10000x128xf32, #tpu.memory_space<vmem_shared>>) attributes {dimension_semantics = [#tpu.dimension_semantics<core_parallel>, #tpu.dimension_semantics<subcore_parallel>], iteration_bounds = array<i64: 2, 16>, scalar_prefetch = 0 : i64, scratch_operands = 3 : i64, tpu.core_type = #tpu.core_type<sc_vector_subcore>, window_params = [{transform_indices = #map}, {transform_indices = #map}, {transform_indices = #map1}, {transform_indices = #map}, {transform_indices = #map}, {transform_indices = #map}, {transform_indices = #map}, {transform_indices = #map}]} {
    %mul3A = arith.constant 2 : i32
    %mul3A_0 = arith.muli %arg1, %mul3A : i32
    %add3A = arith.addi %mul3A_0, %arg0 : i32
    %mul3A_1 = arith.constant 624 : i32
    %mul3A_2 = arith.muli %arg1, %mul3A_1 : i32
    "tpu.region"() ({
      %run_scoped3A = tpu.sem_alloc : memref<!tpu.dma_semaphore, #tpu.memory_space<semaphore_mem>>
      %dma_start3A = arith.constant 0 : i32
      %dma_start3A_44 = tpu.memref_slice %arg12[%mul3A_2, %dma_start3A] : memref<10000x128xf32, #tpu.memory_space<vmem_shared>> -> memref<624x128xf32, #tpu.memory_space<vmem_shared>>
      %dma_start3A_45 = arith.constant 0 : i32
      %dma_start3A_46 = tpu.memref_slice %arg5[%mul3A_2, %dma_start3A_45] : memref<10000x128xf32, #tpu.memory_space<hbm>> -> memref<624x128xf32, #tpu.memory_space<hbm>>
      tpu.enqueue_dma source(%dma_start3A_46 : memref<624x128xf32, #tpu.memory_space<hbm>>) target(%dma_start3A_44 : memref<624x128xf32, #tpu.memory_space<vmem_shared>>) target_semaphore(%run_scoped3A : memref<!tpu.dma_semaphore, #tpu.memory_space<semaphore_mem>>)
      %dma_wait3A = arith.constant 0 : i32
      %dma_wait3A_47 = tpu.memref_slice %arg12[%mul3A_2, %dma_wait3A] : memref<10000x128xf32, #tpu.memory_space<vmem_shared>> -> memref<624x128xf32, #tpu.memory_space<vmem_shared>>
      %dma_wait3A_48 = arith.constant 0 : i32
      %dma_wait3A_49 = tpu.memref_slice %arg5[%mul3A_2, %dma_wait3A_48] : memref<10000x128xf32, #tpu.memory_space<hbm>> -> memref<624x128xf32, #tpu.memory_space<hbm>>
      tpu.wait_dma2 semaphore(%run_scoped3A : memref<!tpu.dma_semaphore, #tpu.memory_space<semaphore_mem>>) src(%dma_wait3A_49 : memref<624x128xf32, #tpu.memory_space<hbm>>) dst(%dma_wait3A_47 : memref<624x128xf32, #tpu.memory_space<vmem_shared>>)
      tpu.yield
    }) : () -> ()
    %eq3A = arith.constant 15 : i32
    %eq3A_3 = arith.cmpi eq, %arg1, %eq3A : i32
    %convert_element_type3A = arith.extui %eq3A_3 : i1 to i32
    %cond3A = arith.constant 0 : i32
    %cond3A_4 = arith.cmpi ne, %convert_element_type3A, %cond3A : i32
    scf.if %cond3A_4 {
      "tpu.region"() ({
        %run_scoped3A = tpu.sem_alloc : memref<!tpu.dma_semaphore, #tpu.memory_space<semaphore_mem>>
        %dma_start3A = arith.constant 9984 : i32
        %dma_start3A_44 = arith.constant 0 : i32
        %dma_start3A_45 = tpu.memref_slice %arg12[%dma_start3A, %dma_start3A_44] : memref<10000x128xf32, #tpu.memory_space<vmem_shared>> -> memref<16x128xf32, #tpu.memory_space<vmem_shared>>
        %dma_start3A_46 = arith.constant 9984 : i32
        %dma_start3A_47 = arith.constant 0 : i32
        %dma_start3A_48 = tpu.memref_slice %arg5[%dma_start3A_46, %dma_start3A_47] : memref<10000x128xf32, #tpu.memory_space<hbm>> -> memref<16x128xf32, #tpu.memory_space<hbm>>
        tpu.enqueue_dma source(%dma_start3A_48 : memref<16x128xf32, #tpu.memory_space<hbm>>) target(%dma_start3A_45 : memref<16x128xf32, #tpu.memory_space<vmem_shared>>) target_semaphore(%run_scoped3A : memref<!tpu.dma_semaphore, #tpu.memory_space<semaphore_mem>>)
        %dma_wait3A = arith.constant 9984 : i32
        %dma_wait3A_49 = arith.constant 0 : i32
        %dma_wait3A_50 = tpu.memref_slice %arg12[%dma_wait3A, %dma_wait3A_49] : memref<10000x128xf32, #tpu.memory_space<vmem_shared>> -> memref<16x128xf32, #tpu.memory_space<vmem_shared>>
        %dma_wait3A_51 = arith.constant 9984 : i32
        %dma_wait3A_52 = arith.constant 0 : i32
        %dma_wait3A_53 = tpu.memref_slice %arg5[%dma_wait3A_51, %dma_wait3A_52] : memref<10000x128xf32, #tpu.memory_space<hbm>> -> memref<16x128xf32, #tpu.memory_space<hbm>>
        tpu.wait_dma2 semaphore(%run_scoped3A : memref<!tpu.dma_semaphore, #tpu.memory_space<semaphore_mem>>) src(%dma_wait3A_53 : memref<16x128xf32, #tpu.memory_space<hbm>>) dst(%dma_wait3A_50 : memref<16x128xf32, #tpu.memory_space<vmem_shared>>)
        tpu.yield
      }) : () -> ()
    } else {
    }
    %barrier3A = arith.constant 0 : index
    tpu.barrier barrier_id(%barrier3A)
    %scan3A = arith.constant 0 : i32
    %scan3A_5 = arith.constant 0 : i32
    %scan3A_6 = arith.constant 125 : i32
    %scan3A_7 = arith.addi %scan3A_5, %scan3A_6 : i32
    %scan3A_8 = arith.constant 1 : i32
    scf.for %scan3A_44 = %scan3A_5 to %scan3A_7 step %scan3A_8  : i32 {
      %mul3A_45 = arith.constant 10000 : i32
      %mul3A_46 = arith.muli %add3A, %mul3A_45 : i32
      %mul3A_47 = arith.constant 80 : i32
      %mul3A_48 = arith.muli %scan3A_44, %mul3A_47 : i32
      %add3A_49 = arith.addi %mul3A_46, %mul3A_48 : i32
      "tpu.region"() ({
        %run_scoped3A = tpu.sem_alloc : memref<!tpu.dma_semaphore, #tpu.memory_space<semaphore_mem>>
        %dma_start3A = tpu.memref_slice %arg4[%add3A_49] : memref<320000xi32, #tpu.memory_space<hbm>> -> memref<80xi32, #tpu.memory_space<hbm>>
        %dma_start3A_50 = tpu.memref_slice %arg4[%add3A_49] : memref<320000xi32, #tpu.memory_space<hbm>> -> memref<80xi32, #tpu.memory_space<hbm>>
        tpu.enqueue_dma source(%dma_start3A_50 : memref<80xi32, #tpu.memory_space<hbm>>) target(%arg10 : memref<80xi32, #tpu.memory_space<vmem>>) target_semaphore(%run_scoped3A : memref<!tpu.dma_semaphore, #tpu.memory_space<semaphore_mem>>)
        %dma_wait3A = tpu.memref_slice %arg4[%add3A_49] : memref<320000xi32, #tpu.memory_space<hbm>> -> memref<80xi32, #tpu.memory_space<hbm>>
        %dma_wait3A_51 = tpu.memref_slice %arg4[%add3A_49] : memref<320000xi32, #tpu.memory_space<hbm>> -> memref<80xi32, #tpu.memory_space<hbm>>
        tpu.wait_dma2 semaphore(%run_scoped3A : memref<!tpu.dma_semaphore, #tpu.memory_space<semaphore_mem>>) src(%dma_wait3A_51 : memref<80xi32, #tpu.memory_space<hbm>>) dst(%arg10 : memref<80xi32, #tpu.memory_space<vmem>>)
        tpu.yield
      }) : () -> ()
      "tpu.region"() ({
        %run_scoped3A = tpu.sem_alloc : memref<!tpu.dma_semaphore, #tpu.memory_space<semaphore_mem>>
        %dma_start3A = arith.constant 0 : i32
        %dma_start3A_50 = tpu.memref_slice %arg2[%add3A_49, %dma_start3A] : memref<320000x128xf32, #tpu.memory_space<hbm>> -> memref<80x128xf32, #tpu.memory_space<hbm>>
        %dma_start3A_51 = arith.constant 0 : i32
        %dma_start3A_52 = tpu.memref_slice %arg2[%add3A_49, %dma_start3A_51] : memref<320000x128xf32, #tpu.memory_space<hbm>> -> memref<80x128xf32, #tpu.memory_space<hbm>>
        tpu.enqueue_dma source(%dma_start3A_52 : memref<80x128xf32, #tpu.memory_space<hbm>>) target(%arg11 : memref<80x128xf32, #tpu.memory_space<vmem>>) target_semaphore(%run_scoped3A : memref<!tpu.dma_semaphore, #tpu.memory_space<semaphore_mem>>)
        %dma_wait3A = arith.constant 0 : i32
        %dma_wait3A_53 = tpu.memref_slice %arg2[%add3A_49, %dma_wait3A] : memref<320000x128xf32, #tpu.memory_space<hbm>> -> memref<80x128xf32, #tpu.memory_space<hbm>>
        %dma_wait3A_54 = arith.constant 0 : i32
        %dma_wait3A_55 = tpu.memref_slice %arg2[%add3A_49, %dma_wait3A_54] : memref<320000x128xf32, #tpu.memory_space<hbm>> -> memref<80x128xf32, #tpu.memory_space<hbm>>
        tpu.wait_dma2 semaphore(%run_scoped3A : memref<!tpu.dma_semaphore, #tpu.memory_space<semaphore_mem>>) src(%dma_wait3A_55 : memref<80x128xf32, #tpu.memory_space<hbm>>) dst(%arg11 : memref<80x128xf32, #tpu.memory_space<vmem>>)
        tpu.yield
      }) : () -> ()
      "tpu.region"() ({
        %run_scoped3A = tpu.sem_alloc : memref<!tpu.dma_semaphore, #tpu.memory_space<semaphore_mem>>
        %dma_start3A = arith.constant 0 : i32
        %dma_start3A_50 = arith.constant 0 : i32
        %dma_start3A_51 = tpu.memref_slice %arg12[%dma_start3A, %dma_start3A_50] : memref<10000x128xf32, #tpu.memory_space<vmem_shared>> -> memref<10000x128xf32, #tpu.memory_space<vmem_shared>>
        tpu.enqueue_indirect_dma source(%arg11 : memref<80x128xf32, #tpu.memory_space<vmem>>) target(%dma_start3A_51 : memref<10000x128xf32, #tpu.memory_space<vmem_shared>>) offsets(%arg10 : memref<80xi32, #tpu.memory_space<vmem>>) semaphore(%run_scoped3A : memref<!tpu.dma_semaphore, #tpu.memory_space<semaphore_mem>>) {add = true}
        %dma_wait3A = arith.constant 0 : i32
        %dma_wait3A_52 = arith.constant 0 : i32
        %dma_wait3A_53 = tpu.memref_slice %arg12[%dma_wait3A, %dma_wait3A_52] : memref<10000x128xf32, #tpu.memory_space<vmem_shared>> -> memref<10000x128xf32, #tpu.memory_space<vmem_shared>>
        tpu.wait_indirect_dma semaphore(%run_scoped3A : memref<!tpu.dma_semaphore, #tpu.memory_space<semaphore_mem>>) src(%arg11 : memref<80x128xf32, #tpu.memory_space<vmem>>) dst(%dma_wait3A_53 : memref<10000x128xf32, #tpu.memory_space<vmem_shared>>)
        tpu.yield
      }) : () -> ()
    }
    %scan3A_9 = arith.constant 125 : i32
    %barrier3A_10 = arith.constant 0 : index
    tpu.barrier barrier_id(%barrier3A_10)
    %eq3A_11 = arith.constant 0 : i32
    %eq3A_12 = arith.cmpi eq, %arg0, %eq3A_11 : i32
    %convert_element_type3A_13 = arith.extui %eq3A_12 : i1 to i32
    %cond3A_14 = arith.constant 0 : i32
    %cond3A_15 = arith.cmpi ne, %convert_element_type3A_13, %cond3A_14 : i32
    scf.if %cond3A_15 {
      "tpu.region"() ({
        %run_scoped3A = tpu.sem_alloc : memref<!tpu.dma_semaphore, #tpu.memory_space<semaphore_mem>>
        %dma_start3A = arith.constant 0 : i32
        %dma_start3A_49 = tpu.memref_slice %arg6[%mul3A_2, %dma_start3A] : memref<10000x128xf32, #tpu.memory_space<hbm>> -> memref<624x128xf32, #tpu.memory_space<hbm>>
        %dma_start3A_50 = arith.constant 0 : i32
        %dma_start3A_51 = tpu.memref_slice %arg12[%mul3A_2, %dma_start3A_50] : memref<10000x128xf32, #tpu.memory_space<vmem_shared>> -> memref<624x128xf32, #tpu.memory_space<vmem_shared>>
        tpu.enqueue_dma source(%dma_start3A_51 : memref<624x128xf32, #tpu.memory_space<vmem_shared>>) target(%dma_start3A_49 : memref<624x128xf32, #tpu.memory_space<hbm>>) target_semaphore(%run_scoped3A : memref<!tpu.dma_semaphore, #tpu.memory_space<semaphore_mem>>)
        %dma_wait3A = arith.constant 0 : i32
        %dma_wait3A_52 = tpu.memref_slice %arg6[%mul3A_2, %dma_wait3A] : memref<10000x128xf32, #tpu.memory_space<hbm>> -> memref<624x128xf32, #tpu.memory_space<hbm>>
        %dma_wait3A_53 = arith.constant 0 : i32
        %dma_wait3A_54 = tpu.memref_slice %arg12[%mul3A_2, %dma_wait3A_53] : memref<10000x128xf32, #tpu.memory_space<vmem_shared>> -> memref<624x128xf32, #tpu.memory_space<vmem_shared>>
        tpu.wait_dma2 semaphore(%run_scoped3A : memref<!tpu.dma_semaphore, #tpu.memory_space<semaphore_mem>>) src(%dma_wait3A_54 : memref<624x128xf32, #tpu.memory_space<vmem_shared>>) dst(%dma_wait3A_52 : memref<624x128xf32, #tpu.memory_space<hbm>>)
        tpu.yield
      }) : () -> ()
      %eq3A_44 = arith.constant 15 : i32
      %eq3A_45 = arith.cmpi eq, %arg1, %eq3A_44 : i32
      %convert_element_type3A_46 = arith.extui %eq3A_45 : i1 to i32
      %cond3A_47 = arith.constant 0 : i32
      %cond3A_48 = arith.cmpi ne, %convert_element_type3A_46, %cond3A_47 : i32
      scf.if %cond3A_48 {
        "tpu.region"() ({
          %run_scoped3A = tpu.sem_alloc : memref<!tpu.dma_semaphore, #tpu.memory_space<semaphore_mem>>
          %dma_start3A = arith.constant 9984 : i32
          %dma_start3A_49 = arith.constant 0 : i32
          %dma_start3A_50 = tpu.memref_slice %arg6[%dma_start3A, %dma_start3A_49] : memref<10000x128xf32, #tpu.memory_space<hbm>> -> memref<16x128xf32, #tpu.memory_space<hbm>>
          %dma_start3A_51 = arith.constant 9984 : i32
          %dma_start3A_52 = arith.constant 0 : i32
          %dma_start3A_53 = tpu.memref_slice %arg12[%dma_start3A_51, %dma_start3A_52] : memref<10000x128xf32, #tpu.memory_space<vmem_shared>> -> memref<16x128xf32, #tpu.memory_space<vmem_shared>>
          tpu.enqueue_dma source(%dma_start3A_53 : memref<16x128xf32, #tpu.memory_space<vmem_shared>>) target(%dma_start3A_50 : memref<16x128xf32, #tpu.memory_space<hbm>>) target_semaphore(%run_scoped3A : memref<!tpu.dma_semaphore, #tpu.memory_space<semaphore_mem>>)
          %dma_wait3A = arith.constant 9984 : i32
          %dma_wait3A_54 = arith.constant 0 : i32
          %dma_wait3A_55 = tpu.memref_slice %arg6[%dma_wait3A, %dma_wait3A_54] : memref<10000x128xf32, #tpu.memory_space<hbm>> -> memref<16x128xf32, #tpu.memory_space<hbm>>
          %dma_wait3A_56 = arith.constant 9984 : i32
          %dma_wait3A_57 = arith.constant 0 : i32
          %dma_wait3A_58 = tpu.memref_slice %arg12[%dma_wait3A_56, %dma_wait3A_57] : memref<10000x128xf32, #tpu.memory_space<vmem_shared>> -> memref<16x128xf32, #tpu.memory_space<vmem_shared>>
          tpu.wait_dma2 semaphore(%run_scoped3A : memref<!tpu.dma_semaphore, #tpu.memory_space<semaphore_mem>>) src(%dma_wait3A_58 : memref<16x128xf32, #tpu.memory_space<vmem_shared>>) dst(%dma_wait3A_55 : memref<16x128xf32, #tpu.memory_space<hbm>>)
          tpu.yield
        }) : () -> ()
      } else {
      }
    } else {
    }
    %eq3A_16 = arith.constant 1 : i32
    %eq3A_17 = arith.cmpi eq, %arg0, %eq3A_16 : i32
    %convert_element_type3A_18 = arith.extui %eq3A_17 : i1 to i32
    %cond3A_19 = arith.constant 0 : i32
    %cond3A_20 = arith.cmpi ne, %convert_element_type3A_18, %cond3A_19 : i32
    scf.if %cond3A_20 {
      "tpu.region"() ({
        %run_scoped3A = tpu.sem_alloc : memref<!tpu.dma_semaphore, #tpu.memory_space<semaphore_mem>>
        %dma_start3A = arith.constant 0 : i32
        %dma_start3A_49 = tpu.memref_slice %arg7[%mul3A_2, %dma_start3A] : memref<10000x128xf32, #tpu.memory_space<hbm>> -> memref<624x128xf32, #tpu.memory_space<hbm>>
        %dma_start3A_50 = arith.constant 0 : i32
        %dma_start3A_51 = tpu.memref_slice %arg12[%mul3A_2, %dma_start3A_50] : memref<10000x128xf32, #tpu.memory_space<vmem_shared>> -> memref<624x128xf32, #tpu.memory_space<vmem_shared>>
        tpu.enqueue_dma source(%dma_start3A_51 : memref<624x128xf32, #tpu.memory_space<vmem_shared>>) target(%dma_start3A_49 : memref<624x128xf32, #tpu.memory_space<hbm>>) target_semaphore(%run_scoped3A : memref<!tpu.dma_semaphore, #tpu.memory_space<semaphore_mem>>)
        %dma_wait3A = arith.constant 0 : i32
        %dma_wait3A_52 = tpu.memref_slice %arg7[%mul3A_2, %dma_wait3A] : memref<10000x128xf32, #tpu.memory_space<hbm>> -> memref<624x128xf32, #tpu.memory_space<hbm>>
        %dma_wait3A_53 = arith.constant 0 : i32
        %dma_wait3A_54 = tpu.memref_slice %arg12[%mul3A_2, %dma_wait3A_53] : memref<10000x128xf32, #tpu.memory_space<vmem_shared>> -> memref<624x128xf32, #tpu.memory_space<vmem_shared>>
        tpu.wait_dma2 semaphore(%run_scoped3A : memref<!tpu.dma_semaphore, #tpu.memory_space<semaphore_mem>>) src(%dma_wait3A_54 : memref<624x128xf32, #tpu.memory_space<vmem_shared>>) dst(%dma_wait3A_52 : memref<624x128xf32, #tpu.memory_space<hbm>>)
        tpu.yield
      }) : () -> ()
      %eq3A_44 = arith.constant 15 : i32
      %eq3A_45 = arith.cmpi eq, %arg1, %eq3A_44 : i32
      %convert_element_type3A_46 = arith.extui %eq3A_45 : i1 to i32
      %cond3A_47 = arith.constant 0 : i32
      %cond3A_48 = arith.cmpi ne, %convert_element_type3A_46, %cond3A_47 : i32
      scf.if %cond3A_48 {
        "tpu.region"() ({
          %run_scoped3A = tpu.sem_alloc : memref<!tpu.dma_semaphore, #tpu.memory_space<semaphore_mem>>
          %dma_start3A = arith.constant 9984 : i32
          %dma_start3A_49 = arith.constant 0 : i32
          %dma_start3A_50 = tpu.memref_slice %arg7[%dma_start3A, %dma_start3A_49] : memref<10000x128xf32, #tpu.memory_space<hbm>> -> memref<16x128xf32, #tpu.memory_space<hbm>>
          %dma_start3A_51 = arith.constant 9984 : i32
          %dma_start3A_52 = arith.constant 0 : i32
          %dma_start3A_53 = tpu.memref_slice %arg12[%dma_start3A_51, %dma_start3A_52] : memref<10000x128xf32, #tpu.memory_space<vmem_shared>> -> memref<16x128xf32, #tpu.memory_space<vmem_shared>>
          tpu.enqueue_dma source(%dma_start3A_53 : memref<16x128xf32, #tpu.memory_space<vmem_shared>>) target(%dma_start3A_50 : memref<16x128xf32, #tpu.memory_space<hbm>>) target_semaphore(%run_scoped3A : memref<!tpu.dma_semaphore, #tpu.memory_space<semaphore_mem>>)
          %dma_wait3A = arith.constant 9984 : i32
          %dma_wait3A_54 = arith.constant 0 : i32
          %dma_wait3A_55 = tpu.memref_slice %arg7[%dma_wait3A, %dma_wait3A_54] : memref<10000x128xf32, #tpu.memory_space<hbm>> -> memref<16x128xf32, #tpu.memory_space<hbm>>
          %dma_wait3A_56 = arith.constant 9984 : i32
          %dma_wait3A_57 = arith.constant 0 : i32
          %dma_wait3A_58 = tpu.memref_slice %arg12[%dma_wait3A_56, %dma_wait3A_57] : memref<10000x128xf32, #tpu.memory_space<vmem_shared>> -> memref<16x128xf32, #tpu.memory_space<vmem_shared>>
          tpu.wait_dma2 semaphore(%run_scoped3A : memref<!tpu.dma_semaphore, #tpu.memory_space<semaphore_mem>>) src(%dma_wait3A_58 : memref<16x128xf32, #tpu.memory_space<vmem_shared>>) dst(%dma_wait3A_55 : memref<16x128xf32, #tpu.memory_space<hbm>>)
          tpu.yield
        }) : () -> ()
      } else {
      }
    } else {
    }
    "tpu.region"() ({
      %run_scoped3A = tpu.sem_alloc : memref<!tpu.dma_semaphore, #tpu.memory_space<semaphore_mem>>
      %dma_start3A = arith.constant 0 : i32
      %dma_start3A_44 = tpu.memref_slice %arg12[%mul3A_2, %dma_start3A] : memref<10000x128xf32, #tpu.memory_space<vmem_shared>> -> memref<624x128xf32, #tpu.memory_space<vmem_shared>>
      %dma_start3A_45 = arith.constant 0 : i32
      %dma_start3A_46 = tpu.memref_slice %arg5[%mul3A_2, %dma_start3A_45] : memref<10000x128xf32, #tpu.memory_space<hbm>> -> memref<624x128xf32, #tpu.memory_space<hbm>>
      tpu.enqueue_dma source(%dma_start3A_46 : memref<624x128xf32, #tpu.memory_space<hbm>>) target(%dma_start3A_44 : memref<624x128xf32, #tpu.memory_space<vmem_shared>>) target_semaphore(%run_scoped3A : memref<!tpu.dma_semaphore, #tpu.memory_space<semaphore_mem>>)
      %dma_wait3A = arith.constant 0 : i32
      %dma_wait3A_47 = tpu.memref_slice %arg12[%mul3A_2, %dma_wait3A] : memref<10000x128xf32, #tpu.memory_space<vmem_shared>> -> memref<624x128xf32, #tpu.memory_space<vmem_shared>>
      %dma_wait3A_48 = arith.constant 0 : i32
      %dma_wait3A_49 = tpu.memref_slice %arg5[%mul3A_2, %dma_wait3A_48] : memref<10000x128xf32, #tpu.memory_space<hbm>> -> memref<624x128xf32, #tpu.memory_space<hbm>>
      tpu.wait_dma2 semaphore(%run_scoped3A : memref<!tpu.dma_semaphore, #tpu.memory_space<semaphore_mem>>) src(%dma_wait3A_49 : memref<624x128xf32, #tpu.memory_space<hbm>>) dst(%dma_wait3A_47 : memref<624x128xf32, #tpu.memory_space<vmem_shared>>)
      tpu.yield
    }) : () -> ()
    %eq3A_21 = arith.constant 15 : i32
    %eq3A_22 = arith.cmpi eq, %arg1, %eq3A_21 : i32
    %convert_element_type3A_23 = arith.extui %eq3A_22 : i1 to i32
    %cond3A_24 = arith.constant 0 : i32
    %cond3A_25 = arith.cmpi ne, %convert_element_type3A_23, %cond3A_24 : i32
    scf.if %cond3A_25 {
      "tpu.region"() ({
        %run_scoped3A = tpu.sem_alloc : memref<!tpu.dma_semaphore, #tpu.memory_space<semaphore_mem>>
        %dma_start3A = arith.constant 9984 : i32
        %dma_start3A_44 = arith.constant 0 : i32
        %dma_start3A_45 = tpu.memref_slice %arg12[%dma_start3A, %dma_start3A_44] : memref<10000x128xf32, #tpu.memory_space<vmem_shared>> -> memref<16x128xf32, #tpu.memory_space<vmem_shared>>
        %dma_start3A_46 = arith.constant 9984 : i32
        %dma_start3A_47 = arith.constant 0 : i32
        %dma_start3A_48 = tpu.memref_slice %arg5[%dma_start3A_46, %dma_start3A_47] : memref<10000x128xf32, #tpu.memory_space<hbm>> -> memref<16x128xf32, #tpu.memory_space<hbm>>
        tpu.enqueue_dma source(%dma_start3A_48 : memref<16x128xf32, #tpu.memory_space<hbm>>) target(%dma_start3A_45 : memref<16x128xf32, #tpu.memory_space<vmem_shared>>) target_semaphore(%run_scoped3A : memref<!tpu.dma_semaphore, #tpu.memory_space<semaphore_mem>>)
        %dma_wait3A = arith.constant 9984 : i32
        %dma_wait3A_49 = arith.constant 0 : i32
        %dma_wait3A_50 = tpu.memref_slice %arg12[%dma_wait3A, %dma_wait3A_49] : memref<10000x128xf32, #tpu.memory_space<vmem_shared>> -> memref<16x128xf32, #tpu.memory_space<vmem_shared>>
        %dma_wait3A_51 = arith.constant 9984 : i32
        %dma_wait3A_52 = arith.constant 0 : i32
        %dma_wait3A_53 = tpu.memref_slice %arg5[%dma_wait3A_51, %dma_wait3A_52] : memref<10000x128xf32, #tpu.memory_space<hbm>> -> memref<16x128xf32, #tpu.memory_space<hbm>>
        tpu.wait_dma2 semaphore(%run_scoped3A : memref<!tpu.dma_semaphore, #tpu.memory_space<semaphore_mem>>) src(%dma_wait3A_53 : memref<16x128xf32, #tpu.memory_space<hbm>>) dst(%dma_wait3A_50 : memref<16x128xf32, #tpu.memory_space<vmem_shared>>)
        tpu.yield
      }) : () -> ()
    } else {
    }
    %barrier3A_26 = arith.constant 0 : index
    tpu.barrier barrier_id(%barrier3A_26)
    %scan3A_27 = arith.constant 0 : i32
    %scan3A_28 = arith.constant 0 : i32
    %scan3A_29 = arith.constant 125 : i32
    %scan3A_30 = arith.addi %scan3A_28, %scan3A_29 : i32
    %scan3A_31 = arith.constant 1 : i32
    scf.for %scan3A_44 = %scan3A_28 to %scan3A_30 step %scan3A_31  : i32 {
      %mul3A_45 = arith.constant 10000 : i32
      %mul3A_46 = arith.muli %add3A, %mul3A_45 : i32
      %mul3A_47 = arith.constant 80 : i32
      %mul3A_48 = arith.muli %scan3A_44, %mul3A_47 : i32
      %add3A_49 = arith.addi %mul3A_46, %mul3A_48 : i32
      "tpu.region"() ({
        %run_scoped3A = tpu.sem_alloc : memref<!tpu.dma_semaphore, #tpu.memory_space<semaphore_mem>>
        %dma_start3A = tpu.memref_slice %arg4[%add3A_49] : memref<320000xi32, #tpu.memory_space<hbm>> -> memref<80xi32, #tpu.memory_space<hbm>>
        %dma_start3A_50 = tpu.memref_slice %arg4[%add3A_49] : memref<320000xi32, #tpu.memory_space<hbm>> -> memref<80xi32, #tpu.memory_space<hbm>>
        tpu.enqueue_dma source(%dma_start3A_50 : memref<80xi32, #tpu.memory_space<hbm>>) target(%arg10 : memref<80xi32, #tpu.memory_space<vmem>>) target_semaphore(%run_scoped3A : memref<!tpu.dma_semaphore, #tpu.memory_space<semaphore_mem>>)
        %dma_wait3A = tpu.memref_slice %arg4[%add3A_49] : memref<320000xi32, #tpu.memory_space<hbm>> -> memref<80xi32, #tpu.memory_space<hbm>>
        %dma_wait3A_51 = tpu.memref_slice %arg4[%add3A_49] : memref<320000xi32, #tpu.memory_space<hbm>> -> memref<80xi32, #tpu.memory_space<hbm>>
        tpu.wait_dma2 semaphore(%run_scoped3A : memref<!tpu.dma_semaphore, #tpu.memory_space<semaphore_mem>>) src(%dma_wait3A_51 : memref<80xi32, #tpu.memory_space<hbm>>) dst(%arg10 : memref<80xi32, #tpu.memory_space<vmem>>)
        tpu.yield
      }) : () -> ()
      "tpu.region"() ({
        %run_scoped3A = tpu.sem_alloc : memref<!tpu.dma_semaphore, #tpu.memory_space<semaphore_mem>>
        %dma_start3A = arith.constant 0 : i32
        %dma_start3A_50 = tpu.memref_slice %arg3[%add3A_49, %dma_start3A] : memref<320000x128xf32, #tpu.memory_space<hbm>> -> memref<80x128xf32, #tpu.memory_space<hbm>>
        %dma_start3A_51 = arith.constant 0 : i32
        %dma_start3A_52 = tpu.memref_slice %arg3[%add3A_49, %dma_start3A_51] : memref<320000x128xf32, #tpu.memory_space<hbm>> -> memref<80x128xf32, #tpu.memory_space<hbm>>
        tpu.enqueue_dma source(%dma_start3A_52 : memref<80x128xf32, #tpu.memory_space<hbm>>) target(%arg11 : memref<80x128xf32, #tpu.memory_space<vmem>>) target_semaphore(%run_scoped3A : memref<!tpu.dma_semaphore, #tpu.memory_space<semaphore_mem>>)
        %dma_wait3A = arith.constant 0 : i32
        %dma_wait3A_53 = tpu.memref_slice %arg3[%add3A_49, %dma_wait3A] : memref<320000x128xf32, #tpu.memory_space<hbm>> -> memref<80x128xf32, #tpu.memory_space<hbm>>
        %dma_wait3A_54 = arith.constant 0 : i32
        %dma_wait3A_55 = tpu.memref_slice %arg3[%add3A_49, %dma_wait3A_54] : memref<320000x128xf32, #tpu.memory_space<hbm>> -> memref<80x128xf32, #tpu.memory_space<hbm>>
        tpu.wait_dma2 semaphore(%run_scoped3A : memref<!tpu.dma_semaphore, #tpu.memory_space<semaphore_mem>>) src(%dma_wait3A_55 : memref<80x128xf32, #tpu.memory_space<hbm>>) dst(%arg11 : memref<80x128xf32, #tpu.memory_space<vmem>>)
        tpu.yield
      }) : () -> ()
      "tpu.region"() ({
        %run_scoped3A = tpu.sem_alloc : memref<!tpu.dma_semaphore, #tpu.memory_space<semaphore_mem>>
        %dma_start3A = arith.constant 0 : i32
        %dma_start3A_50 = arith.constant 0 : i32
        %dma_start3A_51 = tpu.memref_slice %arg12[%dma_start3A, %dma_start3A_50] : memref<10000x128xf32, #tpu.memory_space<vmem_shared>> -> memref<10000x128xf32, #tpu.memory_space<vmem_shared>>
        tpu.enqueue_indirect_dma source(%arg11 : memref<80x128xf32, #tpu.memory_space<vmem>>) target(%dma_start3A_51 : memref<10000x128xf32, #tpu.memory_space<vmem_shared>>) offsets(%arg10 : memref<80xi32, #tpu.memory_space<vmem>>) semaphore(%run_scoped3A : memref<!tpu.dma_semaphore, #tpu.memory_space<semaphore_mem>>) {add = true}
        %dma_wait3A = arith.constant 0 : i32
        %dma_wait3A_52 = arith.constant 0 : i32
        %dma_wait3A_53 = tpu.memref_slice %arg12[%dma_wait3A, %dma_wait3A_52] : memref<10000x128xf32, #tpu.memory_space<vmem_shared>> -> memref<10000x128xf32, #tpu.memory_space<vmem_shared>>
        tpu.wait_indirect_dma semaphore(%run_scoped3A : memref<!tpu.dma_semaphore, #tpu.memory_space<semaphore_mem>>) src(%arg11 : memref<80x128xf32, #tpu.memory_space<vmem>>) dst(%dma_wait3A_53 : memref<10000x128xf32, #tpu.memory_space<vmem_shared>>)
        tpu.yield
      }) : () -> ()
    }
    %scan3A_32 = arith.constant 125 : i32
    %barrier3A_33 = arith.constant 0 : index
    tpu.barrier barrier_id(%barrier3A_33)
    %eq3A_34 = arith.constant 0 : i32
    %eq3A_35 = arith.cmpi eq, %arg0, %eq3A_34 : i32
    %convert_element_type3A_36 = arith.extui %eq3A_35 : i1 to i32
    %cond3A_37 = arith.constant 0 : i32
    %cond3A_38 = arith.cmpi ne, %convert_element_type3A_36, %cond3A_37 : i32
    scf.if %cond3A_38 {
      "tpu.region"() ({
        %run_scoped3A = tpu.sem_alloc : memref<!tpu.dma_semaphore, #tpu.memory_space<semaphore_mem>>
        %dma_start3A = arith.constant 0 : i32
        %dma_start3A_49 = tpu.memref_slice %arg8[%mul3A_2, %dma_start3A] : memref<10000x128xf32, #tpu.memory_space<hbm>> -> memref<624x128xf32, #tpu.memory_space<hbm>>
        %dma_start3A_50 = arith.constant 0 : i32
        %dma_start3A_51 = tpu.memref_slice %arg12[%mul3A_2, %dma_start3A_50] : memref<10000x128xf32, #tpu.memory_space<vmem_shared>> -> memref<624x128xf32, #tpu.memory_space<vmem_shared>>
        tpu.enqueue_dma source(%dma_start3A_51 : memref<624x128xf32, #tpu.memory_space<vmem_shared>>) target(%dma_start3A_49 : memref<624x128xf32, #tpu.memory_space<hbm>>) target_semaphore(%run_scoped3A : memref<!tpu.dma_semaphore, #tpu.memory_space<semaphore_mem>>)
        %dma_wait3A = arith.constant 0 : i32
        %dma_wait3A_52 = tpu.memref_slice %arg8[%mul3A_2, %dma_wait3A] : memref<10000x128xf32, #tpu.memory_space<hbm>> -> memref<624x128xf32, #tpu.memory_space<hbm>>
        %dma_wait3A_53 = arith.constant 0 : i32
        %dma_wait3A_54 = tpu.memref_slice %arg12[%mul3A_2, %dma_wait3A_53] : memref<10000x128xf32, #tpu.memory_space<vmem_shared>> -> memref<624x128xf32, #tpu.memory_space<vmem_shared>>
        tpu.wait_dma2 semaphore(%run_scoped3A : memref<!tpu.dma_semaphore, #tpu.memory_space<semaphore_mem>>) src(%dma_wait3A_54 : memref<624x128xf32, #tpu.memory_space<vmem_shared>>) dst(%dma_wait3A_52 : memref<624x128xf32, #tpu.memory_space<hbm>>)
        tpu.yield
      }) : () -> ()
      %eq3A_44 = arith.constant 15 : i32
      %eq3A_45 = arith.cmpi eq, %arg1, %eq3A_44 : i32
      %convert_element_type3A_46 = arith.extui %eq3A_45 : i1 to i32
      %cond3A_47 = arith.constant 0 : i32
      %cond3A_48 = arith.cmpi ne, %convert_element_type3A_46, %cond3A_47 : i32
      scf.if %cond3A_48 {
        "tpu.region"() ({
          %run_scoped3A = tpu.sem_alloc : memref<!tpu.dma_semaphore, #tpu.memory_space<semaphore_mem>>
          %dma_start3A = arith.constant 9984 : i32
          %dma_start3A_49 = arith.constant 0 : i32
          %dma_start3A_50 = tpu.memref_slice %arg8[%dma_start3A, %dma_start3A_49] : memref<10000x128xf32, #tpu.memory_space<hbm>> -> memref<16x128xf32, #tpu.memory_space<hbm>>
          %dma_start3A_51 = arith.constant 9984 : i32
          %dma_start3A_52 = arith.constant 0 : i32
          %dma_start3A_53 = tpu.memref_slice %arg12[%dma_start3A_51, %dma_start3A_52] : memref<10000x128xf32, #tpu.memory_space<vmem_shared>> -> memref<16x128xf32, #tpu.memory_space<vmem_shared>>
          tpu.enqueue_dma source(%dma_start3A_53 : memref<16x128xf32, #tpu.memory_space<vmem_shared>>) target(%dma_start3A_50 : memref<16x128xf32, #tpu.memory_space<hbm>>) target_semaphore(%run_scoped3A : memref<!tpu.dma_semaphore, #tpu.memory_space<semaphore_mem>>)
          %dma_wait3A = arith.constant 9984 : i32
          %dma_wait3A_54 = arith.constant 0 : i32
          %dma_wait3A_55 = tpu.memref_slice %arg8[%dma_wait3A, %dma_wait3A_54] : memref<10000x128xf32, #tpu.memory_space<hbm>> -> memref<16x128xf32, #tpu.memory_space<hbm>>
          %dma_wait3A_56 = arith.constant 9984 : i32
          %dma_wait3A_57 = arith.constant 0 : i32
          %dma_wait3A_58 = tpu.memref_slice %arg12[%dma_wait3A_56, %dma_wait3A_57] : memref<10000x128xf32, #tpu.memory_space<vmem_shared>> -> memref<16x128xf32, #tpu.memory_space<vmem_shared>>
          tpu.wait_dma2 semaphore(%run_scoped3A : memref<!tpu.dma_semaphore, #tpu.memory_space<semaphore_mem>>) src(%dma_wait3A_58 : memref<16x128xf32, #tpu.memory_space<vmem_shared>>) dst(%dma_wait3A_55 : memref<16x128xf32, #tpu.memory_space<hbm>>)
          tpu.yield
        }) : () -> ()
      } else {
      }
    } else {
    }
    %eq3A_39 = arith.constant 1 : i32
    %eq3A_40 = arith.cmpi eq, %arg0, %eq3A_39 : i32
    %convert_element_type3A_41 = arith.extui %eq3A_40 : i1 to i32
    %cond3A_42 = arith.constant 0 : i32
    %cond3A_43 = arith.cmpi ne, %convert_element_type3A_41, %cond3A_42 : i32
    scf.if %cond3A_43 {
      "tpu.region"() ({
        %run_scoped3A = tpu.sem_alloc : memref<!tpu.dma_semaphore, #tpu.memory_space<semaphore_mem>>
        %dma_start3A = arith.constant 0 : i32
        %dma_start3A_49 = tpu.memref_slice %arg9[%mul3A_2, %dma_start3A] : memref<10000x128xf32, #tpu.memory_space<hbm>> -> memref<624x128xf32, #tpu.memory_space<hbm>>
        %dma_start3A_50 = arith.constant 0 : i32
        %dma_start3A_51 = tpu.memref_slice %arg12[%mul3A_2, %dma_start3A_50] : memref<10000x128xf32, #tpu.memory_space<vmem_shared>> -> memref<624x128xf32, #tpu.memory_space<vmem_shared>>
        tpu.enqueue_dma source(%dma_start3A_51 : memref<624x128xf32, #tpu.memory_space<vmem_shared>>) target(%dma_start3A_49 : memref<624x128xf32, #tpu.memory_space<hbm>>) target_semaphore(%run_scoped3A : memref<!tpu.dma_semaphore, #tpu.memory_space<semaphore_mem>>)
        %dma_wait3A = arith.constant 0 : i32
        %dma_wait3A_52 = tpu.memref_slice %arg9[%mul3A_2, %dma_wait3A] : memref<10000x128xf32, #tpu.memory_space<hbm>> -> memref<624x128xf32, #tpu.memory_space<hbm>>
        %dma_wait3A_53 = arith.constant 0 : i32
        %dma_wait3A_54 = tpu.memref_slice %arg12[%mul3A_2, %dma_wait3A_53] : memref<10000x128xf32, #tpu.memory_space<vmem_shared>> -> memref<624x128xf32, #tpu.memory_space<vmem_shared>>
        tpu.wait_dma2 semaphore(%run_scoped3A : memref<!tpu.dma_semaphore, #tpu.memory_space<semaphore_mem>>) src(%dma_wait3A_54 : memref<624x128xf32, #tpu.memory_space<vmem_shared>>) dst(%dma_wait3A_52 : memref<624x128xf32, #tpu.memory_space<hbm>>)
        tpu.yield
      }) : () -> ()
      %eq3A_44 = arith.constant 15 : i32
      %eq3A_45 = arith.cmpi eq, %arg1, %eq3A_44 : i32
      %convert_element_type3A_46 = arith.extui %eq3A_45 : i1 to i32
      %cond3A_47 = arith.constant 0 : i32
      %cond3A_48 = arith.cmpi ne, %convert_element_type3A_46, %cond3A_47 : i32
      scf.if %cond3A_48 {
        "tpu.region"() ({
          %run_scoped3A = tpu.sem_alloc : memref<!tpu.dma_semaphore, #tpu.memory_space<semaphore_mem>>
          %dma_start3A = arith.constant 9984 : i32
          %dma_start3A_49 = arith.constant 0 : i32
          %dma_start3A_50 = tpu.memref_slice %arg9[%dma_start3A, %dma_start3A_49] : memref<10000x128xf32, #tpu.memory_space<hbm>> -> memref<16x128xf32, #tpu.memory_space<hbm>>
          %dma_start3A_51 = arith.constant 9984 : i32
          %dma_start3A_52 = arith.constant 0 : i32
          %dma_start3A_53 = tpu.memref_slice %arg12[%dma_start3A_51, %dma_start3A_52] : memref<10000x128xf32, #tpu.memory_space<vmem_shared>> -> memref<16x128xf32, #tpu.memory_space<vmem_shared>>
          tpu.enqueue_dma source(%dma_start3A_53 : memref<16x128xf32, #tpu.memory_space<vmem_shared>>) target(%dma_start3A_50 : memref<16x128xf32, #tpu.memory_space<hbm>>) target_semaphore(%run_scoped3A : memref<!tpu.dma_semaphore, #tpu.memory_space<semaphore_mem>>)
          %dma_wait3A = arith.constant 9984 : i32
          %dma_wait3A_54 = arith.constant 0 : i32
          %dma_wait3A_55 = tpu.memref_slice %arg9[%dma_wait3A, %dma_wait3A_54] : memref<10000x128xf32, #tpu.memory_space<hbm>> -> memref<16x128xf32, #tpu.memory_space<hbm>>
          %dma_wait3A_56 = arith.constant 9984 : i32
          %dma_wait3A_57 = arith.constant 0 : i32
          %dma_wait3A_58 = tpu.memref_slice %arg12[%dma_wait3A_56, %dma_wait3A_57] : memref<10000x128xf32, #tpu.memory_space<vmem_shared>> -> memref<16x128xf32, #tpu.memory_space<vmem_shared>>
          tpu.wait_dma2 semaphore(%run_scoped3A : memref<!tpu.dma_semaphore, #tpu.memory_space<semaphore_mem>>) src(%dma_wait3A_58 : memref<16x128xf32, #tpu.memory_space<vmem_shared>>) dst(%dma_wait3A_55 : memref<16x128xf32, #tpu.memory_space<hbm>>)
          tpu.yield
        }) : () -> ()
      } else {
      }
    } else {
    }
    return
  }
}

#map = affine_map<(d0, d1) -> (0, 0)>
#map1 = affine_map<(d0, d1) -> (0)>
module attributes {stable_mosaic.version = 14 : i64} {
  func.func @_sc_gather_body(%arg0: i32, %arg1: i32, %arg2: memref<10000x256xf32, #tpu.memory_space<hbm>>, %arg3: memref<320000xi32, #tpu.memory_space<hbm>>, %arg4: memref<320000xi32, #tpu.memory_space<hbm>>, %arg5: memref<320000x256xf32, #tpu.memory_space<hbm>>, %arg6: memref<320000x256xf32, #tpu.memory_space<hbm>>, %arg7: memref<80xi32, #tpu.memory_space<vmem>>, %arg8: memref<80xi32, #tpu.memory_space<vmem>>, %arg9: memref<80x256xf32, #tpu.memory_space<vmem>>, %arg10: memref<80x256xf32, #tpu.memory_space<vmem>>, %arg11: memref<!tpu.dma_semaphore, #tpu.memory_space<semaphore_mem>>, %arg12: memref<!tpu.dma_semaphore, #tpu.memory_space<semaphore_mem>>) attributes {dimension_semantics = [#tpu.dimension_semantics<core_parallel>, #tpu.dimension_semantics<subcore_parallel>], iteration_bounds = array<i64: 2, 16>, scalar_prefetch = 0 : i64, scratch_operands = 6 : i64, tpu.core_type = #tpu.core_type<sc_vector_subcore>, window_params = [{transform_indices = #map}, {transform_indices = #map1}, {transform_indices = #map1}, {transform_indices = #map}, {transform_indices = #map}]} {
    %mul3A = arith.constant 2 : i32
    %mul3A_0 = arith.muli %arg1, %mul3A : i32
    %add3A = arith.addi %mul3A_0, %arg0 : i32
    %scan3A = arith.constant 0 : i32
    %scan3A_1 = arith.constant 0 : i32
    %scan3A_2 = arith.constant 125 : i32
    %scan3A_3 = arith.addi %scan3A_1, %scan3A_2 : i32
    %scan3A_4 = arith.constant 1 : i32
    scf.for %scan3A_6 = %scan3A_1 to %scan3A_3 step %scan3A_4  : i32 {
      %mul3A_7 = arith.constant 10000 : i32
      %mul3A_8 = arith.muli %add3A, %mul3A_7 : i32
      %mul3A_9 = arith.constant 80 : i32
      %mul3A_10 = arith.muli %scan3A_6, %mul3A_9 : i32
      %add3A_11 = arith.addi %mul3A_8, %mul3A_10 : i32
      "tpu.region"() ({
        %run_scoped3A = tpu.sem_alloc : memref<!tpu.dma_semaphore, #tpu.memory_space<semaphore_mem>>
        %dma_start3A_22 = tpu.memref_slice %arg3[%add3A_11] : memref<320000xi32, #tpu.memory_space<hbm>> -> memref<80xi32, #tpu.memory_space<hbm>>
        %dma_start3A_23 = tpu.memref_slice %arg3[%add3A_11] : memref<320000xi32, #tpu.memory_space<hbm>> -> memref<80xi32, #tpu.memory_space<hbm>>
        tpu.enqueue_dma source(%dma_start3A_23 : memref<80xi32, #tpu.memory_space<hbm>>) target(%arg7 : memref<80xi32, #tpu.memory_space<vmem>>) target_semaphore(%run_scoped3A : memref<!tpu.dma_semaphore, #tpu.memory_space<semaphore_mem>>)
        %dma_wait3A_24 = tpu.memref_slice %arg3[%add3A_11] : memref<320000xi32, #tpu.memory_space<hbm>> -> memref<80xi32, #tpu.memory_space<hbm>>
        %dma_wait3A_25 = tpu.memref_slice %arg3[%add3A_11] : memref<320000xi32, #tpu.memory_space<hbm>> -> memref<80xi32, #tpu.memory_space<hbm>>
        tpu.wait_dma2 semaphore(%run_scoped3A : memref<!tpu.dma_semaphore, #tpu.memory_space<semaphore_mem>>) src(%dma_wait3A_25 : memref<80xi32, #tpu.memory_space<hbm>>) dst(%arg7 : memref<80xi32, #tpu.memory_space<vmem>>)
        tpu.yield
      }) : () -> ()
      "tpu.region"() ({
        %run_scoped3A = tpu.sem_alloc : memref<!tpu.dma_semaphore, #tpu.memory_space<semaphore_mem>>
        %dma_start3A_22 = tpu.memref_slice %arg4[%add3A_11] : memref<320000xi32, #tpu.memory_space<hbm>> -> memref<80xi32, #tpu.memory_space<hbm>>
        %dma_start3A_23 = tpu.memref_slice %arg4[%add3A_11] : memref<320000xi32, #tpu.memory_space<hbm>> -> memref<80xi32, #tpu.memory_space<hbm>>
        tpu.enqueue_dma source(%dma_start3A_23 : memref<80xi32, #tpu.memory_space<hbm>>) target(%arg8 : memref<80xi32, #tpu.memory_space<vmem>>) target_semaphore(%run_scoped3A : memref<!tpu.dma_semaphore, #tpu.memory_space<semaphore_mem>>)
        %dma_wait3A_24 = tpu.memref_slice %arg4[%add3A_11] : memref<320000xi32, #tpu.memory_space<hbm>> -> memref<80xi32, #tpu.memory_space<hbm>>
        %dma_wait3A_25 = tpu.memref_slice %arg4[%add3A_11] : memref<320000xi32, #tpu.memory_space<hbm>> -> memref<80xi32, #tpu.memory_space<hbm>>
        tpu.wait_dma2 semaphore(%run_scoped3A : memref<!tpu.dma_semaphore, #tpu.memory_space<semaphore_mem>>) src(%dma_wait3A_25 : memref<80xi32, #tpu.memory_space<hbm>>) dst(%arg8 : memref<80xi32, #tpu.memory_space<vmem>>)
        tpu.yield
      }) : () -> ()
      %dma_start3A = arith.constant 0 : i32
      %dma_start3A_12 = arith.constant 0 : i32
      %dma_start3A_13 = tpu.memref_slice %arg2[%dma_start3A, %dma_start3A_12] : memref<10000x256xf32, #tpu.memory_space<hbm>> -> memref<10000x256xf32, #tpu.memory_space<hbm>>
      tpu.enqueue_indirect_dma source(%dma_start3A_13 : memref<10000x256xf32, #tpu.memory_space<hbm>>) target(%arg9 : memref<80x256xf32, #tpu.memory_space<vmem>>) offsets(%arg7 : memref<80xi32, #tpu.memory_space<vmem>>) semaphore(%arg11 : memref<!tpu.dma_semaphore, #tpu.memory_space<semaphore_mem>>)
      %dma_start3A_14 = arith.constant 0 : i32
      %dma_start3A_15 = arith.constant 0 : i32
      %dma_start3A_16 = tpu.memref_slice %arg2[%dma_start3A_14, %dma_start3A_15] : memref<10000x256xf32, #tpu.memory_space<hbm>> -> memref<10000x256xf32, #tpu.memory_space<hbm>>
      tpu.enqueue_indirect_dma source(%dma_start3A_16 : memref<10000x256xf32, #tpu.memory_space<hbm>>) target(%arg10 : memref<80x256xf32, #tpu.memory_space<vmem>>) offsets(%arg8 : memref<80xi32, #tpu.memory_space<vmem>>) semaphore(%arg12 : memref<!tpu.dma_semaphore, #tpu.memory_space<semaphore_mem>>)
      %dma_wait3A = arith.constant 0 : i32
      %dma_wait3A_17 = arith.constant 0 : i32
      %dma_wait3A_18 = tpu.memref_slice %arg2[%dma_wait3A, %dma_wait3A_17] : memref<10000x256xf32, #tpu.memory_space<hbm>> -> memref<10000x256xf32, #tpu.memory_space<hbm>>
      tpu.wait_indirect_dma semaphore(%arg11 : memref<!tpu.dma_semaphore, #tpu.memory_space<semaphore_mem>>) src(%dma_wait3A_18 : memref<10000x256xf32, #tpu.memory_space<hbm>>) dst(%arg9 : memref<80x256xf32, #tpu.memory_space<vmem>>)
      "tpu.region"() ({
        %run_scoped3A = tpu.sem_alloc : memref<!tpu.dma_semaphore, #tpu.memory_space<semaphore_mem>>
        %dma_start3A_22 = arith.constant 0 : i32
        %dma_start3A_23 = tpu.memref_slice %arg5[%add3A_11, %dma_start3A_22] : memref<320000x256xf32, #tpu.memory_space<hbm>> -> memref<80x256xf32, #tpu.memory_space<hbm>>
        %dma_start3A_24 = arith.constant 0 : i32
        %dma_start3A_25 = tpu.memref_slice %arg5[%add3A_11, %dma_start3A_24] : memref<320000x256xf32, #tpu.memory_space<hbm>> -> memref<80x256xf32, #tpu.memory_space<hbm>>
        tpu.enqueue_dma source(%arg9 : memref<80x256xf32, #tpu.memory_space<vmem>>) target(%dma_start3A_25 : memref<80x256xf32, #tpu.memory_space<hbm>>) target_semaphore(%run_scoped3A : memref<!tpu.dma_semaphore, #tpu.memory_space<semaphore_mem>>)
        %dma_wait3A_26 = arith.constant 0 : i32
        %dma_wait3A_27 = tpu.memref_slice %arg5[%add3A_11, %dma_wait3A_26] : memref<320000x256xf32, #tpu.memory_space<hbm>> -> memref<80x256xf32, #tpu.memory_space<hbm>>
        %dma_wait3A_28 = arith.constant 0 : i32
        %dma_wait3A_29 = tpu.memref_slice %arg5[%add3A_11, %dma_wait3A_28] : memref<320000x256xf32, #tpu.memory_space<hbm>> -> memref<80x256xf32, #tpu.memory_space<hbm>>
        tpu.wait_dma2 semaphore(%run_scoped3A : memref<!tpu.dma_semaphore, #tpu.memory_space<semaphore_mem>>) src(%arg9 : memref<80x256xf32, #tpu.memory_space<vmem>>) dst(%dma_wait3A_29 : memref<80x256xf32, #tpu.memory_space<hbm>>)
        tpu.yield
      }) : () -> ()
      %dma_wait3A_19 = arith.constant 0 : i32
      %dma_wait3A_20 = arith.constant 0 : i32
      %dma_wait3A_21 = tpu.memref_slice %arg2[%dma_wait3A_19, %dma_wait3A_20] : memref<10000x256xf32, #tpu.memory_space<hbm>> -> memref<10000x256xf32, #tpu.memory_space<hbm>>
      tpu.wait_indirect_dma semaphore(%arg12 : memref<!tpu.dma_semaphore, #tpu.memory_space<semaphore_mem>>) src(%dma_wait3A_21 : memref<10000x256xf32, #tpu.memory_space<hbm>>) dst(%arg10 : memref<80x256xf32, #tpu.memory_space<vmem>>)
      "tpu.region"() ({
        %run_scoped3A = tpu.sem_alloc : memref<!tpu.dma_semaphore, #tpu.memory_space<semaphore_mem>>
        %dma_start3A_22 = arith.constant 0 : i32
        %dma_start3A_23 = tpu.memref_slice %arg6[%add3A_11, %dma_start3A_22] : memref<320000x256xf32, #tpu.memory_space<hbm>> -> memref<80x256xf32, #tpu.memory_space<hbm>>
        %dma_start3A_24 = arith.constant 0 : i32
        %dma_start3A_25 = tpu.memref_slice %arg6[%add3A_11, %dma_start3A_24] : memref<320000x256xf32, #tpu.memory_space<hbm>> -> memref<80x256xf32, #tpu.memory_space<hbm>>
        tpu.enqueue_dma source(%arg10 : memref<80x256xf32, #tpu.memory_space<vmem>>) target(%dma_start3A_25 : memref<80x256xf32, #tpu.memory_space<hbm>>) target_semaphore(%run_scoped3A : memref<!tpu.dma_semaphore, #tpu.memory_space<semaphore_mem>>)
        %dma_wait3A_26 = arith.constant 0 : i32
        %dma_wait3A_27 = tpu.memref_slice %arg6[%add3A_11, %dma_wait3A_26] : memref<320000x256xf32, #tpu.memory_space<hbm>> -> memref<80x256xf32, #tpu.memory_space<hbm>>
        %dma_wait3A_28 = arith.constant 0 : i32
        %dma_wait3A_29 = tpu.memref_slice %arg6[%add3A_11, %dma_wait3A_28] : memref<320000x256xf32, #tpu.memory_space<hbm>> -> memref<80x256xf32, #tpu.memory_space<hbm>>
        tpu.wait_dma2 semaphore(%run_scoped3A : memref<!tpu.dma_semaphore, #tpu.memory_space<semaphore_mem>>) src(%arg10 : memref<80x256xf32, #tpu.memory_space<vmem>>) dst(%dma_wait3A_29 : memref<80x256xf32, #tpu.memory_space<hbm>>)
        tpu.yield
      }) : () -> ()
    }
    %scan3A_5 = arith.constant 125 : i32
    return
  }
}

#map = affine_map<(d0, d1) -> (0, 0)>
#map1 = affine_map<(d0, d1) -> (0)>
module attributes {stable_mosaic.version = 14 : i64} {
  func.func @_sc_gather_body(%arg0: i32, %arg1: i32, %arg2: memref<10000x256xf32, #tpu.memory_space<hbm>>, %arg3: memref<320000xi32, #tpu.memory_space<hbm>>, %arg4: memref<320000xi32, #tpu.memory_space<hbm>>, %arg5: memref<320000x256xf32, #tpu.memory_space<hbm>>, %arg6: memref<320000x256xf32, #tpu.memory_space<hbm>>, %arg7: memref<80xi32, #tpu.memory_space<vmem>>, %arg8: memref<80xi32, #tpu.memory_space<vmem>>, %arg9: memref<80x256xf32, #tpu.memory_space<vmem>>, %arg10: memref<80x256xf32, #tpu.memory_space<vmem>>, %arg11: memref<!tpu.dma_semaphore, #tpu.memory_space<semaphore_mem>>, %arg12: memref<!tpu.dma_semaphore, #tpu.memory_space<semaphore_mem>>) attributes {dimension_semantics = [#tpu.dimension_semantics<core_parallel>, #tpu.dimension_semantics<subcore_parallel>], iteration_bounds = array<i64: 2, 16>, scalar_prefetch = 0 : i64, scratch_operands = 6 : i64, tpu.core_type = #tpu.core_type<sc_vector_subcore>, window_params = [{transform_indices = #map}, {transform_indices = #map1}, {transform_indices = #map1}, {transform_indices = #map}, {transform_indices = #map}]} {
    %mul3A = arith.constant 2 : i32
    %mul3A_0 = arith.muli %arg1, %mul3A : i32
    %add3A = arith.addi %mul3A_0, %arg0 : i32
    %scan3A = arith.constant 0 : i32
    %scan3A_1 = arith.constant 0 : i32
    %scan3A_2 = arith.constant 125 : i32
    %scan3A_3 = arith.addi %scan3A_1, %scan3A_2 : i32
    %scan3A_4 = arith.constant 1 : i32
    scf.for %scan3A_6 = %scan3A_1 to %scan3A_3 step %scan3A_4  : i32 {
      %mul3A_7 = arith.constant 10000 : i32
      %mul3A_8 = arith.muli %add3A, %mul3A_7 : i32
      %mul3A_9 = arith.constant 80 : i32
      %mul3A_10 = arith.muli %scan3A_6, %mul3A_9 : i32
      %add3A_11 = arith.addi %mul3A_8, %mul3A_10 : i32
      "tpu.region"() ({
        %run_scoped3A = tpu.sem_alloc : memref<!tpu.dma_semaphore, #tpu.memory_space<semaphore_mem>>
        %dma_start3A_22 = tpu.memref_slice %arg3[%add3A_11] : memref<320000xi32, #tpu.memory_space<hbm>> -> memref<80xi32, #tpu.memory_space<hbm>>
        %dma_start3A_23 = tpu.memref_slice %arg3[%add3A_11] : memref<320000xi32, #tpu.memory_space<hbm>> -> memref<80xi32, #tpu.memory_space<hbm>>
        tpu.enqueue_dma source(%dma_start3A_23 : memref<80xi32, #tpu.memory_space<hbm>>) target(%arg7 : memref<80xi32, #tpu.memory_space<vmem>>) target_semaphore(%run_scoped3A : memref<!tpu.dma_semaphore, #tpu.memory_space<semaphore_mem>>)
        %dma_wait3A_24 = tpu.memref_slice %arg3[%add3A_11] : memref<320000xi32, #tpu.memory_space<hbm>> -> memref<80xi32, #tpu.memory_space<hbm>>
        %dma_wait3A_25 = tpu.memref_slice %arg3[%add3A_11] : memref<320000xi32, #tpu.memory_space<hbm>> -> memref<80xi32, #tpu.memory_space<hbm>>
        tpu.wait_dma2 semaphore(%run_scoped3A : memref<!tpu.dma_semaphore, #tpu.memory_space<semaphore_mem>>) src(%dma_wait3A_25 : memref<80xi32, #tpu.memory_space<hbm>>) dst(%arg7 : memref<80xi32, #tpu.memory_space<vmem>>)
        tpu.yield
      }) : () -> ()
      "tpu.region"() ({
        %run_scoped3A = tpu.sem_alloc : memref<!tpu.dma_semaphore, #tpu.memory_space<semaphore_mem>>
        %dma_start3A_22 = tpu.memref_slice %arg4[%add3A_11] : memref<320000xi32, #tpu.memory_space<hbm>> -> memref<80xi32, #tpu.memory_space<hbm>>
        %dma_start3A_23 = tpu.memref_slice %arg4[%add3A_11] : memref<320000xi32, #tpu.memory_space<hbm>> -> memref<80xi32, #tpu.memory_space<hbm>>
        tpu.enqueue_dma source(%dma_start3A_23 : memref<80xi32, #tpu.memory_space<hbm>>) target(%arg8 : memref<80xi32, #tpu.memory_space<vmem>>) target_semaphore(%run_scoped3A : memref<!tpu.dma_semaphore, #tpu.memory_space<semaphore_mem>>)
        %dma_wait3A_24 = tpu.memref_slice %arg4[%add3A_11] : memref<320000xi32, #tpu.memory_space<hbm>> -> memref<80xi32, #tpu.memory_space<hbm>>
        %dma_wait3A_25 = tpu.memref_slice %arg4[%add3A_11] : memref<320000xi32, #tpu.memory_space<hbm>> -> memref<80xi32, #tpu.memory_space<hbm>>
        tpu.wait_dma2 semaphore(%run_scoped3A : memref<!tpu.dma_semaphore, #tpu.memory_space<semaphore_mem>>) src(%dma_wait3A_25 : memref<80xi32, #tpu.memory_space<hbm>>) dst(%arg8 : memref<80xi32, #tpu.memory_space<vmem>>)
        tpu.yield
      }) : () -> ()
      %dma_start3A = arith.constant 0 : i32
      %dma_start3A_12 = arith.constant 0 : i32
      %dma_start3A_13 = tpu.memref_slice %arg2[%dma_start3A, %dma_start3A_12] : memref<10000x256xf32, #tpu.memory_space<hbm>> -> memref<10000x256xf32, #tpu.memory_space<hbm>>
      tpu.enqueue_indirect_dma source(%dma_start3A_13 : memref<10000x256xf32, #tpu.memory_space<hbm>>) target(%arg9 : memref<80x256xf32, #tpu.memory_space<vmem>>) offsets(%arg7 : memref<80xi32, #tpu.memory_space<vmem>>) semaphore(%arg11 : memref<!tpu.dma_semaphore, #tpu.memory_space<semaphore_mem>>)
      %dma_start3A_14 = arith.constant 0 : i32
      %dma_start3A_15 = arith.constant 0 : i32
      %dma_start3A_16 = tpu.memref_slice %arg2[%dma_start3A_14, %dma_start3A_15] : memref<10000x256xf32, #tpu.memory_space<hbm>> -> memref<10000x256xf32, #tpu.memory_space<hbm>>
      tpu.enqueue_indirect_dma source(%dma_start3A_16 : memref<10000x256xf32, #tpu.memory_space<hbm>>) target(%arg10 : memref<80x256xf32, #tpu.memory_space<vmem>>) offsets(%arg8 : memref<80xi32, #tpu.memory_space<vmem>>) semaphore(%arg12 : memref<!tpu.dma_semaphore, #tpu.memory_space<semaphore_mem>>)
      %dma_wait3A = arith.constant 0 : i32
      %dma_wait3A_17 = arith.constant 0 : i32
      %dma_wait3A_18 = tpu.memref_slice %arg2[%dma_wait3A, %dma_wait3A_17] : memref<10000x256xf32, #tpu.memory_space<hbm>> -> memref<10000x256xf32, #tpu.memory_space<hbm>>
      tpu.wait_indirect_dma semaphore(%arg11 : memref<!tpu.dma_semaphore, #tpu.memory_space<semaphore_mem>>) src(%dma_wait3A_18 : memref<10000x256xf32, #tpu.memory_space<hbm>>) dst(%arg9 : memref<80x256xf32, #tpu.memory_space<vmem>>)
      "tpu.region"() ({
        %run_scoped3A = tpu.sem_alloc : memref<!tpu.dma_semaphore, #tpu.memory_space<semaphore_mem>>
        %dma_start3A_22 = arith.constant 0 : i32
        %dma_start3A_23 = tpu.memref_slice %arg5[%add3A_11, %dma_start3A_22] : memref<320000x256xf32, #tpu.memory_space<hbm>> -> memref<80x256xf32, #tpu.memory_space<hbm>>
        %dma_start3A_24 = arith.constant 0 : i32
        %dma_start3A_25 = tpu.memref_slice %arg5[%add3A_11, %dma_start3A_24] : memref<320000x256xf32, #tpu.memory_space<hbm>> -> memref<80x256xf32, #tpu.memory_space<hbm>>
        tpu.enqueue_dma source(%arg9 : memref<80x256xf32, #tpu.memory_space<vmem>>) target(%dma_start3A_25 : memref<80x256xf32, #tpu.memory_space<hbm>>) target_semaphore(%run_scoped3A : memref<!tpu.dma_semaphore, #tpu.memory_space<semaphore_mem>>)
        %dma_wait3A_26 = arith.constant 0 : i32
        %dma_wait3A_27 = tpu.memref_slice %arg5[%add3A_11, %dma_wait3A_26] : memref<320000x256xf32, #tpu.memory_space<hbm>> -> memref<80x256xf32, #tpu.memory_space<hbm>>
        %dma_wait3A_28 = arith.constant 0 : i32
        %dma_wait3A_29 = tpu.memref_slice %arg5[%add3A_11, %dma_wait3A_28] : memref<320000x256xf32, #tpu.memory_space<hbm>> -> memref<80x256xf32, #tpu.memory_space<hbm>>
        tpu.wait_dma2 semaphore(%run_scoped3A : memref<!tpu.dma_semaphore, #tpu.memory_space<semaphore_mem>>) src(%arg9 : memref<80x256xf32, #tpu.memory_space<vmem>>) dst(%dma_wait3A_29 : memref<80x256xf32, #tpu.memory_space<hbm>>)
        tpu.yield
      }) : () -> ()
      %dma_wait3A_19 = arith.constant 0 : i32
      %dma_wait3A_20 = arith.constant 0 : i32
      %dma_wait3A_21 = tpu.memref_slice %arg2[%dma_wait3A_19, %dma_wait3A_20] : memref<10000x256xf32, #tpu.memory_space<hbm>> -> memref<10000x256xf32, #tpu.memory_space<hbm>>
      tpu.wait_indirect_dma semaphore(%arg12 : memref<!tpu.dma_semaphore, #tpu.memory_space<semaphore_mem>>) src(%dma_wait3A_21 : memref<10000x256xf32, #tpu.memory_space<hbm>>) dst(%arg10 : memref<80x256xf32, #tpu.memory_space<vmem>>)
      "tpu.region"() ({
        %run_scoped3A = tpu.sem_alloc : memref<!tpu.dma_semaphore, #tpu.memory_space<semaphore_mem>>
        %dma_start3A_22 = arith.constant 0 : i32
        %dma_start3A_23 = tpu.memref_slice %arg6[%add3A_11, %dma_start3A_22] : memref<320000x256xf32, #tpu.memory_space<hbm>> -> memref<80x256xf32, #tpu.memory_space<hbm>>
        %dma_start3A_24 = arith.constant 0 : i32
        %dma_start3A_25 = tpu.memref_slice %arg6[%add3A_11, %dma_start3A_24] : memref<320000x256xf32, #tpu.memory_space<hbm>> -> memref<80x256xf32, #tpu.memory_space<hbm>>
        tpu.enqueue_dma source(%arg10 : memref<80x256xf32, #tpu.memory_space<vmem>>) target(%dma_start3A_25 : memref<80x256xf32, #tpu.memory_space<hbm>>) target_semaphore(%run_scoped3A : memref<!tpu.dma_semaphore, #tpu.memory_space<semaphore_mem>>)
        %dma_wait3A_26 = arith.constant 0 : i32
        %dma_wait3A_27 = tpu.memref_slice %arg6[%add3A_11, %dma_wait3A_26] : memref<320000x256xf32, #tpu.memory_space<hbm>> -> memref<80x256xf32, #tpu.memory_space<hbm>>
        %dma_wait3A_28 = arith.constant 0 : i32
        %dma_wait3A_29 = tpu.memref_slice %arg6[%add3A_11, %dma_wait3A_28] : memref<320000x256xf32, #tpu.memory_space<hbm>> -> memref<80x256xf32, #tpu.memory_space<hbm>>
        tpu.wait_dma2 semaphore(%run_scoped3A : memref<!tpu.dma_semaphore, #tpu.memory_space<semaphore_mem>>) src(%arg10 : memref<80x256xf32, #tpu.memory_space<vmem>>) dst(%dma_wait3A_29 : memref<80x256xf32, #tpu.memory_space<hbm>>)
        tpu.yield
      }) : () -> ()
    }
    %scan3A_5 = arith.constant 125 : i32
    return
  }
}

#map = affine_map<(d0, d1) -> (0, 0)>
#map1 = affine_map<(d0, d1) -> (0)>
module attributes {stable_mosaic.version = 14 : i64} {
  func.func @_sc_scatter_body(%arg0: i32, %arg1: i32, %arg2: memref<320000x128xf32, #tpu.memory_space<hbm>>, %arg3: memref<320000x128xf32, #tpu.memory_space<hbm>>, %arg4: memref<320000xi32, #tpu.memory_space<hbm>>, %arg5: memref<10000x128xf32, #tpu.memory_space<hbm>>, %arg6: memref<10000x128xf32, #tpu.memory_space<hbm>>, %arg7: memref<10000x128xf32, #tpu.memory_space<hbm>>, %arg8: memref<10000x128xf32, #tpu.memory_space<hbm>>, %arg9: memref<10000x128xf32, #tpu.memory_space<hbm>>, %arg10: memref<80xi32, #tpu.memory_space<vmem>>, %arg11: memref<80x128xf32, #tpu.memory_space<vmem>>, %arg12: memref<10000x128xf32, #tpu.memory_space<vmem_shared>>) attributes {dimension_semantics = [#tpu.dimension_semantics<core_parallel>, #tpu.dimension_semantics<subcore_parallel>], iteration_bounds = array<i64: 2, 16>, scalar_prefetch = 0 : i64, scratch_operands = 3 : i64, tpu.core_type = #tpu.core_type<sc_vector_subcore>, window_params = [{transform_indices = #map}, {transform_indices = #map}, {transform_indices = #map1}, {transform_indices = #map}, {transform_indices = #map}, {transform_indices = #map}, {transform_indices = #map}, {transform_indices = #map}]} {
    %mul3A = arith.constant 2 : i32
    %mul3A_0 = arith.muli %arg1, %mul3A : i32
    %add3A = arith.addi %mul3A_0, %arg0 : i32
    %mul3A_1 = arith.constant 624 : i32
    %mul3A_2 = arith.muli %arg1, %mul3A_1 : i32
    "tpu.region"() ({
      %run_scoped3A = tpu.sem_alloc : memref<!tpu.dma_semaphore, #tpu.memory_space<semaphore_mem>>
      %dma_start3A = arith.constant 0 : i32
      %dma_start3A_44 = tpu.memref_slice %arg12[%mul3A_2, %dma_start3A] : memref<10000x128xf32, #tpu.memory_space<vmem_shared>> -> memref<624x128xf32, #tpu.memory_space<vmem_shared>>
      %dma_start3A_45 = arith.constant 0 : i32
      %dma_start3A_46 = tpu.memref_slice %arg5[%mul3A_2, %dma_start3A_45] : memref<10000x128xf32, #tpu.memory_space<hbm>> -> memref<624x128xf32, #tpu.memory_space<hbm>>
      tpu.enqueue_dma source(%dma_start3A_46 : memref<624x128xf32, #tpu.memory_space<hbm>>) target(%dma_start3A_44 : memref<624x128xf32, #tpu.memory_space<vmem_shared>>) target_semaphore(%run_scoped3A : memref<!tpu.dma_semaphore, #tpu.memory_space<semaphore_mem>>)
      %dma_wait3A = arith.constant 0 : i32
      %dma_wait3A_47 = tpu.memref_slice %arg12[%mul3A_2, %dma_wait3A] : memref<10000x128xf32, #tpu.memory_space<vmem_shared>> -> memref<624x128xf32, #tpu.memory_space<vmem_shared>>
      %dma_wait3A_48 = arith.constant 0 : i32
      %dma_wait3A_49 = tpu.memref_slice %arg5[%mul3A_2, %dma_wait3A_48] : memref<10000x128xf32, #tpu.memory_space<hbm>> -> memref<624x128xf32, #tpu.memory_space<hbm>>
      tpu.wait_dma2 semaphore(%run_scoped3A : memref<!tpu.dma_semaphore, #tpu.memory_space<semaphore_mem>>) src(%dma_wait3A_49 : memref<624x128xf32, #tpu.memory_space<hbm>>) dst(%dma_wait3A_47 : memref<624x128xf32, #tpu.memory_space<vmem_shared>>)
      tpu.yield
    }) : () -> ()
    %eq3A = arith.constant 15 : i32
    %eq3A_3 = arith.cmpi eq, %arg1, %eq3A : i32
    %convert_element_type3A = arith.extui %eq3A_3 : i1 to i32
    %cond3A = arith.constant 0 : i32
    %cond3A_4 = arith.cmpi ne, %convert_element_type3A, %cond3A : i32
    scf.if %cond3A_4 {
      "tpu.region"() ({
        %run_scoped3A = tpu.sem_alloc : memref<!tpu.dma_semaphore, #tpu.memory_space<semaphore_mem>>
        %dma_start3A = arith.constant 9984 : i32
        %dma_start3A_44 = arith.constant 0 : i32
        %dma_start3A_45 = tpu.memref_slice %arg12[%dma_start3A, %dma_start3A_44] : memref<10000x128xf32, #tpu.memory_space<vmem_shared>> -> memref<16x128xf32, #tpu.memory_space<vmem_shared>>
        %dma_start3A_46 = arith.constant 9984 : i32
        %dma_start3A_47 = arith.constant 0 : i32
        %dma_start3A_48 = tpu.memref_slice %arg5[%dma_start3A_46, %dma_start3A_47] : memref<10000x128xf32, #tpu.memory_space<hbm>> -> memref<16x128xf32, #tpu.memory_space<hbm>>
        tpu.enqueue_dma source(%dma_start3A_48 : memref<16x128xf32, #tpu.memory_space<hbm>>) target(%dma_start3A_45 : memref<16x128xf32, #tpu.memory_space<vmem_shared>>) target_semaphore(%run_scoped3A : memref<!tpu.dma_semaphore, #tpu.memory_space<semaphore_mem>>)
        %dma_wait3A = arith.constant 9984 : i32
        %dma_wait3A_49 = arith.constant 0 : i32
        %dma_wait3A_50 = tpu.memref_slice %arg12[%dma_wait3A, %dma_wait3A_49] : memref<10000x128xf32, #tpu.memory_space<vmem_shared>> -> memref<16x128xf32, #tpu.memory_space<vmem_shared>>
        %dma_wait3A_51 = arith.constant 9984 : i32
        %dma_wait3A_52 = arith.constant 0 : i32
        %dma_wait3A_53 = tpu.memref_slice %arg5[%dma_wait3A_51, %dma_wait3A_52] : memref<10000x128xf32, #tpu.memory_space<hbm>> -> memref<16x128xf32, #tpu.memory_space<hbm>>
        tpu.wait_dma2 semaphore(%run_scoped3A : memref<!tpu.dma_semaphore, #tpu.memory_space<semaphore_mem>>) src(%dma_wait3A_53 : memref<16x128xf32, #tpu.memory_space<hbm>>) dst(%dma_wait3A_50 : memref<16x128xf32, #tpu.memory_space<vmem_shared>>)
        tpu.yield
      }) : () -> ()
    } else {
    }
    %barrier3A = arith.constant 0 : index
    tpu.barrier barrier_id(%barrier3A)
    %scan3A = arith.constant 0 : i32
    %scan3A_5 = arith.constant 0 : i32
    %scan3A_6 = arith.constant 125 : i32
    %scan3A_7 = arith.addi %scan3A_5, %scan3A_6 : i32
    %scan3A_8 = arith.constant 1 : i32
    scf.for %scan3A_44 = %scan3A_5 to %scan3A_7 step %scan3A_8  : i32 {
      %mul3A_45 = arith.constant 10000 : i32
      %mul3A_46 = arith.muli %add3A, %mul3A_45 : i32
      %mul3A_47 = arith.constant 80 : i32
      %mul3A_48 = arith.muli %scan3A_44, %mul3A_47 : i32
      %add3A_49 = arith.addi %mul3A_46, %mul3A_48 : i32
      "tpu.region"() ({
        %run_scoped3A = tpu.sem_alloc : memref<!tpu.dma_semaphore, #tpu.memory_space<semaphore_mem>>
        %dma_start3A = tpu.memref_slice %arg4[%add3A_49] : memref<320000xi32, #tpu.memory_space<hbm>> -> memref<80xi32, #tpu.memory_space<hbm>>
        %dma_start3A_50 = tpu.memref_slice %arg4[%add3A_49] : memref<320000xi32, #tpu.memory_space<hbm>> -> memref<80xi32, #tpu.memory_space<hbm>>
        tpu.enqueue_dma source(%dma_start3A_50 : memref<80xi32, #tpu.memory_space<hbm>>) target(%arg10 : memref<80xi32, #tpu.memory_space<vmem>>) target_semaphore(%run_scoped3A : memref<!tpu.dma_semaphore, #tpu.memory_space<semaphore_mem>>)
        %dma_wait3A = tpu.memref_slice %arg4[%add3A_49] : memref<320000xi32, #tpu.memory_space<hbm>> -> memref<80xi32, #tpu.memory_space<hbm>>
        %dma_wait3A_51 = tpu.memref_slice %arg4[%add3A_49] : memref<320000xi32, #tpu.memory_space<hbm>> -> memref<80xi32, #tpu.memory_space<hbm>>
        tpu.wait_dma2 semaphore(%run_scoped3A : memref<!tpu.dma_semaphore, #tpu.memory_space<semaphore_mem>>) src(%dma_wait3A_51 : memref<80xi32, #tpu.memory_space<hbm>>) dst(%arg10 : memref<80xi32, #tpu.memory_space<vmem>>)
        tpu.yield
      }) : () -> ()
      "tpu.region"() ({
        %run_scoped3A = tpu.sem_alloc : memref<!tpu.dma_semaphore, #tpu.memory_space<semaphore_mem>>
        %dma_start3A = arith.constant 0 : i32
        %dma_start3A_50 = tpu.memref_slice %arg2[%add3A_49, %dma_start3A] : memref<320000x128xf32, #tpu.memory_space<hbm>> -> memref<80x128xf32, #tpu.memory_space<hbm>>
        %dma_start3A_51 = arith.constant 0 : i32
        %dma_start3A_52 = tpu.memref_slice %arg2[%add3A_49, %dma_start3A_51] : memref<320000x128xf32, #tpu.memory_space<hbm>> -> memref<80x128xf32, #tpu.memory_space<hbm>>
        tpu.enqueue_dma source(%dma_start3A_52 : memref<80x128xf32, #tpu.memory_space<hbm>>) target(%arg11 : memref<80x128xf32, #tpu.memory_space<vmem>>) target_semaphore(%run_scoped3A : memref<!tpu.dma_semaphore, #tpu.memory_space<semaphore_mem>>)
        %dma_wait3A = arith.constant 0 : i32
        %dma_wait3A_53 = tpu.memref_slice %arg2[%add3A_49, %dma_wait3A] : memref<320000x128xf32, #tpu.memory_space<hbm>> -> memref<80x128xf32, #tpu.memory_space<hbm>>
        %dma_wait3A_54 = arith.constant 0 : i32
        %dma_wait3A_55 = tpu.memref_slice %arg2[%add3A_49, %dma_wait3A_54] : memref<320000x128xf32, #tpu.memory_space<hbm>> -> memref<80x128xf32, #tpu.memory_space<hbm>>
        tpu.wait_dma2 semaphore(%run_scoped3A : memref<!tpu.dma_semaphore, #tpu.memory_space<semaphore_mem>>) src(%dma_wait3A_55 : memref<80x128xf32, #tpu.memory_space<hbm>>) dst(%arg11 : memref<80x128xf32, #tpu.memory_space<vmem>>)
        tpu.yield
      }) : () -> ()
      "tpu.region"() ({
        %run_scoped3A = tpu.sem_alloc : memref<!tpu.dma_semaphore, #tpu.memory_space<semaphore_mem>>
        %dma_start3A = arith.constant 0 : i32
        %dma_start3A_50 = arith.constant 0 : i32
        %dma_start3A_51 = tpu.memref_slice %arg12[%dma_start3A, %dma_start3A_50] : memref<10000x128xf32, #tpu.memory_space<vmem_shared>> -> memref<10000x128xf32, #tpu.memory_space<vmem_shared>>
        tpu.enqueue_indirect_dma source(%arg11 : memref<80x128xf32, #tpu.memory_space<vmem>>) target(%dma_start3A_51 : memref<10000x128xf32, #tpu.memory_space<vmem_shared>>) offsets(%arg10 : memref<80xi32, #tpu.memory_space<vmem>>) semaphore(%run_scoped3A : memref<!tpu.dma_semaphore, #tpu.memory_space<semaphore_mem>>) {add = true}
        %dma_wait3A = arith.constant 0 : i32
        %dma_wait3A_52 = arith.constant 0 : i32
        %dma_wait3A_53 = tpu.memref_slice %arg12[%dma_wait3A, %dma_wait3A_52] : memref<10000x128xf32, #tpu.memory_space<vmem_shared>> -> memref<10000x128xf32, #tpu.memory_space<vmem_shared>>
        tpu.wait_indirect_dma semaphore(%run_scoped3A : memref<!tpu.dma_semaphore, #tpu.memory_space<semaphore_mem>>) src(%arg11 : memref<80x128xf32, #tpu.memory_space<vmem>>) dst(%dma_wait3A_53 : memref<10000x128xf32, #tpu.memory_space<vmem_shared>>)
        tpu.yield
      }) : () -> ()
    }
    %scan3A_9 = arith.constant 125 : i32
    %barrier3A_10 = arith.constant 0 : index
    tpu.barrier barrier_id(%barrier3A_10)
    %eq3A_11 = arith.constant 0 : i32
    %eq3A_12 = arith.cmpi eq, %arg0, %eq3A_11 : i32
    %convert_element_type3A_13 = arith.extui %eq3A_12 : i1 to i32
    %cond3A_14 = arith.constant 0 : i32
    %cond3A_15 = arith.cmpi ne, %convert_element_type3A_13, %cond3A_14 : i32
    scf.if %cond3A_15 {
      "tpu.region"() ({
        %run_scoped3A = tpu.sem_alloc : memref<!tpu.dma_semaphore, #tpu.memory_space<semaphore_mem>>
        %dma_start3A = arith.constant 0 : i32
        %dma_start3A_49 = tpu.memref_slice %arg6[%mul3A_2, %dma_start3A] : memref<10000x128xf32, #tpu.memory_space<hbm>> -> memref<624x128xf32, #tpu.memory_space<hbm>>
        %dma_start3A_50 = arith.constant 0 : i32
        %dma_start3A_51 = tpu.memref_slice %arg12[%mul3A_2, %dma_start3A_50] : memref<10000x128xf32, #tpu.memory_space<vmem_shared>> -> memref<624x128xf32, #tpu.memory_space<vmem_shared>>
        tpu.enqueue_dma source(%dma_start3A_51 : memref<624x128xf32, #tpu.memory_space<vmem_shared>>) target(%dma_start3A_49 : memref<624x128xf32, #tpu.memory_space<hbm>>) target_semaphore(%run_scoped3A : memref<!tpu.dma_semaphore, #tpu.memory_space<semaphore_mem>>)
        %dma_wait3A = arith.constant 0 : i32
        %dma_wait3A_52 = tpu.memref_slice %arg6[%mul3A_2, %dma_wait3A] : memref<10000x128xf32, #tpu.memory_space<hbm>> -> memref<624x128xf32, #tpu.memory_space<hbm>>
        %dma_wait3A_53 = arith.constant 0 : i32
        %dma_wait3A_54 = tpu.memref_slice %arg12[%mul3A_2, %dma_wait3A_53] : memref<10000x128xf32, #tpu.memory_space<vmem_shared>> -> memref<624x128xf32, #tpu.memory_space<vmem_shared>>
        tpu.wait_dma2 semaphore(%run_scoped3A : memref<!tpu.dma_semaphore, #tpu.memory_space<semaphore_mem>>) src(%dma_wait3A_54 : memref<624x128xf32, #tpu.memory_space<vmem_shared>>) dst(%dma_wait3A_52 : memref<624x128xf32, #tpu.memory_space<hbm>>)
        tpu.yield
      }) : () -> ()
      %eq3A_44 = arith.constant 15 : i32
      %eq3A_45 = arith.cmpi eq, %arg1, %eq3A_44 : i32
      %convert_element_type3A_46 = arith.extui %eq3A_45 : i1 to i32
      %cond3A_47 = arith.constant 0 : i32
      %cond3A_48 = arith.cmpi ne, %convert_element_type3A_46, %cond3A_47 : i32
      scf.if %cond3A_48 {
        "tpu.region"() ({
          %run_scoped3A = tpu.sem_alloc : memref<!tpu.dma_semaphore, #tpu.memory_space<semaphore_mem>>
          %dma_start3A = arith.constant 9984 : i32
          %dma_start3A_49 = arith.constant 0 : i32
          %dma_start3A_50 = tpu.memref_slice %arg6[%dma_start3A, %dma_start3A_49] : memref<10000x128xf32, #tpu.memory_space<hbm>> -> memref<16x128xf32, #tpu.memory_space<hbm>>
          %dma_start3A_51 = arith.constant 9984 : i32
          %dma_start3A_52 = arith.constant 0 : i32
          %dma_start3A_53 = tpu.memref_slice %arg12[%dma_start3A_51, %dma_start3A_52] : memref<10000x128xf32, #tpu.memory_space<vmem_shared>> -> memref<16x128xf32, #tpu.memory_space<vmem_shared>>
          tpu.enqueue_dma source(%dma_start3A_53 : memref<16x128xf32, #tpu.memory_space<vmem_shared>>) target(%dma_start3A_50 : memref<16x128xf32, #tpu.memory_space<hbm>>) target_semaphore(%run_scoped3A : memref<!tpu.dma_semaphore, #tpu.memory_space<semaphore_mem>>)
          %dma_wait3A = arith.constant 9984 : i32
          %dma_wait3A_54 = arith.constant 0 : i32
          %dma_wait3A_55 = tpu.memref_slice %arg6[%dma_wait3A, %dma_wait3A_54] : memref<10000x128xf32, #tpu.memory_space<hbm>> -> memref<16x128xf32, #tpu.memory_space<hbm>>
          %dma_wait3A_56 = arith.constant 9984 : i32
          %dma_wait3A_57 = arith.constant 0 : i32
          %dma_wait3A_58 = tpu.memref_slice %arg12[%dma_wait3A_56, %dma_wait3A_57] : memref<10000x128xf32, #tpu.memory_space<vmem_shared>> -> memref<16x128xf32, #tpu.memory_space<vmem_shared>>
          tpu.wait_dma2 semaphore(%run_scoped3A : memref<!tpu.dma_semaphore, #tpu.memory_space<semaphore_mem>>) src(%dma_wait3A_58 : memref<16x128xf32, #tpu.memory_space<vmem_shared>>) dst(%dma_wait3A_55 : memref<16x128xf32, #tpu.memory_space<hbm>>)
          tpu.yield
        }) : () -> ()
      } else {
      }
    } else {
    }
    %eq3A_16 = arith.constant 1 : i32
    %eq3A_17 = arith.cmpi eq, %arg0, %eq3A_16 : i32
    %convert_element_type3A_18 = arith.extui %eq3A_17 : i1 to i32
    %cond3A_19 = arith.constant 0 : i32
    %cond3A_20 = arith.cmpi ne, %convert_element_type3A_18, %cond3A_19 : i32
    scf.if %cond3A_20 {
      "tpu.region"() ({
        %run_scoped3A = tpu.sem_alloc : memref<!tpu.dma_semaphore, #tpu.memory_space<semaphore_mem>>
        %dma_start3A = arith.constant 0 : i32
        %dma_start3A_49 = tpu.memref_slice %arg7[%mul3A_2, %dma_start3A] : memref<10000x128xf32, #tpu.memory_space<hbm>> -> memref<624x128xf32, #tpu.memory_space<hbm>>
        %dma_start3A_50 = arith.constant 0 : i32
        %dma_start3A_51 = tpu.memref_slice %arg12[%mul3A_2, %dma_start3A_50] : memref<10000x128xf32, #tpu.memory_space<vmem_shared>> -> memref<624x128xf32, #tpu.memory_space<vmem_shared>>
        tpu.enqueue_dma source(%dma_start3A_51 : memref<624x128xf32, #tpu.memory_space<vmem_shared>>) target(%dma_start3A_49 : memref<624x128xf32, #tpu.memory_space<hbm>>) target_semaphore(%run_scoped3A : memref<!tpu.dma_semaphore, #tpu.memory_space<semaphore_mem>>)
        %dma_wait3A = arith.constant 0 : i32
        %dma_wait3A_52 = tpu.memref_slice %arg7[%mul3A_2, %dma_wait3A] : memref<10000x128xf32, #tpu.memory_space<hbm>> -> memref<624x128xf32, #tpu.memory_space<hbm>>
        %dma_wait3A_53 = arith.constant 0 : i32
        %dma_wait3A_54 = tpu.memref_slice %arg12[%mul3A_2, %dma_wait3A_53] : memref<10000x128xf32, #tpu.memory_space<vmem_shared>> -> memref<624x128xf32, #tpu.memory_space<vmem_shared>>
        tpu.wait_dma2 semaphore(%run_scoped3A : memref<!tpu.dma_semaphore, #tpu.memory_space<semaphore_mem>>) src(%dma_wait3A_54 : memref<624x128xf32, #tpu.memory_space<vmem_shared>>) dst(%dma_wait3A_52 : memref<624x128xf32, #tpu.memory_space<hbm>>)
        tpu.yield
      }) : () -> ()
      %eq3A_44 = arith.constant 15 : i32
      %eq3A_45 = arith.cmpi eq, %arg1, %eq3A_44 : i32
      %convert_element_type3A_46 = arith.extui %eq3A_45 : i1 to i32
      %cond3A_47 = arith.constant 0 : i32
      %cond3A_48 = arith.cmpi ne, %convert_element_type3A_46, %cond3A_47 : i32
      scf.if %cond3A_48 {
        "tpu.region"() ({
          %run_scoped3A = tpu.sem_alloc : memref<!tpu.dma_semaphore, #tpu.memory_space<semaphore_mem>>
          %dma_start3A = arith.constant 9984 : i32
          %dma_start3A_49 = arith.constant 0 : i32
          %dma_start3A_50 = tpu.memref_slice %arg7[%dma_start3A, %dma_start3A_49] : memref<10000x128xf32, #tpu.memory_space<hbm>> -> memref<16x128xf32, #tpu.memory_space<hbm>>
          %dma_start3A_51 = arith.constant 9984 : i32
          %dma_start3A_52 = arith.constant 0 : i32
          %dma_start3A_53 = tpu.memref_slice %arg12[%dma_start3A_51, %dma_start3A_52] : memref<10000x128xf32, #tpu.memory_space<vmem_shared>> -> memref<16x128xf32, #tpu.memory_space<vmem_shared>>
          tpu.enqueue_dma source(%dma_start3A_53 : memref<16x128xf32, #tpu.memory_space<vmem_shared>>) target(%dma_start3A_50 : memref<16x128xf32, #tpu.memory_space<hbm>>) target_semaphore(%run_scoped3A : memref<!tpu.dma_semaphore, #tpu.memory_space<semaphore_mem>>)
          %dma_wait3A = arith.constant 9984 : i32
          %dma_wait3A_54 = arith.constant 0 : i32
          %dma_wait3A_55 = tpu.memref_slice %arg7[%dma_wait3A, %dma_wait3A_54] : memref<10000x128xf32, #tpu.memory_space<hbm>> -> memref<16x128xf32, #tpu.memory_space<hbm>>
          %dma_wait3A_56 = arith.constant 9984 : i32
          %dma_wait3A_57 = arith.constant 0 : i32
          %dma_wait3A_58 = tpu.memref_slice %arg12[%dma_wait3A_56, %dma_wait3A_57] : memref<10000x128xf32, #tpu.memory_space<vmem_shared>> -> memref<16x128xf32, #tpu.memory_space<vmem_shared>>
          tpu.wait_dma2 semaphore(%run_scoped3A : memref<!tpu.dma_semaphore, #tpu.memory_space<semaphore_mem>>) src(%dma_wait3A_58 : memref<16x128xf32, #tpu.memory_space<vmem_shared>>) dst(%dma_wait3A_55 : memref<16x128xf32, #tpu.memory_space<hbm>>)
          tpu.yield
        }) : () -> ()
      } else {
      }
    } else {
    }
    "tpu.region"() ({
      %run_scoped3A = tpu.sem_alloc : memref<!tpu.dma_semaphore, #tpu.memory_space<semaphore_mem>>
      %dma_start3A = arith.constant 0 : i32
      %dma_start3A_44 = tpu.memref_slice %arg12[%mul3A_2, %dma_start3A] : memref<10000x128xf32, #tpu.memory_space<vmem_shared>> -> memref<624x128xf32, #tpu.memory_space<vmem_shared>>
      %dma_start3A_45 = arith.constant 0 : i32
      %dma_start3A_46 = tpu.memref_slice %arg5[%mul3A_2, %dma_start3A_45] : memref<10000x128xf32, #tpu.memory_space<hbm>> -> memref<624x128xf32, #tpu.memory_space<hbm>>
      tpu.enqueue_dma source(%dma_start3A_46 : memref<624x128xf32, #tpu.memory_space<hbm>>) target(%dma_start3A_44 : memref<624x128xf32, #tpu.memory_space<vmem_shared>>) target_semaphore(%run_scoped3A : memref<!tpu.dma_semaphore, #tpu.memory_space<semaphore_mem>>)
      %dma_wait3A = arith.constant 0 : i32
      %dma_wait3A_47 = tpu.memref_slice %arg12[%mul3A_2, %dma_wait3A] : memref<10000x128xf32, #tpu.memory_space<vmem_shared>> -> memref<624x128xf32, #tpu.memory_space<vmem_shared>>
      %dma_wait3A_48 = arith.constant 0 : i32
      %dma_wait3A_49 = tpu.memref_slice %arg5[%mul3A_2, %dma_wait3A_48] : memref<10000x128xf32, #tpu.memory_space<hbm>> -> memref<624x128xf32, #tpu.memory_space<hbm>>
      tpu.wait_dma2 semaphore(%run_scoped3A : memref<!tpu.dma_semaphore, #tpu.memory_space<semaphore_mem>>) src(%dma_wait3A_49 : memref<624x128xf32, #tpu.memory_space<hbm>>) dst(%dma_wait3A_47 : memref<624x128xf32, #tpu.memory_space<vmem_shared>>)
      tpu.yield
    }) : () -> ()
    %eq3A_21 = arith.constant 15 : i32
    %eq3A_22 = arith.cmpi eq, %arg1, %eq3A_21 : i32
    %convert_element_type3A_23 = arith.extui %eq3A_22 : i1 to i32
    %cond3A_24 = arith.constant 0 : i32
    %cond3A_25 = arith.cmpi ne, %convert_element_type3A_23, %cond3A_24 : i32
    scf.if %cond3A_25 {
      "tpu.region"() ({
        %run_scoped3A = tpu.sem_alloc : memref<!tpu.dma_semaphore, #tpu.memory_space<semaphore_mem>>
        %dma_start3A = arith.constant 9984 : i32
        %dma_start3A_44 = arith.constant 0 : i32
        %dma_start3A_45 = tpu.memref_slice %arg12[%dma_start3A, %dma_start3A_44] : memref<10000x128xf32, #tpu.memory_space<vmem_shared>> -> memref<16x128xf32, #tpu.memory_space<vmem_shared>>
        %dma_start3A_46 = arith.constant 9984 : i32
        %dma_start3A_47 = arith.constant 0 : i32
        %dma_start3A_48 = tpu.memref_slice %arg5[%dma_start3A_46, %dma_start3A_47] : memref<10000x128xf32, #tpu.memory_space<hbm>> -> memref<16x128xf32, #tpu.memory_space<hbm>>
        tpu.enqueue_dma source(%dma_start3A_48 : memref<16x128xf32, #tpu.memory_space<hbm>>) target(%dma_start3A_45 : memref<16x128xf32, #tpu.memory_space<vmem_shared>>) target_semaphore(%run_scoped3A : memref<!tpu.dma_semaphore, #tpu.memory_space<semaphore_mem>>)
        %dma_wait3A = arith.constant 9984 : i32
        %dma_wait3A_49 = arith.constant 0 : i32
        %dma_wait3A_50 = tpu.memref_slice %arg12[%dma_wait3A, %dma_wait3A_49] : memref<10000x128xf32, #tpu.memory_space<vmem_shared>> -> memref<16x128xf32, #tpu.memory_space<vmem_shared>>
        %dma_wait3A_51 = arith.constant 9984 : i32
        %dma_wait3A_52 = arith.constant 0 : i32
        %dma_wait3A_53 = tpu.memref_slice %arg5[%dma_wait3A_51, %dma_wait3A_52] : memref<10000x128xf32, #tpu.memory_space<hbm>> -> memref<16x128xf32, #tpu.memory_space<hbm>>
        tpu.wait_dma2 semaphore(%run_scoped3A : memref<!tpu.dma_semaphore, #tpu.memory_space<semaphore_mem>>) src(%dma_wait3A_53 : memref<16x128xf32, #tpu.memory_space<hbm>>) dst(%dma_wait3A_50 : memref<16x128xf32, #tpu.memory_space<vmem_shared>>)
        tpu.yield
      }) : () -> ()
    } else {
    }
    %barrier3A_26 = arith.constant 0 : index
    tpu.barrier barrier_id(%barrier3A_26)
    %scan3A_27 = arith.constant 0 : i32
    %scan3A_28 = arith.constant 0 : i32
    %scan3A_29 = arith.constant 125 : i32
    %scan3A_30 = arith.addi %scan3A_28, %scan3A_29 : i32
    %scan3A_31 = arith.constant 1 : i32
    scf.for %scan3A_44 = %scan3A_28 to %scan3A_30 step %scan3A_31  : i32 {
      %mul3A_45 = arith.constant 10000 : i32
      %mul3A_46 = arith.muli %add3A, %mul3A_45 : i32
      %mul3A_47 = arith.constant 80 : i32
      %mul3A_48 = arith.muli %scan3A_44, %mul3A_47 : i32
      %add3A_49 = arith.addi %mul3A_46, %mul3A_48 : i32
      "tpu.region"() ({
        %run_scoped3A = tpu.sem_alloc : memref<!tpu.dma_semaphore, #tpu.memory_space<semaphore_mem>>
        %dma_start3A = tpu.memref_slice %arg4[%add3A_49] : memref<320000xi32, #tpu.memory_space<hbm>> -> memref<80xi32, #tpu.memory_space<hbm>>
        %dma_start3A_50 = tpu.memref_slice %arg4[%add3A_49] : memref<320000xi32, #tpu.memory_space<hbm>> -> memref<80xi32, #tpu.memory_space<hbm>>
        tpu.enqueue_dma source(%dma_start3A_50 : memref<80xi32, #tpu.memory_space<hbm>>) target(%arg10 : memref<80xi32, #tpu.memory_space<vmem>>) target_semaphore(%run_scoped3A : memref<!tpu.dma_semaphore, #tpu.memory_space<semaphore_mem>>)
        %dma_wait3A = tpu.memref_slice %arg4[%add3A_49] : memref<320000xi32, #tpu.memory_space<hbm>> -> memref<80xi32, #tpu.memory_space<hbm>>
        %dma_wait3A_51 = tpu.memref_slice %arg4[%add3A_49] : memref<320000xi32, #tpu.memory_space<hbm>> -> memref<80xi32, #tpu.memory_space<hbm>>
        tpu.wait_dma2 semaphore(%run_scoped3A : memref<!tpu.dma_semaphore, #tpu.memory_space<semaphore_mem>>) src(%dma_wait3A_51 : memref<80xi32, #tpu.memory_space<hbm>>) dst(%arg10 : memref<80xi32, #tpu.memory_space<vmem>>)
        tpu.yield
      }) : () -> ()
      "tpu.region"() ({
        %run_scoped3A = tpu.sem_alloc : memref<!tpu.dma_semaphore, #tpu.memory_space<semaphore_mem>>
        %dma_start3A = arith.constant 0 : i32
        %dma_start3A_50 = tpu.memref_slice %arg3[%add3A_49, %dma_start3A] : memref<320000x128xf32, #tpu.memory_space<hbm>> -> memref<80x128xf32, #tpu.memory_space<hbm>>
        %dma_start3A_51 = arith.constant 0 : i32
        %dma_start3A_52 = tpu.memref_slice %arg3[%add3A_49, %dma_start3A_51] : memref<320000x128xf32, #tpu.memory_space<hbm>> -> memref<80x128xf32, #tpu.memory_space<hbm>>
        tpu.enqueue_dma source(%dma_start3A_52 : memref<80x128xf32, #tpu.memory_space<hbm>>) target(%arg11 : memref<80x128xf32, #tpu.memory_space<vmem>>) target_semaphore(%run_scoped3A : memref<!tpu.dma_semaphore, #tpu.memory_space<semaphore_mem>>)
        %dma_wait3A = arith.constant 0 : i32
        %dma_wait3A_53 = tpu.memref_slice %arg3[%add3A_49, %dma_wait3A] : memref<320000x128xf32, #tpu.memory_space<hbm>> -> memref<80x128xf32, #tpu.memory_space<hbm>>
        %dma_wait3A_54 = arith.constant 0 : i32
        %dma_wait3A_55 = tpu.memref_slice %arg3[%add3A_49, %dma_wait3A_54] : memref<320000x128xf32, #tpu.memory_space<hbm>> -> memref<80x128xf32, #tpu.memory_space<hbm>>
        tpu.wait_dma2 semaphore(%run_scoped3A : memref<!tpu.dma_semaphore, #tpu.memory_space<semaphore_mem>>) src(%dma_wait3A_55 : memref<80x128xf32, #tpu.memory_space<hbm>>) dst(%arg11 : memref<80x128xf32, #tpu.memory_space<vmem>>)
        tpu.yield
      }) : () -> ()
      "tpu.region"() ({
        %run_scoped3A = tpu.sem_alloc : memref<!tpu.dma_semaphore, #tpu.memory_space<semaphore_mem>>
        %dma_start3A = arith.constant 0 : i32
        %dma_start3A_50 = arith.constant 0 : i32
        %dma_start3A_51 = tpu.memref_slice %arg12[%dma_start3A, %dma_start3A_50] : memref<10000x128xf32, #tpu.memory_space<vmem_shared>> -> memref<10000x128xf32, #tpu.memory_space<vmem_shared>>
        tpu.enqueue_indirect_dma source(%arg11 : memref<80x128xf32, #tpu.memory_space<vmem>>) target(%dma_start3A_51 : memref<10000x128xf32, #tpu.memory_space<vmem_shared>>) offsets(%arg10 : memref<80xi32, #tpu.memory_space<vmem>>) semaphore(%run_scoped3A : memref<!tpu.dma_semaphore, #tpu.memory_space<semaphore_mem>>) {add = true}
        %dma_wait3A = arith.constant 0 : i32
        %dma_wait3A_52 = arith.constant 0 : i32
        %dma_wait3A_53 = tpu.memref_slice %arg12[%dma_wait3A, %dma_wait3A_52] : memref<10000x128xf32, #tpu.memory_space<vmem_shared>> -> memref<10000x128xf32, #tpu.memory_space<vmem_shared>>
        tpu.wait_indirect_dma semaphore(%run_scoped3A : memref<!tpu.dma_semaphore, #tpu.memory_space<semaphore_mem>>) src(%arg11 : memref<80x128xf32, #tpu.memory_space<vmem>>) dst(%dma_wait3A_53 : memref<10000x128xf32, #tpu.memory_space<vmem_shared>>)
        tpu.yield
      }) : () -> ()
    }
    %scan3A_32 = arith.constant 125 : i32
    %barrier3A_33 = arith.constant 0 : index
    tpu.barrier barrier_id(%barrier3A_33)
    %eq3A_34 = arith.constant 0 : i32
    %eq3A_35 = arith.cmpi eq, %arg0, %eq3A_34 : i32
    %convert_element_type3A_36 = arith.extui %eq3A_35 : i1 to i32
    %cond3A_37 = arith.constant 0 : i32
    %cond3A_38 = arith.cmpi ne, %convert_element_type3A_36, %cond3A_37 : i32
    scf.if %cond3A_38 {
      "tpu.region"() ({
        %run_scoped3A = tpu.sem_alloc : memref<!tpu.dma_semaphore, #tpu.memory_space<semaphore_mem>>
        %dma_start3A = arith.constant 0 : i32
        %dma_start3A_49 = tpu.memref_slice %arg8[%mul3A_2, %dma_start3A] : memref<10000x128xf32, #tpu.memory_space<hbm>> -> memref<624x128xf32, #tpu.memory_space<hbm>>
        %dma_start3A_50 = arith.constant 0 : i32
        %dma_start3A_51 = tpu.memref_slice %arg12[%mul3A_2, %dma_start3A_50] : memref<10000x128xf32, #tpu.memory_space<vmem_shared>> -> memref<624x128xf32, #tpu.memory_space<vmem_shared>>
        tpu.enqueue_dma source(%dma_start3A_51 : memref<624x128xf32, #tpu.memory_space<vmem_shared>>) target(%dma_start3A_49 : memref<624x128xf32, #tpu.memory_space<hbm>>) target_semaphore(%run_scoped3A : memref<!tpu.dma_semaphore, #tpu.memory_space<semaphore_mem>>)
        %dma_wait3A = arith.constant 0 : i32
        %dma_wait3A_52 = tpu.memref_slice %arg8[%mul3A_2, %dma_wait3A] : memref<10000x128xf32, #tpu.memory_space<hbm>> -> memref<624x128xf32, #tpu.memory_space<hbm>>
        %dma_wait3A_53 = arith.constant 0 : i32
        %dma_wait3A_54 = tpu.memref_slice %arg12[%mul3A_2, %dma_wait3A_53] : memref<10000x128xf32, #tpu.memory_space<vmem_shared>> -> memref<624x128xf32, #tpu.memory_space<vmem_shared>>
        tpu.wait_dma2 semaphore(%run_scoped3A : memref<!tpu.dma_semaphore, #tpu.memory_space<semaphore_mem>>) src(%dma_wait3A_54 : memref<624x128xf32, #tpu.memory_space<vmem_shared>>) dst(%dma_wait3A_52 : memref<624x128xf32, #tpu.memory_space<hbm>>)
        tpu.yield
      }) : () -> ()
      %eq3A_44 = arith.constant 15 : i32
      %eq3A_45 = arith.cmpi eq, %arg1, %eq3A_44 : i32
      %convert_element_type3A_46 = arith.extui %eq3A_45 : i1 to i32
      %cond3A_47 = arith.constant 0 : i32
      %cond3A_48 = arith.cmpi ne, %convert_element_type3A_46, %cond3A_47 : i32
      scf.if %cond3A_48 {
        "tpu.region"() ({
          %run_scoped3A = tpu.sem_alloc : memref<!tpu.dma_semaphore, #tpu.memory_space<semaphore_mem>>
          %dma_start3A = arith.constant 9984 : i32
          %dma_start3A_49 = arith.constant 0 : i32
          %dma_start3A_50 = tpu.memref_slice %arg8[%dma_start3A, %dma_start3A_49] : memref<10000x128xf32, #tpu.memory_space<hbm>> -> memref<16x128xf32, #tpu.memory_space<hbm>>
          %dma_start3A_51 = arith.constant 9984 : i32
          %dma_start3A_52 = arith.constant 0 : i32
          %dma_start3A_53 = tpu.memref_slice %arg12[%dma_start3A_51, %dma_start3A_52] : memref<10000x128xf32, #tpu.memory_space<vmem_shared>> -> memref<16x128xf32, #tpu.memory_space<vmem_shared>>
          tpu.enqueue_dma source(%dma_start3A_53 : memref<16x128xf32, #tpu.memory_space<vmem_shared>>) target(%dma_start3A_50 : memref<16x128xf32, #tpu.memory_space<hbm>>) target_semaphore(%run_scoped3A : memref<!tpu.dma_semaphore, #tpu.memory_space<semaphore_mem>>)
          %dma_wait3A = arith.constant 9984 : i32
          %dma_wait3A_54 = arith.constant 0 : i32
          %dma_wait3A_55 = tpu.memref_slice %arg8[%dma_wait3A, %dma_wait3A_54] : memref<10000x128xf32, #tpu.memory_space<hbm>> -> memref<16x128xf32, #tpu.memory_space<hbm>>
          %dma_wait3A_56 = arith.constant 9984 : i32
          %dma_wait3A_57 = arith.constant 0 : i32
          %dma_wait3A_58 = tpu.memref_slice %arg12[%dma_wait3A_56, %dma_wait3A_57] : memref<10000x128xf32, #tpu.memory_space<vmem_shared>> -> memref<16x128xf32, #tpu.memory_space<vmem_shared>>
          tpu.wait_dma2 semaphore(%run_scoped3A : memref<!tpu.dma_semaphore, #tpu.memory_space<semaphore_mem>>) src(%dma_wait3A_58 : memref<16x128xf32, #tpu.memory_space<vmem_shared>>) dst(%dma_wait3A_55 : memref<16x128xf32, #tpu.memory_space<hbm>>)
          tpu.yield
        }) : () -> ()
      } else {
      }
    } else {
    }
    %eq3A_39 = arith.constant 1 : i32
    %eq3A_40 = arith.cmpi eq, %arg0, %eq3A_39 : i32
    %convert_element_type3A_41 = arith.extui %eq3A_40 : i1 to i32
    %cond3A_42 = arith.constant 0 : i32
    %cond3A_43 = arith.cmpi ne, %convert_element_type3A_41, %cond3A_42 : i32
    scf.if %cond3A_43 {
      "tpu.region"() ({
        %run_scoped3A = tpu.sem_alloc : memref<!tpu.dma_semaphore, #tpu.memory_space<semaphore_mem>>
        %dma_start3A = arith.constant 0 : i32
        %dma_start3A_49 = tpu.memref_slice %arg9[%mul3A_2, %dma_start3A] : memref<10000x128xf32, #tpu.memory_space<hbm>> -> memref<624x128xf32, #tpu.memory_space<hbm>>
        %dma_start3A_50 = arith.constant 0 : i32
        %dma_start3A_51 = tpu.memref_slice %arg12[%mul3A_2, %dma_start3A_50] : memref<10000x128xf32, #tpu.memory_space<vmem_shared>> -> memref<624x128xf32, #tpu.memory_space<vmem_shared>>
        tpu.enqueue_dma source(%dma_start3A_51 : memref<624x128xf32, #tpu.memory_space<vmem_shared>>) target(%dma_start3A_49 : memref<624x128xf32, #tpu.memory_space<hbm>>) target_semaphore(%run_scoped3A : memref<!tpu.dma_semaphore, #tpu.memory_space<semaphore_mem>>)
        %dma_wait3A = arith.constant 0 : i32
        %dma_wait3A_52 = tpu.memref_slice %arg9[%mul3A_2, %dma_wait3A] : memref<10000x128xf32, #tpu.memory_space<hbm>> -> memref<624x128xf32, #tpu.memory_space<hbm>>
        %dma_wait3A_53 = arith.constant 0 : i32
        %dma_wait3A_54 = tpu.memref_slice %arg12[%mul3A_2, %dma_wait3A_53] : memref<10000x128xf32, #tpu.memory_space<vmem_shared>> -> memref<624x128xf32, #tpu.memory_space<vmem_shared>>
        tpu.wait_dma2 semaphore(%run_scoped3A : memref<!tpu.dma_semaphore, #tpu.memory_space<semaphore_mem>>) src(%dma_wait3A_54 : memref<624x128xf32, #tpu.memory_space<vmem_shared>>) dst(%dma_wait3A_52 : memref<624x128xf32, #tpu.memory_space<hbm>>)
        tpu.yield
      }) : () -> ()
      %eq3A_44 = arith.constant 15 : i32
      %eq3A_45 = arith.cmpi eq, %arg1, %eq3A_44 : i32
      %convert_element_type3A_46 = arith.extui %eq3A_45 : i1 to i32
      %cond3A_47 = arith.constant 0 : i32
      %cond3A_48 = arith.cmpi ne, %convert_element_type3A_46, %cond3A_47 : i32
      scf.if %cond3A_48 {
        "tpu.region"() ({
          %run_scoped3A = tpu.sem_alloc : memref<!tpu.dma_semaphore, #tpu.memory_space<semaphore_mem>>
          %dma_start3A = arith.constant 9984 : i32
          %dma_start3A_49 = arith.constant 0 : i32
          %dma_start3A_50 = tpu.memref_slice %arg9[%dma_start3A, %dma_start3A_49] : memref<10000x128xf32, #tpu.memory_space<hbm>> -> memref<16x128xf32, #tpu.memory_space<hbm>>
          %dma_start3A_51 = arith.constant 9984 : i32
          %dma_start3A_52 = arith.constant 0 : i32
          %dma_start3A_53 = tpu.memref_slice %arg12[%dma_start3A_51, %dma_start3A_52] : memref<10000x128xf32, #tpu.memory_space<vmem_shared>> -> memref<16x128xf32, #tpu.memory_space<vmem_shared>>
          tpu.enqueue_dma source(%dma_start3A_53 : memref<16x128xf32, #tpu.memory_space<vmem_shared>>) target(%dma_start3A_50 : memref<16x128xf32, #tpu.memory_space<hbm>>) target_semaphore(%run_scoped3A : memref<!tpu.dma_semaphore, #tpu.memory_space<semaphore_mem>>)
          %dma_wait3A = arith.constant 9984 : i32
          %dma_wait3A_54 = arith.constant 0 : i32
          %dma_wait3A_55 = tpu.memref_slice %arg9[%dma_wait3A, %dma_wait3A_54] : memref<10000x128xf32, #tpu.memory_space<hbm>> -> memref<16x128xf32, #tpu.memory_space<hbm>>
          %dma_wait3A_56 = arith.constant 9984 : i32
          %dma_wait3A_57 = arith.constant 0 : i32
          %dma_wait3A_58 = tpu.memref_slice %arg12[%dma_wait3A_56, %dma_wait3A_57] : memref<10000x128xf32, #tpu.memory_space<vmem_shared>> -> memref<16x128xf32, #tpu.memory_space<vmem_shared>>
          tpu.wait_dma2 semaphore(%run_scoped3A : memref<!tpu.dma_semaphore, #tpu.memory_space<semaphore_mem>>) src(%dma_wait3A_58 : memref<16x128xf32, #tpu.memory_space<vmem_shared>>) dst(%dma_wait3A_55 : memref<16x128xf32, #tpu.memory_space<hbm>>)
          tpu.yield
        }) : () -> ()
      } else {
      }
    } else {
    }
    return
  }
}

#map = affine_map<(d0, d1) -> (0, 0)>
#map1 = affine_map<(d0, d1) -> (0)>
module attributes {stable_mosaic.version = 14 : i64} {
  func.func @_sc_gather_body(%arg0: i32, %arg1: i32, %arg2: memref<10000x256xf32, #tpu.memory_space<hbm>>, %arg3: memref<320000xi32, #tpu.memory_space<hbm>>, %arg4: memref<320000xi32, #tpu.memory_space<hbm>>, %arg5: memref<320000x256xf32, #tpu.memory_space<hbm>>, %arg6: memref<320000x256xf32, #tpu.memory_space<hbm>>, %arg7: memref<80xi32, #tpu.memory_space<vmem>>, %arg8: memref<80xi32, #tpu.memory_space<vmem>>, %arg9: memref<80x256xf32, #tpu.memory_space<vmem>>, %arg10: memref<80x256xf32, #tpu.memory_space<vmem>>, %arg11: memref<!tpu.dma_semaphore, #tpu.memory_space<semaphore_mem>>, %arg12: memref<!tpu.dma_semaphore, #tpu.memory_space<semaphore_mem>>) attributes {dimension_semantics = [#tpu.dimension_semantics<core_parallel>, #tpu.dimension_semantics<subcore_parallel>], iteration_bounds = array<i64: 2, 16>, scalar_prefetch = 0 : i64, scratch_operands = 6 : i64, tpu.core_type = #tpu.core_type<sc_vector_subcore>, window_params = [{transform_indices = #map}, {transform_indices = #map1}, {transform_indices = #map1}, {transform_indices = #map}, {transform_indices = #map}]} {
    %mul3A = arith.constant 2 : i32
    %mul3A_0 = arith.muli %arg1, %mul3A : i32
    %add3A = arith.addi %mul3A_0, %arg0 : i32
    %scan3A = arith.constant 0 : i32
    %scan3A_1 = arith.constant 0 : i32
    %scan3A_2 = arith.constant 125 : i32
    %scan3A_3 = arith.addi %scan3A_1, %scan3A_2 : i32
    %scan3A_4 = arith.constant 1 : i32
    scf.for %scan3A_6 = %scan3A_1 to %scan3A_3 step %scan3A_4  : i32 {
      %mul3A_7 = arith.constant 10000 : i32
      %mul3A_8 = arith.muli %add3A, %mul3A_7 : i32
      %mul3A_9 = arith.constant 80 : i32
      %mul3A_10 = arith.muli %scan3A_6, %mul3A_9 : i32
      %add3A_11 = arith.addi %mul3A_8, %mul3A_10 : i32
      "tpu.region"() ({
        %run_scoped3A = tpu.sem_alloc : memref<!tpu.dma_semaphore, #tpu.memory_space<semaphore_mem>>
        %dma_start3A_22 = tpu.memref_slice %arg3[%add3A_11] : memref<320000xi32, #tpu.memory_space<hbm>> -> memref<80xi32, #tpu.memory_space<hbm>>
        %dma_start3A_23 = tpu.memref_slice %arg3[%add3A_11] : memref<320000xi32, #tpu.memory_space<hbm>> -> memref<80xi32, #tpu.memory_space<hbm>>
        tpu.enqueue_dma source(%dma_start3A_23 : memref<80xi32, #tpu.memory_space<hbm>>) target(%arg7 : memref<80xi32, #tpu.memory_space<vmem>>) target_semaphore(%run_scoped3A : memref<!tpu.dma_semaphore, #tpu.memory_space<semaphore_mem>>)
        %dma_wait3A_24 = tpu.memref_slice %arg3[%add3A_11] : memref<320000xi32, #tpu.memory_space<hbm>> -> memref<80xi32, #tpu.memory_space<hbm>>
        %dma_wait3A_25 = tpu.memref_slice %arg3[%add3A_11] : memref<320000xi32, #tpu.memory_space<hbm>> -> memref<80xi32, #tpu.memory_space<hbm>>
        tpu.wait_dma2 semaphore(%run_scoped3A : memref<!tpu.dma_semaphore, #tpu.memory_space<semaphore_mem>>) src(%dma_wait3A_25 : memref<80xi32, #tpu.memory_space<hbm>>) dst(%arg7 : memref<80xi32, #tpu.memory_space<vmem>>)
        tpu.yield
      }) : () -> ()
      "tpu.region"() ({
        %run_scoped3A = tpu.sem_alloc : memref<!tpu.dma_semaphore, #tpu.memory_space<semaphore_mem>>
        %dma_start3A_22 = tpu.memref_slice %arg4[%add3A_11] : memref<320000xi32, #tpu.memory_space<hbm>> -> memref<80xi32, #tpu.memory_space<hbm>>
        %dma_start3A_23 = tpu.memref_slice %arg4[%add3A_11] : memref<320000xi32, #tpu.memory_space<hbm>> -> memref<80xi32, #tpu.memory_space<hbm>>
        tpu.enqueue_dma source(%dma_start3A_23 : memref<80xi32, #tpu.memory_space<hbm>>) target(%arg8 : memref<80xi32, #tpu.memory_space<vmem>>) target_semaphore(%run_scoped3A : memref<!tpu.dma_semaphore, #tpu.memory_space<semaphore_mem>>)
        %dma_wait3A_24 = tpu.memref_slice %arg4[%add3A_11] : memref<320000xi32, #tpu.memory_space<hbm>> -> memref<80xi32, #tpu.memory_space<hbm>>
        %dma_wait3A_25 = tpu.memref_slice %arg4[%add3A_11] : memref<320000xi32, #tpu.memory_space<hbm>> -> memref<80xi32, #tpu.memory_space<hbm>>
        tpu.wait_dma2 semaphore(%run_scoped3A : memref<!tpu.dma_semaphore, #tpu.memory_space<semaphore_mem>>) src(%dma_wait3A_25 : memref<80xi32, #tpu.memory_space<hbm>>) dst(%arg8 : memref<80xi32, #tpu.memory_space<vmem>>)
        tpu.yield
      }) : () -> ()
      %dma_start3A = arith.constant 0 : i32
      %dma_start3A_12 = arith.constant 0 : i32
      %dma_start3A_13 = tpu.memref_slice %arg2[%dma_start3A, %dma_start3A_12] : memref<10000x256xf32, #tpu.memory_space<hbm>> -> memref<10000x256xf32, #tpu.memory_space<hbm>>
      tpu.enqueue_indirect_dma source(%dma_start3A_13 : memref<10000x256xf32, #tpu.memory_space<hbm>>) target(%arg9 : memref<80x256xf32, #tpu.memory_space<vmem>>) offsets(%arg7 : memref<80xi32, #tpu.memory_space<vmem>>) semaphore(%arg11 : memref<!tpu.dma_semaphore, #tpu.memory_space<semaphore_mem>>)
      %dma_start3A_14 = arith.constant 0 : i32
      %dma_start3A_15 = arith.constant 0 : i32
      %dma_start3A_16 = tpu.memref_slice %arg2[%dma_start3A_14, %dma_start3A_15] : memref<10000x256xf32, #tpu.memory_space<hbm>> -> memref<10000x256xf32, #tpu.memory_space<hbm>>
      tpu.enqueue_indirect_dma source(%dma_start3A_16 : memref<10000x256xf32, #tpu.memory_space<hbm>>) target(%arg10 : memref<80x256xf32, #tpu.memory_space<vmem>>) offsets(%arg8 : memref<80xi32, #tpu.memory_space<vmem>>) semaphore(%arg12 : memref<!tpu.dma_semaphore, #tpu.memory_space<semaphore_mem>>)
      %dma_wait3A = arith.constant 0 : i32
      %dma_wait3A_17 = arith.constant 0 : i32
      %dma_wait3A_18 = tpu.memref_slice %arg2[%dma_wait3A, %dma_wait3A_17] : memref<10000x256xf32, #tpu.memory_space<hbm>> -> memref<10000x256xf32, #tpu.memory_space<hbm>>
      tpu.wait_indirect_dma semaphore(%arg11 : memref<!tpu.dma_semaphore, #tpu.memory_space<semaphore_mem>>) src(%dma_wait3A_18 : memref<10000x256xf32, #tpu.memory_space<hbm>>) dst(%arg9 : memref<80x256xf32, #tpu.memory_space<vmem>>)
      "tpu.region"() ({
        %run_scoped3A = tpu.sem_alloc : memref<!tpu.dma_semaphore, #tpu.memory_space<semaphore_mem>>
        %dma_start3A_22 = arith.constant 0 : i32
        %dma_start3A_23 = tpu.memref_slice %arg5[%add3A_11, %dma_start3A_22] : memref<320000x256xf32, #tpu.memory_space<hbm>> -> memref<80x256xf32, #tpu.memory_space<hbm>>
        %dma_start3A_24 = arith.constant 0 : i32
        %dma_start3A_25 = tpu.memref_slice %arg5[%add3A_11, %dma_start3A_24] : memref<320000x256xf32, #tpu.memory_space<hbm>> -> memref<80x256xf32, #tpu.memory_space<hbm>>
        tpu.enqueue_dma source(%arg9 : memref<80x256xf32, #tpu.memory_space<vmem>>) target(%dma_start3A_25 : memref<80x256xf32, #tpu.memory_space<hbm>>) target_semaphore(%run_scoped3A : memref<!tpu.dma_semaphore, #tpu.memory_space<semaphore_mem>>)
        %dma_wait3A_26 = arith.constant 0 : i32
        %dma_wait3A_27 = tpu.memref_slice %arg5[%add3A_11, %dma_wait3A_26] : memref<320000x256xf32, #tpu.memory_space<hbm>> -> memref<80x256xf32, #tpu.memory_space<hbm>>
        %dma_wait3A_28 = arith.constant 0 : i32
        %dma_wait3A_29 = tpu.memref_slice %arg5[%add3A_11, %dma_wait3A_28] : memref<320000x256xf32, #tpu.memory_space<hbm>> -> memref<80x256xf32, #tpu.memory_space<hbm>>
        tpu.wait_dma2 semaphore(%run_scoped3A : memref<!tpu.dma_semaphore, #tpu.memory_space<semaphore_mem>>) src(%arg9 : memref<80x256xf32, #tpu.memory_space<vmem>>) dst(%dma_wait3A_29 : memref<80x256xf32, #tpu.memory_space<hbm>>)
        tpu.yield
      }) : () -> ()
      %dma_wait3A_19 = arith.constant 0 : i32
      %dma_wait3A_20 = arith.constant 0 : i32
      %dma_wait3A_21 = tpu.memref_slice %arg2[%dma_wait3A_19, %dma_wait3A_20] : memref<10000x256xf32, #tpu.memory_space<hbm>> -> memref<10000x256xf32, #tpu.memory_space<hbm>>
      tpu.wait_indirect_dma semaphore(%arg12 : memref<!tpu.dma_semaphore, #tpu.memory_space<semaphore_mem>>) src(%dma_wait3A_21 : memref<10000x256xf32, #tpu.memory_space<hbm>>) dst(%arg10 : memref<80x256xf32, #tpu.memory_space<vmem>>)
      "tpu.region"() ({
        %run_scoped3A = tpu.sem_alloc : memref<!tpu.dma_semaphore, #tpu.memory_space<semaphore_mem>>
        %dma_start3A_22 = arith.constant 0 : i32
        %dma_start3A_23 = tpu.memref_slice %arg6[%add3A_11, %dma_start3A_22] : memref<320000x256xf32, #tpu.memory_space<hbm>> -> memref<80x256xf32, #tpu.memory_space<hbm>>
        %dma_start3A_24 = arith.constant 0 : i32
        %dma_start3A_25 = tpu.memref_slice %arg6[%add3A_11, %dma_start3A_24] : memref<320000x256xf32, #tpu.memory_space<hbm>> -> memref<80x256xf32, #tpu.memory_space<hbm>>
        tpu.enqueue_dma source(%arg10 : memref<80x256xf32, #tpu.memory_space<vmem>>) target(%dma_start3A_25 : memref<80x256xf32, #tpu.memory_space<hbm>>) target_semaphore(%run_scoped3A : memref<!tpu.dma_semaphore, #tpu.memory_space<semaphore_mem>>)
        %dma_wait3A_26 = arith.constant 0 : i32
        %dma_wait3A_27 = tpu.memref_slice %arg6[%add3A_11, %dma_wait3A_26] : memref<320000x256xf32, #tpu.memory_space<hbm>> -> memref<80x256xf32, #tpu.memory_space<hbm>>
        %dma_wait3A_28 = arith.constant 0 : i32
        %dma_wait3A_29 = tpu.memref_slice %arg6[%add3A_11, %dma_wait3A_28] : memref<320000x256xf32, #tpu.memory_space<hbm>> -> memref<80x256xf32, #tpu.memory_space<hbm>>
        tpu.wait_dma2 semaphore(%run_scoped3A : memref<!tpu.dma_semaphore, #tpu.memory_space<semaphore_mem>>) src(%arg10 : memref<80x256xf32, #tpu.memory_space<vmem>>) dst(%dma_wait3A_29 : memref<80x256xf32, #tpu.memory_space<hbm>>)
        tpu.yield
      }) : () -> ()
    }
    %scan3A_5 = arith.constant 125 : i32
    return
  }
}

#map = affine_map<(d0, d1) -> (0, 0)>
#map1 = affine_map<(d0, d1) -> (0)>
module attributes {stable_mosaic.version = 14 : i64} {
  func.func @_sc_scatter_body(%arg0: i32, %arg1: i32, %arg2: memref<320000x128xf32, #tpu.memory_space<hbm>>, %arg3: memref<320000x128xf32, #tpu.memory_space<hbm>>, %arg4: memref<320000xi32, #tpu.memory_space<hbm>>, %arg5: memref<10000x128xf32, #tpu.memory_space<hbm>>, %arg6: memref<10000x128xf32, #tpu.memory_space<hbm>>, %arg7: memref<10000x128xf32, #tpu.memory_space<hbm>>, %arg8: memref<10000x128xf32, #tpu.memory_space<hbm>>, %arg9: memref<10000x128xf32, #tpu.memory_space<hbm>>, %arg10: memref<80xi32, #tpu.memory_space<vmem>>, %arg11: memref<80x128xf32, #tpu.memory_space<vmem>>, %arg12: memref<10000x128xf32, #tpu.memory_space<vmem_shared>>) attributes {dimension_semantics = [#tpu.dimension_semantics<core_parallel>, #tpu.dimension_semantics<subcore_parallel>], iteration_bounds = array<i64: 2, 16>, scalar_prefetch = 0 : i64, scratch_operands = 3 : i64, tpu.core_type = #tpu.core_type<sc_vector_subcore>, window_params = [{transform_indices = #map}, {transform_indices = #map}, {transform_indices = #map1}, {transform_indices = #map}, {transform_indices = #map}, {transform_indices = #map}, {transform_indices = #map}, {transform_indices = #map}]} {
    %mul3A = arith.constant 2 : i32
    %mul3A_0 = arith.muli %arg1, %mul3A : i32
    %add3A = arith.addi %mul3A_0, %arg0 : i32
    %mul3A_1 = arith.constant 624 : i32
    %mul3A_2 = arith.muli %arg1, %mul3A_1 : i32
    "tpu.region"() ({
      %run_scoped3A = tpu.sem_alloc : memref<!tpu.dma_semaphore, #tpu.memory_space<semaphore_mem>>
      %dma_start3A = arith.constant 0 : i32
      %dma_start3A_44 = tpu.memref_slice %arg12[%mul3A_2, %dma_start3A] : memref<10000x128xf32, #tpu.memory_space<vmem_shared>> -> memref<624x128xf32, #tpu.memory_space<vmem_shared>>
      %dma_start3A_45 = arith.constant 0 : i32
      %dma_start3A_46 = tpu.memref_slice %arg5[%mul3A_2, %dma_start3A_45] : memref<10000x128xf32, #tpu.memory_space<hbm>> -> memref<624x128xf32, #tpu.memory_space<hbm>>
      tpu.enqueue_dma source(%dma_start3A_46 : memref<624x128xf32, #tpu.memory_space<hbm>>) target(%dma_start3A_44 : memref<624x128xf32, #tpu.memory_space<vmem_shared>>) target_semaphore(%run_scoped3A : memref<!tpu.dma_semaphore, #tpu.memory_space<semaphore_mem>>)
      %dma_wait3A = arith.constant 0 : i32
      %dma_wait3A_47 = tpu.memref_slice %arg12[%mul3A_2, %dma_wait3A] : memref<10000x128xf32, #tpu.memory_space<vmem_shared>> -> memref<624x128xf32, #tpu.memory_space<vmem_shared>>
      %dma_wait3A_48 = arith.constant 0 : i32
      %dma_wait3A_49 = tpu.memref_slice %arg5[%mul3A_2, %dma_wait3A_48] : memref<10000x128xf32, #tpu.memory_space<hbm>> -> memref<624x128xf32, #tpu.memory_space<hbm>>
      tpu.wait_dma2 semaphore(%run_scoped3A : memref<!tpu.dma_semaphore, #tpu.memory_space<semaphore_mem>>) src(%dma_wait3A_49 : memref<624x128xf32, #tpu.memory_space<hbm>>) dst(%dma_wait3A_47 : memref<624x128xf32, #tpu.memory_space<vmem_shared>>)
      tpu.yield
    }) : () -> ()
    %eq3A = arith.constant 15 : i32
    %eq3A_3 = arith.cmpi eq, %arg1, %eq3A : i32
    %convert_element_type3A = arith.extui %eq3A_3 : i1 to i32
    %cond3A = arith.constant 0 : i32
    %cond3A_4 = arith.cmpi ne, %convert_element_type3A, %cond3A : i32
    scf.if %cond3A_4 {
      "tpu.region"() ({
        %run_scoped3A = tpu.sem_alloc : memref<!tpu.dma_semaphore, #tpu.memory_space<semaphore_mem>>
        %dma_start3A = arith.constant 9984 : i32
        %dma_start3A_44 = arith.constant 0 : i32
        %dma_start3A_45 = tpu.memref_slice %arg12[%dma_start3A, %dma_start3A_44] : memref<10000x128xf32, #tpu.memory_space<vmem_shared>> -> memref<16x128xf32, #tpu.memory_space<vmem_shared>>
        %dma_start3A_46 = arith.constant 9984 : i32
        %dma_start3A_47 = arith.constant 0 : i32
        %dma_start3A_48 = tpu.memref_slice %arg5[%dma_start3A_46, %dma_start3A_47] : memref<10000x128xf32, #tpu.memory_space<hbm>> -> memref<16x128xf32, #tpu.memory_space<hbm>>
        tpu.enqueue_dma source(%dma_start3A_48 : memref<16x128xf32, #tpu.memory_space<hbm>>) target(%dma_start3A_45 : memref<16x128xf32, #tpu.memory_space<vmem_shared>>) target_semaphore(%run_scoped3A : memref<!tpu.dma_semaphore, #tpu.memory_space<semaphore_mem>>)
        %dma_wait3A = arith.constant 9984 : i32
        %dma_wait3A_49 = arith.constant 0 : i32
        %dma_wait3A_50 = tpu.memref_slice %arg12[%dma_wait3A, %dma_wait3A_49] : memref<10000x128xf32, #tpu.memory_space<vmem_shared>> -> memref<16x128xf32, #tpu.memory_space<vmem_shared>>
        %dma_wait3A_51 = arith.constant 9984 : i32
        %dma_wait3A_52 = arith.constant 0 : i32
        %dma_wait3A_53 = tpu.memref_slice %arg5[%dma_wait3A_51, %dma_wait3A_52] : memref<10000x128xf32, #tpu.memory_space<hbm>> -> memref<16x128xf32, #tpu.memory_space<hbm>>
        tpu.wait_dma2 semaphore(%run_scoped3A : memref<!tpu.dma_semaphore, #tpu.memory_space<semaphore_mem>>) src(%dma_wait3A_53 : memref<16x128xf32, #tpu.memory_space<hbm>>) dst(%dma_wait3A_50 : memref<16x128xf32, #tpu.memory_space<vmem_shared>>)
        tpu.yield
      }) : () -> ()
    } else {
    }
    %barrier3A = arith.constant 0 : index
    tpu.barrier barrier_id(%barrier3A)
    %scan3A = arith.constant 0 : i32
    %scan3A_5 = arith.constant 0 : i32
    %scan3A_6 = arith.constant 125 : i32
    %scan3A_7 = arith.addi %scan3A_5, %scan3A_6 : i32
    %scan3A_8 = arith.constant 1 : i32
    scf.for %scan3A_44 = %scan3A_5 to %scan3A_7 step %scan3A_8  : i32 {
      %mul3A_45 = arith.constant 10000 : i32
      %mul3A_46 = arith.muli %add3A, %mul3A_45 : i32
      %mul3A_47 = arith.constant 80 : i32
      %mul3A_48 = arith.muli %scan3A_44, %mul3A_47 : i32
      %add3A_49 = arith.addi %mul3A_46, %mul3A_48 : i32
      "tpu.region"() ({
        %run_scoped3A = tpu.sem_alloc : memref<!tpu.dma_semaphore, #tpu.memory_space<semaphore_mem>>
        %dma_start3A = tpu.memref_slice %arg4[%add3A_49] : memref<320000xi32, #tpu.memory_space<hbm>> -> memref<80xi32, #tpu.memory_space<hbm>>
        %dma_start3A_50 = tpu.memref_slice %arg4[%add3A_49] : memref<320000xi32, #tpu.memory_space<hbm>> -> memref<80xi32, #tpu.memory_space<hbm>>
        tpu.enqueue_dma source(%dma_start3A_50 : memref<80xi32, #tpu.memory_space<hbm>>) target(%arg10 : memref<80xi32, #tpu.memory_space<vmem>>) target_semaphore(%run_scoped3A : memref<!tpu.dma_semaphore, #tpu.memory_space<semaphore_mem>>)
        %dma_wait3A = tpu.memref_slice %arg4[%add3A_49] : memref<320000xi32, #tpu.memory_space<hbm>> -> memref<80xi32, #tpu.memory_space<hbm>>
        %dma_wait3A_51 = tpu.memref_slice %arg4[%add3A_49] : memref<320000xi32, #tpu.memory_space<hbm>> -> memref<80xi32, #tpu.memory_space<hbm>>
        tpu.wait_dma2 semaphore(%run_scoped3A : memref<!tpu.dma_semaphore, #tpu.memory_space<semaphore_mem>>) src(%dma_wait3A_51 : memref<80xi32, #tpu.memory_space<hbm>>) dst(%arg10 : memref<80xi32, #tpu.memory_space<vmem>>)
        tpu.yield
      }) : () -> ()
      "tpu.region"() ({
        %run_scoped3A = tpu.sem_alloc : memref<!tpu.dma_semaphore, #tpu.memory_space<semaphore_mem>>
        %dma_start3A = arith.constant 0 : i32
        %dma_start3A_50 = tpu.memref_slice %arg2[%add3A_49, %dma_start3A] : memref<320000x128xf32, #tpu.memory_space<hbm>> -> memref<80x128xf32, #tpu.memory_space<hbm>>
        %dma_start3A_51 = arith.constant 0 : i32
        %dma_start3A_52 = tpu.memref_slice %arg2[%add3A_49, %dma_start3A_51] : memref<320000x128xf32, #tpu.memory_space<hbm>> -> memref<80x128xf32, #tpu.memory_space<hbm>>
        tpu.enqueue_dma source(%dma_start3A_52 : memref<80x128xf32, #tpu.memory_space<hbm>>) target(%arg11 : memref<80x128xf32, #tpu.memory_space<vmem>>) target_semaphore(%run_scoped3A : memref<!tpu.dma_semaphore, #tpu.memory_space<semaphore_mem>>)
        %dma_wait3A = arith.constant 0 : i32
        %dma_wait3A_53 = tpu.memref_slice %arg2[%add3A_49, %dma_wait3A] : memref<320000x128xf32, #tpu.memory_space<hbm>> -> memref<80x128xf32, #tpu.memory_space<hbm>>
        %dma_wait3A_54 = arith.constant 0 : i32
        %dma_wait3A_55 = tpu.memref_slice %arg2[%add3A_49, %dma_wait3A_54] : memref<320000x128xf32, #tpu.memory_space<hbm>> -> memref<80x128xf32, #tpu.memory_space<hbm>>
        tpu.wait_dma2 semaphore(%run_scoped3A : memref<!tpu.dma_semaphore, #tpu.memory_space<semaphore_mem>>) src(%dma_wait3A_55 : memref<80x128xf32, #tpu.memory_space<hbm>>) dst(%arg11 : memref<80x128xf32, #tpu.memory_space<vmem>>)
        tpu.yield
      }) : () -> ()
      "tpu.region"() ({
        %run_scoped3A = tpu.sem_alloc : memref<!tpu.dma_semaphore, #tpu.memory_space<semaphore_mem>>
        %dma_start3A = arith.constant 0 : i32
        %dma_start3A_50 = arith.constant 0 : i32
        %dma_start3A_51 = tpu.memref_slice %arg12[%dma_start3A, %dma_start3A_50] : memref<10000x128xf32, #tpu.memory_space<vmem_shared>> -> memref<10000x128xf32, #tpu.memory_space<vmem_shared>>
        tpu.enqueue_indirect_dma source(%arg11 : memref<80x128xf32, #tpu.memory_space<vmem>>) target(%dma_start3A_51 : memref<10000x128xf32, #tpu.memory_space<vmem_shared>>) offsets(%arg10 : memref<80xi32, #tpu.memory_space<vmem>>) semaphore(%run_scoped3A : memref<!tpu.dma_semaphore, #tpu.memory_space<semaphore_mem>>) {add = true}
        %dma_wait3A = arith.constant 0 : i32
        %dma_wait3A_52 = arith.constant 0 : i32
        %dma_wait3A_53 = tpu.memref_slice %arg12[%dma_wait3A, %dma_wait3A_52] : memref<10000x128xf32, #tpu.memory_space<vmem_shared>> -> memref<10000x128xf32, #tpu.memory_space<vmem_shared>>
        tpu.wait_indirect_dma semaphore(%run_scoped3A : memref<!tpu.dma_semaphore, #tpu.memory_space<semaphore_mem>>) src(%arg11 : memref<80x128xf32, #tpu.memory_space<vmem>>) dst(%dma_wait3A_53 : memref<10000x128xf32, #tpu.memory_space<vmem_shared>>)
        tpu.yield
      }) : () -> ()
    }
    %scan3A_9 = arith.constant 125 : i32
    %barrier3A_10 = arith.constant 0 : index
    tpu.barrier barrier_id(%barrier3A_10)
    %eq3A_11 = arith.constant 0 : i32
    %eq3A_12 = arith.cmpi eq, %arg0, %eq3A_11 : i32
    %convert_element_type3A_13 = arith.extui %eq3A_12 : i1 to i32
    %cond3A_14 = arith.constant 0 : i32
    %cond3A_15 = arith.cmpi ne, %convert_element_type3A_13, %cond3A_14 : i32
    scf.if %cond3A_15 {
      "tpu.region"() ({
        %run_scoped3A = tpu.sem_alloc : memref<!tpu.dma_semaphore, #tpu.memory_space<semaphore_mem>>
        %dma_start3A = arith.constant 0 : i32
        %dma_start3A_49 = tpu.memref_slice %arg6[%mul3A_2, %dma_start3A] : memref<10000x128xf32, #tpu.memory_space<hbm>> -> memref<624x128xf32, #tpu.memory_space<hbm>>
        %dma_start3A_50 = arith.constant 0 : i32
        %dma_start3A_51 = tpu.memref_slice %arg12[%mul3A_2, %dma_start3A_50] : memref<10000x128xf32, #tpu.memory_space<vmem_shared>> -> memref<624x128xf32, #tpu.memory_space<vmem_shared>>
        tpu.enqueue_dma source(%dma_start3A_51 : memref<624x128xf32, #tpu.memory_space<vmem_shared>>) target(%dma_start3A_49 : memref<624x128xf32, #tpu.memory_space<hbm>>) target_semaphore(%run_scoped3A : memref<!tpu.dma_semaphore, #tpu.memory_space<semaphore_mem>>)
        %dma_wait3A = arith.constant 0 : i32
        %dma_wait3A_52 = tpu.memref_slice %arg6[%mul3A_2, %dma_wait3A] : memref<10000x128xf32, #tpu.memory_space<hbm>> -> memref<624x128xf32, #tpu.memory_space<hbm>>
        %dma_wait3A_53 = arith.constant 0 : i32
        %dma_wait3A_54 = tpu.memref_slice %arg12[%mul3A_2, %dma_wait3A_53] : memref<10000x128xf32, #tpu.memory_space<vmem_shared>> -> memref<624x128xf32, #tpu.memory_space<vmem_shared>>
        tpu.wait_dma2 semaphore(%run_scoped3A : memref<!tpu.dma_semaphore, #tpu.memory_space<semaphore_mem>>) src(%dma_wait3A_54 : memref<624x128xf32, #tpu.memory_space<vmem_shared>>) dst(%dma_wait3A_52 : memref<624x128xf32, #tpu.memory_space<hbm>>)
        tpu.yield
      }) : () -> ()
      %eq3A_44 = arith.constant 15 : i32
      %eq3A_45 = arith.cmpi eq, %arg1, %eq3A_44 : i32
      %convert_element_type3A_46 = arith.extui %eq3A_45 : i1 to i32
      %cond3A_47 = arith.constant 0 : i32
      %cond3A_48 = arith.cmpi ne, %convert_element_type3A_46, %cond3A_47 : i32
      scf.if %cond3A_48 {
        "tpu.region"() ({
          %run_scoped3A = tpu.sem_alloc : memref<!tpu.dma_semaphore, #tpu.memory_space<semaphore_mem>>
          %dma_start3A = arith.constant 9984 : i32
          %dma_start3A_49 = arith.constant 0 : i32
          %dma_start3A_50 = tpu.memref_slice %arg6[%dma_start3A, %dma_start3A_49] : memref<10000x128xf32, #tpu.memory_space<hbm>> -> memref<16x128xf32, #tpu.memory_space<hbm>>
          %dma_start3A_51 = arith.constant 9984 : i32
          %dma_start3A_52 = arith.constant 0 : i32
          %dma_start3A_53 = tpu.memref_slice %arg12[%dma_start3A_51, %dma_start3A_52] : memref<10000x128xf32, #tpu.memory_space<vmem_shared>> -> memref<16x128xf32, #tpu.memory_space<vmem_shared>>
          tpu.enqueue_dma source(%dma_start3A_53 : memref<16x128xf32, #tpu.memory_space<vmem_shared>>) target(%dma_start3A_50 : memref<16x128xf32, #tpu.memory_space<hbm>>) target_semaphore(%run_scoped3A : memref<!tpu.dma_semaphore, #tpu.memory_space<semaphore_mem>>)
          %dma_wait3A = arith.constant 9984 : i32
          %dma_wait3A_54 = arith.constant 0 : i32
          %dma_wait3A_55 = tpu.memref_slice %arg6[%dma_wait3A, %dma_wait3A_54] : memref<10000x128xf32, #tpu.memory_space<hbm>> -> memref<16x128xf32, #tpu.memory_space<hbm>>
          %dma_wait3A_56 = arith.constant 9984 : i32
          %dma_wait3A_57 = arith.constant 0 : i32
          %dma_wait3A_58 = tpu.memref_slice %arg12[%dma_wait3A_56, %dma_wait3A_57] : memref<10000x128xf32, #tpu.memory_space<vmem_shared>> -> memref<16x128xf32, #tpu.memory_space<vmem_shared>>
          tpu.wait_dma2 semaphore(%run_scoped3A : memref<!tpu.dma_semaphore, #tpu.memory_space<semaphore_mem>>) src(%dma_wait3A_58 : memref<16x128xf32, #tpu.memory_space<vmem_shared>>) dst(%dma_wait3A_55 : memref<16x128xf32, #tpu.memory_space<hbm>>)
          tpu.yield
        }) : () -> ()
      } else {
      }
    } else {
    }
    %eq3A_16 = arith.constant 1 : i32
    %eq3A_17 = arith.cmpi eq, %arg0, %eq3A_16 : i32
    %convert_element_type3A_18 = arith.extui %eq3A_17 : i1 to i32
    %cond3A_19 = arith.constant 0 : i32
    %cond3A_20 = arith.cmpi ne, %convert_element_type3A_18, %cond3A_19 : i32
    scf.if %cond3A_20 {
      "tpu.region"() ({
        %run_scoped3A = tpu.sem_alloc : memref<!tpu.dma_semaphore, #tpu.memory_space<semaphore_mem>>
        %dma_start3A = arith.constant 0 : i32
        %dma_start3A_49 = tpu.memref_slice %arg7[%mul3A_2, %dma_start3A] : memref<10000x128xf32, #tpu.memory_space<hbm>> -> memref<624x128xf32, #tpu.memory_space<hbm>>
        %dma_start3A_50 = arith.constant 0 : i32
        %dma_start3A_51 = tpu.memref_slice %arg12[%mul3A_2, %dma_start3A_50] : memref<10000x128xf32, #tpu.memory_space<vmem_shared>> -> memref<624x128xf32, #tpu.memory_space<vmem_shared>>
        tpu.enqueue_dma source(%dma_start3A_51 : memref<624x128xf32, #tpu.memory_space<vmem_shared>>) target(%dma_start3A_49 : memref<624x128xf32, #tpu.memory_space<hbm>>) target_semaphore(%run_scoped3A : memref<!tpu.dma_semaphore, #tpu.memory_space<semaphore_mem>>)
        %dma_wait3A = arith.constant 0 : i32
        %dma_wait3A_52 = tpu.memref_slice %arg7[%mul3A_2, %dma_wait3A] : memref<10000x128xf32, #tpu.memory_space<hbm>> -> memref<624x128xf32, #tpu.memory_space<hbm>>
        %dma_wait3A_53 = arith.constant 0 : i32
        %dma_wait3A_54 = tpu.memref_slice %arg12[%mul3A_2, %dma_wait3A_53] : memref<10000x128xf32, #tpu.memory_space<vmem_shared>> -> memref<624x128xf32, #tpu.memory_space<vmem_shared>>
        tpu.wait_dma2 semaphore(%run_scoped3A : memref<!tpu.dma_semaphore, #tpu.memory_space<semaphore_mem>>) src(%dma_wait3A_54 : memref<624x128xf32, #tpu.memory_space<vmem_shared>>) dst(%dma_wait3A_52 : memref<624x128xf32, #tpu.memory_space<hbm>>)
        tpu.yield
      }) : () -> ()
      %eq3A_44 = arith.constant 15 : i32
      %eq3A_45 = arith.cmpi eq, %arg1, %eq3A_44 : i32
      %convert_element_type3A_46 = arith.extui %eq3A_45 : i1 to i32
      %cond3A_47 = arith.constant 0 : i32
      %cond3A_48 = arith.cmpi ne, %convert_element_type3A_46, %cond3A_47 : i32
      scf.if %cond3A_48 {
        "tpu.region"() ({
          %run_scoped3A = tpu.sem_alloc : memref<!tpu.dma_semaphore, #tpu.memory_space<semaphore_mem>>
          %dma_start3A = arith.constant 9984 : i32
          %dma_start3A_49 = arith.constant 0 : i32
          %dma_start3A_50 = tpu.memref_slice %arg7[%dma_start3A, %dma_start3A_49] : memref<10000x128xf32, #tpu.memory_space<hbm>> -> memref<16x128xf32, #tpu.memory_space<hbm>>
          %dma_start3A_51 = arith.constant 9984 : i32
          %dma_start3A_52 = arith.constant 0 : i32
          %dma_start3A_53 = tpu.memref_slice %arg12[%dma_start3A_51, %dma_start3A_52] : memref<10000x128xf32, #tpu.memory_space<vmem_shared>> -> memref<16x128xf32, #tpu.memory_space<vmem_shared>>
          tpu.enqueue_dma source(%dma_start3A_53 : memref<16x128xf32, #tpu.memory_space<vmem_shared>>) target(%dma_start3A_50 : memref<16x128xf32, #tpu.memory_space<hbm>>) target_semaphore(%run_scoped3A : memref<!tpu.dma_semaphore, #tpu.memory_space<semaphore_mem>>)
          %dma_wait3A = arith.constant 9984 : i32
          %dma_wait3A_54 = arith.constant 0 : i32
          %dma_wait3A_55 = tpu.memref_slice %arg7[%dma_wait3A, %dma_wait3A_54] : memref<10000x128xf32, #tpu.memory_space<hbm>> -> memref<16x128xf32, #tpu.memory_space<hbm>>
          %dma_wait3A_56 = arith.constant 9984 : i32
          %dma_wait3A_57 = arith.constant 0 : i32
          %dma_wait3A_58 = tpu.memref_slice %arg12[%dma_wait3A_56, %dma_wait3A_57] : memref<10000x128xf32, #tpu.memory_space<vmem_shared>> -> memref<16x128xf32, #tpu.memory_space<vmem_shared>>
          tpu.wait_dma2 semaphore(%run_scoped3A : memref<!tpu.dma_semaphore, #tpu.memory_space<semaphore_mem>>) src(%dma_wait3A_58 : memref<16x128xf32, #tpu.memory_space<vmem_shared>>) dst(%dma_wait3A_55 : memref<16x128xf32, #tpu.memory_space<hbm>>)
          tpu.yield
        }) : () -> ()
      } else {
      }
    } else {
    }
    "tpu.region"() ({
      %run_scoped3A = tpu.sem_alloc : memref<!tpu.dma_semaphore, #tpu.memory_space<semaphore_mem>>
      %dma_start3A = arith.constant 0 : i32
      %dma_start3A_44 = tpu.memref_slice %arg12[%mul3A_2, %dma_start3A] : memref<10000x128xf32, #tpu.memory_space<vmem_shared>> -> memref<624x128xf32, #tpu.memory_space<vmem_shared>>
      %dma_start3A_45 = arith.constant 0 : i32
      %dma_start3A_46 = tpu.memref_slice %arg5[%mul3A_2, %dma_start3A_45] : memref<10000x128xf32, #tpu.memory_space<hbm>> -> memref<624x128xf32, #tpu.memory_space<hbm>>
      tpu.enqueue_dma source(%dma_start3A_46 : memref<624x128xf32, #tpu.memory_space<hbm>>) target(%dma_start3A_44 : memref<624x128xf32, #tpu.memory_space<vmem_shared>>) target_semaphore(%run_scoped3A : memref<!tpu.dma_semaphore, #tpu.memory_space<semaphore_mem>>)
      %dma_wait3A = arith.constant 0 : i32
      %dma_wait3A_47 = tpu.memref_slice %arg12[%mul3A_2, %dma_wait3A] : memref<10000x128xf32, #tpu.memory_space<vmem_shared>> -> memref<624x128xf32, #tpu.memory_space<vmem_shared>>
      %dma_wait3A_48 = arith.constant 0 : i32
      %dma_wait3A_49 = tpu.memref_slice %arg5[%mul3A_2, %dma_wait3A_48] : memref<10000x128xf32, #tpu.memory_space<hbm>> -> memref<624x128xf32, #tpu.memory_space<hbm>>
      tpu.wait_dma2 semaphore(%run_scoped3A : memref<!tpu.dma_semaphore, #tpu.memory_space<semaphore_mem>>) src(%dma_wait3A_49 : memref<624x128xf32, #tpu.memory_space<hbm>>) dst(%dma_wait3A_47 : memref<624x128xf32, #tpu.memory_space<vmem_shared>>)
      tpu.yield
    }) : () -> ()
    %eq3A_21 = arith.constant 15 : i32
    %eq3A_22 = arith.cmpi eq, %arg1, %eq3A_21 : i32
    %convert_element_type3A_23 = arith.extui %eq3A_22 : i1 to i32
    %cond3A_24 = arith.constant 0 : i32
    %cond3A_25 = arith.cmpi ne, %convert_element_type3A_23, %cond3A_24 : i32
    scf.if %cond3A_25 {
      "tpu.region"() ({
        %run_scoped3A = tpu.sem_alloc : memref<!tpu.dma_semaphore, #tpu.memory_space<semaphore_mem>>
        %dma_start3A = arith.constant 9984 : i32
        %dma_start3A_44 = arith.constant 0 : i32
        %dma_start3A_45 = tpu.memref_slice %arg12[%dma_start3A, %dma_start3A_44] : memref<10000x128xf32, #tpu.memory_space<vmem_shared>> -> memref<16x128xf32, #tpu.memory_space<vmem_shared>>
        %dma_start3A_46 = arith.constant 9984 : i32
        %dma_start3A_47 = arith.constant 0 : i32
        %dma_start3A_48 = tpu.memref_slice %arg5[%dma_start3A_46, %dma_start3A_47] : memref<10000x128xf32, #tpu.memory_space<hbm>> -> memref<16x128xf32, #tpu.memory_space<hbm>>
        tpu.enqueue_dma source(%dma_start3A_48 : memref<16x128xf32, #tpu.memory_space<hbm>>) target(%dma_start3A_45 : memref<16x128xf32, #tpu.memory_space<vmem_shared>>) target_semaphore(%run_scoped3A : memref<!tpu.dma_semaphore, #tpu.memory_space<semaphore_mem>>)
        %dma_wait3A = arith.constant 9984 : i32
        %dma_wait3A_49 = arith.constant 0 : i32
        %dma_wait3A_50 = tpu.memref_slice %arg12[%dma_wait3A, %dma_wait3A_49] : memref<10000x128xf32, #tpu.memory_space<vmem_shared>> -> memref<16x128xf32, #tpu.memory_space<vmem_shared>>
        %dma_wait3A_51 = arith.constant 9984 : i32
        %dma_wait3A_52 = arith.constant 0 : i32
        %dma_wait3A_53 = tpu.memref_slice %arg5[%dma_wait3A_51, %dma_wait3A_52] : memref<10000x128xf32, #tpu.memory_space<hbm>> -> memref<16x128xf32, #tpu.memory_space<hbm>>
        tpu.wait_dma2 semaphore(%run_scoped3A : memref<!tpu.dma_semaphore, #tpu.memory_space<semaphore_mem>>) src(%dma_wait3A_53 : memref<16x128xf32, #tpu.memory_space<hbm>>) dst(%dma_wait3A_50 : memref<16x128xf32, #tpu.memory_space<vmem_shared>>)
        tpu.yield
      }) : () -> ()
    } else {
    }
    %barrier3A_26 = arith.constant 0 : index
    tpu.barrier barrier_id(%barrier3A_26)
    %scan3A_27 = arith.constant 0 : i32
    %scan3A_28 = arith.constant 0 : i32
    %scan3A_29 = arith.constant 125 : i32
    %scan3A_30 = arith.addi %scan3A_28, %scan3A_29 : i32
    %scan3A_31 = arith.constant 1 : i32
    scf.for %scan3A_44 = %scan3A_28 to %scan3A_30 step %scan3A_31  : i32 {
      %mul3A_45 = arith.constant 10000 : i32
      %mul3A_46 = arith.muli %add3A, %mul3A_45 : i32
      %mul3A_47 = arith.constant 80 : i32
      %mul3A_48 = arith.muli %scan3A_44, %mul3A_47 : i32
      %add3A_49 = arith.addi %mul3A_46, %mul3A_48 : i32
      "tpu.region"() ({
        %run_scoped3A = tpu.sem_alloc : memref<!tpu.dma_semaphore, #tpu.memory_space<semaphore_mem>>
        %dma_start3A = tpu.memref_slice %arg4[%add3A_49] : memref<320000xi32, #tpu.memory_space<hbm>> -> memref<80xi32, #tpu.memory_space<hbm>>
        %dma_start3A_50 = tpu.memref_slice %arg4[%add3A_49] : memref<320000xi32, #tpu.memory_space<hbm>> -> memref<80xi32, #tpu.memory_space<hbm>>
        tpu.enqueue_dma source(%dma_start3A_50 : memref<80xi32, #tpu.memory_space<hbm>>) target(%arg10 : memref<80xi32, #tpu.memory_space<vmem>>) target_semaphore(%run_scoped3A : memref<!tpu.dma_semaphore, #tpu.memory_space<semaphore_mem>>)
        %dma_wait3A = tpu.memref_slice %arg4[%add3A_49] : memref<320000xi32, #tpu.memory_space<hbm>> -> memref<80xi32, #tpu.memory_space<hbm>>
        %dma_wait3A_51 = tpu.memref_slice %arg4[%add3A_49] : memref<320000xi32, #tpu.memory_space<hbm>> -> memref<80xi32, #tpu.memory_space<hbm>>
        tpu.wait_dma2 semaphore(%run_scoped3A : memref<!tpu.dma_semaphore, #tpu.memory_space<semaphore_mem>>) src(%dma_wait3A_51 : memref<80xi32, #tpu.memory_space<hbm>>) dst(%arg10 : memref<80xi32, #tpu.memory_space<vmem>>)
        tpu.yield
      }) : () -> ()
      "tpu.region"() ({
        %run_scoped3A = tpu.sem_alloc : memref<!tpu.dma_semaphore, #tpu.memory_space<semaphore_mem>>
        %dma_start3A = arith.constant 0 : i32
        %dma_start3A_50 = tpu.memref_slice %arg3[%add3A_49, %dma_start3A] : memref<320000x128xf32, #tpu.memory_space<hbm>> -> memref<80x128xf32, #tpu.memory_space<hbm>>
        %dma_start3A_51 = arith.constant 0 : i32
        %dma_start3A_52 = tpu.memref_slice %arg3[%add3A_49, %dma_start3A_51] : memref<320000x128xf32, #tpu.memory_space<hbm>> -> memref<80x128xf32, #tpu.memory_space<hbm>>
        tpu.enqueue_dma source(%dma_start3A_52 : memref<80x128xf32, #tpu.memory_space<hbm>>) target(%arg11 : memref<80x128xf32, #tpu.memory_space<vmem>>) target_semaphore(%run_scoped3A : memref<!tpu.dma_semaphore, #tpu.memory_space<semaphore_mem>>)
        %dma_wait3A = arith.constant 0 : i32
        %dma_wait3A_53 = tpu.memref_slice %arg3[%add3A_49, %dma_wait3A] : memref<320000x128xf32, #tpu.memory_space<hbm>> -> memref<80x128xf32, #tpu.memory_space<hbm>>
        %dma_wait3A_54 = arith.constant 0 : i32
        %dma_wait3A_55 = tpu.memref_slice %arg3[%add3A_49, %dma_wait3A_54] : memref<320000x128xf32, #tpu.memory_space<hbm>> -> memref<80x128xf32, #tpu.memory_space<hbm>>
        tpu.wait_dma2 semaphore(%run_scoped3A : memref<!tpu.dma_semaphore, #tpu.memory_space<semaphore_mem>>) src(%dma_wait3A_55 : memref<80x128xf32, #tpu.memory_space<hbm>>) dst(%arg11 : memref<80x128xf32, #tpu.memory_space<vmem>>)
        tpu.yield
      }) : () -> ()
      "tpu.region"() ({
        %run_scoped3A = tpu.sem_alloc : memref<!tpu.dma_semaphore, #tpu.memory_space<semaphore_mem>>
        %dma_start3A = arith.constant 0 : i32
        %dma_start3A_50 = arith.constant 0 : i32
        %dma_start3A_51 = tpu.memref_slice %arg12[%dma_start3A, %dma_start3A_50] : memref<10000x128xf32, #tpu.memory_space<vmem_shared>> -> memref<10000x128xf32, #tpu.memory_space<vmem_shared>>
        tpu.enqueue_indirect_dma source(%arg11 : memref<80x128xf32, #tpu.memory_space<vmem>>) target(%dma_start3A_51 : memref<10000x128xf32, #tpu.memory_space<vmem_shared>>) offsets(%arg10 : memref<80xi32, #tpu.memory_space<vmem>>) semaphore(%run_scoped3A : memref<!tpu.dma_semaphore, #tpu.memory_space<semaphore_mem>>) {add = true}
        %dma_wait3A = arith.constant 0 : i32
        %dma_wait3A_52 = arith.constant 0 : i32
        %dma_wait3A_53 = tpu.memref_slice %arg12[%dma_wait3A, %dma_wait3A_52] : memref<10000x128xf32, #tpu.memory_space<vmem_shared>> -> memref<10000x128xf32, #tpu.memory_space<vmem_shared>>
        tpu.wait_indirect_dma semaphore(%run_scoped3A : memref<!tpu.dma_semaphore, #tpu.memory_space<semaphore_mem>>) src(%arg11 : memref<80x128xf32, #tpu.memory_space<vmem>>) dst(%dma_wait3A_53 : memref<10000x128xf32, #tpu.memory_space<vmem_shared>>)
        tpu.yield
      }) : () -> ()
    }
    %scan3A_32 = arith.constant 125 : i32
    %barrier3A_33 = arith.constant 0 : index
    tpu.barrier barrier_id(%barrier3A_33)
    %eq3A_34 = arith.constant 0 : i32
    %eq3A_35 = arith.cmpi eq, %arg0, %eq3A_34 : i32
    %convert_element_type3A_36 = arith.extui %eq3A_35 : i1 to i32
    %cond3A_37 = arith.constant 0 : i32
    %cond3A_38 = arith.cmpi ne, %convert_element_type3A_36, %cond3A_37 : i32
    scf.if %cond3A_38 {
      "tpu.region"() ({
        %run_scoped3A = tpu.sem_alloc : memref<!tpu.dma_semaphore, #tpu.memory_space<semaphore_mem>>
        %dma_start3A = arith.constant 0 : i32
        %dma_start3A_49 = tpu.memref_slice %arg8[%mul3A_2, %dma_start3A] : memref<10000x128xf32, #tpu.memory_space<hbm>> -> memref<624x128xf32, #tpu.memory_space<hbm>>
        %dma_start3A_50 = arith.constant 0 : i32
        %dma_start3A_51 = tpu.memref_slice %arg12[%mul3A_2, %dma_start3A_50] : memref<10000x128xf32, #tpu.memory_space<vmem_shared>> -> memref<624x128xf32, #tpu.memory_space<vmem_shared>>
        tpu.enqueue_dma source(%dma_start3A_51 : memref<624x128xf32, #tpu.memory_space<vmem_shared>>) target(%dma_start3A_49 : memref<624x128xf32, #tpu.memory_space<hbm>>) target_semaphore(%run_scoped3A : memref<!tpu.dma_semaphore, #tpu.memory_space<semaphore_mem>>)
        %dma_wait3A = arith.constant 0 : i32
        %dma_wait3A_52 = tpu.memref_slice %arg8[%mul3A_2, %dma_wait3A] : memref<10000x128xf32, #tpu.memory_space<hbm>> -> memref<624x128xf32, #tpu.memory_space<hbm>>
        %dma_wait3A_53 = arith.constant 0 : i32
        %dma_wait3A_54 = tpu.memref_slice %arg12[%mul3A_2, %dma_wait3A_53] : memref<10000x128xf32, #tpu.memory_space<vmem_shared>> -> memref<624x128xf32, #tpu.memory_space<vmem_shared>>
        tpu.wait_dma2 semaphore(%run_scoped3A : memref<!tpu.dma_semaphore, #tpu.memory_space<semaphore_mem>>) src(%dma_wait3A_54 : memref<624x128xf32, #tpu.memory_space<vmem_shared>>) dst(%dma_wait3A_52 : memref<624x128xf32, #tpu.memory_space<hbm>>)
        tpu.yield
      }) : () -> ()
      %eq3A_44 = arith.constant 15 : i32
      %eq3A_45 = arith.cmpi eq, %arg1, %eq3A_44 : i32
      %convert_element_type3A_46 = arith.extui %eq3A_45 : i1 to i32
      %cond3A_47 = arith.constant 0 : i32
      %cond3A_48 = arith.cmpi ne, %convert_element_type3A_46, %cond3A_47 : i32
      scf.if %cond3A_48 {
        "tpu.region"() ({
          %run_scoped3A = tpu.sem_alloc : memref<!tpu.dma_semaphore, #tpu.memory_space<semaphore_mem>>
          %dma_start3A = arith.constant 9984 : i32
          %dma_start3A_49 = arith.constant 0 : i32
          %dma_start3A_50 = tpu.memref_slice %arg8[%dma_start3A, %dma_start3A_49] : memref<10000x128xf32, #tpu.memory_space<hbm>> -> memref<16x128xf32, #tpu.memory_space<hbm>>
          %dma_start3A_51 = arith.constant 9984 : i32
          %dma_start3A_52 = arith.constant 0 : i32
          %dma_start3A_53 = tpu.memref_slice %arg12[%dma_start3A_51, %dma_start3A_52] : memref<10000x128xf32, #tpu.memory_space<vmem_shared>> -> memref<16x128xf32, #tpu.memory_space<vmem_shared>>
          tpu.enqueue_dma source(%dma_start3A_53 : memref<16x128xf32, #tpu.memory_space<vmem_shared>>) target(%dma_start3A_50 : memref<16x128xf32, #tpu.memory_space<hbm>>) target_semaphore(%run_scoped3A : memref<!tpu.dma_semaphore, #tpu.memory_space<semaphore_mem>>)
          %dma_wait3A = arith.constant 9984 : i32
          %dma_wait3A_54 = arith.constant 0 : i32
          %dma_wait3A_55 = tpu.memref_slice %arg8[%dma_wait3A, %dma_wait3A_54] : memref<10000x128xf32, #tpu.memory_space<hbm>> -> memref<16x128xf32, #tpu.memory_space<hbm>>
          %dma_wait3A_56 = arith.constant 9984 : i32
          %dma_wait3A_57 = arith.constant 0 : i32
          %dma_wait3A_58 = tpu.memref_slice %arg12[%dma_wait3A_56, %dma_wait3A_57] : memref<10000x128xf32, #tpu.memory_space<vmem_shared>> -> memref<16x128xf32, #tpu.memory_space<vmem_shared>>
          tpu.wait_dma2 semaphore(%run_scoped3A : memref<!tpu.dma_semaphore, #tpu.memory_space<semaphore_mem>>) src(%dma_wait3A_58 : memref<16x128xf32, #tpu.memory_space<vmem_shared>>) dst(%dma_wait3A_55 : memref<16x128xf32, #tpu.memory_space<hbm>>)
          tpu.yield
        }) : () -> ()
      } else {
      }
    } else {
    }
    %eq3A_39 = arith.constant 1 : i32
    %eq3A_40 = arith.cmpi eq, %arg0, %eq3A_39 : i32
    %convert_element_type3A_41 = arith.extui %eq3A_40 : i1 to i32
    %cond3A_42 = arith.constant 0 : i32
    %cond3A_43 = arith.cmpi ne, %convert_element_type3A_41, %cond3A_42 : i32
    scf.if %cond3A_43 {
      "tpu.region"() ({
        %run_scoped3A = tpu.sem_alloc : memref<!tpu.dma_semaphore, #tpu.memory_space<semaphore_mem>>
        %dma_start3A = arith.constant 0 : i32
        %dma_start3A_49 = tpu.memref_slice %arg9[%mul3A_2, %dma_start3A] : memref<10000x128xf32, #tpu.memory_space<hbm>> -> memref<624x128xf32, #tpu.memory_space<hbm>>
        %dma_start3A_50 = arith.constant 0 : i32
        %dma_start3A_51 = tpu.memref_slice %arg12[%mul3A_2, %dma_start3A_50] : memref<10000x128xf32, #tpu.memory_space<vmem_shared>> -> memref<624x128xf32, #tpu.memory_space<vmem_shared>>
        tpu.enqueue_dma source(%dma_start3A_51 : memref<624x128xf32, #tpu.memory_space<vmem_shared>>) target(%dma_start3A_49 : memref<624x128xf32, #tpu.memory_space<hbm>>) target_semaphore(%run_scoped3A : memref<!tpu.dma_semaphore, #tpu.memory_space<semaphore_mem>>)
        %dma_wait3A = arith.constant 0 : i32
        %dma_wait3A_52 = tpu.memref_slice %arg9[%mul3A_2, %dma_wait3A] : memref<10000x128xf32, #tpu.memory_space<hbm>> -> memref<624x128xf32, #tpu.memory_space<hbm>>
        %dma_wait3A_53 = arith.constant 0 : i32
        %dma_wait3A_54 = tpu.memref_slice %arg12[%mul3A_2, %dma_wait3A_53] : memref<10000x128xf32, #tpu.memory_space<vmem_shared>> -> memref<624x128xf32, #tpu.memory_space<vmem_shared>>
        tpu.wait_dma2 semaphore(%run_scoped3A : memref<!tpu.dma_semaphore, #tpu.memory_space<semaphore_mem>>) src(%dma_wait3A_54 : memref<624x128xf32, #tpu.memory_space<vmem_shared>>) dst(%dma_wait3A_52 : memref<624x128xf32, #tpu.memory_space<hbm>>)
        tpu.yield
      }) : () -> ()
      %eq3A_44 = arith.constant 15 : i32
      %eq3A_45 = arith.cmpi eq, %arg1, %eq3A_44 : i32
      %convert_element_type3A_46 = arith.extui %eq3A_45 : i1 to i32
      %cond3A_47 = arith.constant 0 : i32
      %cond3A_48 = arith.cmpi ne, %convert_element_type3A_46, %cond3A_47 : i32
      scf.if %cond3A_48 {
        "tpu.region"() ({
          %run_scoped3A = tpu.sem_alloc : memref<!tpu.dma_semaphore, #tpu.memory_space<semaphore_mem>>
          %dma_start3A = arith.constant 9984 : i32
          %dma_start3A_49 = arith.constant 0 : i32
          %dma_start3A_50 = tpu.memref_slice %arg9[%dma_start3A, %dma_start3A_49] : memref<10000x128xf32, #tpu.memory_space<hbm>> -> memref<16x128xf32, #tpu.memory_space<hbm>>
          %dma_start3A_51 = arith.constant 9984 : i32
          %dma_start3A_52 = arith.constant 0 : i32
          %dma_start3A_53 = tpu.memref_slice %arg12[%dma_start3A_51, %dma_start3A_52] : memref<10000x128xf32, #tpu.memory_space<vmem_shared>> -> memref<16x128xf32, #tpu.memory_space<vmem_shared>>
          tpu.enqueue_dma source(%dma_start3A_53 : memref<16x128xf32, #tpu.memory_space<vmem_shared>>) target(%dma_start3A_50 : memref<16x128xf32, #tpu.memory_space<hbm>>) target_semaphore(%run_scoped3A : memref<!tpu.dma_semaphore, #tpu.memory_space<semaphore_mem>>)
          %dma_wait3A = arith.constant 9984 : i32
          %dma_wait3A_54 = arith.constant 0 : i32
          %dma_wait3A_55 = tpu.memref_slice %arg9[%dma_wait3A, %dma_wait3A_54] : memref<10000x128xf32, #tpu.memory_space<hbm>> -> memref<16x128xf32, #tpu.memory_space<hbm>>
          %dma_wait3A_56 = arith.constant 9984 : i32
          %dma_wait3A_57 = arith.constant 0 : i32
          %dma_wait3A_58 = tpu.memref_slice %arg12[%dma_wait3A_56, %dma_wait3A_57] : memref<10000x128xf32, #tpu.memory_space<vmem_shared>> -> memref<16x128xf32, #tpu.memory_space<vmem_shared>>
          tpu.wait_dma2 semaphore(%run_scoped3A : memref<!tpu.dma_semaphore, #tpu.memory_space<semaphore_mem>>) src(%dma_wait3A_58 : memref<16x128xf32, #tpu.memory_space<vmem_shared>>) dst(%dma_wait3A_55 : memref<16x128xf32, #tpu.memory_space<hbm>>)
          tpu.yield
        }) : () -> ()
      } else {
      }
    } else {
    }
    return
  }
}

module attributes {stable_mosaic.version = 14 : i64} {
  func.func @embed_body(%arg0: i32, %arg1: memref<2000x128xf32, #tpu.memory_space<vmem>>, %arg2: memref<2000x128xf32, #tpu.memory_space<vmem>>, %arg3: memref<128x128xf32, #tpu.memory_space<vmem>>, %arg4: memref<1x128xf32, #tpu.memory_space<vmem>>, %arg5: memref<2000x256xf32, #tpu.memory_space<vmem>>) attributes {dimension_semantics = [#tpu.dimension_semantics<arbitrary>], iteration_bounds = array<i64: 5>, scalar_prefetch = 0 : i64, scratch_operands = 0 : i64, tpu.core_type = #tpu.core_type<tc>, window_params = [{transform_indices = @transform_0, window_bounds = array<i64: 2000, 128>}, {transform_indices = @transform_1, window_bounds = array<i64: 2000, 128>}, {pipeline_mode = #tpu.pipeline_mode<synchronous>, transform_indices = @transform_2, window_bounds = array<i64: 128, 128>}, {pipeline_mode = #tpu.pipeline_mode<synchronous>, transform_indices = @transform_3, window_bounds = array<i64: 1, 128>}, {transform_indices = @transform_4, window_bounds = array<i64: 2000, 256>}]} {
    %get3A = arith.constant 0 : index
    %get3A_0 = arith.constant 0 : index
    %get3A_1 = vector.load %arg1[%get3A, %get3A_0] : memref<2000x128xf32, #tpu.memory_space<vmem>>, vector<2000x128xf32>
    %get3A_2 = arith.constant 0 : index
    %get3A_3 = arith.constant 0 : index
    %get3A_4 = vector.load %arg3[%get3A_2, %get3A_3] : memref<128x128xf32, #tpu.memory_space<vmem>>, vector<128x128xf32>
    %dot_general3A = arith.constant dense<0.000000e+00> : vector<2000x128xf32>
    %dot_general3A_5 = tpu.matmul %get3A_1, %get3A_4, %dot_general3A {dimension_numbers = #tpu.dot_dimension_numbers<[1], [0], [0], [1], [0, 0, 1, 1], [], []>, transpose_lhs_hint = false} : vector<2000x128xf32>, vector<128x128xf32>, vector<2000x128xf32> -> vector<2000x128xf32>
    %get3A_6 = arith.constant 0 : index
    %get3A_7 = arith.constant 0 : index
    %get3A_8 = vector.load %arg4[%get3A_6, %get3A_7] : memref<1x128xf32, #tpu.memory_space<vmem>>, vector<1x128xf32>
    %add3A = vector.broadcast %get3A_8 : vector<1x128xf32> to vector<2000x128xf32>
    %add3A_9 = arith.addf %dot_general3A_5, %add3A : vector<2000x128xf32>
    %logistic3A = arith.negf %add3A_9 : vector<2000x128xf32>
    %logistic3A_10 = math.exp %logistic3A : vector<2000x128xf32>
    %logistic3A_11 = arith.constant 1.000000e+00 : f32
    %logistic3A_12 = vector.broadcast %logistic3A_11 : f32 to vector<2000x128xf32>
    %logistic3A_13 = arith.addf %logistic3A_12, %logistic3A_10 : vector<2000x128xf32>
    %logistic3A_14 = arith.divf %logistic3A_12, %logistic3A_13 : vector<2000x128xf32>
    %mul3A = arith.mulf %add3A_9, %logistic3A_14 : vector<2000x128xf32>
    %get3A_15 = arith.constant 0 : index
    %get3A_16 = arith.constant 0 : index
    %get3A_17 = vector.load %arg2[%get3A_15, %get3A_16] : memref<2000x128xf32, #tpu.memory_space<vmem>>, vector<2000x128xf32>
    %concatenate3A = tpu.concatenate %mul3A, %get3A_17 in 1 : vector<2000x128xf32>, vector<2000x128xf32> -> vector<2000x256xf32>
    %swap3A = arith.constant 0 : index
    %swap3A_18 = arith.constant 0 : index
    %swap3A_19 = vector.load %arg5[%swap3A, %swap3A_18] : memref<2000x256xf32, #tpu.memory_space<vmem>>, vector<2000x256xf32>
    tpu.vector_store %arg5[%swap3A, %swap3A_18], %concatenate3A {strides = array<i32>} : memref<2000x256xf32, #tpu.memory_space<vmem>>, vector<2000x256xf32>,
    return
  }
  func.func @transform_0(%arg0: i32) -> (i32, i32) {
    %c0_i32 = arith.constant 0 : i32
    %c0_i32_0 = arith.constant 0 : i32
    return %arg0, %c0_i32 : i32, i32
  }
  func.func @transform_1(%arg0: i32) -> (i32, i32) {
    %c0_i32 = arith.constant 0 : i32
    %c0_i32_0 = arith.constant 0 : i32
    return %arg0, %c0_i32 : i32, i32
  }
  func.func @transform_2(%arg0: i32) -> (i32, i32) {
    %c0_i32 = arith.constant 0 : i32
    %c0_i32_0 = arith.constant 0 : i32
    %c0_i32_1 = arith.constant 0 : i32
    return %c0_i32, %c0_i32_0 : i32, i32
  }
  func.func @transform_3(%arg0: i32) -> (i32, i32) {
    %c0_i32 = arith.constant 0 : i32
    %c0_i32_0 = arith.constant 0 : i32
    %c0_i32_1 = arith.constant 0 : i32
    return %c0_i32, %c0_i32_0 : i32, i32
  }
  func.func @transform_4(%arg0: i32) -> (i32, i32) {
    %c0_i32 = arith.constant 0 : i32
    %c0_i32_0 = arith.constant 0 : i32
    return %arg0, %c0_i32 : i32, i32
  }
}

module attributes {stable_mosaic.version = 14 : i64} {
  func.func @body(%arg0: i32, %arg1: memref<2000x128xf32, #tpu.memory_space<vmem>>, %arg2: memref<2000x128xf32, #tpu.memory_space<vmem>>, %arg3: memref<2000x128xf32, #tpu.memory_space<vmem>>, %arg4: memref<2000x128xf32, #tpu.memory_space<vmem>>, %arg5: memref<257x128xf32, #tpu.memory_space<vmem>>, %arg6: memref<1x128xf32, #tpu.memory_space<vmem>>, %arg7: memref<128x128xf32, #tpu.memory_space<vmem>>, %arg8: memref<1x128xf32, #tpu.memory_space<vmem>>, %arg9: memref<128x128xf32, #tpu.memory_space<vmem>>, %arg10: memref<1x128xf32, #tpu.memory_space<vmem>>, %arg11: memref<128x1xf32, #tpu.memory_space<vmem>>, %arg12: memref<2000x128xf32, #tpu.memory_space<vmem>>, %arg13: memref<2000x128xf32, #tpu.memory_space<vmem>>) attributes {dimension_semantics = [#tpu.dimension_semantics<arbitrary>], iteration_bounds = array<i64: 160>, scalar_prefetch = 0 : i64, scratch_operands = 0 : i64, tpu.core_type = #tpu.core_type<tc>, window_params = [{transform_indices = @transform_0, window_bounds = array<i64: 2000, 128>}, {transform_indices = @transform_1, window_bounds = array<i64: 2000, 128>}, {transform_indices = @transform_2, window_bounds = array<i64: 2000, 128>}, {transform_indices = @transform_3, window_bounds = array<i64: 2000, 128>}, {pipeline_mode = #tpu.pipeline_mode<synchronous>, transform_indices = @transform_4, window_bounds = array<i64: 257, 128>}, {pipeline_mode = #tpu.pipeline_mode<synchronous>, transform_indices = @transform_5, window_bounds = array<i64: 1, 128>}, {pipeline_mode = #tpu.pipeline_mode<synchronous>, transform_indices = @transform_6, window_bounds = array<i64: 128, 128>}, {pipeline_mode = #tpu.pipeline_mode<synchronous>, transform_indices = @transform_7, window_bounds = array<i64: 1, 128>}, {pipeline_mode = #tpu.pipeline_mode<synchronous>, transform_indices = @transform_8, window_bounds = array<i64: 128, 128>}, {pipeline_mode = #tpu.pipeline_mode<synchronous>, transform_indices = @transform_9, window_bounds = array<i64: 1, 128>}, {pipeline_mode = #tpu.pipeline_mode<synchronous>, transform_indices = @transform_10, window_bounds = array<i64: 128, 1>}, {transform_indices = @transform_11, window_bounds = array<i64: 2000, 128>}, {transform_indices = @transform_12, window_bounds = array<i64: 2000, 128>}]} {
    %get3A = arith.constant 0 : index
    %get3A_0 = arith.constant 0 : index
    %get3A_1 = vector.load %arg4[%get3A, %get3A_0] : memref<2000x128xf32, #tpu.memory_space<vmem>>, vector<2000x16xf32>
    %get3A_2 = arith.constant 0 : index
    %get3A_3 = arith.constant 0 : index
    %get3A_4 = vector.load %arg2[%get3A_2, %get3A_3] : memref<2000x128xf32, #tpu.memory_space<vmem>>, vector<2000x16xf32>
    %sub3A = arith.subf %get3A_1, %get3A_4 : vector<2000x16xf32>
    %mul3A = arith.mulf %sub3A, %sub3A : vector<2000x16xf32>
    %reduce_sum3A = arith.constant dense<0.000000e+00> : vector<2000xf32>
    %reduce_sum3A_5 = vector.multi_reduction <add>, %mul3A, %reduce_sum3A [1] : vector<2000x16xf32> to vector<2000xf32>
    %broadcast_in_dim3A = vector.shape_cast %reduce_sum3A_5 : vector<2000xf32> to vector<2000x1xf32>
    %get3A_6 = arith.constant 0 : index
    %get3A_7 = arith.constant 0 : index
    %get3A_8 = vector.load %arg1[%get3A_6, %get3A_7] : memref<2000x128xf32, #tpu.memory_space<vmem>>, vector<2000x128xf32>
    %get3A_9 = arith.constant 0 : index
    %get3A_10 = arith.constant 0 : index
    %get3A_11 = vector.load %arg3[%get3A_9, %get3A_10] : memref<2000x128xf32, #tpu.memory_space<vmem>>, vector<2000x128xf32>
    %concatenate3A = tpu.concatenate %get3A_8, %get3A_11, %broadcast_in_dim3A in 1 : vector<2000x128xf32>, vector<2000x128xf32>, vector<2000x1xf32> -> vector<2000x257xf32>
    %get3A_12 = arith.constant 0 : index
    %get3A_13 = arith.constant 0 : index
    %get3A_14 = vector.load %arg5[%get3A_12, %get3A_13] : memref<257x128xf32, #tpu.memory_space<vmem>>, vector<257x128xf32>
    %dot_general3A = arith.constant dense<0.000000e+00> : vector<2000x128xf32>
    %dot_general3A_15 = tpu.matmul %concatenate3A, %get3A_14, %dot_general3A {dimension_numbers = #tpu.dot_dimension_numbers<[1], [0], [0], [1], [0, 0, 1, 1], [], []>, transpose_lhs_hint = false} : vector<2000x257xf32>, vector<257x128xf32>, vector<2000x128xf32> -> vector<2000x128xf32>
    %get3A_16 = arith.constant 0 : index
    %get3A_17 = arith.constant 0 : index
    %get3A_18 = vector.load %arg6[%get3A_16, %get3A_17] : memref<1x128xf32, #tpu.memory_space<vmem>>, vector<1x128xf32>
    %add3A = vector.broadcast %get3A_18 : vector<1x128xf32> to vector<2000x128xf32>
    %add3A_19 = arith.addf %dot_general3A_15, %add3A : vector<2000x128xf32>
    %logistic3A = arith.negf %add3A_19 : vector<2000x128xf32>
    %logistic3A_20 = math.exp %logistic3A : vector<2000x128xf32>
    %logistic3A_21 = arith.constant 1.000000e+00 : f32
    %logistic3A_22 = vector.broadcast %logistic3A_21 : f32 to vector<2000x128xf32>
    %logistic3A_23 = arith.addf %logistic3A_22, %logistic3A_20 : vector<2000x128xf32>
    %logistic3A_24 = arith.divf %logistic3A_22, %logistic3A_23 : vector<2000x128xf32>
    %mul3A_25 = arith.mulf %add3A_19, %logistic3A_24 : vector<2000x128xf32>
    %get3A_26 = arith.constant 0 : index
    %get3A_27 = arith.constant 0 : index
    %get3A_28 = vector.load %arg7[%get3A_26, %get3A_27] : memref<128x128xf32, #tpu.memory_space<vmem>>, vector<128x128xf32>
    %dot_general3A_29 = arith.constant dense<0.000000e+00> : vector<2000x128xf32>
    %dot_general3A_30 = tpu.matmul %mul3A_25, %get3A_28, %dot_general3A_29 {dimension_numbers = #tpu.dot_dimension_numbers<[1], [0], [0], [1], [0, 0, 1, 1], [], []>, transpose_lhs_hint = false} : vector<2000x128xf32>, vector<128x128xf32>, vector<2000x128xf32> -> vector<2000x128xf32>
    %get3A_31 = arith.constant 0 : index
    %get3A_32 = arith.constant 0 : index
    %get3A_33 = vector.load %arg8[%get3A_31, %get3A_32] : memref<1x128xf32, #tpu.memory_space<vmem>>, vector<1x128xf32>
    %add3A_34 = vector.broadcast %get3A_33 : vector<1x128xf32> to vector<2000x128xf32>
    %add3A_35 = arith.addf %dot_general3A_30, %add3A_34 : vector<2000x128xf32>
    %logistic3A_36 = arith.negf %add3A_35 : vector<2000x128xf32>
    %logistic3A_37 = math.exp %logistic3A_36 : vector<2000x128xf32>
    %logistic3A_38 = arith.constant 1.000000e+00 : f32
    %logistic3A_39 = vector.broadcast %logistic3A_38 : f32 to vector<2000x128xf32>
    %logistic3A_40 = arith.addf %logistic3A_39, %logistic3A_37 : vector<2000x128xf32>
    %logistic3A_41 = arith.divf %logistic3A_39, %logistic3A_40 : vector<2000x128xf32>
    %mul3A_42 = arith.mulf %add3A_35, %logistic3A_41 : vector<2000x128xf32>
    %get3A_43 = arith.constant 0 : index
    %get3A_44 = arith.constant 0 : index
    %get3A_45 = vector.load %arg9[%get3A_43, %get3A_44] : memref<128x128xf32, #tpu.memory_space<vmem>>, vector<128x128xf32>
    %dot_general3A_46 = arith.constant dense<0.000000e+00> : vector<2000x128xf32>
    %dot_general3A_47 = tpu.matmul %mul3A_42, %get3A_45, %dot_general3A_46 {dimension_numbers = #tpu.dot_dimension_numbers<[1], [0], [0], [1], [0, 0, 1, 1], [], []>, transpose_lhs_hint = false} : vector<2000x128xf32>, vector<128x128xf32>, vector<2000x128xf32> -> vector<2000x128xf32>
    %get3A_48 = arith.constant 0 : index
    %get3A_49 = arith.constant 0 : index
    %get3A_50 = vector.load %arg10[%get3A_48, %get3A_49] : memref<1x128xf32, #tpu.memory_space<vmem>>, vector<1x128xf32>
    %add3A_51 = vector.broadcast %get3A_50 : vector<1x128xf32> to vector<2000x128xf32>
    %add3A_52 = arith.addf %dot_general3A_47, %add3A_51 : vector<2000x128xf32>
    %logistic3A_53 = arith.negf %add3A_52 : vector<2000x128xf32>
    %logistic3A_54 = math.exp %logistic3A_53 : vector<2000x128xf32>
    %logistic3A_55 = arith.constant 1.000000e+00 : f32
    %logistic3A_56 = vector.broadcast %logistic3A_55 : f32 to vector<2000x128xf32>
    %logistic3A_57 = arith.addf %logistic3A_56, %logistic3A_54 : vector<2000x128xf32>
    %logistic3A_58 = arith.divf %logistic3A_56, %logistic3A_57 : vector<2000x128xf32>
    %mul3A_59 = arith.mulf %add3A_52, %logistic3A_58 : vector<2000x128xf32>
    %get3A_60 = arith.constant 0 : index
    %get3A_61 = arith.constant 0 : index
    %get3A_62 = vector.load %arg11[%get3A_60, %get3A_61] : memref<128x1xf32, #tpu.memory_space<vmem>>, vector<128x1xf32>
    %dot_general3A_63 = arith.constant dense<0.000000e+00> : vector<2000x1xf32>
    %dot_general3A_64 = tpu.matmul %mul3A_59, %get3A_62, %dot_general3A_63 {dimension_numbers = #tpu.dot_dimension_numbers<[1], [0], [0], [1], [0, 0, 1, 1], [], []>, transpose_lhs_hint = false} : vector<2000x128xf32>, vector<128x1xf32>, vector<2000x1xf32> -> vector<2000x1xf32>
    %swap3A = arith.constant 0 : index
    %swap3A_65 = arith.constant 0 : index
    %swap3A_66 = vector.load %arg12[%swap3A, %swap3A_65] : memref<2000x128xf32, #tpu.memory_space<vmem>>, vector<2000x128xf32>
    tpu.vector_store %arg12[%swap3A, %swap3A_65], %mul3A_42 {strides = array<i32>} : memref<2000x128xf32, #tpu.memory_space<vmem>>, vector<2000x128xf32>,
    %iota3A = tpu.iota {dimensions = array<i32: 1>} : vector<2000x128xi32>
    %jit3A = arith.constant 0 : i32
    %convert_element_type3A = arith.sitofp %jit3A : i32 to f32
    %pad3A = vector.broadcast %convert_element_type3A : f32 to vector<2000x112xf32>
    %pad3A_67 = tpu.concatenate %sub3A, %pad3A in 1 : vector<2000x16xf32>, vector<2000x112xf32> -> vector<2000x128xf32>
    %mul3A_68 = vector.broadcast %dot_general3A_64 : vector<2000x1xf32> to vector<2000x128xf32>
    %mul3A_69 = arith.mulf %pad3A_67, %mul3A_68 : vector<2000x128xf32>
    %eq3A = arith.constant 15 : i32
    %eq3A_70 = vector.broadcast %eq3A : i32 to vector<2000x128xi32>
    %eq3A_71 = arith.cmpi eq, %iota3A, %eq3A_70 : vector<2000x128xi32>
    %jit3A_72 = arith.constant 1.000000e+00 : f32
    %broadcast_in_dim3A_73 = vector.broadcast %jit3A_72 : f32 to vector<2000x128xf32>
    %select_n3A = arith.select %eq3A_71, %broadcast_in_dim3A_73, %mul3A_69 : vector<2000x128xi1>, vector<2000x128xf32>
    %swap3A_74 = arith.constant 0 : index
    %swap3A_75 = arith.constant 0 : index
    %swap3A_76 = vector.load %arg13[%swap3A_74, %swap3A_75] : memref<2000x128xf32, #tpu.memory_space<vmem>>, vector<2000x128xf32>
    tpu.vector_store %arg13[%swap3A_74, %swap3A_75], %select_n3A {strides = array<i32>} : memref<2000x128xf32, #tpu.memory_space<vmem>>, vector<2000x128xf32>,
    return
  }
  func.func @transform_0(%arg0: i32) -> (i32, i32) {
    %c0_i32 = arith.constant 0 : i32
    %c0_i32_0 = arith.constant 0 : i32
    return %arg0, %c0_i32 : i32, i32
  }
  func.func @transform_1(%arg0: i32) -> (i32, i32) {
    %c1_i32 = arith.constant 1 : i32
    %c0_i32 = arith.constant 0 : i32
    return %arg0, %c1_i32 : i32, i32
  }
  func.func @transform_2(%arg0: i32) -> (i32, i32) {
    %c0_i32 = arith.constant 0 : i32
    %c0_i32_0 = arith.constant 0 : i32
    return %arg0, %c0_i32 : i32, i32
  }
  func.func @transform_3(%arg0: i32) -> (i32, i32) {
    %c1_i32 = arith.constant 1 : i32
    %c0_i32 = arith.constant 0 : i32
    return %arg0, %c1_i32 : i32, i32
  }
  func.func @transform_4(%arg0: i32) -> (i32, i32) {
    %c0_i32 = arith.constant 0 : i32
    %c0_i32_0 = arith.constant 0 : i32
    %c0_i32_1 = arith.constant 0 : i32
    return %c0_i32, %c0_i32_0 : i32, i32
  }
  func.func @transform_5(%arg0: i32) -> (i32, i32) {
    %c0_i32 = arith.constant 0 : i32
    %c0_i32_0 = arith.constant 0 : i32
    %c0_i32_1 = arith.constant 0 : i32
    return %c0_i32, %c0_i32_0 : i32, i32
  }
  func.func @transform_6(%arg0: i32) -> (i32, i32) {
    %c0_i32 = arith.constant 0 : i32
    %c0_i32_0 = arith.constant 0 : i32
    %c0_i32_1 = arith.constant 0 : i32
    return %c0_i32, %c0_i32_0 : i32, i32
  }
  func.func @transform_7(%arg0: i32) -> (i32, i32) {
    %c0_i32 = arith.constant 0 : i32
    %c0_i32_0 = arith.constant 0 : i32
    %c0_i32_1 = arith.constant 0 : i32
    return %c0_i32, %c0_i32_0 : i32, i32
  }
  func.func @transform_8(%arg0: i32) -> (i32, i32) {
    %c0_i32 = arith.constant 0 : i32
    %c0_i32_0 = arith.constant 0 : i32
    %c0_i32_1 = arith.constant 0 : i32
    return %c0_i32, %c0_i32_0 : i32, i32
  }
  func.func @transform_9(%arg0: i32) -> (i32, i32) {
    %c0_i32 = arith.constant 0 : i32
    %c0_i32_0 = arith.constant 0 : i32
    %c0_i32_1 = arith.constant 0 : i32
    return %c0_i32, %c0_i32_0 : i32, i32
  }
  func.func @transform_10(%arg0: i32) -> (i32, i32) {
    %c0_i32 = arith.constant 0 : i32
    %c0_i32_0 = arith.constant 0 : i32
    %c0_i32_1 = arith.constant 0 : i32
    return %c0_i32, %c0_i32_0 : i32, i32
  }
  func.func @transform_11(%arg0: i32) -> (i32, i32) {
    %c0_i32 = arith.constant 0 : i32
    %c0_i32_0 = arith.constant 0 : i32
    return %arg0, %c0_i32 : i32, i32
  }
  func.func @transform_12(%arg0: i32) -> (i32, i32) {
    %c0_i32 = arith.constant 0 : i32
    %c0_i32_0 = arith.constant 0 : i32
    return %arg0, %c0_i32 : i32, i32
  }
}

module attributes {stable_mosaic.version = 14 : i64} {
  func.func @body(%arg0: i32, %arg1: memref<2000x128xf32, #tpu.memory_space<vmem>>, %arg2: memref<2000x128xf32, #tpu.memory_space<vmem>>, %arg3: memref<2000x128xf32, #tpu.memory_space<vmem>>, %arg4: memref<2000x128xf32, #tpu.memory_space<vmem>>, %arg5: memref<2000x128xf32, #tpu.memory_space<vmem>>, %arg6: memref<2000x128xf32, #tpu.memory_space<vmem>>, %arg7: memref<256x128xf32, #tpu.memory_space<vmem>>, %arg8: memref<1x128xf32, #tpu.memory_space<vmem>>, %arg9: memref<128x128xf32, #tpu.memory_space<vmem>>, %arg10: memref<1x128xf32, #tpu.memory_space<vmem>>, %arg11: memref<2000x256xf32, #tpu.memory_space<vmem>>) attributes {dimension_semantics = [#tpu.dimension_semantics<arbitrary>], iteration_bounds = array<i64: 5>, scalar_prefetch = 0 : i64, scratch_operands = 0 : i64, tpu.core_type = #tpu.core_type<tc>, window_params = [{transform_indices = @transform_0, window_bounds = array<i64: 2000, 128>}, {transform_indices = @transform_1, window_bounds = array<i64: 2000, 128>}, {transform_indices = @transform_2, window_bounds = array<i64: 2000, 128>}, {transform_indices = @transform_3, window_bounds = array<i64: 2000, 128>}, {transform_indices = @transform_4, window_bounds = array<i64: 2000, 128>}, {transform_indices = @transform_5, window_bounds = array<i64: 2000, 128>}, {pipeline_mode = #tpu.pipeline_mode<synchronous>, transform_indices = @transform_6, window_bounds = array<i64: 256, 128>}, {pipeline_mode = #tpu.pipeline_mode<synchronous>, transform_indices = @transform_7, window_bounds = array<i64: 1, 128>}, {pipeline_mode = #tpu.pipeline_mode<synchronous>, transform_indices = @transform_8, window_bounds = array<i64: 128, 128>}, {pipeline_mode = #tpu.pipeline_mode<synchronous>, transform_indices = @transform_9, window_bounds = array<i64: 1, 128>}, {transform_indices = @transform_10, window_bounds = array<i64: 2000, 256>}]} {
    %get3A = arith.constant 0 : index
    %get3A_0 = arith.constant 0 : index
    %get3A_1 = vector.load %arg1[%get3A, %get3A_0] : memref<2000x128xf32, #tpu.memory_space<vmem>>, vector<2000x128xf32>
    %get3A_2 = arith.constant 0 : index
    %get3A_3 = arith.constant 0 : index
    %get3A_4 = vector.load %arg3[%get3A_2, %get3A_3] : memref<2000x128xf32, #tpu.memory_space<vmem>>, vector<2000x128xf32>
    %get3A_5 = arith.constant 0 : index
    %get3A_6 = arith.constant 0 : index
    %get3A_7 = vector.load %arg4[%get3A_5, %get3A_6] : memref<2000x128xf32, #tpu.memory_space<vmem>>, vector<2000x128xf32>
    %add3A = arith.addf %get3A_4, %get3A_7 : vector<2000x128xf32>
    %concatenate3A = tpu.concatenate %get3A_1, %add3A in 1 : vector<2000x128xf32>, vector<2000x128xf32> -> vector<2000x256xf32>
    %get3A_8 = arith.constant 0 : index
    %get3A_9 = arith.constant 0 : index
    %get3A_10 = vector.load %arg7[%get3A_8, %get3A_9] : memref<256x128xf32, #tpu.memory_space<vmem>>, vector<256x128xf32>
    %dot_general3A = arith.constant dense<0.000000e+00> : vector<2000x128xf32>
    %dot_general3A_11 = tpu.matmul %concatenate3A, %get3A_10, %dot_general3A {dimension_numbers = #tpu.dot_dimension_numbers<[1], [0], [0], [1], [0, 0, 1, 1], [], []>, transpose_lhs_hint = false} : vector<2000x256xf32>, vector<256x128xf32>, vector<2000x128xf32> -> vector<2000x128xf32>
    %get3A_12 = arith.constant 0 : index
    %get3A_13 = arith.constant 0 : index
    %get3A_14 = vector.load %arg8[%get3A_12, %get3A_13] : memref<1x128xf32, #tpu.memory_space<vmem>>, vector<1x128xf32>
    %add3A_15 = vector.broadcast %get3A_14 : vector<1x128xf32> to vector<2000x128xf32>
    %add3A_16 = arith.addf %dot_general3A_11, %add3A_15 : vector<2000x128xf32>
    %logistic3A = arith.negf %add3A_16 : vector<2000x128xf32>
    %logistic3A_17 = math.exp %logistic3A : vector<2000x128xf32>
    %logistic3A_18 = arith.constant 1.000000e+00 : f32
    %logistic3A_19 = vector.broadcast %logistic3A_18 : f32 to vector<2000x128xf32>
    %logistic3A_20 = arith.addf %logistic3A_19, %logistic3A_17 : vector<2000x128xf32>
    %logistic3A_21 = arith.divf %logistic3A_19, %logistic3A_20 : vector<2000x128xf32>
    %mul3A = arith.mulf %add3A_16, %logistic3A_21 : vector<2000x128xf32>
    %get3A_22 = arith.constant 0 : index
    %get3A_23 = arith.constant 0 : index
    %get3A_24 = vector.load %arg9[%get3A_22, %get3A_23] : memref<128x128xf32, #tpu.memory_space<vmem>>, vector<128x128xf32>
    %dot_general3A_25 = arith.constant dense<0.000000e+00> : vector<2000x128xf32>
    %dot_general3A_26 = tpu.matmul %mul3A, %get3A_24, %dot_general3A_25 {dimension_numbers = #tpu.dot_dimension_numbers<[1], [0], [0], [1], [0, 0, 1, 1], [], []>, transpose_lhs_hint = false} : vector<2000x128xf32>, vector<128x128xf32>, vector<2000x128xf32> -> vector<2000x128xf32>
    %add3A_27 = arith.addf %get3A_1, %dot_general3A_26 : vector<2000x128xf32>
    %get3A_28 = arith.constant 0 : index
    %get3A_29 = arith.constant 0 : index
    %get3A_30 = vector.load %arg10[%get3A_28, %get3A_29] : memref<1x128xf32, #tpu.memory_space<vmem>>, vector<1x128xf32>
    %add3A_31 = vector.broadcast %get3A_30 : vector<1x128xf32> to vector<2000x128xf32>
    %add3A_32 = arith.addf %add3A_27, %add3A_31 : vector<2000x128xf32>
    %get3A_33 = arith.constant 0 : index
    %get3A_34 = arith.constant 0 : index
    %get3A_35 = vector.load %arg5[%get3A_33, %get3A_34] : memref<2000x128xf32, #tpu.memory_space<vmem>>, vector<2000x128xf32>
    %get3A_36 = arith.constant 0 : index
    %get3A_37 = arith.constant 0 : index
    %get3A_38 = vector.load %arg6[%get3A_36, %get3A_37] : memref<2000x128xf32, #tpu.memory_space<vmem>>, vector<2000x128xf32>
    %add3A_39 = arith.addf %get3A_35, %get3A_38 : vector<2000x128xf32>
    %slice3A = vector.extract_strided_slice %add3A_39 {offsets = [0, 15], sizes = [2000, 1], strides = [1, 1]} : vector<2000x128xf32> to vector<2000x1xf32>
    %max3A = arith.constant 1.000000e+00 : f32
    %max3A_40 = vector.broadcast %max3A : f32 to vector<2000x1xf32>
    %max3A_41 = arith.maximumf %slice3A, %max3A_40 : vector<2000x1xf32>
    %iota3A = tpu.iota {dimensions = array<i32: 1>} : vector<2000x128xi32>
    %get3A_42 = arith.constant 0 : index
    %get3A_43 = arith.constant 0 : index
    %get3A_44 = vector.load %arg2[%get3A_42, %get3A_43] : memref<2000x128xf32, #tpu.memory_space<vmem>>, vector<2000x128xf32>
    %lt3A = arith.constant 3 : i32
    %lt3A_45 = vector.broadcast %lt3A : i32 to vector<2000x128xi32>
    %lt3A_46 = arith.cmpi slt, %iota3A, %lt3A_45 : vector<2000x128xi32>
    %jit3A = arith.constant 0.000000e+00 : f32
    %broadcast_in_dim3A = vector.broadcast %jit3A : f32 to vector<2000x128xf32>
    %select_n3A = arith.select %lt3A_46, %add3A_39, %broadcast_in_dim3A : vector<2000x128xi1>, vector<2000x128xf32>
    %div3A = vector.broadcast %max3A_41 : vector<2000x1xf32> to vector<2000x128xf32>
    %div3A_47 = arith.divf %select_n3A, %div3A : vector<2000x128xf32>
    %add3A_48 = arith.addf %get3A_44, %div3A_47 : vector<2000x128xf32>
    %concatenate3A_49 = tpu.concatenate %add3A_32, %add3A_48 in 1 : vector<2000x128xf32>, vector<2000x128xf32> -> vector<2000x256xf32>
    %swap3A = arith.constant 0 : index
    %swap3A_50 = arith.constant 0 : index
    %swap3A_51 = vector.load %arg11[%swap3A, %swap3A_50] : memref<2000x256xf32, #tpu.memory_space<vmem>>, vector<2000x256xf32>
    tpu.vector_store %arg11[%swap3A, %swap3A_50], %concatenate3A_49 {strides = array<i32>} : memref<2000x256xf32, #tpu.memory_space<vmem>>, vector<2000x256xf32>,
    return
  }
  func.func @transform_0(%arg0: i32) -> (i32, i32) {
    %c0_i32 = arith.constant 0 : i32
    %c0_i32_0 = arith.constant 0 : i32
    return %arg0, %c0_i32 : i32, i32
  }
  func.func @transform_1(%arg0: i32) -> (i32, i32) {
    %c1_i32 = arith.constant 1 : i32
    %c0_i32 = arith.constant 0 : i32
    return %arg0, %c1_i32 : i32, i32
  }
  func.func @transform_2(%arg0: i32) -> (i32, i32) {
    %c0_i32 = arith.constant 0 : i32
    %c0_i32_0 = arith.constant 0 : i32
    return %arg0, %c0_i32 : i32, i32
  }
  func.func @transform_3(%arg0: i32) -> (i32, i32) {
    %c0_i32 = arith.constant 0 : i32
    %c0_i32_0 = arith.constant 0 : i32
    return %arg0, %c0_i32 : i32, i32
  }
  func.func @transform_4(%arg0: i32) -> (i32, i32) {
    %c0_i32 = arith.constant 0 : i32
    %c0_i32_0 = arith.constant 0 : i32
    return %arg0, %c0_i32 : i32, i32
  }
  func.func @transform_5(%arg0: i32) -> (i32, i32) {
    %c0_i32 = arith.constant 0 : i32
    %c0_i32_0 = arith.constant 0 : i32
    return %arg0, %c0_i32 : i32, i32
  }
  func.func @transform_6(%arg0: i32) -> (i32, i32) {
    %c0_i32 = arith.constant 0 : i32
    %c0_i32_0 = arith.constant 0 : i32
    %c0_i32_1 = arith.constant 0 : i32
    return %c0_i32, %c0_i32_0 : i32, i32
  }
  func.func @transform_7(%arg0: i32) -> (i32, i32) {
    %c0_i32 = arith.constant 0 : i32
    %c0_i32_0 = arith.constant 0 : i32
    %c0_i32_1 = arith.constant 0 : i32
    return %c0_i32, %c0_i32_0 : i32, i32
  }
  func.func @transform_8(%arg0: i32) -> (i32, i32) {
    %c0_i32 = arith.constant 0 : i32
    %c0_i32_0 = arith.constant 0 : i32
    %c0_i32_1 = arith.constant 0 : i32
    return %c0_i32, %c0_i32_0 : i32, i32
  }
  func.func @transform_9(%arg0: i32) -> (i32, i32) {
    %c0_i32 = arith.constant 0 : i32
    %c0_i32_0 = arith.constant 0 : i32
    %c0_i32_1 = arith.constant 0 : i32
    return %c0_i32, %c0_i32_0 : i32, i32
  }
  func.func @transform_10(%arg0: i32) -> (i32, i32) {
    %c0_i32 = arith.constant 0 : i32
    %c0_i32_0 = arith.constant 0 : i32
    return %arg0, %c0_i32 : i32, i32
  }
}

module attributes {stable_mosaic.version = 14 : i64} {
  func.func @out_body(%arg0: i32, %arg1: memref<2000x128xf32, #tpu.memory_space<vmem>>, %arg2: memref<128x128xf32, #tpu.memory_space<vmem>>, %arg3: memref<1x128xf32, #tpu.memory_space<vmem>>, %arg4: memref<128x128xf32, #tpu.memory_space<vmem>>, %arg5: memref<1x128xf32, #tpu.memory_space<vmem>>, %arg6: memref<2000x128xf32, #tpu.memory_space<vmem>>) attributes {dimension_semantics = [#tpu.dimension_semantics<arbitrary>], iteration_bounds = array<i64: 5>, scalar_prefetch = 0 : i64, scratch_operands = 0 : i64, tpu.core_type = #tpu.core_type<tc>, window_params = [{transform_indices = @transform_0, window_bounds = array<i64: 2000, 128>}, {pipeline_mode = #tpu.pipeline_mode<synchronous>, transform_indices = @transform_1, window_bounds = array<i64: 128, 128>}, {pipeline_mode = #tpu.pipeline_mode<synchronous>, transform_indices = @transform_2, window_bounds = array<i64: 1, 128>}, {pipeline_mode = #tpu.pipeline_mode<synchronous>, transform_indices = @transform_3, window_bounds = array<i64: 128, 128>}, {pipeline_mode = #tpu.pipeline_mode<synchronous>, transform_indices = @transform_4, window_bounds = array<i64: 1, 128>}, {transform_indices = @transform_5, window_bounds = array<i64: 2000, 128>}]} {
    %get3A = arith.constant 0 : index
    %get3A_0 = arith.constant 0 : index
    %get3A_1 = vector.load %arg1[%get3A, %get3A_0] : memref<2000x128xf32, #tpu.memory_space<vmem>>, vector<2000x128xf32>
    %get3A_2 = arith.constant 0 : index
    %get3A_3 = arith.constant 0 : index
    %get3A_4 = vector.load %arg2[%get3A_2, %get3A_3] : memref<128x128xf32, #tpu.memory_space<vmem>>, vector<128x128xf32>
    %dot_general3A = arith.constant dense<0.000000e+00> : vector<2000x128xf32>
    %dot_general3A_5 = tpu.matmul %get3A_1, %get3A_4, %dot_general3A {dimension_numbers = #tpu.dot_dimension_numbers<[1], [0], [0], [1], [0, 0, 1, 1], [], []>, transpose_lhs_hint = false} : vector<2000x128xf32>, vector<128x128xf32>, vector<2000x128xf32> -> vector<2000x128xf32>
    %get3A_6 = arith.constant 0 : index
    %get3A_7 = arith.constant 0 : index
    %get3A_8 = vector.load %arg3[%get3A_6, %get3A_7] : memref<1x128xf32, #tpu.memory_space<vmem>>, vector<1x128xf32>
    %add3A = vector.broadcast %get3A_8 : vector<1x128xf32> to vector<2000x128xf32>
    %add3A_9 = arith.addf %dot_general3A_5, %add3A : vector<2000x128xf32>
    %logistic3A = arith.negf %add3A_9 : vector<2000x128xf32>
    %logistic3A_10 = math.exp %logistic3A : vector<2000x128xf32>
    %logistic3A_11 = arith.constant 1.000000e+00 : f32
    %logistic3A_12 = vector.broadcast %logistic3A_11 : f32 to vector<2000x128xf32>
    %logistic3A_13 = arith.addf %logistic3A_12, %logistic3A_10 : vector<2000x128xf32>
    %logistic3A_14 = arith.divf %logistic3A_12, %logistic3A_13 : vector<2000x128xf32>
    %mul3A = arith.mulf %add3A_9, %logistic3A_14 : vector<2000x128xf32>
    %get3A_15 = arith.constant 0 : index
    %get3A_16 = arith.constant 0 : index
    %get3A_17 = vector.load %arg4[%get3A_15, %get3A_16] : memref<128x128xf32, #tpu.memory_space<vmem>>, vector<128x128xf32>
    %dot_general3A_18 = arith.constant dense<0.000000e+00> : vector<2000x128xf32>
    %dot_general3A_19 = tpu.matmul %mul3A, %get3A_17, %dot_general3A_18 {dimension_numbers = #tpu.dot_dimension_numbers<[1], [0], [0], [1], [0, 0, 1, 1], [], []>, transpose_lhs_hint = false} : vector<2000x128xf32>, vector<128x128xf32>, vector<2000x128xf32> -> vector<2000x128xf32>
    %get3A_20 = arith.constant 0 : index
    %get3A_21 = arith.constant 0 : index
    %get3A_22 = vector.load %arg5[%get3A_20, %get3A_21] : memref<1x128xf32, #tpu.memory_space<vmem>>, vector<1x128xf32>
    %add3A_23 = vector.broadcast %get3A_22 : vector<1x128xf32> to vector<2000x128xf32>
    %add3A_24 = arith.addf %dot_general3A_19, %add3A_23 : vector<2000x128xf32>
    %swap3A = arith.constant 0 : index
    %swap3A_25 = arith.constant 0 : index
    %swap3A_26 = vector.load %arg6[%swap3A, %swap3A_25] : memref<2000x128xf32, #tpu.memory_space<vmem>>, vector<2000x128xf32>
    tpu.vector_store %arg6[%swap3A, %swap3A_25], %add3A_24 {strides = array<i32>} : memref<2000x128xf32, #tpu.memory_space<vmem>>, vector<2000x128xf32>,
    return
  }
  func.func @transform_0(%arg0: i32) -> (i32, i32) {
    %c0_i32 = arith.constant 0 : i32
    %c0_i32_0 = arith.constant 0 : i32
    return %arg0, %c0_i32 : i32, i32
  }
  func.func @transform_1(%arg0: i32) -> (i32, i32) {
    %c0_i32 = arith.constant 0 : i32
    %c0_i32_0 = arith.constant 0 : i32
    %c0_i32_1 = arith.constant 0 : i32
    return %c0_i32, %c0_i32_0 : i32, i32
  }
  func.func @transform_2(%arg0: i32) -> (i32, i32) {
    %c0_i32 = arith.constant 0 : i32
    %c0_i32_0 = arith.constant 0 : i32
    %c0_i32_1 = arith.constant 0 : i32
    return %c0_i32, %c0_i32_0 : i32, i32
  }
  func.func @transform_3(%arg0: i32) -> (i32, i32) {
    %c0_i32 = arith.constant 0 : i32
    %c0_i32_0 = arith.constant 0 : i32
    %c0_i32_1 = arith.constant 0 : i32
    return %c0_i32, %c0_i32_0 : i32, i32
  }
  func.func @transform_4(%arg0: i32) -> (i32, i32) {
    %c0_i32 = arith.constant 0 : i32
    %c0_i32_0 = arith.constant 0 : i32
    %c0_i32_1 = arith.constant 0 : i32
    return %c0_i32, %c0_i32_0 : i32, i32
  }
  func.func @transform_5(%arg0: i32) -> (i32, i32) {
    %c0_i32 = arith.constant 0 : i32
    %c0_i32_0 = arith.constant 0 : i32
    return %arg0, %c0_i32 : i32, i32
  }
}

</mosaic_0001>

<sc_bundles>
// kernel: kernel.20.cloned.1.call-start
scs
__scs_entry_jumppad:
0x0: {  	(pc) =	sbr.rel $0x88, $3  }
0x1: {  	(tag) =	ssettag $0x0;
	lr =	simm.s32 $0x1  }
0x2: {  	[smem:$0x3F8D] =	sst lr;
	_ =	strace $0xD0000000  }
0x3: {  	_ = 	snop  }
0x4: {  	_ = 	snop  }
0x5: {  	_ = 	snop  }
0x6: {  	_ = 	snop  }
0x7: {  	_ = 	snop  }
__scs_overlays_trampoline_lowered:
0x8: {  	[smem:$0x3F9C] =	sst s0  }
0x9: {  	[smem:$0x3F9D] =	sst s1  }
0xa: {  	[smem:$0x3F9E] =	sst s2  }
0xb: {  	[smem:$0x3F9F] =	sst s3  }
0xc: {  	[smem:$0x3FA0] =	sst s4  }
0xd: {  	[smem:$0x3FA1] =	sst s5  }
0xe: {  	[smem:$0x3FA2] =	sst s6  }
0xf: {  	[smem:$0x3FA3] =	sst s7  }
0x10: {  	[smem:$0x3FA4] =	sst s8  }
0x11: {  	[smem:$0x3FA5] =	sst s9;
	s0 =	simm.s32 @!p0 $0x0  }
0x12: {  	s1 =	sld [smem:$0x3F8B];
	s0 =	simm.s32 @p0 $0x1  }
0x13: {  	[smem:$0x3FA6] =	sst s0;
	s0 =	simm.s32 @!p1 $0x0  }
0x14: {  	s2 =	sld [smem:$0x3F8A];
	s0 =	simm.s32 @p1 $0x1  }
0x15: {  	[smem:$0x3FA7] =	sst s0;
	s0 =	simm.s32 @!p2 $0x0  }
0x16: {  	s3 =	sld [smem:$0x3FDB];
	s0 =	simm.s32 @p2 $0x1  }
0x17: {  	s4 =	simm.s32 $0x1BF5;
	[smem:$0x3FA9] =	sst s0  }
0x18: {  	s0 =	sld [smem:$0x3F8C];
	_ =	swait.ge [sflag:s4], $0x0  }
0x19: {  	s7 =	sld [smem:$0x3F8D]  }
0x1a: {  	s8 =	sadd.s32 $0xFFFFE003, lr  }
0x1b: {  	s9 =	sadd.s32 $0xFFFFFEF7, lr;
	s5 =	simm.s32 $0xFFFFFFFF;
	p2 =	slt.u32 s8, $0xFFFFF086  }
0x1c: {  	p1 =	slt.u32 s9, $0xF7A;
	s5 =	simm.s32 @!p2 $0x0  }
0x1d: {  	s5 =	simm.s32 @p1 $0x1;
	p0 =	seq.s32 s7, s2  }
0x1e: {  	s7 =	smul.u32 @!p0 $0xF7A, s2;
	p2 =	seq.s32 @!p0 s5, $0x0  }
0x1f: {  	s9 =	smul.u32 $0xF7A, s1;
	s8 =	simm.s32 @!p0 $0x1BF5;
	p2 =	por !p2, p0  }
0x20: {  	[sflag:s8] =	ssyncset.s32 @!p0 $0xFFFFF086;
	s6 =	sadd.s32 @!p0 s3, s7;
	s7 =	simm.s32 @!p0 $0x108  }
0x21: {  	s3 =	sadd.s32 s3, s9;
	s6 =	sadd.s32 @!p0 $0x88, s6;
	s7 =	simm.s32 @p2 $0x1082  }
0x22: {  	[simem:s7], [sflag:s8] =	dma.local @!p0 [hbm:s6], $0xF7A  }
0x23: {  	s9 =	sor.u32 $0xD0000000, s2;
	s6 =	simm.s32 $0x108;
	_ =	swait.ge @!p0 [sflag:s8], $0x0  }
0x24: {  	s3 =	sadd.s32 $0x88, s3;
	s6 =	simm.s32 @!p1 $0x1082;
	[sflag:s4] =	ssyncset.s32 $0xFFFFF086  }
0x25: {  	[simem:s6], [sflag:s4] =	dma.local [hbm:s3], $0xF7A  }
0x26: {  	[smem:$0x3F8D] =	sst s1;
	(tag) =	ssettag s2;
	_ =	strace s9  }
0x27: {  	s1 =	sld [smem:$0x3F9D]  }
0x28: {  	s2 =	sld [smem:$0x3F9E]  }
0x29: {  	s4 =	sld [smem:$0x3FA0]  }
0x2a: {  	p0 =	seq.s32 s5, $0x0;
	s5 =	sld [smem:$0x3FA1]  }
0x2b: {  	s6 =	sld [smem:$0x3FA2]  }
0x2c: {  	s7 =	sld [smem:$0x3FA3]  }
0x2d: {  	s3 =	simm.s32 $0x108;
	s8 =	sld [smem:$0x3FA4]  }
0x2e: {  	s3 =	simm.s32 @!p0 $0x1082;
	s9 =	sld [smem:$0x3FA5]  }
0x2f: {  	lr =	sadd.s32 s0, s3;
	s0 =	sld [smem:$0x3F9C]  }
0x30: {  	s3 =	sld [smem:$0x3F9F]  }
0x31: {  	[smem:$0x3FA8] =	sst s10  }
0x32: {  	s10 =	sld [smem:$0x3FA6];
	_ =	sdelay $0x3  }
0x33: {  	p0 =	seq.s32 s10, $0x1;
	s10 =	sld [smem:$0x3FA8];
	_ =	sdelay $0x3  }
0x34: {  	[smem:$0x3FA8] =	sst s10  }
0x35: {  	s10 =	sld [smem:$0x3FA7];
	_ =	sdelay $0x3  }
0x36: {  	p1 =	seq.s32 s10, $0x1;
	s10 =	sld [smem:$0x3FA8];
	_ =	sdelay $0x3  }
0x37: {  	[smem:$0x3FA8] =	sst s10  }
0x38: {  	s10 =	sld [smem:$0x3FA9]  }
0x39: {  	_ = 	snop;
	(pc) =	sbr.ind lr, $3  }
0x3a: {  	_ = 	snop  }
0x3b: {  	_ = 	snop  }
0x3c: {  	p2 =	seq.s32 s10, $0x1;
	s10 =	sld [smem:$0x3FA8]  }
0x3d: {  	_ =	shalt  }
0x3e: {  	_ =	shalt  }
0x3f: {  	_ =	shalt  }
0x40: {  	_ =	shalt  }
0x41: {  	_ =	shalt  }
0x42: {  	_ =	shalt  }
0x43: {  	_ =	shalt  }
0x44: {  	_ =	shalt  }
0x45: {  	_ =	shalt  }
0x46: {  	_ =	shalt  }
0x47: {  	_ =	shalt  }
0x48: {  	_ =	shalt  }
0x49: {  	_ =	shalt  }
0x4a: {  	_ =	shalt  }
0x4b: {  	_ =	shalt  }
0x4c: {  	_ =	shalt  }
0x4d: {  	_ =	shalt  }
0x4e: {  	_ =	shalt  }
0x4f: {  	_ =	shalt  }
0x50: {  	_ =	shalt  }
0x51: {  	_ =	shalt  }
0x52: {  	_ =	shalt  }
0x53: {  	_ =	shalt  }
0x54: {  	_ =	shalt  }
0x55: {  	_ =	shalt  }
0x56: {  	_ =	shalt  }
0x57: {  	_ =	shalt  }
0x58: {  	_ =	shalt  }
0x59: {  	_ =	shalt  }
0x5a: {  	_ =	shalt  }
0x5b: {  	_ =	shalt  }
0x5c: {  	_ =	shalt  }
0x5d: {  	_ =	shalt  }
0x5e: {  	_ =	shalt  }
0x5f: {  	_ =	shalt  }
0x60: {  	_ =	shalt  }
0x61: {  	_ =	shalt  }
0x62: {  	_ =	shalt  }
0x63: {  	_ =	shalt  }
0x64: {  	_ =	shalt  }
0x65: {  	_ =	shalt  }
0x66: {  	_ =	shalt  }
0x67: {  	_ =	shalt  }
0x68: {  	_ =	shalt  }
0x69: {  	_ =	shalt  }
0x6a: {  	_ =	shalt  }
0x6b: {  	_ =	shalt  }
0x6c: {  	_ =	shalt  }
0x6d: {  	_ =	shalt  }
0x6e: {  	_ =	shalt  }
0x6f: {  	_ =	shalt  }
0x70: {  	_ =	shalt  }
0x71: {  	_ =	shalt  }
0x72: {  	_ =	shalt  }
0x73: {  	_ =	shalt  }
0x74: {  	_ =	shalt  }
0x75: {  	_ =	shalt  }
0x76: {  	_ =	shalt  }
0x77: {  	_ =	shalt  }
0x78: {  	_ =	shalt  }
0x79: {  	_ =	shalt  }
0x7a: {  	_ =	shalt  }
0x7b: {  	_ =	shalt  }
0x7c: {  	_ =	shalt  }
0x7d: {  	_ =	shalt  }
0x7e: {  	_ =	shalt  }
0x7f: {  	_ =	shalt  }
0x80: {  	_ =	shalt  }
0x81: {  	_ =	shalt  }
0x82: {  	_ =	shalt  }
0x83: {  	_ =	shalt  }
0x84: {  	_ =	shalt  }
0x85: {  	_ =	shalt  }
0x86: {  	_ =	shalt  }
0x87: {  	_ =	shalt  }
.Lfunc_end0:
.L_simem_size_0:
called_computation_lowered:
.L_overlay_start_0:
0x88: {  	s2 =	sld [smem:$0x3FD9]  }
0x89: {  	s3 =	sld [smem:$0x3FFE];
	_ =	sdelay $0x1  }
0x8a: {  	s1 =	srdreg.scid  }
0x8b: {  	s0 =	sand.u32 $0x1, s1  }
0x8c: {  	s16 =	sshll.u32 s0, $0xA;
	s2 =	sadd.s32 s3, s2  }
0x8d: {  	s2 =	sadd.s32 s2, s16  }
0x8e: {  	[smem:$0x3FB4] =	sst s2  }
0x8f: {  	_ = 	snop  }
0x90: {  	(tm) =	ssettm $0x1  }
0x91: {  	s17 =	sld [smem:$0x3FFB];
	_ =	sdelay $0x3  }
0x92: {  	_ =	strace s17  }
0x93: {  	s2 =	sld [smem:$0x3FFC];
	_ =	sdelay $0x3  }
0x94: {  	_ =	strace s2  }
0x95: {  	s2 =	sld [smem:$0x3FFD];
	_ =	sdelay $0x3  }
0x96: {  	_ =	strace s2  }
0x97: {  	_ =	strace $0x8FFFFFFF  }
0x98: {  	s18 =	sld [smem:$0x3FDB];
	_ =	sdelay $0x1  }
0x99: {  	s19 =	simm.s32 $_scs_section_size  }
0x9a: {  	s4 =	simm.s32 $_size__tile_overlayer_lowered;
	s5 =	simm.s32 $_tile_overlayer_lowered  }
0x9b: {  	s22 =	simm.s32 $0x1BFF;
	s21 =	sshll.u32 s5, $0x1;
	s2 =	sadd.s32 s19, s18  }
0x9c: {  	s6 =	simm.s32 $0x0;
	s20 =	sshll.u32 s4, $0x1;
	s4 =	sadd.s32 s21, s2  }
0x9d: {  	[timem:s6], [sflag:s22] =	dma.local [hbm:s4], s20  }
0x9e: {  	_ =	swait.ge [sflag:s22], s20  }
0x9f: {  	s3 =	ssub.s32 $0x0, s20;
	[sflag:s22] =	ssyncset.done $0x0  }
0xa0: {  	[sflag:s22] =	ssyncadd.s32 s3;
	_ =	sdelay $0x1  }
0xa1: {  	s23 =	simm.s32 $0x1B8B  }
0xa2: {  	_ =	swait.ge [sflag:s23], $0x1  }
0xa3: {  	[sflag:s23] =	ssyncset.done $0x0  }
0xa4: {  	s25 =	simm.s32 $0x1B8E;
	s24 =	sld [smem:$0x3FFE];
	[sflag:s23] =	ssyncadd.s32 $0xFFFFFFFF  }
0xa5: {  	s26 =	simm.s32 $execute0_lowered;
	[smem:$0x3FD2] =	sst s25  }
0xa6: {  	s4 =	sshll.u32 s26, $0x1;
	_ =	strace $0x80000046;
	[dreg:$0x1] =	wrdreg $0xFFFFFFFF  }
0xa7: {  	s28 =	simm.s32 $_size_execute0_lowered;
	s2 =	sadd.s32 s2, s4;
	[dreg:$0x0] =	wrdreg $0x0  }
0xa8: {  	s4 =	sshll.u32 s28, $0x1;
	[dreg:$0x2] =	wrdreg s2  }
0xa9: {  	[dreg:$0x3] =	wrdreg s4  }
0xaa: {  	[dreg:$0x4] =	wrdreg $0xC0  }
0xab: {  	_ =	task [dreg:s6], $0x5FFFF  }
0xac: {  	[dreg:$0x1] =	wrdreg $0xFFFFFFFF  }
0xad: {  	[dreg:$0x0] =	wrdreg $0x60  }
0xae: {  	[dreg:$0x2] =	wrdreg s24  }
0xaf: {  	[dreg:$0x3] =	wrdreg $0x9  }
0xb0: {  	_ =	task.clear_ibuf [dreg:s6], $0x4FFFF;
	_ =	strace $0x90000046  }
0xb1: {  	s29 =	simm.s32 $0x9;
	_ =	strace $0x80000048  }
0xb2: {  	_ =	swait.ge [sflag:s29], $0x1  }
0xb3: {  	[sflag:s29] =	ssyncadd.s32 $0xFFFFFFFF  }
0xb4: {  	_ =	strace $0x90000048  }
0xb5: {  	_ =	sfence  }
0xb6: {  	s30 =	sld [smem:$0x0];
	_ =	sdelay $0x2  }
0xb7: {  	s31 =	sshll.u32 s1, $0xD;
	s1 =	sshrl.u32 s1, $0x2  }
0xb8: {  	s3 =	sand.u32 $0x4000, s31;
	s1 =	sadd.s32 s1, s30  }
0xb9: {  	s0 =	sor.u32 s3, s0;
	s1 =	sshll.u32 s1, $0x11  }
0xba: {  	s0 =	sor.u32 s1, s0  }
0xbb: {  	s0 =	sadd.s32 $0x8F2B, s0  }
0xbc: {  	[sflag:s0] =	ssyncadd.remote.s32 $0x1  }
0xbd: {  	_ =	sfence.sel $0xFFFF  }
0xbe: {  	[dreg:$0x0] =	wrdreg $0xFFFFFFFF;
	(pc) =	sbr.abs _section_cstart, $3  }
0xbf: {  	[dreg:$0x1] =	wrdreg $0xFFFFFFFF  }
0xc0: {  	_ =	task.clear_ibuf [dreg:s6], $0x2FFFF;
	_ =	strace $0x9FFFFFFF  }
0xc1: {  	(tm) =	ssettm $0x7FFFFFFF  }
tec
execute0_lowered:
.L_overlay_start_1:
0x0: {  	(tag) =	ssettag $0x1  }
0x1: {  	s0 =	rddreg [dreg:$0x0];
	s3 =	srdreg.scid  }
0x2: {  	s1 =	stileid.u32;
	s2 =	simm.s32 $0x0;
	s26 =	simm.s32 $0x80  }
0x3: {  	s30 =	simm.s32 $0x900;
	s31 =	simm.s32 $0x1100;
	s11 =	simm.s32 $0x2900  }
0x4: {  	s12 =	simm.s32 $0x3100;
	s13 =	simm.s32 $0x3900;
	s14 =	simm.s32 $0x4100  }
0x5: {  	s15 =	simm.s32 $0x4900;
	s16 =	simm.s32 $0x5100;
	s17 =	simm.s32 $0x5900  }
0x6: {  	s18 =	simm.s32 $0x6100;
	s19 =	simm.s32 $0x6900;
	s20 =	simm.s32 $0x7100  }
0x7: {  	s28 =	simm.s32 $0x2;
	s29 =	simm.s32 $0x0;
	s4 =	sand.u32 $0x1, s3  }
0x8: {  	s5 =	smul.u32 $0x4E20, s1;
	[smem:$0x7FF] =	sst s2;
	s3 =	sadd.s32 $0x22800, s0  }
0x9: {  	s21 =	smul.u32 $0x9C400, s1;
	_ =	strace $0x80000047;
	[dreg:$0x4] =	wrdreg s26  }
0xa: {  	s6 =	smul.u32 $0x2710, s4;
	s7 =	ssub.s32 $0x2, s4;
	[dreg:$0x5] =	wrdreg s30  }
0xb: {  	s9 =	smul.u32 $0x4E200, s4;
	[dreg:$0x6] =	wrdreg s31;
	s8 =	sshrl.u32 s7, $0x1  }
0xc: {  	s26 =	simm.s32 $0x1;
	s5 =	sadd.s32 s6, s5;
	s22 =	ssub.s32 s7, s8  }
0xd: {  	s7 =	simm.s32 $0x3;
	s8 =	simm.s32 $0x100;
	s5 =	sshrl.u32 s5, $0x3  }
0xe: {  	s23 =	smax.u32 s22, $0x1;
	s22 =	simm.s32 $0x8100;
	s10 =	sadd.s32 s5, s0  }
0xf: {  	s0 =	sadd.s32 s21, s0;
	[dreg:$0x7] =	wrdreg s23;
	s21 =	simm.s32 $0x7900  }
0x10: {  	s23 =	simm.s32 $0x8900;
	s0 =	sadd.s32 s9, s0;
	s24 =	sadd.s32 $0x18A00, s10  }
0x11: {  	v2 =	vlaneseq.u32;
	s25 =	sadd.s32 $0xEC00, s10;
	s9 =	simm.s32 $0x1900;
	s10 =	simm.s32 $0x2100  }
0x12: {  	vm0 =	vmmov $0xffff;
	v1 =	vshrl.u32 v2, $0x3;
	s5 =	sadd.s32 $0x70A00, s0;
	[dreg:$0x2] =	wrdreg s24;
	s6 =	sadd.s32 $0xA34A00, s0  }
0x13: {  	v0 =	vand.u32 $0x7, v2;
	v2 =	vor.u32 $0x8, v2;
	v1 =	vmul.u32 $0x8, v1;
	[dreg:$0x3] =	wrdreg s25;
	s24 =	simm.s32 $0x9100;
	s25 =	simm.s32 $0x9900  }
.LBB2_1:
0x14: {  	s30 =	smov.u32 s6;
	s31 =	smov.u32 s5;
	s0 =	simm.s32 $0x0  }
.LBB2_2:
0x15: {  	s1 =	rddreg [dreg:$0x3]  }
0x16: {  	s1 =	sadd.s32 s0, s1  }
0x17: {  	[tilespmem:s2], [sflag:$0x3] =	stream.linear.gather [hbm4b:s1+s2], $0x50, $0x38;
	[tilespmem:$0xA100] =	vst v63  }
0x18: {  	_ =	swait.ge [sflag:s7], $0x50  }
0x19: {  	s1 =	rddreg [dreg:$0x2];
	[sflag:s7] =	ssyncset.done $0x0  }
0x1a: {  	s4 =	rddreg [dreg:$0x4];
	[sflag:s7] =	ssyncadd.s32 $0xFFFFFFB0;
	s1 =	sadd.s32 s0, s1  }
0x1b: {  	[tilespmem:s4], [sflag:$0x3] =	stream.linear.gather [hbm4b:s1+s2], $0x50, $0x38;
	[tilespmem:$0xA100] =	vst v63  }
0x1c: {  	_ =	swait.ge [sflag:s7], $0x50  }
0x1d: {  	[sflag:s7] =	ssyncset.done $0x0  }
0x1e: {  	[sflag:s7] =	ssyncadd.s32 $0xFFFFFFB0  }
0x1f: {  	v3 =	vld [tilespmem:$0x0];
	_ =	sdelay $0x4  }
0x20: {  	v4 =	vshll.u32 v3, $0x1  }
0x21: {  	v3 =	vand.u32 $0x7, v3;
	v4 =	vand.u32 $0xFFFFFFF0, v4  }
0x22: {  	v3 =	vor.u32 v3, v4  }
0x23: {  	v4 =	vperm.xlane v3, v0;
	_ =	sdelay $0x1  }
0x24: {  	v3 =	vperm.xlane v3, v2;
	v4 =	vadd.s32 v1, v4;
	_ =	sdelay $0x1  }
0x25: {  	v3 =	vadd.s32 v1, v3;
	_ =	sdelay $0x2  }
0x26: {  	[tilespmem:s8], [sflag:$0x1] =	stream.indirect_vreg.gather [hbm4b:s3+s2], $0x80, v4, vm0, $0xb8;
	[tilespmem:$0xA100] =	vst v63  }
0x27: {  	s4 =	rddreg [dreg:$0x5]  }
0x28: {  	[tilespmem:s4], [sflag:$0x1] =	stream.indirect_vreg.gather [hbm4b:s3+s2], $0x80, v3, vm0, $0xb8;
	[tilespmem:$0xA100] =	vst v63  }
0x29: {  	v3 =	vld [tilespmem:$0x10];
	_ =	sdelay $0x4  }
0x2a: {  	v55 =	vshll.u32 v3, $0x1  }
0x2b: {  	v3 =	vand.u32 $0x7, v3;
	v4 =	vand.u32 $0xFFFFFFF0, v55  }
0x2c: {  	v3 =	vor.u32 v3, v4  }
0x2d: {  	v4 =	vperm.xlane v3, v0;
	_ =	sdelay $0x1  }
0x2e: {  	v3 =	vperm.xlane v3, v2;
	v4 =	vadd.s32 v1, v4;
	_ =	sdelay $0x1  }
0x2f: {  	v3 =	vadd.s32 v1, v3;
	_ =	sdelay $0x1  }
0x30: {  	s4 =	rddreg [dreg:$0x6]  }
0x31: {  	[tilespmem:s4], [sflag:$0x1] =	stream.indirect_vreg.gather [hbm4b:s3+s2], $0x80, v4, vm0, $0xb8;
	[tilespmem:$0xA100] =	vst v63  }
0x32: {  	_ = 	snop  }
0x33: {  	[tilespmem:s9], [sflag:$0x1] =	stream.indirect_vreg.gather [hbm4b:s3+s2], $0x80, v3, vm0, $0xb8;
	[tilespmem:$0xA100] =	vst v63  }
0x34: {  	v3 =	vld [tilespmem:$0x20];
	_ =	sdelay $0x4  }
0x35: {  	v56 =	vshll.u32 v3, $0x1  }
0x36: {  	v3 =	vand.u32 $0x7, v3;
	v4 =	vand.u32 $0xFFFFFFF0, v56  }
0x37: {  	v3 =	vor.u32 v3, v4  }
0x38: {  	v4 =	vperm.xlane v3, v0;
	_ =	sdelay $0x1  }
0x39: {  	v3 =	vperm.xlane v3, v2;
	v4 =	vadd.s32 v1, v4;
	_ =	sdelay $0x1  }
0x3a: {  	v3 =	vadd.s32 v1, v3;
	_ =	sdelay $0x2  }
0x3b: {  	[tilespmem:s10], [sflag:$0x1] =	stream.indirect_vreg.gather [hbm4b:s3+s2], $0x80, v4, vm0, $0xb8;
	[tilespmem:$0xA100] =	vst v63  }
0x3c: {  	_ = 	snop  }
0x3d: {  	[tilespmem:s11], [sflag:$0x1] =	stream.indirect_vreg.gather [hbm4b:s3+s2], $0x80, v3, vm0, $0xb8;
	[tilespmem:$0xA100] =	vst v63  }
0x3e: {  	v3 =	vld [tilespmem:$0x30];
	_ =	sdelay $0x4  }
0x3f: {  	v57 =	vshll.u32 v3, $0x1  }
0x40: {  	v3 =	vand.u32 $0x7, v3;
	v4 =	vand.u32 $0xFFFFFFF0, v57  }
0x41: {  	v3 =	vor.u32 v3, v4  }
0x42: {  	v4 =	vperm.xlane v3, v0;
	_ =	sdelay $0x1  }
0x43: {  	v3 =	vperm.xlane v3, v2;
	v4 =	vadd.s32 v1, v4;
	_ =	sdelay $0x1  }
0x44: {  	v3 =	vadd.s32 v1, v3;
	_ =	sdelay $0x2  }
0x45: {  	[tilespmem:s12], [sflag:$0x1] =	stream.indirect_vreg.gather [hbm4b:s3+s2], $0x80, v4, vm0, $0xb8;
	[tilespmem:$0xA100] =	vst v63  }
0x46: {  	_ = 	snop  }
0x47: {  	[tilespmem:s13], [sflag:$0x1] =	stream.indirect_vreg.gather [hbm4b:s3+s2], $0x80, v3, vm0, $0xb8;
	[tilespmem:$0xA100] =	vst v63  }
0x48: {  	v3 =	vld [tilespmem:$0x40];
	_ =	sdelay $0x4  }
0x49: {  	v58 =	vshll.u32 v3, $0x1  }
0x4a: {  	v3 =	vand.u32 $0x7, v3;
	v4 =	vand.u32 $0xFFFFFFF0, v58  }
0x4b: {  	v3 =	vor.u32 v3, v4  }
0x4c: {  	v4 =	vperm.xlane v3, v0;
	_ =	sdelay $0x1  }
0x4d: {  	v3 =	vperm.xlane v3, v2;
	v4 =	vadd.s32 v1, v4;
	_ =	sdelay $0x1  }
0x4e: {  	v3 =	vadd.s32 v1, v3;
	_ =	sdelay $0x2  }
0x4f: {  	[tilespmem:s14], [sflag:$0x1] =	stream.indirect_vreg.gather [hbm4b:s3+s2], $0x80, v4, vm0, $0xb8;
	[tilespmem:$0xA100] =	vst v63  }
0x50: {  	_ = 	snop  }
0x51: {  	[tilespmem:s15], [sflag:$0x1] =	stream.indirect_vreg.gather [hbm4b:s3+s2], $0x80, v3, vm0, $0xb8;
	[tilespmem:$0xA100] =	vst v63  }
0x52: {  	v3 =	vld [tilespmem:$0x80];
	_ =	sdelay $0x4  }
0x53: {  	v59 =	vshll.u32 v3, $0x1  }
0x54: {  	v3 =	vand.u32 $0x7, v3;
	v4 =	vand.u32 $0xFFFFFFF0, v59  }
0x55: {  	v3 =	vor.u32 v3, v4  }
0x56: {  	v4 =	vperm.xlane v3, v0;
	_ =	sdelay $0x1  }
0x57: {  	v3 =	vperm.xlane v3, v2;
	v4 =	vadd.s32 v1, v4;
	_ =	sdelay $0x1  }
0x58: {  	v3 =	vadd.s32 v1, v3;
	_ =	sdelay $0x2  }
0x59: {  	[tilespmem:s16], [sflag:$0x2] =	stream.indirect_vreg.gather [hbm4b:s3+s2], $0x80, v4, vm0, $0xb8;
	[tilespmem:$0xA100] =	vst v63  }
0x5a: {  	_ = 	snop  }
0x5b: {  	[tilespmem:s17], [sflag:$0x2] =	stream.indirect_vreg.gather [hbm4b:s3+s2], $0x80, v3, vm0, $0xb8;
	[tilespmem:$0xA100] =	vst v63  }
0x5c: {  	v3 =	vld [tilespmem:$0x90];
	_ =	sdelay $0x4  }
0x5d: {  	v60 =	vshll.u32 v3, $0x1  }
0x5e: {  	v3 =	vand.u32 $0x7, v3;
	v4 =	vand.u32 $0xFFFFFFF0, v60  }
0x5f: {  	v3 =	vor.u32 v3, v4  }
0x60: {  	v4 =	vperm.xlane v3, v0;
	_ =	sdelay $0x1  }
0x61: {  	v3 =	vperm.xlane v3, v2;
	v4 =	vadd.s32 v1, v4;
	_ =	sdelay $0x1  }
0x62: {  	v3 =	vadd.s32 v1, v3;
	_ =	sdelay $0x2  }
0x63: {  	[tilespmem:s18], [sflag:$0x2] =	stream.indirect_vreg.gather [hbm4b:s3+s2], $0x80, v4, vm0, $0xb8;
	[tilespmem:$0xA100] =	vst v63  }
0x64: {  	_ = 	snop  }
0x65: {  	[tilespmem:s19], [sflag:$0x2] =	stream.indirect_vreg.gather [hbm4b:s3+s2], $0x80, v3, vm0, $0xb8;
	[tilespmem:$0xA100] =	vst v63  }
0x66: {  	v3 =	vld [tilespmem:$0xA0];
	_ =	sdelay $0x4  }
0x67: {  	v61 =	vshll.u32 v3, $0x1  }
0x68: {  	v3 =	vand.u32 $0x7, v3;
	v4 =	vand.u32 $0xFFFFFFF0, v61  }
0x69: {  	v3 =	vor.u32 v3, v4  }
0x6a: {  	v4 =	vperm.xlane v3, v0;
	_ =	sdelay $0x1  }
0x6b: {  	v3 =	vperm.xlane v3, v2;
	v4 =	vadd.s32 v1, v4;
	_ =	sdelay $0x1  }
0x6c: {  	v3 =	vadd.s32 v1, v3;
	_ =	sdelay $0x2  }
0x6d: {  	[tilespmem:s20], [sflag:$0x2] =	stream.indirect_vreg.gather [hbm4b:s3+s2], $0x80, v4, vm0, $0xb8;
	[tilespmem:$0xA100] =	vst v63  }
0x6e: {  	_ = 	snop  }
0x6f: {  	[tilespmem:s21], [sflag:$0x2] =	stream.indirect_vreg.gather [hbm4b:s3+s2], $0x80, v3, vm0, $0xb8;
	[tilespmem:$0xA100] =	vst v63  }
0x70: {  	v3 =	vld [tilespmem:$0xB0];
	_ =	sdelay $0x4  }
0x71: {  	v62 =	vshll.u32 v3, $0x1  }
0x72: {  	v3 =	vand.u32 $0x7, v3;
	v4 =	vand.u32 $0xFFFFFFF0, v62  }
0x73: {  	v3 =	vor.u32 v3, v4  }
0x74: {  	v4 =	vperm.xlane v3, v0;
	_ =	sdelay $0x1  }
0x75: {  	v3 =	vperm.xlane v3, v2;
	v4 =	vadd.s32 v1, v4;
	_ =	sdelay $0x1  }
0x76: {  	v3 =	vadd.s32 v1, v3;
	_ =	sdelay $0x2  }
0x77: {  	[tilespmem:s22], [sflag:$0x2] =	stream.indirect_vreg.gather [hbm4b:s3+s2], $0x80, v4, vm0, $0xb8;
	[tilespmem:$0xA100] =	vst v63  }
0x78: {  	_ = 	snop  }
0x79: {  	[tilespmem:s23], [sflag:$0x2] =	stream.indirect_vreg.gather [hbm4b:s3+s2], $0x80, v3, vm0, $0xb8;
	[tilespmem:$0xA100] =	vst v63  }
0x7a: {  	v3 =	vld [tilespmem:$0xC0];
	_ =	sdelay $0x4  }
0x7b: {  	v63 =	vshll.u32 v3, $0x1  }
0x7c: {  	v3 =	vand.u32 $0x7, v3;
	v4 =	vand.u32 $0xFFFFFFF0, v63  }
0x7d: {  	v3 =	vor.u32 v3, v4  }
0x7e: {  	v4 =	vperm.xlane v3, v0;
	_ =	sdelay $0x1  }
0x7f: {  	v3 =	vperm.xlane v3, v2;
	v4 =	vadd.s32 v1, v4;
	_ =	sdelay $0x1  }
0x80: {  	v3 =	vadd.s32 v1, v3;
	_ =	sdelay $0x2  }
0x81: {  	[tilespmem:s24], [sflag:$0x2] =	stream.indirect_vreg.gather [hbm4b:s3+s2], $0x80, v4, vm0, $0xb8;
	[tilespmem:$0xA100] =	vst v63  }
0x82: {  	_ = 	snop  }
0x83: {  	[tilespmem:s25], [sflag:$0x2] =	stream.indirect_vreg.gather [hbm4b:s3+s2], $0x80, v3, vm0, $0xb8;
	[tilespmem:$0xA100] =	vst v63  }
0x84: {  	_ =	swait.ge [sflag:s26], $0x5000  }
0x85: {  	[sflag:s26] =	ssyncset.done $0x0  }
0x86: {  	[sflag:s26] =	ssyncadd.s32 $0xFFFFB000  }
0x87: {  	[hbm4b:s31+s2] =	stream.linear.scatter [tilespmem:s8], [sflag:$0x3], $0x5000, $0x38;
	[tilespmem:$0xA100] =	vst v63  }
0x88: {  	_ =	swait.ge [sflag:s7], $0x5000  }
0x89: {  	[sflag:s7] =	ssyncset.done $0x0  }
0x8a: {  	[sflag:s7] =	ssyncadd.s32 $0xFFFFB000  }
0x8b: {  	_ =	swait.ge [sflag:s28], $0x5000  }
0x8c: {  	p0 =	sne.s32 s0, $0x4D8;
	[sflag:s28] =	ssyncset.done $0x0  }
.Ltmp0:
0x8d: {  	[sflag:s28] =	ssyncadd.s32 $0xFFFFB000;
	(pc) =	sbr.rel @p0 .LBB2_2-.Ltmp0, $4  }
0x8e: {  	[hbm4b:s30+s2] =	stream.linear.scatter [tilespmem:s16], [sflag:$0x3], $0x5000, $0x38;
	[tilespmem:$0xA100] =	vst v63  }
0x8f: {  	_ =	swait.ge [sflag:s7], $0x5000  }
0x90: {  	s0 =	sadd.s32 $0xA, s0;
	[sflag:s7] =	ssyncset.done $0x0  }
0x91: {  	s31 =	sadd.s32 $0xA00, s31;
	s30 =	sadd.s32 $0xA00, s30;
	[sflag:s7] =	ssyncadd.s32 $0xFFFFB000  }
0x92: {  	s29 =	sadd.s32 $0x1, s29;
	s0 =	rddreg [dreg:$0x7]  }
0x93: {  	p0 =	sne.s32 s29, s0  }
.Ltmp1:
0x94: {  	_ = 	snop;
	(pc) =	sbr.rel @p0 .LBB2_1-.Ltmp1, $1  }
0x95: {  	_ =	sdelay $0x3  }
0x96: {  	_ =	sfence.sel $0x180000  }
0x97: {  	[bflag:$0x0] =	sbarrier.arrive $0xFFFF  }
0x98: {  	_ =	strace $0x90000047  }
0x99: {  	s0 =	stileid.u32;
	[bflag:$0x2] =	sbarrier.arrive $0xFFFF  }
0x9a: {  	p0 =	sne.s32 s0, $0x0;
	s0 =	rddreg [dreg:$0x1]  }
0x9b: {  	s0 =	sadd.s32 @!p0 $0x100000, s0  }
0x9c: {  	[sflag:s0] =	ssyncadd.tile.s32 @!p0 $0x1;
	_ =	shalt  }
.Lfunc_end2:
_tile_overlayer_lowered:
.L_overlay_start_2:
0x9d: {  	(tag) =	ssettag $0x2  }
0x9e: {  	s0 =	rddreg [dreg:$0x0];
	s2 =	stileid.u32  }
0x9f: {  	s1 =	rddreg [dreg:$0x1];
	p0 =	sne.s32 s2, $0x0  }
0xa0: {  	s3 =	rddreg [dreg:$0x2];
	[bflag:$0x3] =	sbarrier.arrive $0xFFFF;
	s2 =	simm.s32 @!p0 $0x1C03  }
0xa1: {  	[timem:s3], [sflag:s2] =	dma.local @!p0 [hbm:s0], s1  }
0xa2: {  	s0 =	simm.s32 @!p0 $0x3  }
0xa3: {  	_ =	swait.ge @!p0 [sflag:s0], s1  }
0xa4: {  	s1 =	ssub.s32 @!p0 $0x0, s1;
	[sflag:s0] =	ssyncset.done @!p0 $0x0  }
0xa5: {  	[sflag:s0] =	ssyncadd.s32 @!p0 s1  }
0xa6: {  	[bflag:$0x3] =	sbarrier.arrive $0xFFFF  }
0xa7: {  	_ =	shalt  }

// kernel: kernel.23.cloned.1.call-start
scs
__scs_entry_jumppad:
0x0: {  	(pc) =	sbr.rel $0x88, $3  }
0x1: {  	(tag) =	ssettag $0x0;
	lr =	simm.s32 $0x1  }
0x2: {  	[smem:$0x3F8D] =	sst lr;
	_ =	strace $0xD0000000  }
0x3: {  	_ = 	snop  }
0x4: {  	_ = 	snop  }
0x5: {  	_ = 	snop  }
0x6: {  	_ = 	snop  }
0x7: {  	_ = 	snop  }
__scs_overlays_trampoline_lowered:
0x8: {  	[smem:$0x3F9C] =	sst s0  }
0x9: {  	[smem:$0x3F9D] =	sst s1  }
0xa: {  	[smem:$0x3F9E] =	sst s2  }
0xb: {  	[smem:$0x3F9F] =	sst s3  }
0xc: {  	[smem:$0x3FA0] =	sst s4  }
0xd: {  	[smem:$0x3FA1] =	sst s5  }
0xe: {  	[smem:$0x3FA2] =	sst s6  }
0xf: {  	[smem:$0x3FA3] =	sst s7  }
0x10: {  	[smem:$0x3FA4] =	sst s8  }
0x11: {  	[smem:$0x3FA5] =	sst s9;
	s0 =	simm.s32 @!p0 $0x0  }
0x12: {  	s1 =	sld [smem:$0x3F8B];
	s0 =	simm.s32 @p0 $0x1  }
0x13: {  	[smem:$0x3FA6] =	sst s0;
	s0 =	simm.s32 @!p1 $0x0  }
0x14: {  	s2 =	sld [smem:$0x3F8A];
	s0 =	simm.s32 @p1 $0x1  }
0x15: {  	[smem:$0x3FA7] =	sst s0;
	s0 =	simm.s32 @!p2 $0x0  }
0x16: {  	s3 =	sld [smem:$0x3FDB];
	s0 =	simm.s32 @p2 $0x1  }
0x17: {  	s4 =	simm.s32 $0x1BF5;
	[smem:$0x3FA9] =	sst s0  }
0x18: {  	s0 =	sld [smem:$0x3F8C];
	_ =	swait.ge [sflag:s4], $0x0  }
0x19: {  	s7 =	sld [smem:$0x3F8D]  }
0x1a: {  	s8 =	sadd.s32 $0xFFFFE003, lr  }
0x1b: {  	s9 =	sadd.s32 $0xFFFFFEF7, lr;
	s5 =	simm.s32 $0xFFFFFFFF;
	p2 =	slt.u32 s8, $0xFFFFF086  }
0x1c: {  	p1 =	slt.u32 s9, $0xF7A;
	s5 =	simm.s32 @!p2 $0x0  }
0x1d: {  	s5 =	simm.s32 @p1 $0x1;
	p0 =	seq.s32 s7, s2  }
0x1e: {  	s7 =	smul.u32 @!p0 $0xF7A, s2;
	p2 =	seq.s32 @!p0 s5, $0x0  }
0x1f: {  	s9 =	smul.u32 $0xF7A, s1;
	s8 =	simm.s32 @!p0 $0x1BF5;
	p2 =	por !p2, p0  }
0x20: {  	[sflag:s8] =	ssyncset.s32 @!p0 $0xFFFFF086;
	s6 =	sadd.s32 @!p0 s3, s7;
	s7 =	simm.s32 @!p0 $0x108  }
0x21: {  	s3 =	sadd.s32 s3, s9;
	s6 =	sadd.s32 @!p0 $0x88, s6;
	s7 =	simm.s32 @p2 $0x1082  }
0x22: {  	[simem:s7], [sflag:s8] =	dma.local @!p0 [hbm:s6], $0xF7A  }
0x23: {  	s9 =	sor.u32 $0xD0000000, s2;
	s6 =	simm.s32 $0x108;
	_ =	swait.ge @!p0 [sflag:s8], $0x0  }
0x24: {  	s3 =	sadd.s32 $0x88, s3;
	s6 =	simm.s32 @!p1 $0x1082;
	[sflag:s4] =	ssyncset.s32 $0xFFFFF086  }
0x25: {  	[simem:s6], [sflag:s4] =	dma.local [hbm:s3], $0xF7A  }
0x26: {  	[smem:$0x3F8D] =	sst s1;
	(tag) =	ssettag s2;
	_ =	strace s9  }
0x27: {  	s1 =	sld [smem:$0x3F9D]  }
0x28: {  	s2 =	sld [smem:$0x3F9E]  }
0x29: {  	s4 =	sld [smem:$0x3FA0]  }
0x2a: {  	p0 =	seq.s32 s5, $0x0;
	s5 =	sld [smem:$0x3FA1]  }
0x2b: {  	s6 =	sld [smem:$0x3FA2]  }
0x2c: {  	s7 =	sld [smem:$0x3FA3]  }
0x2d: {  	s3 =	simm.s32 $0x108;
	s8 =	sld [smem:$0x3FA4]  }
0x2e: {  	s3 =	simm.s32 @!p0 $0x1082;
	s9 =	sld [smem:$0x3FA5]  }
0x2f: {  	lr =	sadd.s32 s0, s3;
	s0 =	sld [smem:$0x3F9C]  }
0x30: {  	s3 =	sld [smem:$0x3F9F]  }
0x31: {  	[smem:$0x3FA8] =	sst s10  }
0x32: {  	s10 =	sld [smem:$0x3FA6];
	_ =	sdelay $0x3  }
0x33: {  	p0 =	seq.s32 s10, $0x1;
	s10 =	sld [smem:$0x3FA8];
	_ =	sdelay $0x3  }
0x34: {  	[smem:$0x3FA8] =	sst s10  }
0x35: {  	s10 =	sld [smem:$0x3FA7];
	_ =	sdelay $0x3  }
0x36: {  	p1 =	seq.s32 s10, $0x1;
	s10 =	sld [smem:$0x3FA8];
	_ =	sdelay $0x3  }
0x37: {  	[smem:$0x3FA8] =	sst s10  }
0x38: {  	s10 =	sld [smem:$0x3FA9]  }
0x39: {  	_ = 	snop;
	(pc) =	sbr.ind lr, $3  }
0x3a: {  	_ = 	snop  }
0x3b: {  	_ = 	snop  }
0x3c: {  	p2 =	seq.s32 s10, $0x1;
	s10 =	sld [smem:$0x3FA8]  }
0x3d: {  	_ =	shalt  }
0x3e: {  	_ =	shalt  }
0x3f: {  	_ =	shalt  }
0x40: {  	_ =	shalt  }
0x41: {  	_ =	shalt  }
0x42: {  	_ =	shalt  }
0x43: {  	_ =	shalt  }
0x44: {  	_ =	shalt  }
0x45: {  	_ =	shalt  }
0x46: {  	_ =	shalt  }
0x47: {  	_ =	shalt  }
0x48: {  	_ =	shalt  }
0x49: {  	_ =	shalt  }
0x4a: {  	_ =	shalt  }
0x4b: {  	_ =	shalt  }
0x4c: {  	_ =	shalt  }
0x4d: {  	_ =	shalt  }
0x4e: {  	_ =	shalt  }
0x4f: {  	_ =	shalt  }
0x50: {  	_ =	shalt  }
0x51: {  	_ =	shalt  }
0x52: {  	_ =	shalt  }
0x53: {  	_ =	shalt  }
0x54: {  	_ =	shalt  }
0x55: {  	_ =	shalt  }
0x56: {  	_ =	shalt  }
0x57: {  	_ =	shalt  }
0x58: {  	_ =	shalt  }
0x59: {  	_ =	shalt  }
0x5a: {  	_ =	shalt  }
0x5b: {  	_ =	shalt  }
0x5c: {  	_ =	shalt  }
0x5d: {  	_ =	shalt  }
0x5e: {  	_ =	shalt  }
0x5f: {  	_ =	shalt  }
0x60: {  	_ =	shalt  }
0x61: {  	_ =	shalt  }
0x62: {  	_ =	shalt  }
0x63: {  	_ =	shalt  }
0x64: {  	_ =	shalt  }
0x65: {  	_ =	shalt  }
0x66: {  	_ =	shalt  }
0x67: {  	_ =	shalt  }
0x68: {  	_ =	shalt  }
0x69: {  	_ =	shalt  }
0x6a: {  	_ =	shalt  }
0x6b: {  	_ =	shalt  }
0x6c: {  	_ =	shalt  }
0x6d: {  	_ =	shalt  }
0x6e: {  	_ =	shalt  }
0x6f: {  	_ =	shalt  }
0x70: {  	_ =	shalt  }
0x71: {  	_ =	shalt  }
0x72: {  	_ =	shalt  }
0x73: {  	_ =	shalt  }
0x74: {  	_ =	shalt  }
0x75: {  	_ =	shalt  }
0x76: {  	_ =	shalt  }
0x77: {  	_ =	shalt  }
0x78: {  	_ =	shalt  }
0x79: {  	_ =	shalt  }
0x7a: {  	_ =	shalt  }
0x7b: {  	_ =	shalt  }
0x7c: {  	_ =	shalt  }
0x7d: {  	_ =	shalt  }
0x7e: {  	_ =	shalt  }
0x7f: {  	_ =	shalt  }
0x80: {  	_ =	shalt  }
0x81: {  	_ =	shalt  }
0x82: {  	_ =	shalt  }
0x83: {  	_ =	shalt  }
0x84: {  	_ =	shalt  }
0x85: {  	_ =	shalt  }
0x86: {  	_ =	shalt  }
0x87: {  	_ =	shalt  }
.Lfunc_end0:
.L_simem_size_0:
called_computation.1_lowered:
.L_overlay_start_0:
0x88: {  	s2 =	sld [smem:$0x3FD9]  }
0x89: {  	s3 =	sld [smem:$0x3FFE];
	_ =	sdelay $0x1  }
0x8a: {  	s1 =	srdreg.scid  }
0x8b: {  	s0 =	sand.u32 $0x1, s1  }
0x8c: {  	s14 =	sshll.u32 s0, $0xA;
	s2 =	sadd.s32 s3, s2  }
0x8d: {  	s2 =	sadd.s32 s2, s14  }
0x8e: {  	[smem:$0x3FB4] =	sst s2  }
0x8f: {  	_ = 	snop  }
0x90: {  	s2 =	sld [smem:$0x3FD0];
	_ =	sdelay $0x2  }
0x91: {  	s15 =	simm.s32 $0xA;
	s4 =	simm.s32 $0x10  }
0x92: {  	[smem:s4], [sflag:s15] =	dma.local [hbm:s2], $0x1  }
0x93: {  	_ =	swait.eq [sflag:s15], $0x1  }
0x94: {  	[sflag:s15] =	ssyncset.done $0x0  }
0x95: {  	[sflag:s15] =	ssyncadd.s32 $0xFFFFFFFF  }
0x96: {  	s16 =	sld [smem:$0x10];
	(tm) =	ssettm $0x1  }
0x97: {  	s17 =	sld [smem:$0x3FFB];
	_ =	sdelay $0x3  }
0x98: {  	_ =	strace s17  }
0x99: {  	s3 =	sld [smem:$0x3FFC];
	_ =	sdelay $0x3  }
0x9a: {  	_ =	strace s3  }
0x9b: {  	s3 =	sld [smem:$0x3FFD];
	_ =	sdelay $0x3  }
0x9c: {  	_ =	strace s3  }
0x9d: {  	_ =	strace $0x8FFFFFFF  }
0x9e: {  	s18 =	sld [smem:$0x3FDB];
	_ =	sdelay $0x1  }
0x9f: {  	s19 =	simm.s32 $_scs_section_size  }
0xa0: {  	s5 =	simm.s32 $_size__tile_overlayer_lowered;
	s6 =	simm.s32 $_tile_overlayer_lowered  }
0xa1: {  	s22 =	simm.s32 $0x1BFF;
	s21 =	sshll.u32 s6, $0x1;
	s3 =	sadd.s32 s19, s18  }
0xa2: {  	s7 =	simm.s32 $0x0;
	s20 =	sshll.u32 s5, $0x1;
	s5 =	sadd.s32 s21, s3  }
0xa3: {  	[timem:s7], [sflag:s22] =	dma.local [hbm:s5], s20  }
0xa4: {  	_ =	swait.ge [sflag:s22], s20  }
0xa5: {  	s4 =	ssub.s32 $0x0, s20;
	[sflag:s22] =	ssyncset.done $0x0  }
0xa6: {  	[sflag:s22] =	ssyncadd.s32 s4;
	_ =	sdelay $0x1  }
0xa7: {  	s23 =	simm.s32 $0x1B8B  }
0xa8: {  	_ =	swait.ge [sflag:s23], $0x1  }
0xa9: {  	[sflag:s23] =	ssyncset.done $0x0  }
0xaa: {  	s25 =	simm.s32 $0x1B8E;
	s24 =	sld [smem:$0x3FFE];
	[sflag:s23] =	ssyncadd.s32 $0xFFFFFFFF  }
0xab: {  	s26 =	simm.s32 $execute0_lowered;
	[smem:$0x3FD2] =	sst s25  }
0xac: {  	s5 =	sshll.u32 s26, $0x1;
	_ =	strace $0x80000049;
	[dreg:$0x1] =	wrdreg $0xFFFFFFFF  }
0xad: {  	s28 =	simm.s32 $_size_execute0_lowered;
	s3 =	sadd.s32 s3, s5;
	[dreg:$0x0] =	wrdreg $0x0  }
0xae: {  	s5 =	sshll.u32 s28, $0x1;
	[dreg:$0x2] =	wrdreg s3  }
0xaf: {  	[dreg:$0x3] =	wrdreg s5  }
0xb0: {  	[dreg:$0x4] =	wrdreg $0xC0  }
0xb1: {  	_ =	task [dreg:s7], $0x5FFFF  }
0xb2: {  	[dreg:$0x1] =	wrdreg $0xFFFFFFFF  }
0xb3: {  	[dreg:$0x0] =	wrdreg $0x60  }
0xb4: {  	[dreg:$0x2] =	wrdreg s24  }
0xb5: {  	[dreg:$0x3] =	wrdreg s16  }
0xb6: {  	[dreg:$0x4] =	wrdreg $0x28800  }
0xb7: {  	[dreg:$0x5] =	wrdreg $0x9  }
0xb8: {  	_ =	task.clear_ibuf [dreg:s7], $0x6FFFF;
	_ =	strace $0x90000049  }
0xb9: {  	s29 =	simm.s32 $0x9;
	_ =	strace $0x8000004B  }
0xba: {  	_ =	swait.ge [sflag:s29], $0x1  }
0xbb: {  	[sflag:s29] =	ssyncadd.s32 $0xFFFFFFFF  }
0xbc: {  	_ =	strace $0x9000004B  }
0xbd: {  	_ =	sfence  }
0xbe: {  	s30 =	sld [smem:$0x0];
	_ =	sdelay $0x2  }
0xbf: {  	s31 =	sshll.u32 s1, $0xD;
	s1 =	sshrl.u32 s1, $0x2  }
0xc0: {  	s3 =	sand.u32 $0x4000, s31;
	s1 =	sadd.s32 s1, s30  }
0xc1: {  	s0 =	sor.u32 s3, s0;
	s1 =	sshll.u32 s1, $0x11  }
0xc2: {  	s0 =	sor.u32 s1, s0  }
0xc3: {  	s0 =	sadd.s32 $0x8F2B, s0  }
0xc4: {  	[sflag:s0] =	ssyncadd.remote.s32 $0x1  }
0xc5: {  	_ =	sfence.sel $0xFFFF  }
0xc6: {  	[dreg:$0x0] =	wrdreg $0xFFFFFFFF;
	(pc) =	sbr.abs _section_cstart, $3  }
0xc7: {  	[dreg:$0x1] =	wrdreg $0xFFFFFFFF  }
0xc8: {  	_ =	task.clear_ibuf [dreg:s7], $0x2FFFF;
	_ =	strace $0x9FFFFFFF  }
0xc9: {  	(tm) =	ssettm $0x7FFFFFFF  }
tec
execute0_lowered:
.L_overlay_start_1:
0x0: {  	(tag) =	ssettag $0x1  }
0x1: {  	s7 =	rddreg [dreg:$0x0]  }
0x2: {  	s0 =	stileid.u32;
	s11 =	rddreg [dreg:$0x1]  }
0x3: {  	s1 =	srdreg.scid;
	s2 =	rddreg [dreg:$0x2]  }
0x4: {  	s3 =	simm.s32 $0x0;
	s21 =	simm.s32 $0x1;
	s4 =	smul.u32 $0x4E20, s0  }
0x5: {  	s23 =	simm.s32 $0x80;
	s24 =	simm.s32 $0x50;
	s6 =	smul.u32 $0x4E200, s0  }
0x6: {  	s25 =	sand.u32 $0x1, s1;
	s1 =	rddreg [dreg:$0x3];
	s8 =	smul.u32 $0x4E000, s0  }
0x7: {  	[smem:$0x7FF] =	sst s3;
	s15 =	smul.u32 $0x2700, s0;
	s31 =	sshll.u32 s0, $0x6  }
0x8: {  	p0 =	sne.s32 s0, $0xF;
	p2 =	seq.s32 s0, $0xF;
	s5 =	smul.u32 $0x2710, s25  }
0x9: {  	_ =	strace $0x8000004A;
	s9 =	ssub.s32 $0x2, s25;
	s16 =	smul.u32 $0x27100, s25  }
0xa: {  	p1 =	sne.s32 s25, $0x0;
	s25 =	simm.s32 $0x0;
	s14 =	sadd.s32 s6, s7  }
0xb: {  	s6 =	sadd.s32 $0xBEE00, s7;
	s10 =	sshrl.u32 s9, $0x1;
	s8 =	sshrl.u32 s8, $0x2  }
0xc: {  	s4 =	sadd.s32 s5, s4;
	s5 =	sadd.s32 $0x97C00, s7;
	s17 =	ssub.s32 s9, s10  }
0xd: {  	s20 =	sadd.s32 s8, s2;
	s8 =	sadd.s32 s11, s15;
	s9 =	sor.u32 $0x1C01, s31  }
0xe: {  	s10 =	sadd.s32 $0x138000, s2;
	s11 =	sadd.s32 $0x27000, s11;
	s19 =	sadd.s32 s16, s14  }
.Ltmp0:
0xf: {  	s4 =	sshrl.u32 s4, $0x3;
	s12 =	sadd.s32 s5, s15;
	(pc) =	sbr.rel .LBB2_1-.Ltmp0, $4  }
0x10: {  	s16 =	sadd.s32 $0x13FF600, s19;
	s17 =	smax.u32 s17, $0x1;
	s19 =	sadd.s32 $0x18E1600, s19  }
0x11: {  	s20 =	sshrl.u32 s20, $0x3;
	s18 =	sadd.s32 s4, s7;
	s4 =	sadd.s32 $0x70A00, s7  }
0x12: {  	s22 =	sshrl.u32 @!p0 s10, $0x3;
	s7 =	sadd.s32 $0xE6000, s7;
	s13 =	sadd.s32 s4, s15  }
0x13: {  	s14 =	sadd.s32 s7, s15;
	s15 =	sadd.s32 s6, s15;
	s18 =	sadd.s32 $0x18A00, s18  }
.LBB2_14:
0x14: {  	s26 =	sadd.s32 $0x27000, s26;
	s28 =	sshrl.u32 s10, $0x3  }
0x15: {  	[hbm:s26], [sflag:s9] =	dma.local [spmem:s28], $0x100  }
0x16: {  	_ =	swait.ge [sflag:s21], $0x100  }
0x17: {  	[sflag:s21] =	ssyncset.done $0x0  }
0x18: {  	[sflag:s21] =	ssyncadd.s32 $0xFFFFFF00  }
.LBB2_15:
0x19: {  	s25 =	sadd.s32 $0x1, s25  }
0x1a: {  	p3 =	sne.s32 s25, s17  }
.Ltmp1:
0x1b: {  	_ = 	snop;
	(pc) =	sbr.rel @!p3 .LBB2_16-.Ltmp1, $1  }
0x1c: {  	_ =	sdelay $0x3  }
.LBB2_1:
0x1d: {  	[spmem:s20], [sflag:s9] =	dma.local [hbm:s8], $0x2700  }
0x1e: {  	_ =	swait.ge [sflag:s21], $0x2700  }
0x1f: {  	[sflag:s21] =	ssyncset.done $0x0  }
0x20: {  	s26 =	simm.s32 @!p0 $0x1;
	[sflag:s21] =	ssyncadd.s32 $0xFFFFD900  }
0x21: {  	[spmem:s22], [sflag:s9] =	dma.local @!p0 [hbm:s11], $0x100  }
0x22: {  	_ =	swait.ge @!p0 [sflag:s26], $0x100  }
0x23: {  	[sflag:s26] =	ssyncset.done @!p0 $0x0  }
0x24: {  	[sflag:s26] =	ssyncadd.s32 @!p0 $0xFFFFFF00  }
0x25: {  	s31 =	sadd.s32 $0x0, s18;
	[bflag:$0x0] =	sbarrier.arrive $0xFFFF  }
0x26: {  	[tilespmem:s3], [sflag:$0x1] =	stream.linear.gather [hbm4b:s31+s3], $0x50, $0x38;
	[tilespmem:$0x16100] =	vst v63  }
0x27: {  	_ =	swait.ge [sflag:s21], $0x50  }
0x28: {  	[sflag:s21] =	ssyncset.done $0x0  }
0x29: {  	[sflag:s21] =	ssyncadd.s32 $0xFFFFFFB0  }
0x2a: {  	[tilespmem:s23], [sflag:$0x1] =	stream.linear.gather [hbm4b:s16+s3], $0x2800, $0x38;
	[tilespmem:$0x16100] =	vst v63  }
0x2b: {  	_ =	swait.ge [sflag:s21], $0x2800  }
0x2c: {  	[sflag:s21] =	ssyncset.done $0x0  }
0x2d: {  	[sflag:s21] =	ssyncadd.s32 $0xFFFFD800  }
0x2e: {  	[spmem:s2] =	stream.indirect.scatter.add.f32 [tilespmem:s23], [sflag:$0x1], $0x80, s3, s24, $0xb8;
	[tilespmem:$0x16100] =	vst v63  }
0x2f: {  	s28 =	simm.s32 $0xA;
	_ =	swait.ge [sflag:s21], $0x2800  }
0x30: {  	s29 =	simm.s32 $0x14;
	s26 =	sadd.s32 $0x500, s16;
	[sflag:s21] =	ssyncset.done $0x0  }
.LBB2_2:
0x31: {  	s30 =	sadd.s32 s28, s18  }
0x32: {  	[sflag:s21] =	ssyncadd.s32 $0xFFFFD800;
	s28 =	smov.u32 s29;
	s31 =	sadd.s32 $0xA, s29  }
0x33: {  	[tilespmem:s3], [sflag:$0x1] =	stream.linear.gather [hbm4b:s30+s3], $0x50, $0x38;
	[tilespmem:$0x16100] =	vst v63  }
0x34: {  	p3 =	sne.s32 s29, $0x4D8;
	_ =	swait.ge [sflag:s21], $0x50  }
0x35: {  	[sflag:s21] =	ssyncset.done $0x0  }
0x36: {  	[sflag:s21] =	ssyncadd.s32 $0xFFFFFFB0  }
0x37: {  	[tilespmem:s23], [sflag:$0x1] =	stream.linear.gather [hbm4b:s26+s3], $0x2800, $0x38;
	[tilespmem:$0x16100] =	vst v63  }
0x38: {  	_ =	swait.ge [sflag:s21], $0x2800  }
.Ltmp2:
0x39: {  	[sflag:s21] =	ssyncset.done $0x0;
	(pc) =	sbr.rel @p3 .LBB2_2-.Ltmp2, $4  }
0x3a: {  	[sflag:s21] =	ssyncadd.s32 $0xFFFFD800  }
0x3b: {  	[spmem:s2] =	stream.indirect.scatter.add.f32 [tilespmem:s23], [sflag:$0x1], $0x80, s3, s24, $0xb8;
	[tilespmem:$0x16100] =	vst v63  }
0x3c: {  	_ =	swait.ge [sflag:s21], $0x2800  }
0x3d: {  	s29 =	smov.u32 s31;
	s26 =	sadd.s32 $0x500, s26;
	[sflag:s21] =	ssyncset.done $0x0  }
0x3e: {  	s28 =	sadd.s32 s28, s18;
	[sflag:s21] =	ssyncadd.s32 $0xFFFFD800  }
0x3f: {  	[tilespmem:s3], [sflag:$0x1] =	stream.linear.gather [hbm4b:s28+s3], $0x50, $0x38;
	[tilespmem:$0x16100] =	vst v63  }
0x40: {  	_ =	swait.ge [sflag:s21], $0x50  }
0x41: {  	[sflag:s21] =	ssyncset.done $0x0  }
0x42: {  	[sflag:s21] =	ssyncadd.s32 $0xFFFFFFB0  }
0x43: {  	[tilespmem:s23], [sflag:$0x1] =	stream.linear.gather [hbm4b:s26+s3], $0x2800, $0x38;
	[tilespmem:$0x16100] =	vst v63  }
0x44: {  	_ =	swait.ge [sflag:s21], $0x2800  }
0x45: {  	[sflag:s21] =	ssyncset.done $0x0  }
0x46: {  	[sflag:s21] =	ssyncadd.s32 $0xFFFFD800  }
0x47: {  	[spmem:s2] =	stream.indirect.scatter.add.f32 [tilespmem:s23], [sflag:$0x1], $0x80, s3, s24, $0xb8;
	[tilespmem:$0x16100] =	vst v63  }
.Ltmp3:
0x48: {  	_ =	swait.ge [sflag:s21], $0x2800;
	(pc) =	sbr.rel @p1 .LBB2_6-.Ltmp3, $3  }
0x49: {  	[sflag:s21] =	ssyncset.done $0x0  }
0x4a: {  	[sflag:s21] =	ssyncadd.s32 $0xFFFFD800  }
0x4b: {  	[bflag:$0x0] =	sbarrier.arrive $0xFFFF;
	_ =	sdelay $0x1  }
.Ltmp4:
0x4c: {  	(pc) =	sbr.rel @p2 .LBB2_7-.Ltmp4, $4  }
0x4d: {  	[hbm:s13], [sflag:s9] =	dma.local [spmem:s20], $0x2700  }
0x4e: {  	_ =	swait.ge [sflag:s21], $0x2700  }
0x4f: {  	[sflag:s21] =	ssyncset.done $0x0  }
0x50: {  	s26 =	smov.u32 s4;
	[sflag:s21] =	ssyncadd.s32 $0xFFFFD900  }
.Ltmp5:
0x51: {  	(pc) =	sbr.rel .LBB2_9-.Ltmp5, $4  }
0x52: {  	[spmem:s20], [sflag:s9] =	dma.local [hbm:s8], $0x2700  }
0x53: {  	_ =	swait.ge [sflag:s21], $0x2700  }
0x54: {  	[sflag:s21] =	ssyncset.done $0x0  }
0x55: {  	[sflag:s21] =	ssyncadd.s32 $0xFFFFD900  }
.LBB2_6:
.Ltmp6:
0x56: {  	(pc) =	sbr.rel @p0 .LBB2_8-.Ltmp6, $4  }
0x57: {  	[hbm:s12], [sflag:s9] =	dma.local [spmem:s20], $0x2700  }
0x58: {  	_ =	swait.ge [sflag:s21], $0x2700  }
0x59: {  	[sflag:s21] =	ssyncset.done $0x0  }
0x5a: {  	s26 =	smov.u32 s5;
	[sflag:s21] =	ssyncadd.s32 $0xFFFFD900  }
.LBB2_7:
0x5b: {  	s26 =	sadd.s32 $0x27000, s26;
	s28 =	sshrl.u32 s10, $0x3  }
0x5c: {  	[hbm:s26], [sflag:s9] =	dma.local [spmem:s28], $0x100  }
0x5d: {  	_ =	swait.ge [sflag:s21], $0x100  }
0x5e: {  	[sflag:s21] =	ssyncset.done $0x0  }
0x5f: {  	[sflag:s21] =	ssyncadd.s32 $0xFFFFFF00  }
0x60: {  	[spmem:s20], [sflag:s9] =	dma.local [hbm:s8], $0x2700  }
0x61: {  	_ =	swait.ge [sflag:s21], $0x2700  }
0x62: {  	[sflag:s21] =	ssyncset.done $0x0  }
.Ltmp7:
0x63: {  	[sflag:s21] =	ssyncadd.s32 $0xFFFFD900;
	(pc) =	sbr.rel .LBB2_9-.Ltmp7, $4  }
0x64: {  	[spmem:s28], [sflag:s9] =	dma.local [hbm:s11], $0x100  }
0x65: {  	_ =	swait.ge [sflag:s21], $0x100  }
0x66: {  	[sflag:s21] =	ssyncset.done $0x0  }
0x67: {  	[sflag:s21] =	ssyncadd.s32 $0xFFFFFF00  }
.LBB2_8:
0x68: {  	[spmem:s20], [sflag:s9] =	dma.local [hbm:s8], $0x2700  }
0x69: {  	_ =	swait.ge [sflag:s21], $0x2700  }
0x6a: {  	[sflag:s21] =	ssyncset.done $0x0  }
0x6b: {  	[sflag:s21] =	ssyncadd.s32 $0xFFFFD900  }
.LBB2_9:
0x6c: {  	[bflag:$0x0] =	sbarrier.arrive $0xFFFF;
	s26 =	sadd.s32 $0x0, s18  }
0x6d: {  	[tilespmem:s3], [sflag:$0x1] =	stream.linear.gather [hbm4b:s26+s3], $0x50, $0x38;
	[tilespmem:$0x16100] =	vst v63  }
0x6e: {  	_ =	swait.ge [sflag:s21], $0x50  }
0x6f: {  	[sflag:s21] =	ssyncset.done $0x0  }
0x70: {  	[sflag:s21] =	ssyncadd.s32 $0xFFFFFFB0  }
0x71: {  	[tilespmem:s23], [sflag:$0x1] =	stream.linear.gather [hbm4b:s19+s3], $0x2800, $0x38;
	[tilespmem:$0x16100] =	vst v63  }
0x72: {  	_ =	swait.ge [sflag:s21], $0x2800  }
0x73: {  	[sflag:s21] =	ssyncset.done $0x0  }
0x74: {  	[sflag:s21] =	ssyncadd.s32 $0xFFFFD800  }
0x75: {  	[spmem:s2] =	stream.indirect.scatter.add.f32 [tilespmem:s23], [sflag:$0x1], $0x80, s3, s24, $0xb8;
	[tilespmem:$0x16100] =	vst v63  }
0x76: {  	s28 =	simm.s32 $0xA;
	_ =	swait.ge [sflag:s21], $0x2800  }
0x77: {  	s29 =	simm.s32 $0x14;
	s26 =	sadd.s32 $0x500, s19;
	[sflag:s21] =	ssyncset.done $0x0  }
.LBB2_10:
0x78: {  	s30 =	sadd.s32 s28, s18  }
0x79: {  	[sflag:s21] =	ssyncadd.s32 $0xFFFFD800;
	s28 =	smov.u32 s29;
	s31 =	sadd.s32 $0xA, s29  }
0x7a: {  	[tilespmem:s3], [sflag:$0x1] =	stream.linear.gather [hbm4b:s30+s3], $0x50, $0x38;
	[tilespmem:$0x16100] =	vst v63  }
0x7b: {  	p3 =	sne.s32 s29, $0x4D8;
	_ =	swait.ge [sflag:s21], $0x50  }
0x7c: {  	[sflag:s21] =	ssyncset.done $0x0  }
0x7d: {  	[sflag:s21] =	ssyncadd.s32 $0xFFFFFFB0  }
0x7e: {  	[tilespmem:s23], [sflag:$0x1] =	stream.linear.gather [hbm4b:s26+s3], $0x2800, $0x38;
	[tilespmem:$0x16100] =	vst v63  }
0x7f: {  	_ =	swait.ge [sflag:s21], $0x2800  }
.Ltmp8:
0x80: {  	[sflag:s21] =	ssyncset.done $0x0;
	(pc) =	sbr.rel @p3 .LBB2_10-.Ltmp8, $4  }
0x81: {  	[sflag:s21] =	ssyncadd.s32 $0xFFFFD800  }
0x82: {  	[spmem:s2] =	stream.indirect.scatter.add.f32 [tilespmem:s23], [sflag:$0x1], $0x80, s3, s24, $0xb8;
	[tilespmem:$0x16100] =	vst v63  }
0x83: {  	_ =	swait.ge [sflag:s21], $0x2800  }
0x84: {  	s29 =	smov.u32 s31;
	s26 =	sadd.s32 $0x500, s26;
	[sflag:s21] =	ssyncset.done $0x0  }
0x85: {  	s28 =	sadd.s32 s28, s18;
	[sflag:s21] =	ssyncadd.s32 $0xFFFFD800  }
0x86: {  	[tilespmem:s3], [sflag:$0x1] =	stream.linear.gather [hbm4b:s28+s3], $0x50, $0x38;
	[tilespmem:$0x16100] =	vst v63  }
0x87: {  	_ =	swait.ge [sflag:s21], $0x50  }
0x88: {  	[sflag:s21] =	ssyncset.done $0x0  }
0x89: {  	[sflag:s21] =	ssyncadd.s32 $0xFFFFFFB0  }
0x8a: {  	[tilespmem:s23], [sflag:$0x1] =	stream.linear.gather [hbm4b:s26+s3], $0x2800, $0x38;
	[tilespmem:$0x16100] =	vst v63  }
0x8b: {  	_ =	swait.ge [sflag:s21], $0x2800  }
0x8c: {  	[sflag:s21] =	ssyncset.done $0x0  }
0x8d: {  	[sflag:s21] =	ssyncadd.s32 $0xFFFFD800  }
0x8e: {  	[spmem:s2] =	stream.indirect.scatter.add.f32 [tilespmem:s23], [sflag:$0x1], $0x80, s3, s24, $0xb8;
	[tilespmem:$0x16100] =	vst v63  }
.Ltmp9:
0x8f: {  	_ =	swait.ge [sflag:s21], $0x2800;
	(pc) =	sbr.rel @p1 .LBB2_13-.Ltmp9, $3  }
0x90: {  	[sflag:s21] =	ssyncset.done $0x0  }
0x91: {  	[sflag:s21] =	ssyncadd.s32 $0xFFFFD800  }
0x92: {  	[bflag:$0x0] =	sbarrier.arrive $0xFFFF;
	_ =	sdelay $0x1  }
0x93: {  	[hbm:s15], [sflag:s9] =	dma.local [spmem:s20], $0x2700  }
.Ltmp10:
0x94: {  	_ = 	snop;
	(pc) =	sbr.rel @p2 .LBB2_14-.Ltmp10, $4  }
.Ltmp11:
0x95: {  	_ = 	snop;
	(pc) =	sbr.rel @!p2 .LBB2_15-.Ltmp11, $4  }
0x96: {  	_ =	swait.ge [sflag:s21], $0x2700  }
0x97: {  	[sflag:s21] =	ssyncset.done $0x0  }
0x98: {  	s26 =	smov.u32 s6;
	[sflag:s21] =	ssyncadd.s32 $0xFFFFD900  }
0x99: {  	_ = 	snop  }
.LBB2_13:
0x9a: {  	[hbm:s14], [sflag:s9] =	dma.local [spmem:s20], $0x2700  }
.Ltmp12:
0x9b: {  	_ = 	snop;
	(pc) =	sbr.rel @p0 .LBB2_15-.Ltmp12, $4  }
.Ltmp13:
0x9c: {  	_ = 	snop;
	(pc) =	sbr.rel @!p0 .LBB2_14-.Ltmp13, $4  }
0x9d: {  	_ =	swait.ge [sflag:s21], $0x2700  }
0x9e: {  	[sflag:s21] =	ssyncset.done $0x0  }
0x9f: {  	s26 =	smov.u32 s7;
	[sflag:s21] =	ssyncadd.s32 $0xFFFFD900  }
0xa0: {  	_ = 	snop  }
.LBB2_16:
0xa1: {  	_ =	sfence.sel $0x180000  }
0xa2: {  	[bflag:$0x0] =	sbarrier.arrive $0xFFFF  }
0xa3: {  	p0 =	sne.s32 s0, $0x0;
	_ =	strace $0x9000004A  }
0xa4: {  	s0 =	sadd.s32 @!p0 $0x100000, s1;
	[bflag:$0x2] =	sbarrier.arrive $0xFFFF  }
0xa5: {  	[sflag:s0] =	ssyncadd.tile.s32 @!p0 $0x1;
	_ =	shalt  }
.Lfunc_end2:
_tile_overlayer_lowered:
.L_overlay_start_2:
0xa6: {  	(tag) =	ssettag $0x2  }
0xa7: {  	s0 =	rddreg [dreg:$0x0];
	s2 =	stileid.u32  }
0xa8: {  	s1 =	rddreg [dreg:$0x1];
	p0 =	sne.s32 s2, $0x0  }
0xa9: {  	s3 =	rddreg [dreg:$0x2];
	[bflag:$0x3] =	sbarrier.arrive $0xFFFF;
	s2 =	simm.s32 @!p0 $0x1C01  }
0xaa: {  	[timem:s3], [sflag:s2] =	dma.local @!p0 [hbm:s0], s1  }
0xab: {  	s0 =	simm.s32 @!p0 $0x1  }
0xac: {  	_ =	swait.ge @!p0 [sflag:s0], s1  }
0xad: {  	s1 =	ssub.s32 @!p0 $0x0, s1;
	[sflag:s0] =	ssyncset.done @!p0 $0x0  }
0xae: {  	[sflag:s0] =	ssyncadd.s32 @!p0 s1  }
0xaf: {  	[bflag:$0x3] =	sbarrier.arrive $0xFFFF  }
0xb0: {  	_ =	shalt  }

// kernel: kernel.26.cloned.1.call-start
scs
__scs_entry_jumppad:
0x0: {  	(pc) =	sbr.rel $0x88, $3  }
0x1: {  	(tag) =	ssettag $0x0;
	lr =	simm.s32 $0x1  }
0x2: {  	[smem:$0x3F8D] =	sst lr;
	_ =	strace $0xD0000000  }
0x3: {  	_ = 	snop  }
0x4: {  	_ = 	snop  }
0x5: {  	_ = 	snop  }
0x6: {  	_ = 	snop  }
0x7: {  	_ = 	snop  }
__scs_overlays_trampoline_lowered:
0x8: {  	[smem:$0x3F9C] =	sst s0  }
0x9: {  	[smem:$0x3F9D] =	sst s1  }
0xa: {  	[smem:$0x3F9E] =	sst s2  }
0xb: {  	[smem:$0x3F9F] =	sst s3  }
0xc: {  	[smem:$0x3FA0] =	sst s4  }
0xd: {  	[smem:$0x3FA1] =	sst s5  }
0xe: {  	[smem:$0x3FA2] =	sst s6  }
0xf: {  	[smem:$0x3FA3] =	sst s7  }
0x10: {  	[smem:$0x3FA4] =	sst s8  }
0x11: {  	[smem:$0x3FA5] =	sst s9;
	s0 =	simm.s32 @!p0 $0x0  }
0x12: {  	s1 =	sld [smem:$0x3F8B];
	s0 =	simm.s32 @p0 $0x1  }
0x13: {  	[smem:$0x3FA6] =	sst s0;
	s0 =	simm.s32 @!p1 $0x0  }
0x14: {  	s2 =	sld [smem:$0x3F8A];
	s0 =	simm.s32 @p1 $0x1  }
0x15: {  	[smem:$0x3FA7] =	sst s0;
	s0 =	simm.s32 @!p2 $0x0  }
0x16: {  	s3 =	sld [smem:$0x3FDB];
	s0 =	simm.s32 @p2 $0x1  }
0x17: {  	s4 =	simm.s32 $0x1BF5;
	[smem:$0x3FA9] =	sst s0  }
0x18: {  	s0 =	sld [smem:$0x3F8C];
	_ =	swait.ge [sflag:s4], $0x0  }
0x19: {  	s7 =	sld [smem:$0x3F8D]  }
0x1a: {  	s8 =	sadd.s32 $0xFFFFE003, lr  }
0x1b: {  	s9 =	sadd.s32 $0xFFFFFEF7, lr;
	s5 =	simm.s32 $0xFFFFFFFF;
	p2 =	slt.u32 s8, $0xFFFFF086  }
0x1c: {  	p1 =	slt.u32 s9, $0xF7A;
	s5 =	simm.s32 @!p2 $0x0  }
0x1d: {  	s5 =	simm.s32 @p1 $0x1;
	p0 =	seq.s32 s7, s2  }
0x1e: {  	s7 =	smul.u32 @!p0 $0xF7A, s2;
	p2 =	seq.s32 @!p0 s5, $0x0  }
0x1f: {  	s9 =	smul.u32 $0xF7A, s1;
	s8 =	simm.s32 @!p0 $0x1BF5;
	p2 =	por !p2, p0  }
0x20: {  	[sflag:s8] =	ssyncset.s32 @!p0 $0xFFFFF086;
	s6 =	sadd.s32 @!p0 s3, s7;
	s7 =	simm.s32 @!p0 $0x108  }
0x21: {  	s3 =	sadd.s32 s3, s9;
	s6 =	sadd.s32 @!p0 $0x88, s6;
	s7 =	simm.s32 @p2 $0x1082  }
0x22: {  	[simem:s7], [sflag:s8] =	dma.local @!p0 [hbm:s6], $0xF7A  }
0x23: {  	s9 =	sor.u32 $0xD0000000, s2;
	s6 =	simm.s32 $0x108;
	_ =	swait.ge @!p0 [sflag:s8], $0x0  }
0x24: {  	s3 =	sadd.s32 $0x88, s3;
	s6 =	simm.s32 @!p1 $0x1082;
	[sflag:s4] =	ssyncset.s32 $0xFFFFF086  }
0x25: {  	[simem:s6], [sflag:s4] =	dma.local [hbm:s3], $0xF7A  }
0x26: {  	[smem:$0x3F8D] =	sst s1;
	(tag) =	ssettag s2;
	_ =	strace s9  }
0x27: {  	s1 =	sld [smem:$0x3F9D]  }
0x28: {  	s2 =	sld [smem:$0x3F9E]  }
0x29: {  	s4 =	sld [smem:$0x3FA0]  }
0x2a: {  	p0 =	seq.s32 s5, $0x0;
	s5 =	sld [smem:$0x3FA1]  }
0x2b: {  	s6 =	sld [smem:$0x3FA2]  }
0x2c: {  	s7 =	sld [smem:$0x3FA3]  }
0x2d: {  	s3 =	simm.s32 $0x108;
	s8 =	sld [smem:$0x3FA4]  }
0x2e: {  	s3 =	simm.s32 @!p0 $0x1082;
	s9 =	sld [smem:$0x3FA5]  }
0x2f: {  	lr =	sadd.s32 s0, s3;
	s0 =	sld [smem:$0x3F9C]  }
0x30: {  	s3 =	sld [smem:$0x3F9F]  }
0x31: {  	[smem:$0x3FA8] =	sst s10  }
0x32: {  	s10 =	sld [smem:$0x3FA6];
	_ =	sdelay $0x3  }
0x33: {  	p0 =	seq.s32 s10, $0x1;
	s10 =	sld [smem:$0x3FA8];
	_ =	sdelay $0x3  }
0x34: {  	[smem:$0x3FA8] =	sst s10  }
0x35: {  	s10 =	sld [smem:$0x3FA7];
	_ =	sdelay $0x3  }
0x36: {  	p1 =	seq.s32 s10, $0x1;
	s10 =	sld [smem:$0x3FA8];
	_ =	sdelay $0x3  }
0x37: {  	[smem:$0x3FA8] =	sst s10  }
0x38: {  	s10 =	sld [smem:$0x3FA9]  }
0x39: {  	_ = 	snop;
	(pc) =	sbr.ind lr, $3  }
0x3a: {  	_ = 	snop  }
0x3b: {  	_ = 	snop  }
0x3c: {  	p2 =	seq.s32 s10, $0x1;
	s10 =	sld [smem:$0x3FA8]  }
0x3d: {  	_ =	shalt  }
0x3e: {  	_ =	shalt  }
0x3f: {  	_ =	shalt  }
0x40: {  	_ =	shalt  }
0x41: {  	_ =	shalt  }
0x42: {  	_ =	shalt  }
0x43: {  	_ =	shalt  }
0x44: {  	_ =	shalt  }
0x45: {  	_ =	shalt  }
0x46: {  	_ =	shalt  }
0x47: {  	_ =	shalt  }
0x48: {  	_ =	shalt  }
0x49: {  	_ =	shalt  }
0x4a: {  	_ =	shalt  }
0x4b: {  	_ =	shalt  }
0x4c: {  	_ =	shalt  }
0x4d: {  	_ =	shalt  }
0x4e: {  	_ =	shalt  }
0x4f: {  	_ =	shalt  }
0x50: {  	_ =	shalt  }
0x51: {  	_ =	shalt  }
0x52: {  	_ =	shalt  }
0x53: {  	_ =	shalt  }
0x54: {  	_ =	shalt  }
0x55: {  	_ =	shalt  }
0x56: {  	_ =	shalt  }
0x57: {  	_ =	shalt  }
0x58: {  	_ =	shalt  }
0x59: {  	_ =	shalt  }
0x5a: {  	_ =	shalt  }
0x5b: {  	_ =	shalt  }
0x5c: {  	_ =	shalt  }
0x5d: {  	_ =	shalt  }
0x5e: {  	_ =	shalt  }
0x5f: {  	_ =	shalt  }
0x60: {  	_ =	shalt  }
0x61: {  	_ =	shalt  }
0x62: {  	_ =	shalt  }
0x63: {  	_ =	shalt  }
0x64: {  	_ =	shalt  }
0x65: {  	_ =	shalt  }
0x66: {  	_ =	shalt  }
0x67: {  	_ =	shalt  }
0x68: {  	_ =	shalt  }
0x69: {  	_ =	shalt  }
0x6a: {  	_ =	shalt  }
0x6b: {  	_ =	shalt  }
0x6c: {  	_ =	shalt  }
0x6d: {  	_ =	shalt  }
0x6e: {  	_ =	shalt  }
0x6f: {  	_ =	shalt  }
0x70: {  	_ =	shalt  }
0x71: {  	_ =	shalt  }
0x72: {  	_ =	shalt  }
0x73: {  	_ =	shalt  }
0x74: {  	_ =	shalt  }
0x75: {  	_ =	shalt  }
0x76: {  	_ =	shalt  }
0x77: {  	_ =	shalt  }
0x78: {  	_ =	shalt  }
0x79: {  	_ =	shalt  }
0x7a: {  	_ =	shalt  }
0x7b: {  	_ =	shalt  }
0x7c: {  	_ =	shalt  }
0x7d: {  	_ =	shalt  }
0x7e: {  	_ =	shalt  }
0x7f: {  	_ =	shalt  }
0x80: {  	_ =	shalt  }
0x81: {  	_ =	shalt  }
0x82: {  	_ =	shalt  }
0x83: {  	_ =	shalt  }
0x84: {  	_ =	shalt  }
0x85: {  	_ =	shalt  }
0x86: {  	_ =	shalt  }
0x87: {  	_ =	shalt  }
.Lfunc_end0:
.L_simem_size_0:
called_computation.2_lowered:
.L_overlay_start_0:
0x88: {  	s2 =	sld [smem:$0x3FD9]  }
0x89: {  	s3 =	sld [smem:$0x3FFE];
	_ =	sdelay $0x1  }
0x8a: {  	s1 =	srdreg.scid  }
0x8b: {  	s0 =	sand.u32 $0x1, s1  }
0x8c: {  	s16 =	sshll.u32 s0, $0xA;
	s2 =	sadd.s32 s3, s2  }
0x8d: {  	s2 =	sadd.s32 s2, s16  }
0x8e: {  	[smem:$0x3FB4] =	sst s2  }
0x8f: {  	_ = 	snop  }
0x90: {  	(tm) =	ssettm $0x1  }
0x91: {  	s17 =	sld [smem:$0x3FFB];
	_ =	sdelay $0x3  }
0x92: {  	_ =	strace s17  }
0x93: {  	s2 =	sld [smem:$0x3FFC];
	_ =	sdelay $0x3  }
0x94: {  	_ =	strace s2  }
0x95: {  	s2 =	sld [smem:$0x3FFD];
	_ =	sdelay $0x3  }
0x96: {  	_ =	strace s2  }
0x97: {  	_ =	strace $0x8FFFFFFF  }
0x98: {  	s18 =	sld [smem:$0x3FDB];
	_ =	sdelay $0x1  }
0x99: {  	s19 =	simm.s32 $_scs_section_size  }
0x9a: {  	s4 =	simm.s32 $_size__tile_overlayer_lowered;
	s5 =	simm.s32 $_tile_overlayer_lowered  }
0x9b: {  	s22 =	simm.s32 $0x1BFF;
	s21 =	sshll.u32 s5, $0x1;
	s2 =	sadd.s32 s19, s18  }
0x9c: {  	s6 =	simm.s32 $0x0;
	s20 =	sshll.u32 s4, $0x1;
	s4 =	sadd.s32 s21, s2  }
0x9d: {  	[timem:s6], [sflag:s22] =	dma.local [hbm:s4], s20  }
0x9e: {  	_ =	swait.ge [sflag:s22], s20  }
0x9f: {  	s3 =	ssub.s32 $0x0, s20;
	[sflag:s22] =	ssyncset.done $0x0  }
0xa0: {  	[sflag:s22] =	ssyncadd.s32 s3;
	_ =	sdelay $0x1  }
0xa1: {  	s23 =	simm.s32 $0x1B8B  }
0xa2: {  	_ =	swait.ge [sflag:s23], $0x1  }
0xa3: {  	[sflag:s23] =	ssyncset.done $0x0  }
0xa4: {  	s25 =	simm.s32 $0x1B8E;
	s24 =	sld [smem:$0x3FFE];
	[sflag:s23] =	ssyncadd.s32 $0xFFFFFFFF  }
0xa5: {  	s26 =	simm.s32 $execute0_lowered;
	[smem:$0x3FD2] =	sst s25  }
0xa6: {  	s4 =	sshll.u32 s26, $0x1;
	_ =	strace $0x8000004C;
	[dreg:$0x1] =	wrdreg $0xFFFFFFFF  }
0xa7: {  	s28 =	simm.s32 $_size_execute0_lowered;
	s2 =	sadd.s32 s2, s4;
	[dreg:$0x0] =	wrdreg $0x0  }
0xa8: {  	s4 =	sshll.u32 s28, $0x1;
	[dreg:$0x2] =	wrdreg s2  }
0xa9: {  	[dreg:$0x3] =	wrdreg s4  }
0xaa: {  	[dreg:$0x4] =	wrdreg $0xC0  }
0xab: {  	_ =	task [dreg:s6], $0x5FFFF  }
0xac: {  	[dreg:$0x1] =	wrdreg $0xFFFFFFFF  }
0xad: {  	[dreg:$0x0] =	wrdreg $0x60  }
0xae: {  	[dreg:$0x2] =	wrdreg s24  }
0xaf: {  	[dreg:$0x3] =	wrdreg $0x9  }
0xb0: {  	_ =	task.clear_ibuf [dreg:s6], $0x4FFFF;
	_ =	strace $0x9000004C  }
0xb1: {  	s29 =	simm.s32 $0x9;
	_ =	strace $0x8000004E  }
0xb2: {  	_ =	swait.ge [sflag:s29], $0x1  }
0xb3: {  	[sflag:s29] =	ssyncadd.s32 $0xFFFFFFFF  }
0xb4: {  	_ =	strace $0x9000004E  }
0xb5: {  	_ =	sfence  }
0xb6: {  	s30 =	sld [smem:$0x0];
	_ =	sdelay $0x2  }
0xb7: {  	s31 =	sshll.u32 s1, $0xD;
	s1 =	sshrl.u32 s1, $0x2  }
0xb8: {  	s3 =	sand.u32 $0x4000, s31;
	s1 =	sadd.s32 s1, s30  }
0xb9: {  	s0 =	sor.u32 s3, s0;
	s1 =	sshll.u32 s1, $0x11  }
0xba: {  	s0 =	sor.u32 s1, s0  }
0xbb: {  	s0 =	sadd.s32 $0x8F2B, s0  }
0xbc: {  	[sflag:s0] =	ssyncadd.remote.s32 $0x1  }
0xbd: {  	_ =	sfence.sel $0xFFFF  }
0xbe: {  	[dreg:$0x0] =	wrdreg $0xFFFFFFFF;
	(pc) =	sbr.abs _section_cstart, $3  }
0xbf: {  	[dreg:$0x1] =	wrdreg $0xFFFFFFFF  }
0xc0: {  	_ =	task.clear_ibuf [dreg:s6], $0x2FFFF;
	_ =	strace $0x9FFFFFFF  }
0xc1: {  	(tm) =	ssettm $0x7FFFFFFF  }
tec
execute0_lowered:
.L_overlay_start_1:
0x0: {  	(tag) =	ssettag $0x1  }
0x1: {  	s0 =	rddreg [dreg:$0x0];
	s3 =	srdreg.scid  }
0x2: {  	s1 =	stileid.u32;
	s2 =	simm.s32 $0x0;
	s26 =	simm.s32 $0x80  }
0x3: {  	s30 =	simm.s32 $0x900;
	s31 =	simm.s32 $0x1100;
	s11 =	simm.s32 $0x2900  }
0x4: {  	s12 =	simm.s32 $0x3100;
	s13 =	simm.s32 $0x3900;
	s14 =	simm.s32 $0x4100  }
0x5: {  	s15 =	simm.s32 $0x4900;
	s16 =	simm.s32 $0x5100;
	s17 =	simm.s32 $0x5900  }
0x6: {  	s18 =	simm.s32 $0x6100;
	s19 =	simm.s32 $0x6900;
	s20 =	simm.s32 $0x7100  }
0x7: {  	s28 =	simm.s32 $0x2;
	s29 =	simm.s32 $0x0;
	s4 =	sand.u32 $0x1, s3  }
0x8: {  	s5 =	smul.u32 $0x4E20, s1;
	[smem:$0x7FF] =	sst s2;
	s3 =	sadd.s32 $0x70A00, s0  }
0x9: {  	s21 =	smul.u32 $0x9C400, s1;
	_ =	strace $0x8000004D;
	[dreg:$0x4] =	wrdreg s26  }
0xa: {  	s6 =	smul.u32 $0x2710, s4;
	s7 =	ssub.s32 $0x2, s4;
	[dreg:$0x5] =	wrdreg s30  }
0xb: {  	s9 =	smul.u32 $0x4E200, s4;
	[dreg:$0x6] =	wrdreg s31;
	s8 =	sshrl.u32 s7, $0x1  }
0xc: {  	s26 =	simm.s32 $0x1;
	s5 =	sadd.s32 s6, s5;
	s22 =	ssub.s32 s7, s8  }
0xd: {  	s7 =	simm.s32 $0x3;
	s8 =	simm.s32 $0x100;
	s5 =	sshrl.u32 s5, $0x3  }
0xe: {  	s23 =	smax.u32 s22, $0x1;
	s22 =	simm.s32 $0x8100;
	s10 =	sadd.s32 s5, s0  }
0xf: {  	s0 =	sadd.s32 s21, s0;
	[dreg:$0x7] =	wrdreg s23;
	s21 =	simm.s32 $0x7900  }
0x10: {  	s23 =	simm.s32 $0x8900;
	s0 =	sadd.s32 s9, s0;
	s24 =	sadd.s32 $0x18A00, s10  }
0x11: {  	v2 =	vlaneseq.u32;
	s25 =	sadd.s32 $0xEC00, s10;
	s9 =	simm.s32 $0x1900;
	s10 =	simm.s32 $0x2100  }
0x12: {  	vm0 =	vmmov $0xffff;
	v1 =	vshrl.u32 v2, $0x3;
	s5 =	sadd.s32 $0x112600, s0;
	[dreg:$0x2] =	wrdreg s24;
	s6 =	sadd.s32 $0x13FF600, s0  }
0x13: {  	v0 =	vand.u32 $0x7, v2;
	v2 =	vor.u32 $0x8, v2;
	v1 =	vmul.u32 $0x8, v1;
	[dreg:$0x3] =	wrdreg s25;
	s24 =	simm.s32 $0x9100;
	s25 =	simm.s32 $0x9900  }
.LBB2_1:
0x14: {  	s30 =	smov.u32 s6;
	s31 =	smov.u32 s5;
	s0 =	simm.s32 $0x0  }
.LBB2_2:
0x15: {  	s1 =	rddreg [dreg:$0x3]  }
0x16: {  	s1 =	sadd.s32 s0, s1  }
0x17: {  	[tilespmem:s2], [sflag:$0x3] =	stream.linear.gather [hbm4b:s1+s2], $0x50, $0x38;
	[tilespmem:$0xA100] =	vst v63  }
0x18: {  	_ =	swait.ge [sflag:s7], $0x50  }
0x19: {  	s1 =	rddreg [dreg:$0x2];
	[sflag:s7] =	ssyncset.done $0x0  }
0x1a: {  	s4 =	rddreg [dreg:$0x4];
	[sflag:s7] =	ssyncadd.s32 $0xFFFFFFB0;
	s1 =	sadd.s32 s0, s1  }
0x1b: {  	[tilespmem:s4], [sflag:$0x3] =	stream.linear.gather [hbm4b:s1+s2], $0x50, $0x38;
	[tilespmem:$0xA100] =	vst v63  }
0x1c: {  	_ =	swait.ge [sflag:s7], $0x50  }
0x1d: {  	[sflag:s7] =	ssyncset.done $0x0  }
0x1e: {  	[sflag:s7] =	ssyncadd.s32 $0xFFFFFFB0  }
0x1f: {  	v3 =	vld [tilespmem:$0x0];
	_ =	sdelay $0x4  }
0x20: {  	v4 =	vshll.u32 v3, $0x1  }
0x21: {  	v3 =	vand.u32 $0x7, v3;
	v4 =	vand.u32 $0xFFFFFFF0, v4  }
0x22: {  	v3 =	vor.u32 v3, v4  }
0x23: {  	v4 =	vperm.xlane v3, v0;
	_ =	sdelay $0x1  }
0x24: {  	v3 =	vperm.xlane v3, v2;
	v4 =	vadd.s32 v1, v4;
	_ =	sdelay $0x1  }
0x25: {  	v3 =	vadd.s32 v1, v3;
	_ =	sdelay $0x2  }
0x26: {  	[tilespmem:s8], [sflag:$0x1] =	stream.indirect_vreg.gather [hbm4b:s3+s2], $0x80, v4, vm0, $0xb8;
	[tilespmem:$0xA100] =	vst v63  }
0x27: {  	s4 =	rddreg [dreg:$0x5]  }
0x28: {  	[tilespmem:s4], [sflag:$0x1] =	stream.indirect_vreg.gather [hbm4b:s3+s2], $0x80, v3, vm0, $0xb8;
	[tilespmem:$0xA100] =	vst v63  }
0x29: {  	v3 =	vld [tilespmem:$0x10];
	_ =	sdelay $0x4  }
0x2a: {  	v55 =	vshll.u32 v3, $0x1  }
0x2b: {  	v3 =	vand.u32 $0x7, v3;
	v4 =	vand.u32 $0xFFFFFFF0, v55  }
0x2c: {  	v3 =	vor.u32 v3, v4  }
0x2d: {  	v4 =	vperm.xlane v3, v0;
	_ =	sdelay $0x1  }
0x2e: {  	v3 =	vperm.xlane v3, v2;
	v4 =	vadd.s32 v1, v4;
	_ =	sdelay $0x1  }
0x2f: {  	v3 =	vadd.s32 v1, v3;
	_ =	sdelay $0x1  }
0x30: {  	s4 =	rddreg [dreg:$0x6]  }
0x31: {  	[tilespmem:s4], [sflag:$0x1] =	stream.indirect_vreg.gather [hbm4b:s3+s2], $0x80, v4, vm0, $0xb8;
	[tilespmem:$0xA100] =	vst v63  }
0x32: {  	_ = 	snop  }
0x33: {  	[tilespmem:s9], [sflag:$0x1] =	stream.indirect_vreg.gather [hbm4b:s3+s2], $0x80, v3, vm0, $0xb8;
	[tilespmem:$0xA100] =	vst v63  }
0x34: {  	v3 =	vld [tilespmem:$0x20];
	_ =	sdelay $0x4  }
0x35: {  	v56 =	vshll.u32 v3, $0x1  }
0x36: {  	v3 =	vand.u32 $0x7, v3;
	v4 =	vand.u32 $0xFFFFFFF0, v56  }
0x37: {  	v3 =	vor.u32 v3, v4  }
0x38: {  	v4 =	vperm.xlane v3, v0;
	_ =	sdelay $0x1  }
0x39: {  	v3 =	vperm.xlane v3, v2;
	v4 =	vadd.s32 v1, v4;
	_ =	sdelay $0x1  }
0x3a: {  	v3 =	vadd.s32 v1, v3;
	_ =	sdelay $0x2  }
0x3b: {  	[tilespmem:s10], [sflag:$0x1] =	stream.indirect_vreg.gather [hbm4b:s3+s2], $0x80, v4, vm0, $0xb8;
	[tilespmem:$0xA100] =	vst v63  }
0x3c: {  	_ = 	snop  }
0x3d: {  	[tilespmem:s11], [sflag:$0x1] =	stream.indirect_vreg.gather [hbm4b:s3+s2], $0x80, v3, vm0, $0xb8;
	[tilespmem:$0xA100] =	vst v63  }
0x3e: {  	v3 =	vld [tilespmem:$0x30];
	_ =	sdelay $0x4  }
0x3f: {  	v57 =	vshll.u32 v3, $0x1  }
0x40: {  	v3 =	vand.u32 $0x7, v3;
	v4 =	vand.u32 $0xFFFFFFF0, v57  }
0x41: {  	v3 =	vor.u32 v3, v4  }
0x42: {  	v4 =	vperm.xlane v3, v0;
	_ =	sdelay $0x1  }
0x43: {  	v3 =	vperm.xlane v3, v2;
	v4 =	vadd.s32 v1, v4;
	_ =	sdelay $0x1  }
0x44: {  	v3 =	vadd.s32 v1, v3;
	_ =	sdelay $0x2  }
0x45: {  	[tilespmem:s12], [sflag:$0x1] =	stream.indirect_vreg.gather [hbm4b:s3+s2], $0x80, v4, vm0, $0xb8;
	[tilespmem:$0xA100] =	vst v63  }
0x46: {  	_ = 	snop  }
0x47: {  	[tilespmem:s13], [sflag:$0x1] =	stream.indirect_vreg.gather [hbm4b:s3+s2], $0x80, v3, vm0, $0xb8;
	[tilespmem:$0xA100] =	vst v63  }
0x48: {  	v3 =	vld [tilespmem:$0x40];
	_ =	sdelay $0x4  }
0x49: {  	v58 =	vshll.u32 v3, $0x1  }
0x4a: {  	v3 =	vand.u32 $0x7, v3;
	v4 =	vand.u32 $0xFFFFFFF0, v58  }
0x4b: {  	v3 =	vor.u32 v3, v4  }
0x4c: {  	v4 =	vperm.xlane v3, v0;
	_ =	sdelay $0x1  }
0x4d: {  	v3 =	vperm.xlane v3, v2;
	v4 =	vadd.s32 v1, v4;
	_ =	sdelay $0x1  }
0x4e: {  	v3 =	vadd.s32 v1, v3;
	_ =	sdelay $0x2  }
0x4f: {  	[tilespmem:s14], [sflag:$0x1] =	stream.indirect_vreg.gather [hbm4b:s3+s2], $0x80, v4, vm0, $0xb8;
	[tilespmem:$0xA100] =	vst v63  }
0x50: {  	_ = 	snop  }
0x51: {  	[tilespmem:s15], [sflag:$0x1] =	stream.indirect_vreg.gather [hbm4b:s3+s2], $0x80, v3, vm0, $0xb8;
	[tilespmem:$0xA100] =	vst v63  }
0x52: {  	v3 =	vld [tilespmem:$0x80];
	_ =	sdelay $0x4  }
0x53: {  	v59 =	vshll.u32 v3, $0x1  }
0x54: {  	v3 =	vand.u32 $0x7, v3;
	v4 =	vand.u32 $0xFFFFFFF0, v59  }
0x55: {  	v3 =	vor.u32 v3, v4  }
0x56: {  	v4 =	vperm.xlane v3, v0;
	_ =	sdelay $0x1  }
0x57: {  	v3 =	vperm.xlane v3, v2;
	v4 =	vadd.s32 v1, v4;
	_ =	sdelay $0x1  }
0x58: {  	v3 =	vadd.s32 v1, v3;
	_ =	sdelay $0x2  }
0x59: {  	[tilespmem:s16], [sflag:$0x2] =	stream.indirect_vreg.gather [hbm4b:s3+s2], $0x80, v4, vm0, $0xb8;
	[tilespmem:$0xA100] =	vst v63  }
0x5a: {  	_ = 	snop  }
0x5b: {  	[tilespmem:s17], [sflag:$0x2] =	stream.indirect_vreg.gather [hbm4b:s3+s2], $0x80, v3, vm0, $0xb8;
	[tilespmem:$0xA100] =	vst v63  }
0x5c: {  	v3 =	vld [tilespmem:$0x90];
	_ =	sdelay $0x4  }
0x5d: {  	v60 =	vshll.u32 v3, $0x1  }
0x5e: {  	v3 =	vand.u32 $0x7, v3;
	v4 =	vand.u32 $0xFFFFFFF0, v60  }
0x5f: {  	v3 =	vor.u32 v3, v4  }
0x60: {  	v4 =	vperm.xlane v3, v0;
	_ =	sdelay $0x1  }
0x61: {  	v3 =	vperm.xlane v3, v2;
	v4 =	vadd.s32 v1, v4;
	_ =	sdelay $0x1  }
0x62: {  	v3 =	vadd.s32 v1, v3;
	_ =	sdelay $0x2  }
0x63: {  	[tilespmem:s18], [sflag:$0x2] =	stream.indirect_vreg.gather [hbm4b:s3+s2], $0x80, v4, vm0, $0xb8;
	[tilespmem:$0xA100] =	vst v63  }
0x64: {  	_ = 	snop  }
0x65: {  	[tilespmem:s19], [sflag:$0x2] =	stream.indirect_vreg.gather [hbm4b:s3+s2], $0x80, v3, vm0, $0xb8;
	[tilespmem:$0xA100] =	vst v63  }
0x66: {  	v3 =	vld [tilespmem:$0xA0];
	_ =	sdelay $0x4  }
0x67: {  	v61 =	vshll.u32 v3, $0x1  }
0x68: {  	v3 =	vand.u32 $0x7, v3;
	v4 =	vand.u32 $0xFFFFFFF0, v61  }
0x69: {  	v3 =	vor.u32 v3, v4  }
0x6a: {  	v4 =	vperm.xlane v3, v0;
	_ =	sdelay $0x1  }
0x6b: {  	v3 =	vperm.xlane v3, v2;
	v4 =	vadd.s32 v1, v4;
	_ =	sdelay $0x1  }
0x6c: {  	v3 =	vadd.s32 v1, v3;
	_ =	sdelay $0x2  }
0x6d: {  	[tilespmem:s20], [sflag:$0x2] =	stream.indirect_vreg.gather [hbm4b:s3+s2], $0x80, v4, vm0, $0xb8;
	[tilespmem:$0xA100] =	vst v63  }
0x6e: {  	_ = 	snop  }
0x6f: {  	[tilespmem:s21], [sflag:$0x2] =	stream.indirect_vreg.gather [hbm4b:s3+s2], $0x80, v3, vm0, $0xb8;
	[tilespmem:$0xA100] =	vst v63  }
0x70: {  	v3 =	vld [tilespmem:$0xB0];
	_ =	sdelay $0x4  }
0x71: {  	v62 =	vshll.u32 v3, $0x1  }
0x72: {  	v3 =	vand.u32 $0x7, v3;
	v4 =	vand.u32 $0xFFFFFFF0, v62  }
0x73: {  	v3 =	vor.u32 v3, v4  }
0x74: {  	v4 =	vperm.xlane v3, v0;
	_ =	sdelay $0x1  }
0x75: {  	v3 =	vperm.xlane v3, v2;
	v4 =	vadd.s32 v1, v4;
	_ =	sdelay $0x1  }
0x76: {  	v3 =	vadd.s32 v1, v3;
	_ =	sdelay $0x2  }
0x77: {  	[tilespmem:s22], [sflag:$0x2] =	stream.indirect_vreg.gather [hbm4b:s3+s2], $0x80, v4, vm0, $0xb8;
	[tilespmem:$0xA100] =	vst v63  }
0x78: {  	_ = 	snop  }
0x79: {  	[tilespmem:s23], [sflag:$0x2] =	stream.indirect_vreg.gather [hbm4b:s3+s2], $0x80, v3, vm0, $0xb8;
	[tilespmem:$0xA100] =	vst v63  }
0x7a: {  	v3 =	vld [tilespmem:$0xC0];
	_ =	sdelay $0x4  }
0x7b: {  	v63 =	vshll.u32 v3, $0x1  }
0x7c: {  	v3 =	vand.u32 $0x7, v3;
	v4 =	vand.u32 $0xFFFFFFF0, v63  }
0x7d: {  	v3 =	vor.u32 v3, v4  }
0x7e: {  	v4 =	vperm.xlane v3, v0;
	_ =	sdelay $0x1  }
0x7f: {  	v3 =	vperm.xlane v3, v2;
	v4 =	vadd.s32 v1, v4;
	_ =	sdelay $0x1  }
0x80: {  	v3 =	vadd.s32 v1, v3;
	_ =	sdelay $0x2  }
0x81: {  	[tilespmem:s24], [sflag:$0x2] =	stream.indirect_vreg.gather [hbm4b:s3+s2], $0x80, v4, vm0, $0xb8;
	[tilespmem:$0xA100] =	vst v63  }
0x82: {  	_ = 	snop  }
0x83: {  	[tilespmem:s25], [sflag:$0x2] =	stream.indirect_vreg.gather [hbm4b:s3+s2], $0x80, v3, vm0, $0xb8;
	[tilespmem:$0xA100] =	vst v63  }
0x84: {  	_ =	swait.ge [sflag:s26], $0x5000  }
0x85: {  	[sflag:s26] =	ssyncset.done $0x0  }
0x86: {  	[sflag:s26] =	ssyncadd.s32 $0xFFFFB000  }
0x87: {  	[hbm4b:s31+s2] =	stream.linear.scatter [tilespmem:s8], [sflag:$0x3], $0x5000, $0x38;
	[tilespmem:$0xA100] =	vst v63  }
0x88: {  	_ =	swait.ge [sflag:s7], $0x5000  }
0x89: {  	[sflag:s7] =	ssyncset.done $0x0  }
0x8a: {  	[sflag:s7] =	ssyncadd.s32 $0xFFFFB000  }
0x8b: {  	_ =	swait.ge [sflag:s28], $0x5000  }
0x8c: {  	p0 =	sne.s32 s0, $0x4D8;
	[sflag:s28] =	ssyncset.done $0x0  }
.Ltmp0:
0x8d: {  	[sflag:s28] =	ssyncadd.s32 $0xFFFFB000;
	(pc) =	sbr.rel @p0 .LBB2_2-.Ltmp0, $4  }
0x8e: {  	[hbm4b:s30+s2] =	stream.linear.scatter [tilespmem:s16], [sflag:$0x3], $0x5000, $0x38;
	[tilespmem:$0xA100] =	vst v63  }
0x8f: {  	_ =	swait.ge [sflag:s7], $0x5000  }
0x90: {  	s0 =	sadd.s32 $0xA, s0;
	[sflag:s7] =	ssyncset.done $0x0  }
0x91: {  	s31 =	sadd.s32 $0xA00, s31;
	s30 =	sadd.s32 $0xA00, s30;
	[sflag:s7] =	ssyncadd.s32 $0xFFFFB000  }
0x92: {  	s29 =	sadd.s32 $0x1, s29;
	s0 =	rddreg [dreg:$0x7]  }
0x93: {  	p0 =	sne.s32 s29, s0  }
.Ltmp1:
0x94: {  	_ = 	snop;
	(pc) =	sbr.rel @p0 .LBB2_1-.Ltmp1, $1  }
0x95: {  	_ =	sdelay $0x3  }
0x96: {  	_ =	sfence.sel $0x180000  }
0x97: {  	[bflag:$0x0] =	sbarrier.arrive $0xFFFF  }
0x98: {  	_ =	strace $0x9000004D  }
0x99: {  	s0 =	stileid.u32;
	[bflag:$0x2] =	sbarrier.arrive $0xFFFF  }
0x9a: {  	p0 =	sne.s32 s0, $0x0;
	s0 =	rddreg [dreg:$0x1]  }
0x9b: {  	s0 =	sadd.s32 @!p0 $0x100000, s0  }
0x9c: {  	[sflag:s0] =	ssyncadd.tile.s32 @!p0 $0x1;
	_ =	shalt  }
.Lfunc_end2:
_tile_overlayer_lowered:
.L_overlay_start_2:
0x9d: {  	(tag) =	ssettag $0x2  }
0x9e: {  	s0 =	rddreg [dreg:$0x0];
	s2 =	stileid.u32  }
0x9f: {  	s1 =	rddreg [dreg:$0x1];
	p0 =	sne.s32 s2, $0x0  }
0xa0: {  	s3 =	rddreg [dreg:$0x2];
	[bflag:$0x3] =	sbarrier.arrive $0xFFFF;
	s2 =	simm.s32 @!p0 $0x1C03  }
0xa1: {  	[timem:s3], [sflag:s2] =	dma.local @!p0 [hbm:s0], s1  }
0xa2: {  	s0 =	simm.s32 @!p0 $0x3  }
0xa3: {  	_ =	swait.ge @!p0 [sflag:s0], s1  }
0xa4: {  	s1 =	ssub.s32 @!p0 $0x0, s1;
	[sflag:s0] =	ssyncset.done @!p0 $0x0  }
0xa5: {  	[sflag:s0] =	ssyncadd.s32 @!p0 s1  }
0xa6: {  	[bflag:$0x3] =	sbarrier.arrive $0xFFFF  }
0xa7: {  	_ =	shalt  }

// kernel: kernel.29.cloned.1.call-start
scs
__scs_entry_jumppad:
0x0: {  	(pc) =	sbr.rel $0x88, $3  }
0x1: {  	(tag) =	ssettag $0x0;
	lr =	simm.s32 $0x1  }
0x2: {  	[smem:$0x3F8D] =	sst lr;
	_ =	strace $0xD0000000  }
0x3: {  	_ = 	snop  }
0x4: {  	_ = 	snop  }
0x5: {  	_ = 	snop  }
0x6: {  	_ = 	snop  }
0x7: {  	_ = 	snop  }
__scs_overlays_trampoline_lowered:
0x8: {  	[smem:$0x3F9C] =	sst s0  }
0x9: {  	[smem:$0x3F9D] =	sst s1  }
0xa: {  	[smem:$0x3F9E] =	sst s2  }
0xb: {  	[smem:$0x3F9F] =	sst s3  }
0xc: {  	[smem:$0x3FA0] =	sst s4  }
0xd: {  	[smem:$0x3FA1] =	sst s5  }
0xe: {  	[smem:$0x3FA2] =	sst s6  }
0xf: {  	[smem:$0x3FA3] =	sst s7  }
0x10: {  	[smem:$0x3FA4] =	sst s8  }
0x11: {  	[smem:$0x3FA5] =	sst s9;
	s0 =	simm.s32 @!p0 $0x0  }
0x12: {  	s1 =	sld [smem:$0x3F8B];
	s0 =	simm.s32 @p0 $0x1  }
0x13: {  	[smem:$0x3FA6] =	sst s0;
	s0 =	simm.s32 @!p1 $0x0  }
0x14: {  	s2 =	sld [smem:$0x3F8A];
	s0 =	simm.s32 @p1 $0x1  }
0x15: {  	[smem:$0x3FA7] =	sst s0;
	s0 =	simm.s32 @!p2 $0x0  }
0x16: {  	s3 =	sld [smem:$0x3FDB];
	s0 =	simm.s32 @p2 $0x1  }
0x17: {  	s4 =	simm.s32 $0x1BF5;
	[smem:$0x3FA9] =	sst s0  }
0x18: {  	s0 =	sld [smem:$0x3F8C];
	_ =	swait.ge [sflag:s4], $0x0  }
0x19: {  	s7 =	sld [smem:$0x3F8D]  }
0x1a: {  	s8 =	sadd.s32 $0xFFFFE003, lr  }
0x1b: {  	s9 =	sadd.s32 $0xFFFFFEF7, lr;
	s5 =	simm.s32 $0xFFFFFFFF;
	p2 =	slt.u32 s8, $0xFFFFF086  }
0x1c: {  	p1 =	slt.u32 s9, $0xF7A;
	s5 =	simm.s32 @!p2 $0x0  }
0x1d: {  	s5 =	simm.s32 @p1 $0x1;
	p0 =	seq.s32 s7, s2  }
0x1e: {  	s7 =	smul.u32 @!p0 $0xF7A, s2;
	p2 =	seq.s32 @!p0 s5, $0x0  }
0x1f: {  	s9 =	smul.u32 $0xF7A, s1;
	s8 =	simm.s32 @!p0 $0x1BF5;
	p2 =	por !p2, p0  }
0x20: {  	[sflag:s8] =	ssyncset.s32 @!p0 $0xFFFFF086;
	s6 =	sadd.s32 @!p0 s3, s7;
	s7 =	simm.s32 @!p0 $0x108  }
0x21: {  	s3 =	sadd.s32 s3, s9;
	s6 =	sadd.s32 @!p0 $0x88, s6;
	s7 =	simm.s32 @p2 $0x1082  }
0x22: {  	[simem:s7], [sflag:s8] =	dma.local @!p0 [hbm:s6], $0xF7A  }
0x23: {  	s9 =	sor.u32 $0xD0000000, s2;
	s6 =	simm.s32 $0x108;
	_ =	swait.ge @!p0 [sflag:s8], $0x0  }
0x24: {  	s3 =	sadd.s32 $0x88, s3;
	s6 =	simm.s32 @!p1 $0x1082;
	[sflag:s4] =	ssyncset.s32 $0xFFFFF086  }
0x25: {  	[simem:s6], [sflag:s4] =	dma.local [hbm:s3], $0xF7A  }
0x26: {  	[smem:$0x3F8D] =	sst s1;
	(tag) =	ssettag s2;
	_ =	strace s9  }
0x27: {  	s1 =	sld [smem:$0x3F9D]  }
0x28: {  	s2 =	sld [smem:$0x3F9E]  }
0x29: {  	s4 =	sld [smem:$0x3FA0]  }
0x2a: {  	p0 =	seq.s32 s5, $0x0;
	s5 =	sld [smem:$0x3FA1]  }
0x2b: {  	s6 =	sld [smem:$0x3FA2]  }
0x2c: {  	s7 =	sld [smem:$0x3FA3]  }
0x2d: {  	s3 =	simm.s32 $0x108;
	s8 =	sld [smem:$0x3FA4]  }
0x2e: {  	s3 =	simm.s32 @!p0 $0x1082;
	s9 =	sld [smem:$0x3FA5]  }
0x2f: {  	lr =	sadd.s32 s0, s3;
	s0 =	sld [smem:$0x3F9C]  }
0x30: {  	s3 =	sld [smem:$0x3F9F]  }
0x31: {  	[smem:$0x3FA8] =	sst s10  }
0x32: {  	s10 =	sld [smem:$0x3FA6];
	_ =	sdelay $0x3  }
0x33: {  	p0 =	seq.s32 s10, $0x1;
	s10 =	sld [smem:$0x3FA8];
	_ =	sdelay $0x3  }
0x34: {  	[smem:$0x3FA8] =	sst s10  }
0x35: {  	s10 =	sld [smem:$0x3FA7];
	_ =	sdelay $0x3  }
0x36: {  	p1 =	seq.s32 s10, $0x1;
	s10 =	sld [smem:$0x3FA8];
	_ =	sdelay $0x3  }
0x37: {  	[smem:$0x3FA8] =	sst s10  }
0x38: {  	s10 =	sld [smem:$0x3FA9]  }
0x39: {  	_ = 	snop;
	(pc) =	sbr.ind lr, $3  }
0x3a: {  	_ = 	snop  }
0x3b: {  	_ = 	snop  }
0x3c: {  	p2 =	seq.s32 s10, $0x1;
	s10 =	sld [smem:$0x3FA8]  }
0x3d: {  	_ =	shalt  }
0x3e: {  	_ =	shalt  }
0x3f: {  	_ =	shalt  }
0x40: {  	_ =	shalt  }
0x41: {  	_ =	shalt  }
0x42: {  	_ =	shalt  }
0x43: {  	_ =	shalt  }
0x44: {  	_ =	shalt  }
0x45: {  	_ =	shalt  }
0x46: {  	_ =	shalt  }
0x47: {  	_ =	shalt  }
0x48: {  	_ =	shalt  }
0x49: {  	_ =	shalt  }
0x4a: {  	_ =	shalt  }
0x4b: {  	_ =	shalt  }
0x4c: {  	_ =	shalt  }
0x4d: {  	_ =	shalt  }
0x4e: {  	_ =	shalt  }
0x4f: {  	_ =	shalt  }
0x50: {  	_ =	shalt  }
0x51: {  	_ =	shalt  }
0x52: {  	_ =	shalt  }
0x53: {  	_ =	shalt  }
0x54: {  	_ =	shalt  }
0x55: {  	_ =	shalt  }
0x56: {  	_ =	shalt  }
0x57: {  	_ =	shalt  }
0x58: {  	_ =	shalt  }
0x59: {  	_ =	shalt  }
0x5a: {  	_ =	shalt  }
0x5b: {  	_ =	shalt  }
0x5c: {  	_ =	shalt  }
0x5d: {  	_ =	shalt  }
0x5e: {  	_ =	shalt  }
0x5f: {  	_ =	shalt  }
0x60: {  	_ =	shalt  }
0x61: {  	_ =	shalt  }
0x62: {  	_ =	shalt  }
0x63: {  	_ =	shalt  }
0x64: {  	_ =	shalt  }
0x65: {  	_ =	shalt  }
0x66: {  	_ =	shalt  }
0x67: {  	_ =	shalt  }
0x68: {  	_ =	shalt  }
0x69: {  	_ =	shalt  }
0x6a: {  	_ =	shalt  }
0x6b: {  	_ =	shalt  }
0x6c: {  	_ =	shalt  }
0x6d: {  	_ =	shalt  }
0x6e: {  	_ =	shalt  }
0x6f: {  	_ =	shalt  }
0x70: {  	_ =	shalt  }
0x71: {  	_ =	shalt  }
0x72: {  	_ =	shalt  }
0x73: {  	_ =	shalt  }
0x74: {  	_ =	shalt  }
0x75: {  	_ =	shalt  }
0x76: {  	_ =	shalt  }
0x77: {  	_ =	shalt  }
0x78: {  	_ =	shalt  }
0x79: {  	_ =	shalt  }
0x7a: {  	_ =	shalt  }
0x7b: {  	_ =	shalt  }
0x7c: {  	_ =	shalt  }
0x7d: {  	_ =	shalt  }
0x7e: {  	_ =	shalt  }
0x7f: {  	_ =	shalt  }
0x80: {  	_ =	shalt  }
0x81: {  	_ =	shalt  }
0x82: {  	_ =	shalt  }
0x83: {  	_ =	shalt  }
0x84: {  	_ =	shalt  }
0x85: {  	_ =	shalt  }
0x86: {  	_ =	shalt  }
0x87: {  	_ =	shalt  }
.Lfunc_end0:
.L_simem_size_0:
called_computation.3_lowered:
.L_overlay_start_0:
0x88: {  	s2 =	sld [smem:$0x3FD9]  }
0x89: {  	s3 =	sld [smem:$0x3FFE];
	_ =	sdelay $0x1  }
0x8a: {  	s1 =	srdreg.scid  }
0x8b: {  	s0 =	sand.u32 $0x1, s1  }
0x8c: {  	s14 =	sshll.u32 s0, $0xA;
	s2 =	sadd.s32 s3, s2  }
0x8d: {  	s2 =	sadd.s32 s2, s14  }
0x8e: {  	[smem:$0x3FB4] =	sst s2  }
0x8f: {  	_ = 	snop  }
0x90: {  	s2 =	sld [smem:$0x3FD0];
	_ =	sdelay $0x2  }
0x91: {  	s15 =	simm.s32 $0xA;
	s4 =	simm.s32 $0x10  }
0x92: {  	[smem:s4], [sflag:s15] =	dma.local [hbm:s2], $0x1  }
0x93: {  	_ =	swait.eq [sflag:s15], $0x1  }
0x94: {  	[sflag:s15] =	ssyncset.done $0x0  }
0x95: {  	[sflag:s15] =	ssyncadd.s32 $0xFFFFFFFF  }
0x96: {  	s16 =	sld [smem:$0x10];
	(tm) =	ssettm $0x1  }
0x97: {  	s17 =	sld [smem:$0x3FFB];
	_ =	sdelay $0x3  }
0x98: {  	_ =	strace s17  }
0x99: {  	s3 =	sld [smem:$0x3FFC];
	_ =	sdelay $0x3  }
0x9a: {  	_ =	strace s3  }
0x9b: {  	s3 =	sld [smem:$0x3FFD];
	_ =	sdelay $0x3  }
0x9c: {  	_ =	strace s3  }
0x9d: {  	_ =	strace $0x8FFFFFFF  }
0x9e: {  	s18 =	sld [smem:$0x3FDB];
	_ =	sdelay $0x1  }
0x9f: {  	s19 =	simm.s32 $_scs_section_size  }
0xa0: {  	s5 =	simm.s32 $_size__tile_overlayer_lowered;
	s6 =	simm.s32 $_tile_overlayer_lowered  }
0xa1: {  	s22 =	simm.s32 $0x1BFF;
	s21 =	sshll.u32 s6, $0x1;
	s3 =	sadd.s32 s19, s18  }
0xa2: {  	s7 =	simm.s32 $0x0;
	s20 =	sshll.u32 s5, $0x1;
	s5 =	sadd.s32 s21, s3  }
0xa3: {  	[timem:s7], [sflag:s22] =	dma.local [hbm:s5], s20  }
0xa4: {  	_ =	swait.ge [sflag:s22], s20  }
0xa5: {  	s4 =	ssub.s32 $0x0, s20;
	[sflag:s22] =	ssyncset.done $0x0  }
0xa6: {  	[sflag:s22] =	ssyncadd.s32 s4;
	_ =	sdelay $0x1  }
0xa7: {  	s23 =	simm.s32 $0x1B8B  }
0xa8: {  	_ =	swait.ge [sflag:s23], $0x1  }
0xa9: {  	[sflag:s23] =	ssyncset.done $0x0  }
0xaa: {  	s25 =	simm.s32 $0x1B8E;
	s24 =	sld [smem:$0x3FFE];
	[sflag:s23] =	ssyncadd.s32 $0xFFFFFFFF  }
0xab: {  	s26 =	simm.s32 $execute0_lowered;
	[smem:$0x3FD2] =	sst s25  }
0xac: {  	s5 =	sshll.u32 s26, $0x1;
	_ =	strace $0x8000004F;
	[dreg:$0x1] =	wrdreg $0xFFFFFFFF  }
0xad: {  	s28 =	simm.s32 $_size_execute0_lowered;
	s3 =	sadd.s32 s3, s5;
	[dreg:$0x0] =	wrdreg $0x0  }
0xae: {  	s5 =	sshll.u32 s28, $0x1;
	[dreg:$0x2] =	wrdreg s3  }
0xaf: {  	[dreg:$0x3] =	wrdreg s5  }
0xb0: {  	[dreg:$0x4] =	wrdreg $0xC0  }
0xb1: {  	_ =	task [dreg:s7], $0x5FFFF  }
0xb2: {  	[dreg:$0x1] =	wrdreg $0xFFFFFFFF  }
0xb3: {  	[dreg:$0x0] =	wrdreg $0x60  }
0xb4: {  	[dreg:$0x2] =	wrdreg s24  }
0xb5: {  	[dreg:$0x3] =	wrdreg s16  }
0xb6: {  	[dreg:$0x4] =	wrdreg $0x28800  }
0xb7: {  	[dreg:$0x5] =	wrdreg $0x9  }
0xb8: {  	_ =	task.clear_ibuf [dreg:s7], $0x6FFFF;
	_ =	strace $0x9000004F  }
0xb9: {  	s29 =	simm.s32 $0x9;
	_ =	strace $0x80000051  }
0xba: {  	_ =	swait.ge [sflag:s29], $0x1  }
0xbb: {  	[sflag:s29] =	ssyncadd.s32 $0xFFFFFFFF  }
0xbc: {  	_ =	strace $0x90000051  }
0xbd: {  	_ =	sfence  }
0xbe: {  	s30 =	sld [smem:$0x0];
	_ =	sdelay $0x2  }
0xbf: {  	s31 =	sshll.u32 s1, $0xD;
	s1 =	sshrl.u32 s1, $0x2  }
0xc0: {  	s3 =	sand.u32 $0x4000, s31;
	s1 =	sadd.s32 s1, s30  }
0xc1: {  	s0 =	sor.u32 s3, s0;
	s1 =	sshll.u32 s1, $0x11  }
0xc2: {  	s0 =	sor.u32 s1, s0  }
0xc3: {  	s0 =	sadd.s32 $0x8F2B, s0  }
0xc4: {  	[sflag:s0] =	ssyncadd.remote.s32 $0x1  }
0xc5: {  	_ =	sfence.sel $0xFFFF  }
0xc6: {  	[dreg:$0x0] =	wrdreg $0xFFFFFFFF;
	(pc) =	sbr.abs _section_cstart, $3  }
0xc7: {  	[dreg:$0x1] =	wrdreg $0xFFFFFFFF  }
0xc8: {  	_ =	task.clear_ibuf [dreg:s7], $0x2FFFF;
	_ =	strace $0x9FFFFFFF  }
0xc9: {  	(tm) =	ssettm $0x7FFFFFFF  }
tec
execute0_lowered:
.L_overlay_start_1:
0x0: {  	(tag) =	ssettag $0x1  }
0x1: {  	s7 =	rddreg [dreg:$0x0]  }
0x2: {  	s0 =	stileid.u32;
	s11 =	rddreg [dreg:$0x1]  }
0x3: {  	s1 =	srdreg.scid;
	s2 =	rddreg [dreg:$0x2]  }
0x4: {  	s3 =	simm.s32 $0x0;
	s21 =	simm.s32 $0x1;
	s4 =	smul.u32 $0x4E20, s0  }
0x5: {  	s23 =	simm.s32 $0x80;
	s24 =	simm.s32 $0x50;
	s6 =	smul.u32 $0x4E200, s0  }
0x6: {  	s25 =	sand.u32 $0x1, s1;
	s1 =	rddreg [dreg:$0x3];
	s8 =	smul.u32 $0x4E000, s0  }
0x7: {  	[smem:$0x7FF] =	sst s3;
	s15 =	smul.u32 $0x2700, s0;
	s31 =	sshll.u32 s0, $0x6  }
0x8: {  	p0 =	sne.s32 s0, $0xF;
	p2 =	seq.s32 s0, $0xF;
	s5 =	smul.u32 $0x2710, s25  }
0x9: {  	_ =	strace $0x80000050;
	s9 =	ssub.s32 $0x2, s25;
	s16 =	smul.u32 $0x27100, s25  }
0xa: {  	p1 =	sne.s32 s25, $0x0;
	s25 =	simm.s32 $0x0;
	s14 =	sadd.s32 s6, s7  }
0xb: {  	s6 =	sadd.s32 $0xE5E00, s7;
	s10 =	sshrl.u32 s9, $0x1;
	s8 =	sshrl.u32 s8, $0x2  }
0xc: {  	s4 =	sadd.s32 s5, s4;
	s5 =	sadd.s32 $0xBEC00, s7;
	s17 =	ssub.s32 s9, s10  }
0xd: {  	s20 =	sadd.s32 s8, s2;
	s8 =	sadd.s32 s11, s15;
	s9 =	sor.u32 $0x1C01, s31  }
0xe: {  	s10 =	sadd.s32 $0x138000, s2;
	s11 =	sadd.s32 $0x27000, s11;
	s19 =	sadd.s32 s16, s14  }
.Ltmp0:
0xf: {  	s4 =	sshrl.u32 s4, $0x3;
	s12 =	sadd.s32 s5, s15;
	(pc) =	sbr.rel .LBB2_1-.Ltmp0, $4  }
0x10: {  	s16 =	sadd.s32 $0xAD6600, s19;
	s17 =	smax.u32 s17, $0x1;
	s19 =	sadd.s32 $0x1DC3600, s19  }
0x11: {  	s20 =	sshrl.u32 s20, $0x3;
	s18 =	sadd.s32 s4, s7;
	s4 =	sadd.s32 $0x22800, s7  }
0x12: {  	s22 =	sshrl.u32 @!p0 s10, $0x3;
	s7 =	sadd.s32 $0xFB8600, s7;
	s13 =	sadd.s32 s4, s15  }
0x13: {  	s14 =	sadd.s32 s7, s15;
	s15 =	sadd.s32 s6, s15;
	s18 =	sadd.s32 $0x18A00, s18  }
.LBB2_14:
0x14: {  	s26 =	sadd.s32 $0x27000, s26;
	s28 =	sshrl.u32 s10, $0x3  }
0x15: {  	[hbm:s26], [sflag:s9] =	dma.local [spmem:s28], $0x100  }
0x16: {  	_ =	swait.ge [sflag:s21], $0x100  }
0x17: {  	[sflag:s21] =	ssyncset.done $0x0  }
0x18: {  	[sflag:s21] =	ssyncadd.s32 $0xFFFFFF00  }
.LBB2_15:
0x19: {  	s25 =	sadd.s32 $0x1, s25  }
0x1a: {  	p3 =	sne.s32 s25, s17  }
.Ltmp1:
0x1b: {  	_ = 	snop;
	(pc) =	sbr.rel @!p3 .LBB2_16-.Ltmp1, $1  }
0x1c: {  	_ =	sdelay $0x3  }
.LBB2_1:
0x1d: {  	[spmem:s20], [sflag:s9] =	dma.local [hbm:s8], $0x2700  }
0x1e: {  	_ =	swait.ge [sflag:s21], $0x2700  }
0x1f: {  	[sflag:s21] =	ssyncset.done $0x0  }
0x20: {  	s26 =	simm.s32 @!p0 $0x1;
	[sflag:s21] =	ssyncadd.s32 $0xFFFFD900  }
0x21: {  	[spmem:s22], [sflag:s9] =	dma.local @!p0 [hbm:s11], $0x100  }
0x22: {  	_ =	swait.ge @!p0 [sflag:s26], $0x100  }
0x23: {  	[sflag:s26] =	ssyncset.done @!p0 $0x0  }
0x24: {  	[sflag:s26] =	ssyncadd.s32 @!p0 $0xFFFFFF00  }
0x25: {  	s31 =	sadd.s32 $0x0, s18;
	[bflag:$0x0] =	sbarrier.arrive $0xFFFF  }
0x26: {  	[tilespmem:s3], [sflag:$0x1] =	stream.linear.gather [hbm4b:s31+s3], $0x50, $0x38;
	[tilespmem:$0x16100] =	vst v63  }
0x27: {  	_ =	swait.ge [sflag:s21], $0x50  }
0x28: {  	[sflag:s21] =	ssyncset.done $0x0  }
0x29: {  	[sflag:s21] =	ssyncadd.s32 $0xFFFFFFB0  }
0x2a: {  	[tilespmem:s23], [sflag:$0x1] =	stream.linear.gather [hbm4b:s16+s3], $0x2800, $0x38;
	[tilespmem:$0x16100] =	vst v63  }
0x2b: {  	_ =	swait.ge [sflag:s21], $0x2800  }
0x2c: {  	[sflag:s21] =	ssyncset.done $0x0  }
0x2d: {  	[sflag:s21] =	ssyncadd.s32 $0xFFFFD800  }
0x2e: {  	[spmem:s2] =	stream.indirect.scatter.add.f32 [tilespmem:s23], [sflag:$0x1], $0x80, s3, s24, $0xb8;
	[tilespmem:$0x16100] =	vst v63  }
0x2f: {  	s28 =	simm.s32 $0xA;
	_ =	swait.ge [sflag:s21], $0x2800  }
0x30: {  	s29 =	simm.s32 $0x14;
	s26 =	sadd.s32 $0x500, s16;
	[sflag:s21] =	ssyncset.done $0x0  }
.LBB2_2:
0x31: {  	s30 =	sadd.s32 s28, s18  }
0x32: {  	[sflag:s21] =	ssyncadd.s32 $0xFFFFD800;
	s28 =	smov.u32 s29;
	s31 =	sadd.s32 $0xA, s29  }
0x33: {  	[tilespmem:s3], [sflag:$0x1] =	stream.linear.gather [hbm4b:s30+s3], $0x50, $0x38;
	[tilespmem:$0x16100] =	vst v63  }
0x34: {  	p3 =	sne.s32 s29, $0x4D8;
	_ =	swait.ge [sflag:s21], $0x50  }
0x35: {  	[sflag:s21] =	ssyncset.done $0x0  }
0x36: {  	[sflag:s21] =	ssyncadd.s32 $0xFFFFFFB0  }
0x37: {  	[tilespmem:s23], [sflag:$0x1] =	stream.linear.gather [hbm4b:s26+s3], $0x2800, $0x38;
	[tilespmem:$0x16100] =	vst v63  }
0x38: {  	_ =	swait.ge [sflag:s21], $0x2800  }
.Ltmp2:
0x39: {  	[sflag:s21] =	ssyncset.done $0x0;
	(pc) =	sbr.rel @p3 .LBB2_2-.Ltmp2, $4  }
0x3a: {  	[sflag:s21] =	ssyncadd.s32 $0xFFFFD800  }
0x3b: {  	[spmem:s2] =	stream.indirect.scatter.add.f32 [tilespmem:s23], [sflag:$0x1], $0x80, s3, s24, $0xb8;
	[tilespmem:$0x16100] =	vst v63  }
0x3c: {  	_ =	swait.ge [sflag:s21], $0x2800  }
0x3d: {  	s29 =	smov.u32 s31;
	s26 =	sadd.s32 $0x500, s26;
	[sflag:s21] =	ssyncset.done $0x0  }
0x3e: {  	s28 =	sadd.s32 s28, s18;
	[sflag:s21] =	ssyncadd.s32 $0xFFFFD800  }
0x3f: {  	[tilespmem:s3], [sflag:$0x1] =	stream.linear.gather [hbm4b:s28+s3], $0x50, $0x38;
	[tilespmem:$0x16100] =	vst v63  }
0x40: {  	_ =	swait.ge [sflag:s21], $0x50  }
0x41: {  	[sflag:s21] =	ssyncset.done $0x0  }
0x42: {  	[sflag:s21] =	ssyncadd.s32 $0xFFFFFFB0  }
0x43: {  	[tilespmem:s23], [sflag:$0x1] =	stream.linear.gather [hbm4b:s26+s3], $0x2800, $0x38;
	[tilespmem:$0x16100] =	vst v63  }
0x44: {  	_ =	swait.ge [sflag:s21], $0x2800  }
0x45: {  	[sflag:s21] =	ssyncset.done $0x0  }
0x46: {  	[sflag:s21] =	ssyncadd.s32 $0xFFFFD800  }
0x47: {  	[spmem:s2] =	stream.indirect.scatter.add.f32 [tilespmem:s23], [sflag:$0x1], $0x80, s3, s24, $0xb8;
	[tilespmem:$0x16100] =	vst v63  }
.Ltmp3:
0x48: {  	_ =	swait.ge [sflag:s21], $0x2800;
	(pc) =	sbr.rel @p1 .LBB2_6-.Ltmp3, $3  }
0x49: {  	[sflag:s21] =	ssyncset.done $0x0  }
0x4a: {  	[sflag:s21] =	ssyncadd.s32 $0xFFFFD800  }
0x4b: {  	[bflag:$0x0] =	sbarrier.arrive $0xFFFF;
	_ =	sdelay $0x1  }
.Ltmp4:
0x4c: {  	(pc) =	sbr.rel @p2 .LBB2_7-.Ltmp4, $4  }
0x4d: {  	[hbm:s13], [sflag:s9] =	dma.local [spmem:s20], $0x2700  }
0x4e: {  	_ =	swait.ge [sflag:s21], $0x2700  }
0x4f: {  	[sflag:s21] =	ssyncset.done $0x0  }
0x50: {  	s26 =	smov.u32 s4;
	[sflag:s21] =	ssyncadd.s32 $0xFFFFD900  }
.Ltmp5:
0x51: {  	(pc) =	sbr.rel .LBB2_9-.Ltmp5, $4  }
0x52: {  	[spmem:s20], [sflag:s9] =	dma.local [hbm:s8], $0x2700  }
0x53: {  	_ =	swait.ge [sflag:s21], $0x2700  }
0x54: {  	[sflag:s21] =	ssyncset.done $0x0  }
0x55: {  	[sflag:s21] =	ssyncadd.s32 $0xFFFFD900  }
.LBB2_6:
.Ltmp6:
0x56: {  	(pc) =	sbr.rel @p0 .LBB2_8-.Ltmp6, $4  }
0x57: {  	[hbm:s12], [sflag:s9] =	dma.local [spmem:s20], $0x2700  }
0x58: {  	_ =	swait.ge [sflag:s21], $0x2700  }
0x59: {  	[sflag:s21] =	ssyncset.done $0x0  }
0x5a: {  	s26 =	smov.u32 s5;
	[sflag:s21] =	ssyncadd.s32 $0xFFFFD900  }
.LBB2_7:
0x5b: {  	s26 =	sadd.s32 $0x27000, s26;
	s28 =	sshrl.u32 s10, $0x3  }
0x5c: {  	[hbm:s26], [sflag:s9] =	dma.local [spmem:s28], $0x100  }
0x5d: {  	_ =	swait.ge [sflag:s21], $0x100  }
0x5e: {  	[sflag:s21] =	ssyncset.done $0x0  }
0x5f: {  	[sflag:s21] =	ssyncadd.s32 $0xFFFFFF00  }
0x60: {  	[spmem:s20], [sflag:s9] =	dma.local [hbm:s8], $0x2700  }
0x61: {  	_ =	swait.ge [sflag:s21], $0x2700  }
0x62: {  	[sflag:s21] =	ssyncset.done $0x0  }
.Ltmp7:
0x63: {  	[sflag:s21] =	ssyncadd.s32 $0xFFFFD900;
	(pc) =	sbr.rel .LBB2_9-.Ltmp7, $4  }
0x64: {  	[spmem:s28], [sflag:s9] =	dma.local [hbm:s11], $0x100  }
0x65: {  	_ =	swait.ge [sflag:s21], $0x100  }
0x66: {  	[sflag:s21] =	ssyncset.done $0x0  }
0x67: {  	[sflag:s21] =	ssyncadd.s32 $0xFFFFFF00  }
.LBB2_8:
0x68: {  	[spmem:s20], [sflag:s9] =	dma.local [hbm:s8], $0x2700  }
0x69: {  	_ =	swait.ge [sflag:s21], $0x2700  }
0x6a: {  	[sflag:s21] =	ssyncset.done $0x0  }
0x6b: {  	[sflag:s21] =	ssyncadd.s32 $0xFFFFD900  }
.LBB2_9:
0x6c: {  	[bflag:$0x0] =	sbarrier.arrive $0xFFFF;
	s26 =	sadd.s32 $0x0, s18  }
0x6d: {  	[tilespmem:s3], [sflag:$0x1] =	stream.linear.gather [hbm4b:s26+s3], $0x50, $0x38;
	[tilespmem:$0x16100] =	vst v63  }
0x6e: {  	_ =	swait.ge [sflag:s21], $0x50  }
0x6f: {  	[sflag:s21] =	ssyncset.done $0x0  }
0x70: {  	[sflag:s21] =	ssyncadd.s32 $0xFFFFFFB0  }
0x71: {  	[tilespmem:s23], [sflag:$0x1] =	stream.linear.gather [hbm4b:s19+s3], $0x2800, $0x38;
	[tilespmem:$0x16100] =	vst v63  }
0x72: {  	_ =	swait.ge [sflag:s21], $0x2800  }
0x73: {  	[sflag:s21] =	ssyncset.done $0x0  }
0x74: {  	[sflag:s21] =	ssyncadd.s32 $0xFFFFD800  }
0x75: {  	[spmem:s2] =	stream.indirect.scatter.add.f32 [tilespmem:s23], [sflag:$0x1], $0x80, s3, s24, $0xb8;
	[tilespmem:$0x16100] =	vst v63  }
0x76: {  	s28 =	simm.s32 $0xA;
	_ =	swait.ge [sflag:s21], $0x2800  }
0x77: {  	s29 =	simm.s32 $0x14;
	s26 =	sadd.s32 $0x500, s19;
	[sflag:s21] =	ssyncset.done $0x0  }
.LBB2_10:
0x78: {  	s30 =	sadd.s32 s28, s18  }
0x79: {  	[sflag:s21] =	ssyncadd.s32 $0xFFFFD800;
	s28 =	smov.u32 s29;
	s31 =	sadd.s32 $0xA, s29  }
0x7a: {  	[tilespmem:s3], [sflag:$0x1] =	stream.linear.gather [hbm4b:s30+s3], $0x50, $0x38;
	[tilespmem:$0x16100] =	vst v63  }
0x7b: {  	p3 =	sne.s32 s29, $0x4D8;
	_ =	swait.ge [sflag:s21], $0x50  }
0x7c: {  	[sflag:s21] =	ssyncset.done $0x0  }
0x7d: {  	[sflag:s21] =	ssyncadd.s32 $0xFFFFFFB0  }
0x7e: {  	[tilespmem:s23], [sflag:$0x1] =	stream.linear.gather [hbm4b:s26+s3], $0x2800, $0x38;
	[tilespmem:$0x16100] =	vst v63  }
0x7f: {  	_ =	swait.ge [sflag:s21], $0x2800  }
.Ltmp8:
0x80: {  	[sflag:s21] =	ssyncset.done $0x0;
	(pc) =	sbr.rel @p3 .LBB2_10-.Ltmp8, $4  }
0x81: {  	[sflag:s21] =	ssyncadd.s32 $0xFFFFD800  }
0x82: {  	[spmem:s2] =	stream.indirect.scatter.add.f32 [tilespmem:s23], [sflag:$0x1], $0x80, s3, s24, $0xb8;
	[tilespmem:$0x16100] =	vst v63  }
0x83: {  	_ =	swait.ge [sflag:s21], $0x2800  }
0x84: {  	s29 =	smov.u32 s31;
	s26 =	sadd.s32 $0x500, s26;
	[sflag:s21] =	ssyncset.done $0x0  }
0x85: {  	s28 =	sadd.s32 s28, s18;
	[sflag:s21] =	ssyncadd.s32 $0xFFFFD800  }
0x86: {  	[tilespmem:s3], [sflag:$0x1] =	stream.linear.gather [hbm4b:s28+s3], $0x50, $0x38;
	[tilespmem:$0x16100] =	vst v63  }
0x87: {  	_ =	swait.ge [sflag:s21], $0x50  }
0x88: {  	[sflag:s21] =	ssyncset.done $0x0  }
0x89: {  	[sflag:s21] =	ssyncadd.s32 $0xFFFFFFB0  }
0x8a: {  	[tilespmem:s23], [sflag:$0x1] =	stream.linear.gather [hbm4b:s26+s3], $0x2800, $0x38;
	[tilespmem:$0x16100] =	vst v63  }
0x8b: {  	_ =	swait.ge [sflag:s21], $0x2800  }
0x8c: {  	[sflag:s21] =	ssyncset.done $0x0  }
0x8d: {  	[sflag:s21] =	ssyncadd.s32 $0xFFFFD800  }
0x8e: {  	[spmem:s2] =	stream.indirect.scatter.add.f32 [tilespmem:s23], [sflag:$0x1], $0x80, s3, s24, $0xb8;
	[tilespmem:$0x16100] =	vst v63  }
.Ltmp9:
0x8f: {  	_ =	swait.ge [sflag:s21], $0x2800;
	(pc) =	sbr.rel @p1 .LBB2_13-.Ltmp9, $3  }
0x90: {  	[sflag:s21] =	ssyncset.done $0x0  }
0x91: {  	[sflag:s21] =	ssyncadd.s32 $0xFFFFD800  }
0x92: {  	[bflag:$0x0] =	sbarrier.arrive $0xFFFF;
	_ =	sdelay $0x1  }
0x93: {  	[hbm:s15], [sflag:s9] =	dma.local [spmem:s20], $0x2700  }
.Ltmp10:
0x94: {  	_ = 	snop;
	(pc) =	sbr.rel @p2 .LBB2_14-.Ltmp10, $4  }
.Ltmp11:
0x95: {  	_ = 	snop;
	(pc) =	sbr.rel @!p2 .LBB2_15-.Ltmp11, $4  }
0x96: {  	_ =	swait.ge [sflag:s21], $0x2700  }
0x97: {  	[sflag:s21] =	ssyncset.done $0x0  }
0x98: {  	s26 =	smov.u32 s6;
	[sflag:s21] =	ssyncadd.s32 $0xFFFFD900  }
0x99: {  	_ = 	snop  }
.LBB2_13:
0x9a: {  	[hbm:s14], [sflag:s9] =	dma.local [spmem:s20], $0x2700  }
.Ltmp12:
0x9b: {  	_ = 	snop;
	(pc) =	sbr.rel @p0 .LBB2_15-.Ltmp12, $4  }
.Ltmp13:
0x9c: {  	_ = 	snop;
	(pc) =	sbr.rel @!p0 .LBB2_14-.Ltmp13, $4  }
0x9d: {  	_ =	swait.ge [sflag:s21], $0x2700  }
0x9e: {  	[sflag:s21] =	ssyncset.done $0x0  }
0x9f: {  	s26 =	smov.u32 s7;
	[sflag:s21] =	ssyncadd.s32 $0xFFFFD900  }
0xa0: {  	_ = 	snop  }
.LBB2_16:
0xa1: {  	_ =	sfence.sel $0x180000  }
0xa2: {  	[bflag:$0x0] =	sbarrier.arrive $0xFFFF  }
0xa3: {  	p0 =	sne.s32 s0, $0x0;
	_ =	strace $0x90000050  }
0xa4: {  	s0 =	sadd.s32 @!p0 $0x100000, s1;
	[bflag:$0x2] =	sbarrier.arrive $0xFFFF  }
0xa5: {  	[sflag:s0] =	ssyncadd.tile.s32 @!p0 $0x1;
	_ =	shalt  }
.Lfunc_end2:
_tile_overlayer_lowered:
.L_overlay_start_2:
0xa6: {  	(tag) =	ssettag $0x2  }
0xa7: {  	s0 =	rddreg [dreg:$0x0];
	s2 =	stileid.u32  }
0xa8: {  	s1 =	rddreg [dreg:$0x1];
	p0 =	sne.s32 s2, $0x0  }
0xa9: {  	s3 =	rddreg [dreg:$0x2];
	[bflag:$0x3] =	sbarrier.arrive $0xFFFF;
	s2 =	simm.s32 @!p0 $0x1C01  }
0xaa: {  	[timem:s3], [sflag:s2] =	dma.local @!p0 [hbm:s0], s1  }
0xab: {  	s0 =	simm.s32 @!p0 $0x1  }
0xac: {  	_ =	swait.ge @!p0 [sflag:s0], s1  }
0xad: {  	s1 =	ssub.s32 @!p0 $0x0, s1;
	[sflag:s0] =	ssyncset.done @!p0 $0x0  }
0xae: {  	[sflag:s0] =	ssyncadd.s32 @!p0 s1  }
0xaf: {  	[bflag:$0x3] =	sbarrier.arrive $0xFFFF  }
0xb0: {  	_ =	shalt  }

// kernel: kernel.32.cloned.1.call-start
scs
__scs_entry_jumppad:
0x0: {  	(pc) =	sbr.rel $0x88, $3  }
0x1: {  	(tag) =	ssettag $0x0;
	lr =	simm.s32 $0x1  }
0x2: {  	[smem:$0x3F8D] =	sst lr;
	_ =	strace $0xD0000000  }
0x3: {  	_ = 	snop  }
0x4: {  	_ = 	snop  }
0x5: {  	_ = 	snop  }
0x6: {  	_ = 	snop  }
0x7: {  	_ = 	snop  }
__scs_overlays_trampoline_lowered:
0x8: {  	[smem:$0x3F9C] =	sst s0  }
0x9: {  	[smem:$0x3F9D] =	sst s1  }
0xa: {  	[smem:$0x3F9E] =	sst s2  }
0xb: {  	[smem:$0x3F9F] =	sst s3  }
0xc: {  	[smem:$0x3FA0] =	sst s4  }
0xd: {  	[smem:$0x3FA1] =	sst s5  }
0xe: {  	[smem:$0x3FA2] =	sst s6  }
0xf: {  	[smem:$0x3FA3] =	sst s7  }
0x10: {  	[smem:$0x3FA4] =	sst s8  }
0x11: {  	[smem:$0x3FA5] =	sst s9;
	s0 =	simm.s32 @!p0 $0x0  }
0x12: {  	s1 =	sld [smem:$0x3F8B];
	s0 =	simm.s32 @p0 $0x1  }
0x13: {  	[smem:$0x3FA6] =	sst s0;
	s0 =	simm.s32 @!p1 $0x0  }
0x14: {  	s2 =	sld [smem:$0x3F8A];
	s0 =	simm.s32 @p1 $0x1  }
0x15: {  	[smem:$0x3FA7] =	sst s0;
	s0 =	simm.s32 @!p2 $0x0  }
0x16: {  	s3 =	sld [smem:$0x3FDB];
	s0 =	simm.s32 @p2 $0x1  }
0x17: {  	s4 =	simm.s32 $0x1BF5;
	[smem:$0x3FA9] =	sst s0  }
0x18: {  	s0 =	sld [smem:$0x3F8C];
	_ =	swait.ge [sflag:s4], $0x0  }
0x19: {  	s7 =	sld [smem:$0x3F8D]  }
0x1a: {  	s8 =	sadd.s32 $0xFFFFE003, lr  }
0x1b: {  	s9 =	sadd.s32 $0xFFFFFEF7, lr;
	s5 =	simm.s32 $0xFFFFFFFF;
	p2 =	slt.u32 s8, $0xFFFFF086  }
0x1c: {  	p1 =	slt.u32 s9, $0xF7A;
	s5 =	simm.s32 @!p2 $0x0  }
0x1d: {  	s5 =	simm.s32 @p1 $0x1;
	p0 =	seq.s32 s7, s2  }
0x1e: {  	s7 =	smul.u32 @!p0 $0xF7A, s2;
	p2 =	seq.s32 @!p0 s5, $0x0  }
0x1f: {  	s9 =	smul.u32 $0xF7A, s1;
	s8 =	simm.s32 @!p0 $0x1BF5;
	p2 =	por !p2, p0  }
0x20: {  	[sflag:s8] =	ssyncset.s32 @!p0 $0xFFFFF086;
	s6 =	sadd.s32 @!p0 s3, s7;
	s7 =	simm.s32 @!p0 $0x108  }
0x21: {  	s3 =	sadd.s32 s3, s9;
	s6 =	sadd.s32 @!p0 $0x88, s6;
	s7 =	simm.s32 @p2 $0x1082  }
0x22: {  	[simem:s7], [sflag:s8] =	dma.local @!p0 [hbm:s6], $0xF7A  }
0x23: {  	s9 =	sor.u32 $0xD0000000, s2;
	s6 =	simm.s32 $0x108;
	_ =	swait.ge @!p0 [sflag:s8], $0x0  }
0x24: {  	s3 =	sadd.s32 $0x88, s3;
	s6 =	simm.s32 @!p1 $0x1082;
	[sflag:s4] =	ssyncset.s32 $0xFFFFF086  }
0x25: {  	[simem:s6], [sflag:s4] =	dma.local [hbm:s3], $0xF7A  }
0x26: {  	[smem:$0x3F8D] =	sst s1;
	(tag) =	ssettag s2;
	_ =	strace s9  }
0x27: {  	s1 =	sld [smem:$0x3F9D]  }
0x28: {  	s2 =	sld [smem:$0x3F9E]  }
0x29: {  	s4 =	sld [smem:$0x3FA0]  }
0x2a: {  	p0 =	seq.s32 s5, $0x0;
	s5 =	sld [smem:$0x3FA1]  }
0x2b: {  	s6 =	sld [smem:$0x3FA2]  }
0x2c: {  	s7 =	sld [smem:$0x3FA3]  }
0x2d: {  	s3 =	simm.s32 $0x108;
	s8 =	sld [smem:$0x3FA4]  }
0x2e: {  	s3 =	simm.s32 @!p0 $0x1082;
	s9 =	sld [smem:$0x3FA5]  }
0x2f: {  	lr =	sadd.s32 s0, s3;
	s0 =	sld [smem:$0x3F9C]  }
0x30: {  	s3 =	sld [smem:$0x3F9F]  }
0x31: {  	[smem:$0x3FA8] =	sst s10  }
0x32: {  	s10 =	sld [smem:$0x3FA6];
	_ =	sdelay $0x3  }
0x33: {  	p0 =	seq.s32 s10, $0x1;
	s10 =	sld [smem:$0x3FA8];
	_ =	sdelay $0x3  }
0x34: {  	[smem:$0x3FA8] =	sst s10  }
0x35: {  	s10 =	sld [smem:$0x3FA7];
	_ =	sdelay $0x3  }
0x36: {  	p1 =	seq.s32 s10, $0x1;
	s10 =	sld [smem:$0x3FA8];
	_ =	sdelay $0x3  }
0x37: {  	[smem:$0x3FA8] =	sst s10  }
0x38: {  	s10 =	sld [smem:$0x3FA9]  }
0x39: {  	_ = 	snop;
	(pc) =	sbr.ind lr, $3  }
0x3a: {  	_ = 	snop  }
0x3b: {  	_ = 	snop  }
0x3c: {  	p2 =	seq.s32 s10, $0x1;
	s10 =	sld [smem:$0x3FA8]  }
0x3d: {  	_ =	shalt  }
0x3e: {  	_ =	shalt  }
0x3f: {  	_ =	shalt  }
0x40: {  	_ =	shalt  }
0x41: {  	_ =	shalt  }
0x42: {  	_ =	shalt  }
0x43: {  	_ =	shalt  }
0x44: {  	_ =	shalt  }
0x45: {  	_ =	shalt  }
0x46: {  	_ =	shalt  }
0x47: {  	_ =	shalt  }
0x48: {  	_ =	shalt  }
0x49: {  	_ =	shalt  }
0x4a: {  	_ =	shalt  }
0x4b: {  	_ =	shalt  }
0x4c: {  	_ =	shalt  }
0x4d: {  	_ =	shalt  }
0x4e: {  	_ =	shalt  }
0x4f: {  	_ =	shalt  }
0x50: {  	_ =	shalt  }
0x51: {  	_ =	shalt  }
0x52: {  	_ =	shalt  }
0x53: {  	_ =	shalt  }
0x54: {  	_ =	shalt  }
0x55: {  	_ =	shalt  }
0x56: {  	_ =	shalt  }
0x57: {  	_ =	shalt  }
0x58: {  	_ =	shalt  }
0x59: {  	_ =	shalt  }
0x5a: {  	_ =	shalt  }
0x5b: {  	_ =	shalt  }
0x5c: {  	_ =	shalt  }
0x5d: {  	_ =	shalt  }
0x5e: {  	_ =	shalt  }
0x5f: {  	_ =	shalt  }
0x60: {  	_ =	shalt  }
0x61: {  	_ =	shalt  }
0x62: {  	_ =	shalt  }
0x63: {  	_ =	shalt  }
0x64: {  	_ =	shalt  }
0x65: {  	_ =	shalt  }
0x66: {  	_ =	shalt  }
0x67: {  	_ =	shalt  }
0x68: {  	_ =	shalt  }
0x69: {  	_ =	shalt  }
0x6a: {  	_ =	shalt  }
0x6b: {  	_ =	shalt  }
0x6c: {  	_ =	shalt  }
0x6d: {  	_ =	shalt  }
0x6e: {  	_ =	shalt  }
0x6f: {  	_ =	shalt  }
0x70: {  	_ =	shalt  }
0x71: {  	_ =	shalt  }
0x72: {  	_ =	shalt  }
0x73: {  	_ =	shalt  }
0x74: {  	_ =	shalt  }
0x75: {  	_ =	shalt  }
0x76: {  	_ =	shalt  }
0x77: {  	_ =	shalt  }
0x78: {  	_ =	shalt  }
0x79: {  	_ =	shalt  }
0x7a: {  	_ =	shalt  }
0x7b: {  	_ =	shalt  }
0x7c: {  	_ =	shalt  }
0x7d: {  	_ =	shalt  }
0x7e: {  	_ =	shalt  }
0x7f: {  	_ =	shalt  }
0x80: {  	_ =	shalt  }
0x81: {  	_ =	shalt  }
0x82: {  	_ =	shalt  }
0x83: {  	_ =	shalt  }
0x84: {  	_ =	shalt  }
0x85: {  	_ =	shalt  }
0x86: {  	_ =	shalt  }
0x87: {  	_ =	shalt  }
.Lfunc_end0:
.L_simem_size_0:
called_computation.4_lowered:
.L_overlay_start_0:
0x88: {  	s2 =	sld [smem:$0x3FD9]  }
0x89: {  	s3 =	sld [smem:$0x3FFE];
	_ =	sdelay $0x1  }
0x8a: {  	s1 =	srdreg.scid  }
0x8b: {  	s0 =	sand.u32 $0x1, s1  }
0x8c: {  	s16 =	sshll.u32 s0, $0xA;
	s2 =	sadd.s32 s3, s2  }
0x8d: {  	s2 =	sadd.s32 s2, s16  }
0x8e: {  	[smem:$0x3FB4] =	sst s2  }
0x8f: {  	_ = 	snop  }
0x90: {  	(tm) =	ssettm $0x1  }
0x91: {  	s17 =	sld [smem:$0x3FFB];
	_ =	sdelay $0x3  }
0x92: {  	_ =	strace s17  }
0x93: {  	s2 =	sld [smem:$0x3FFC];
	_ =	sdelay $0x3  }
0x94: {  	_ =	strace s2  }
0x95: {  	s2 =	sld [smem:$0x3FFD];
	_ =	sdelay $0x3  }
0x96: {  	_ =	strace s2  }
0x97: {  	_ =	strace $0x8FFFFFFF  }
0x98: {  	s18 =	sld [smem:$0x3FDB];
	_ =	sdelay $0x1  }
0x99: {  	s19 =	simm.s32 $_scs_section_size  }
0x9a: {  	s4 =	simm.s32 $_size__tile_overlayer_lowered;
	s5 =	simm.s32 $_tile_overlayer_lowered  }
0x9b: {  	s22 =	simm.s32 $0x1BFF;
	s21 =	sshll.u32 s5, $0x1;
	s2 =	sadd.s32 s19, s18  }
0x9c: {  	s6 =	simm.s32 $0x0;
	s20 =	sshll.u32 s4, $0x1;
	s4 =	sadd.s32 s21, s2  }
0x9d: {  	[timem:s6], [sflag:s22] =	dma.local [hbm:s4], s20  }
0x9e: {  	_ =	swait.ge [sflag:s22], s20  }
0x9f: {  	s3 =	ssub.s32 $0x0, s20;
	[sflag:s22] =	ssyncset.done $0x0  }
0xa0: {  	[sflag:s22] =	ssyncadd.s32 s3;
	_ =	sdelay $0x1  }
0xa1: {  	s23 =	simm.s32 $0x1B8B  }
0xa2: {  	_ =	swait.ge [sflag:s23], $0x1  }
0xa3: {  	[sflag:s23] =	ssyncset.done $0x0  }
0xa4: {  	s25 =	simm.s32 $0x1B8E;
	s24 =	sld [smem:$0x3FFE];
	[sflag:s23] =	ssyncadd.s32 $0xFFFFFFFF  }
0xa5: {  	s26 =	simm.s32 $execute0_lowered;
	[smem:$0x3FD2] =	sst s25  }
0xa6: {  	s4 =	sshll.u32 s26, $0x1;
	_ =	strace $0x80000052;
	[dreg:$0x1] =	wrdreg $0xFFFFFFFF  }
0xa7: {  	s28 =	simm.s32 $_size_execute0_lowered;
	s2 =	sadd.s32 s2, s4;
	[dreg:$0x0] =	wrdreg $0x0  }
0xa8: {  	s4 =	sshll.u32 s28, $0x1;
	[dreg:$0x2] =	wrdreg s2  }
0xa9: {  	[dreg:$0x3] =	wrdreg s4  }
0xaa: {  	[dreg:$0x4] =	wrdreg $0xC0  }
0xab: {  	_ =	task [dreg:s6], $0x5FFFF  }
0xac: {  	[dreg:$0x1] =	wrdreg $0xFFFFFFFF  }
0xad: {  	[dreg:$0x0] =	wrdreg $0x60  }
0xae: {  	[dreg:$0x2] =	wrdreg s24  }
0xaf: {  	[dreg:$0x3] =	wrdreg $0x9  }
0xb0: {  	_ =	task.clear_ibuf [dreg:s6], $0x4FFFF;
	_ =	strace $0x90000052  }
0xb1: {  	s29 =	simm.s32 $0x9;
	_ =	strace $0x80000054  }
0xb2: {  	_ =	swait.ge [sflag:s29], $0x1  }
0xb3: {  	[sflag:s29] =	ssyncadd.s32 $0xFFFFFFFF  }
0xb4: {  	_ =	strace $0x90000054  }
0xb5: {  	_ =	sfence  }
0xb6: {  	s30 =	sld [smem:$0x0];
	_ =	sdelay $0x2  }
0xb7: {  	s31 =	sshll.u32 s1, $0xD;
	s1 =	sshrl.u32 s1, $0x2  }
0xb8: {  	s3 =	sand.u32 $0x4000, s31;
	s1 =	sadd.s32 s1, s30  }
0xb9: {  	s0 =	sor.u32 s3, s0;
	s1 =	sshll.u32 s1, $0x11  }
0xba: {  	s0 =	sor.u32 s1, s0  }
0xbb: {  	s0 =	sadd.s32 $0x8F2B, s0  }
0xbc: {  	[sflag:s0] =	ssyncadd.remote.s32 $0x1  }
0xbd: {  	_ =	sfence.sel $0xFFFF  }
0xbe: {  	[dreg:$0x0] =	wrdreg $0xFFFFFFFF;
	(pc) =	sbr.abs _section_cstart, $3  }
0xbf: {  	[dreg:$0x1] =	wrdreg $0xFFFFFFFF  }
0xc0: {  	_ =	task.clear_ibuf [dreg:s6], $0x2FFFF;
	_ =	strace $0x9FFFFFFF  }
0xc1: {  	(tm) =	ssettm $0x7FFFFFFF  }
tec
execute0_lowered:
.L_overlay_start_1:
0x0: {  	(tag) =	ssettag $0x1  }
0x1: {  	s0 =	rddreg [dreg:$0x0];
	s3 =	srdreg.scid  }
0x2: {  	s1 =	stileid.u32;
	s2 =	simm.s32 $0x0;
	s26 =	simm.s32 $0x80  }
0x3: {  	s30 =	simm.s32 $0x900;
	s31 =	simm.s32 $0x1100;
	s11 =	simm.s32 $0x2900  }
0x4: {  	s12 =	simm.s32 $0x3100;
	s13 =	simm.s32 $0x3900;
	s14 =	simm.s32 $0x4100  }
0x5: {  	s15 =	simm.s32 $0x4900;
	s16 =	simm.s32 $0x5100;
	s17 =	simm.s32 $0x5900  }
0x6: {  	s18 =	simm.s32 $0x6100;
	s19 =	simm.s32 $0x6900;
	s20 =	simm.s32 $0x7100  }
0x7: {  	s28 =	simm.s32 $0x2;
	s29 =	simm.s32 $0x0;
	s4 =	sand.u32 $0x1, s3  }
0x8: {  	s5 =	smul.u32 $0x4E20, s1;
	[smem:$0x7FF] =	sst s2;
	s3 =	sadd.s32 $0x22800, s0  }
0x9: {  	s21 =	smul.u32 $0x9C400, s1;
	_ =	strace $0x80000053;
	[dreg:$0x4] =	wrdreg s26  }
0xa: {  	s6 =	smul.u32 $0x2710, s4;
	s7 =	ssub.s32 $0x2, s4;
	[dreg:$0x5] =	wrdreg s30  }
0xb: {  	s9 =	smul.u32 $0x4E200, s4;
	[dreg:$0x6] =	wrdreg s31;
	s8 =	sshrl.u32 s7, $0x1  }
0xc: {  	s26 =	simm.s32 $0x1;
	s5 =	sadd.s32 s6, s5;
	s22 =	ssub.s32 s7, s8  }
0xd: {  	s7 =	simm.s32 $0x3;
	s8 =	simm.s32 $0x100;
	s5 =	sshrl.u32 s5, $0x3  }
0xe: {  	s23 =	smax.u32 s22, $0x1;
	s22 =	simm.s32 $0x8100;
	s10 =	sadd.s32 s5, s0  }
0xf: {  	s0 =	sadd.s32 s21, s0;
	[dreg:$0x7] =	wrdreg s23;
	s21 =	simm.s32 $0x7900  }
0x10: {  	s23 =	simm.s32 $0x8900;
	s0 =	sadd.s32 s9, s0;
	s24 =	sadd.s32 $0x18A00, s10  }
0x11: {  	v2 =	vlaneseq.u32;
	s25 =	sadd.s32 $0xEC00, s10;
	s9 =	simm.s32 $0x1900;
	s10 =	simm.s32 $0x2100  }
0x12: {  	vm0 =	vmmov $0xffff;
	v1 =	vshrl.u32 v2, $0x3;
	s5 =	sadd.s32 $0x112600, s0;
	[dreg:$0x2] =	wrdreg s24;
	s6 =	sadd.s32 $0x13FF600, s0  }
0x13: {  	v0 =	vand.u32 $0x7, v2;
	v2 =	vor.u32 $0x8, v2;
	v1 =	vmul.u32 $0x8, v1;
	[dreg:$0x3] =	wrdreg s25;
	s24 =	simm.s32 $0x9100;
	s25 =	simm.s32 $0x9900  }
.LBB2_1:
0x14: {  	s30 =	smov.u32 s6;
	s31 =	smov.u32 s5;
	s0 =	simm.s32 $0x0  }
.LBB2_2:
0x15: {  	s1 =	rddreg [dreg:$0x3]  }
0x16: {  	s1 =	sadd.s32 s0, s1  }
0x17: {  	[tilespmem:s2], [sflag:$0x3] =	stream.linear.gather [hbm4b:s1+s2], $0x50, $0x38;
	[tilespmem:$0xA100] =	vst v63  }
0x18: {  	_ =	swait.ge [sflag:s7], $0x50  }
0x19: {  	s1 =	rddreg [dreg:$0x2];
	[sflag:s7] =	ssyncset.done $0x0  }
0x1a: {  	s4 =	rddreg [dreg:$0x4];
	[sflag:s7] =	ssyncadd.s32 $0xFFFFFFB0;
	s1 =	sadd.s32 s0, s1  }
0x1b: {  	[tilespmem:s4], [sflag:$0x3] =	stream.linear.gather [hbm4b:s1+s2], $0x50, $0x38;
	[tilespmem:$0xA100] =	vst v63  }
0x1c: {  	_ =	swait.ge [sflag:s7], $0x50  }
0x1d: {  	[sflag:s7] =	ssyncset.done $0x0  }
0x1e: {  	[sflag:s7] =	ssyncadd.s32 $0xFFFFFFB0  }
0x1f: {  	v3 =	vld [tilespmem:$0x0];
	_ =	sdelay $0x4  }
0x20: {  	v4 =	vshll.u32 v3, $0x1  }
0x21: {  	v3 =	vand.u32 $0x7, v3;
	v4 =	vand.u32 $0xFFFFFFF0, v4  }
0x22: {  	v3 =	vor.u32 v3, v4  }
0x23: {  	v4 =	vperm.xlane v3, v0;
	_ =	sdelay $0x1  }
0x24: {  	v3 =	vperm.xlane v3, v2;
	v4 =	vadd.s32 v1, v4;
	_ =	sdelay $0x1  }
0x25: {  	v3 =	vadd.s32 v1, v3;
	_ =	sdelay $0x2  }
0x26: {  	[tilespmem:s8], [sflag:$0x1] =	stream.indirect_vreg.gather [hbm4b:s3+s2], $0x80, v4, vm0, $0xb8;
	[tilespmem:$0xA100] =	vst v63  }
0x27: {  	s4 =	rddreg [dreg:$0x5]  }
0x28: {  	[tilespmem:s4], [sflag:$0x1] =	stream.indirect_vreg.gather [hbm4b:s3+s2], $0x80, v3, vm0, $0xb8;
	[tilespmem:$0xA100] =	vst v63  }
0x29: {  	v3 =	vld [tilespmem:$0x10];
	_ =	sdelay $0x4  }
0x2a: {  	v55 =	vshll.u32 v3, $0x1  }
0x2b: {  	v3 =	vand.u32 $0x7, v3;
	v4 =	vand.u32 $0xFFFFFFF0, v55  }
0x2c: {  	v3 =	vor.u32 v3, v4  }
0x2d: {  	v4 =	vperm.xlane v3, v0;
	_ =	sdelay $0x1  }
0x2e: {  	v3 =	vperm.xlane v3, v2;
	v4 =	vadd.s32 v1, v4;
	_ =	sdelay $0x1  }
0x2f: {  	v3 =	vadd.s32 v1, v3;
	_ =	sdelay $0x1  }
0x30: {  	s4 =	rddreg [dreg:$0x6]  }
0x31: {  	[tilespmem:s4], [sflag:$0x1] =	stream.indirect_vreg.gather [hbm4b:s3+s2], $0x80, v4, vm0, $0xb8;
	[tilespmem:$0xA100] =	vst v63  }
0x32: {  	_ = 	snop  }
0x33: {  	[tilespmem:s9], [sflag:$0x1] =	stream.indirect_vreg.gather [hbm4b:s3+s2], $0x80, v3, vm0, $0xb8;
	[tilespmem:$0xA100] =	vst v63  }
0x34: {  	v3 =	vld [tilespmem:$0x20];
	_ =	sdelay $0x4  }
0x35: {  	v56 =	vshll.u32 v3, $0x1  }
0x36: {  	v3 =	vand.u32 $0x7, v3;
	v4 =	vand.u32 $0xFFFFFFF0, v56  }
0x37: {  	v3 =	vor.u32 v3, v4  }
0x38: {  	v4 =	vperm.xlane v3, v0;
	_ =	sdelay $0x1  }
0x39: {  	v3 =	vperm.xlane v3, v2;
	v4 =	vadd.s32 v1, v4;
	_ =	sdelay $0x1  }
0x3a: {  	v3 =	vadd.s32 v1, v3;
	_ =	sdelay $0x2  }
0x3b: {  	[tilespmem:s10], [sflag:$0x1] =	stream.indirect_vreg.gather [hbm4b:s3+s2], $0x80, v4, vm0, $0xb8;
	[tilespmem:$0xA100] =	vst v63  }
0x3c: {  	_ = 	snop  }
0x3d: {  	[tilespmem:s11], [sflag:$0x1] =	stream.indirect_vreg.gather [hbm4b:s3+s2], $0x80, v3, vm0, $0xb8;
	[tilespmem:$0xA100] =	vst v63  }
0x3e: {  	v3 =	vld [tilespmem:$0x30];
	_ =	sdelay $0x4  }
0x3f: {  	v57 =	vshll.u32 v3, $0x1  }
0x40: {  	v3 =	vand.u32 $0x7, v3;
	v4 =	vand.u32 $0xFFFFFFF0, v57  }
0x41: {  	v3 =	vor.u32 v3, v4  }
0x42: {  	v4 =	vperm.xlane v3, v0;
	_ =	sdelay $0x1  }
0x43: {  	v3 =	vperm.xlane v3, v2;
	v4 =	vadd.s32 v1, v4;
	_ =	sdelay $0x1  }
0x44: {  	v3 =	vadd.s32 v1, v3;
	_ =	sdelay $0x2  }
0x45: {  	[tilespmem:s12], [sflag:$0x1] =	stream.indirect_vreg.gather [hbm4b:s3+s2], $0x80, v4, vm0, $0xb8;
	[tilespmem:$0xA100] =	vst v63  }
0x46: {  	_ = 	snop  }
0x47: {  	[tilespmem:s13], [sflag:$0x1] =	stream.indirect_vreg.gather [hbm4b:s3+s2], $0x80, v3, vm0, $0xb8;
	[tilespmem:$0xA100] =	vst v63  }
0x48: {  	v3 =	vld [tilespmem:$0x40];
	_ =	sdelay $0x4  }
0x49: {  	v58 =	vshll.u32 v3, $0x1  }
0x4a: {  	v3 =	vand.u32 $0x7, v3;
	v4 =	vand.u32 $0xFFFFFFF0, v58  }
0x4b: {  	v3 =	vor.u32 v3, v4  }
0x4c: {  	v4 =	vperm.xlane v3, v0;
	_ =	sdelay $0x1  }
0x4d: {  	v3 =	vperm.xlane v3, v2;
	v4 =	vadd.s32 v1, v4;
	_ =	sdelay $0x1  }
0x4e: {  	v3 =	vadd.s32 v1, v3;
	_ =	sdelay $0x2  }
0x4f: {  	[tilespmem:s14], [sflag:$0x1] =	stream.indirect_vreg.gather [hbm4b:s3+s2], $0x80, v4, vm0, $0xb8;
	[tilespmem:$0xA100] =	vst v63  }
0x50: {  	_ = 	snop  }
0x51: {  	[tilespmem:s15], [sflag:$0x1] =	stream.indirect_vreg.gather [hbm4b:s3+s2], $0x80, v3, vm0, $0xb8;
	[tilespmem:$0xA100] =	vst v63  }
0x52: {  	v3 =	vld [tilespmem:$0x80];
	_ =	sdelay $0x4  }
0x53: {  	v59 =	vshll.u32 v3, $0x1  }
0x54: {  	v3 =	vand.u32 $0x7, v3;
	v4 =	vand.u32 $0xFFFFFFF0, v59  }
0x55: {  	v3 =	vor.u32 v3, v4  }
0x56: {  	v4 =	vperm.xlane v3, v0;
	_ =	sdelay $0x1  }
0x57: {  	v3 =	vperm.xlane v3, v2;
	v4 =	vadd.s32 v1, v4;
	_ =	sdelay $0x1  }
0x58: {  	v3 =	vadd.s32 v1, v3;
	_ =	sdelay $0x2  }
0x59: {  	[tilespmem:s16], [sflag:$0x2] =	stream.indirect_vreg.gather [hbm4b:s3+s2], $0x80, v4, vm0, $0xb8;
	[tilespmem:$0xA100] =	vst v63  }
0x5a: {  	_ = 	snop  }
0x5b: {  	[tilespmem:s17], [sflag:$0x2] =	stream.indirect_vreg.gather [hbm4b:s3+s2], $0x80, v3, vm0, $0xb8;
	[tilespmem:$0xA100] =	vst v63  }
0x5c: {  	v3 =	vld [tilespmem:$0x90];
	_ =	sdelay $0x4  }
0x5d: {  	v60 =	vshll.u32 v3, $0x1  }
0x5e: {  	v3 =	vand.u32 $0x7, v3;
	v4 =	vand.u32 $0xFFFFFFF0, v60  }
0x5f: {  	v3 =	vor.u32 v3, v4  }
0x60: {  	v4 =	vperm.xlane v3, v0;
	_ =	sdelay $0x1  }
0x61: {  	v3 =	vperm.xlane v3, v2;
	v4 =	vadd.s32 v1, v4;
	_ =	sdelay $0x1  }
0x62: {  	v3 =	vadd.s32 v1, v3;
	_ =	sdelay $0x2  }
0x63: {  	[tilespmem:s18], [sflag:$0x2] =	stream.indirect_vreg.gather [hbm4b:s3+s2], $0x80, v4, vm0, $0xb8;
	[tilespmem:$0xA100] =	vst v63  }
0x64: {  	_ = 	snop  }
0x65: {  	[tilespmem:s19], [sflag:$0x2] =	stream.indirect_vreg.gather [hbm4b:s3+s2], $0x80, v3, vm0, $0xb8;
	[tilespmem:$0xA100] =	vst v63  }
0x66: {  	v3 =	vld [tilespmem:$0xA0];
	_ =	sdelay $0x4  }
0x67: {  	v61 =	vshll.u32 v3, $0x1  }
0x68: {  	v3 =	vand.u32 $0x7, v3;
	v4 =	vand.u32 $0xFFFFFFF0, v61  }
0x69: {  	v3 =	vor.u32 v3, v4  }
0x6a: {  	v4 =	vperm.xlane v3, v0;
	_ =	sdelay $0x1  }
0x6b: {  	v3 =	vperm.xlane v3, v2;
	v4 =	vadd.s32 v1, v4;
	_ =	sdelay $0x1  }
0x6c: {  	v3 =	vadd.s32 v1, v3;
	_ =	sdelay $0x2  }
0x6d: {  	[tilespmem:s20], [sflag:$0x2] =	stream.indirect_vreg.gather [hbm4b:s3+s2], $0x80, v4, vm0, $0xb8;
	[tilespmem:$0xA100] =	vst v63  }
0x6e: {  	_ = 	snop  }
0x6f: {  	[tilespmem:s21], [sflag:$0x2] =	stream.indirect_vreg.gather [hbm4b:s3+s2], $0x80, v3, vm0, $0xb8;
	[tilespmem:$0xA100] =	vst v63  }
0x70: {  	v3 =	vld [tilespmem:$0xB0];
	_ =	sdelay $0x4  }
0x71: {  	v62 =	vshll.u32 v3, $0x1  }
0x72: {  	v3 =	vand.u32 $0x7, v3;
	v4 =	vand.u32 $0xFFFFFFF0, v62  }
0x73: {  	v3 =	vor.u32 v3, v4  }
0x74: {  	v4 =	vperm.xlane v3, v0;
	_ =	sdelay $0x1  }
0x75: {  	v3 =	vperm.xlane v3, v2;
	v4 =	vadd.s32 v1, v4;
	_ =	sdelay $0x1  }
0x76: {  	v3 =	vadd.s32 v1, v3;
	_ =	sdelay $0x2  }
0x77: {  	[tilespmem:s22], [sflag:$0x2] =	stream.indirect_vreg.gather [hbm4b:s3+s2], $0x80, v4, vm0, $0xb8;
	[tilespmem:$0xA100] =	vst v63  }
0x78: {  	_ = 	snop  }
0x79: {  	[tilespmem:s23], [sflag:$0x2] =	stream.indirect_vreg.gather [hbm4b:s3+s2], $0x80, v3, vm0, $0xb8;
	[tilespmem:$0xA100] =	vst v63  }
0x7a: {  	v3 =	vld [tilespmem:$0xC0];
	_ =	sdelay $0x4  }
0x7b: {  	v63 =	vshll.u32 v3, $0x1  }
0x7c: {  	v3 =	vand.u32 $0x7, v3;
	v4 =	vand.u32 $0xFFFFFFF0, v63  }
0x7d: {  	v3 =	vor.u32 v3, v4  }
0x7e: {  	v4 =	vperm.xlane v3, v0;
	_ =	sdelay $0x1  }
0x7f: {  	v3 =	vperm.xlane v3, v2;
	v4 =	vadd.s32 v1, v4;
	_ =	sdelay $0x1  }
0x80: {  	v3 =	vadd.s32 v1, v3;
	_ =	sdelay $0x2  }
0x81: {  	[tilespmem:s24], [sflag:$0x2] =	stream.indirect_vreg.gather [hbm4b:s3+s2], $0x80, v4, vm0, $0xb8;
	[tilespmem:$0xA100] =	vst v63  }
0x82: {  	_ = 	snop  }
0x83: {  	[tilespmem:s25], [sflag:$0x2] =	stream.indirect_vreg.gather [hbm4b:s3+s2], $0x80, v3, vm0, $0xb8;
	[tilespmem:$0xA100] =	vst v63  }
0x84: {  	_ =	swait.ge [sflag:s26], $0x5000  }
0x85: {  	[sflag:s26] =	ssyncset.done $0x0  }
0x86: {  	[sflag:s26] =	ssyncadd.s32 $0xFFFFB000  }
0x87: {  	[hbm4b:s31+s2] =	stream.linear.scatter [tilespmem:s8], [sflag:$0x3], $0x5000, $0x38;
	[tilespmem:$0xA100] =	vst v63  }
0x88: {  	_ =	swait.ge [sflag:s7], $0x5000  }
0x89: {  	[sflag:s7] =	ssyncset.done $0x0  }
0x8a: {  	[sflag:s7] =	ssyncadd.s32 $0xFFFFB000  }
0x8b: {  	_ =	swait.ge [sflag:s28], $0x5000  }
0x8c: {  	p0 =	sne.s32 s0, $0x4D8;
	[sflag:s28] =	ssyncset.done $0x0  }
.Ltmp0:
0x8d: {  	[sflag:s28] =	ssyncadd.s32 $0xFFFFB000;
	(pc) =	sbr.rel @p0 .LBB2_2-.Ltmp0, $4  }
0x8e: {  	[hbm4b:s30+s2] =	stream.linear.scatter [tilespmem:s16], [sflag:$0x3], $0x5000, $0x38;
	[tilespmem:$0xA100] =	vst v63  }
0x8f: {  	_ =	swait.ge [sflag:s7], $0x5000  }
0x90: {  	s0 =	sadd.s32 $0xA, s0;
	[sflag:s7] =	ssyncset.done $0x0  }
0x91: {  	s31 =	sadd.s32 $0xA00, s31;
	s30 =	sadd.s32 $0xA00, s30;
	[sflag:s7] =	ssyncadd.s32 $0xFFFFB000  }
0x92: {  	s29 =	sadd.s32 $0x1, s29;
	s0 =	rddreg [dreg:$0x7]  }
0x93: {  	p0 =	sne.s32 s29, s0  }
.Ltmp1:
0x94: {  	_ = 	snop;
	(pc) =	sbr.rel @p0 .LBB2_1-.Ltmp1, $1  }
0x95: {  	_ =	sdelay $0x3  }
0x96: {  	_ =	sfence.sel $0x180000  }
0x97: {  	[bflag:$0x0] =	sbarrier.arrive $0xFFFF  }
0x98: {  	_ =	strace $0x90000053  }
0x99: {  	s0 =	stileid.u32;
	[bflag:$0x2] =	sbarrier.arrive $0xFFFF  }
0x9a: {  	p0 =	sne.s32 s0, $0x0;
	s0 =	rddreg [dreg:$0x1]  }
0x9b: {  	s0 =	sadd.s32 @!p0 $0x100000, s0  }
0x9c: {  	[sflag:s0] =	ssyncadd.tile.s32 @!p0 $0x1;
	_ =	shalt  }
.Lfunc_end2:
_tile_overlayer_lowered:
.L_overlay_start_2:
0x9d: {  	(tag) =	ssettag $0x2  }
0x9e: {  	s0 =	rddreg [dreg:$0x0];
	s2 =	stileid.u32  }
0x9f: {  	s1 =	rddreg [dreg:$0x1];
	p0 =	sne.s32 s2, $0x0  }
0xa0: {  	s3 =	rddreg [dreg:$0x2];
	[bflag:$0x3] =	sbarrier.arrive $0xFFFF;
	s2 =	simm.s32 @!p0 $0x1C03  }
0xa1: {  	[timem:s3], [sflag:s2] =	dma.local @!p0 [hbm:s0], s1  }
0xa2: {  	s0 =	simm.s32 @!p0 $0x3  }
0xa3: {  	_ =	swait.ge @!p0 [sflag:s0], s1  }
0xa4: {  	s1 =	ssub.s32 @!p0 $0x0, s1;
	[sflag:s0] =	ssyncset.done @!p0 $0x0  }
0xa5: {  	[sflag:s0] =	ssyncadd.s32 @!p0 s1  }
0xa6: {  	[bflag:$0x3] =	sbarrier.arrive $0xFFFF  }
0xa7: {  	_ =	shalt  }

// kernel: kernel.35.cloned.1.call-start
scs
__scs_entry_jumppad:
0x0: {  	(pc) =	sbr.rel $0x88, $3  }
0x1: {  	(tag) =	ssettag $0x0;
	lr =	simm.s32 $0x1  }
0x2: {  	[smem:$0x3F8D] =	sst lr;
	_ =	strace $0xD0000000  }
0x3: {  	_ = 	snop  }
0x4: {  	_ = 	snop  }
0x5: {  	_ = 	snop  }
0x6: {  	_ = 	snop  }
0x7: {  	_ = 	snop  }
__scs_overlays_trampoline_lowered:
0x8: {  	[smem:$0x3F9C] =	sst s0  }
0x9: {  	[smem:$0x3F9D] =	sst s1  }
0xa: {  	[smem:$0x3F9E] =	sst s2  }
0xb: {  	[smem:$0x3F9F] =	sst s3  }
0xc: {  	[smem:$0x3FA0] =	sst s4  }
0xd: {  	[smem:$0x3FA1] =	sst s5  }
0xe: {  	[smem:$0x3FA2] =	sst s6  }
0xf: {  	[smem:$0x3FA3] =	sst s7  }
0x10: {  	[smem:$0x3FA4] =	sst s8  }
0x11: {  	[smem:$0x3FA5] =	sst s9;
	s0 =	simm.s32 @!p0 $0x0  }
0x12: {  	s1 =	sld [smem:$0x3F8B];
	s0 =	simm.s32 @p0 $0x1  }
0x13: {  	[smem:$0x3FA6] =	sst s0;
	s0 =	simm.s32 @!p1 $0x0  }
0x14: {  	s2 =	sld [smem:$0x3F8A];
	s0 =	simm.s32 @p1 $0x1  }
0x15: {  	[smem:$0x3FA7] =	sst s0;
	s0 =	simm.s32 @!p2 $0x0  }
0x16: {  	s3 =	sld [smem:$0x3FDB];
	s0 =	simm.s32 @p2 $0x1  }
0x17: {  	s4 =	simm.s32 $0x1BF5;
	[smem:$0x3FA9] =	sst s0  }
0x18: {  	s0 =	sld [smem:$0x3F8C];
	_ =	swait.ge [sflag:s4], $0x0  }
0x19: {  	s7 =	sld [smem:$0x3F8D]  }
0x1a: {  	s8 =	sadd.s32 $0xFFFFE003, lr  }
0x1b: {  	s9 =	sadd.s32 $0xFFFFFEF7, lr;
	s5 =	simm.s32 $0xFFFFFFFF;
	p2 =	slt.u32 s8, $0xFFFFF086  }
0x1c: {  	p1 =	slt.u32 s9, $0xF7A;
	s5 =	simm.s32 @!p2 $0x0  }
0x1d: {  	s5 =	simm.s32 @p1 $0x1;
	p0 =	seq.s32 s7, s2  }
0x1e: {  	s7 =	smul.u32 @!p0 $0xF7A, s2;
	p2 =	seq.s32 @!p0 s5, $0x0  }
0x1f: {  	s9 =	smul.u32 $0xF7A, s1;
	s8 =	simm.s32 @!p0 $0x1BF5;
	p2 =	por !p2, p0  }
0x20: {  	[sflag:s8] =	ssyncset.s32 @!p0 $0xFFFFF086;
	s6 =	sadd.s32 @!p0 s3, s7;
	s7 =	simm.s32 @!p0 $0x108  }
0x21: {  	s3 =	sadd.s32 s3, s9;
	s6 =	sadd.s32 @!p0 $0x88, s6;
	s7 =	simm.s32 @p2 $0x1082  }
0x22: {  	[simem:s7], [sflag:s8] =	dma.local @!p0 [hbm:s6], $0xF7A  }
0x23: {  	s9 =	sor.u32 $0xD0000000, s2;
	s6 =	simm.s32 $0x108;
	_ =	swait.ge @!p0 [sflag:s8], $0x0  }
0x24: {  	s3 =	sadd.s32 $0x88, s3;
	s6 =	simm.s32 @!p1 $0x1082;
	[sflag:s4] =	ssyncset.s32 $0xFFFFF086  }
0x25: {  	[simem:s6], [sflag:s4] =	dma.local [hbm:s3], $0xF7A  }
0x26: {  	[smem:$0x3F8D] =	sst s1;
	(tag) =	ssettag s2;
	_ =	strace s9  }
0x27: {  	s1 =	sld [smem:$0x3F9D]  }
0x28: {  	s2 =	sld [smem:$0x3F9E]  }
0x29: {  	s4 =	sld [smem:$0x3FA0]  }
0x2a: {  	p0 =	seq.s32 s5, $0x0;
	s5 =	sld [smem:$0x3FA1]  }
0x2b: {  	s6 =	sld [smem:$0x3FA2]  }
0x2c: {  	s7 =	sld [smem:$0x3FA3]  }
0x2d: {  	s3 =	simm.s32 $0x108;
	s8 =	sld [smem:$0x3FA4]  }
0x2e: {  	s3 =	simm.s32 @!p0 $0x1082;
	s9 =	sld [smem:$0x3FA5]  }
0x2f: {  	lr =	sadd.s32 s0, s3;
	s0 =	sld [smem:$0x3F9C]  }
0x30: {  	s3 =	sld [smem:$0x3F9F]  }
0x31: {  	[smem:$0x3FA8] =	sst s10  }
0x32: {  	s10 =	sld [smem:$0x3FA6];
	_ =	sdelay $0x3  }
0x33: {  	p0 =	seq.s32 s10, $0x1;
	s10 =	sld [smem:$0x3FA8];
	_ =	sdelay $0x3  }
0x34: {  	[smem:$0x3FA8] =	sst s10  }
0x35: {  	s10 =	sld [smem:$0x3FA7];
	_ =	sdelay $0x3  }
0x36: {  	p1 =	seq.s32 s10, $0x1;
	s10 =	sld [smem:$0x3FA8];
	_ =	sdelay $0x3  }
0x37: {  	[smem:$0x3FA8] =	sst s10  }
0x38: {  	s10 =	sld [smem:$0x3FA9]  }
0x39: {  	_ = 	snop;
	(pc) =	sbr.ind lr, $3  }
0x3a: {  	_ = 	snop  }
0x3b: {  	_ = 	snop  }
0x3c: {  	p2 =	seq.s32 s10, $0x1;
	s10 =	sld [smem:$0x3FA8]  }
0x3d: {  	_ =	shalt  }
0x3e: {  	_ =	shalt  }
0x3f: {  	_ =	shalt  }
0x40: {  	_ =	shalt  }
0x41: {  	_ =	shalt  }
0x42: {  	_ =	shalt  }
0x43: {  	_ =	shalt  }
0x44: {  	_ =	shalt  }
0x45: {  	_ =	shalt  }
0x46: {  	_ =	shalt  }
0x47: {  	_ =	shalt  }
0x48: {  	_ =	shalt  }
0x49: {  	_ =	shalt  }
0x4a: {  	_ =	shalt  }
0x4b: {  	_ =	shalt  }
0x4c: {  	_ =	shalt  }
0x4d: {  	_ =	shalt  }
0x4e: {  	_ =	shalt  }
0x4f: {  	_ =	shalt  }
0x50: {  	_ =	shalt  }
0x51: {  	_ =	shalt  }
0x52: {  	_ =	shalt  }
0x53: {  	_ =	shalt  }
0x54: {  	_ =	shalt  }
0x55: {  	_ =	shalt  }
0x56: {  	_ =	shalt  }
0x57: {  	_ =	shalt  }
0x58: {  	_ =	shalt  }
0x59: {  	_ =	shalt  }
0x5a: {  	_ =	shalt  }
0x5b: {  	_ =	shalt  }
0x5c: {  	_ =	shalt  }
0x5d: {  	_ =	shalt  }
0x5e: {  	_ =	shalt  }
0x5f: {  	_ =	shalt  }
0x60: {  	_ =	shalt  }
0x61: {  	_ =	shalt  }
0x62: {  	_ =	shalt  }
0x63: {  	_ =	shalt  }
0x64: {  	_ =	shalt  }
0x65: {  	_ =	shalt  }
0x66: {  	_ =	shalt  }
0x67: {  	_ =	shalt  }
0x68: {  	_ =	shalt  }
0x69: {  	_ =	shalt  }
0x6a: {  	_ =	shalt  }
0x6b: {  	_ =	shalt  }
0x6c: {  	_ =	shalt  }
0x6d: {  	_ =	shalt  }
0x6e: {  	_ =	shalt  }
0x6f: {  	_ =	shalt  }
0x70: {  	_ =	shalt  }
0x71: {  	_ =	shalt  }
0x72: {  	_ =	shalt  }
0x73: {  	_ =	shalt  }
0x74: {  	_ =	shalt  }
0x75: {  	_ =	shalt  }
0x76: {  	_ =	shalt  }
0x77: {  	_ =	shalt  }
0x78: {  	_ =	shalt  }
0x79: {  	_ =	shalt  }
0x7a: {  	_ =	shalt  }
0x7b: {  	_ =	shalt  }
0x7c: {  	_ =	shalt  }
0x7d: {  	_ =	shalt  }
0x7e: {  	_ =	shalt  }
0x7f: {  	_ =	shalt  }
0x80: {  	_ =	shalt  }
0x81: {  	_ =	shalt  }
0x82: {  	_ =	shalt  }
0x83: {  	_ =	shalt  }
0x84: {  	_ =	shalt  }
0x85: {  	_ =	shalt  }
0x86: {  	_ =	shalt  }
0x87: {  	_ =	shalt  }
.Lfunc_end0:
.L_simem_size_0:
called_computation.5_lowered:
.L_overlay_start_0:
0x88: {  	s2 =	sld [smem:$0x3FD9]  }
0x89: {  	s3 =	sld [smem:$0x3FFE];
	_ =	sdelay $0x1  }
0x8a: {  	s1 =	srdreg.scid  }
0x8b: {  	s0 =	sand.u32 $0x1, s1  }
0x8c: {  	s14 =	sshll.u32 s0, $0xA;
	s2 =	sadd.s32 s3, s2  }
0x8d: {  	s2 =	sadd.s32 s2, s14  }
0x8e: {  	[smem:$0x3FB4] =	sst s2  }
0x8f: {  	_ = 	snop  }
0x90: {  	s2 =	sld [smem:$0x3FD0];
	_ =	sdelay $0x2  }
0x91: {  	s15 =	simm.s32 $0xA;
	s4 =	simm.s32 $0x10  }
0x92: {  	[smem:s4], [sflag:s15] =	dma.local [hbm:s2], $0x1  }
0x93: {  	_ =	swait.eq [sflag:s15], $0x1  }
0x94: {  	[sflag:s15] =	ssyncset.done $0x0  }
0x95: {  	[sflag:s15] =	ssyncadd.s32 $0xFFFFFFFF  }
0x96: {  	s16 =	sld [smem:$0x10];
	(tm) =	ssettm $0x1  }
0x97: {  	s17 =	sld [smem:$0x3FFB];
	_ =	sdelay $0x3  }
0x98: {  	_ =	strace s17  }
0x99: {  	s3 =	sld [smem:$0x3FFC];
	_ =	sdelay $0x3  }
0x9a: {  	_ =	strace s3  }
0x9b: {  	s3 =	sld [smem:$0x3FFD];
	_ =	sdelay $0x3  }
0x9c: {  	_ =	strace s3  }
0x9d: {  	_ =	strace $0x8FFFFFFF  }
0x9e: {  	s18 =	sld [smem:$0x3FDB];
	_ =	sdelay $0x1  }
0x9f: {  	s19 =	simm.s32 $_scs_section_size  }
0xa0: {  	s5 =	simm.s32 $_size__tile_overlayer_lowered;
	s6 =	simm.s32 $_tile_overlayer_lowered  }
0xa1: {  	s22 =	simm.s32 $0x1BFF;
	s21 =	sshll.u32 s6, $0x1;
	s3 =	sadd.s32 s19, s18  }
0xa2: {  	s7 =	simm.s32 $0x0;
	s20 =	sshll.u32 s5, $0x1;
	s5 =	sadd.s32 s21, s3  }
0xa3: {  	[timem:s7], [sflag:s22] =	dma.local [hbm:s5], s20  }
0xa4: {  	_ =	swait.ge [sflag:s22], s20  }
0xa5: {  	s4 =	ssub.s32 $0x0, s20;
	[sflag:s22] =	ssyncset.done $0x0  }
0xa6: {  	[sflag:s22] =	ssyncadd.s32 s4;
	_ =	sdelay $0x1  }
0xa7: {  	s23 =	simm.s32 $0x1B8B  }
0xa8: {  	_ =	swait.ge [sflag:s23], $0x1  }
0xa9: {  	[sflag:s23] =	ssyncset.done $0x0  }
0xaa: {  	s25 =	simm.s32 $0x1B8E;
	s24 =	sld [smem:$0x3FFE];
	[sflag:s23] =	ssyncadd.s32 $0xFFFFFFFF  }
0xab: {  	s26 =	simm.s32 $execute0_lowered;
	[smem:$0x3FD2] =	sst s25  }
0xac: {  	s5 =	sshll.u32 s26, $0x1;
	_ =	strace $0x80000055;
	[dreg:$0x1] =	wrdreg $0xFFFFFFFF  }
0xad: {  	s28 =	simm.s32 $_size_execute0_lowered;
	s3 =	sadd.s32 s3, s5;
	[dreg:$0x0] =	wrdreg $0x0  }
0xae: {  	s5 =	sshll.u32 s28, $0x1;
	[dreg:$0x2] =	wrdreg s3  }
0xaf: {  	[dreg:$0x3] =	wrdreg s5  }
0xb0: {  	[dreg:$0x4] =	wrdreg $0xC0  }
0xb1: {  	_ =	task [dreg:s7], $0x5FFFF  }
0xb2: {  	[dreg:$0x1] =	wrdreg $0xFFFFFFFF  }
0xb3: {  	[dreg:$0x0] =	wrdreg $0x60  }
0xb4: {  	[dreg:$0x2] =	wrdreg s24  }
0xb5: {  	[dreg:$0x3] =	wrdreg s16  }
0xb6: {  	[dreg:$0x4] =	wrdreg $0x28800  }
0xb7: {  	[dreg:$0x5] =	wrdreg $0x9  }
0xb8: {  	_ =	task.clear_ibuf [dreg:s7], $0x6FFFF;
	_ =	strace $0x90000055  }
0xb9: {  	s29 =	simm.s32 $0x9;
	_ =	strace $0x80000057  }
0xba: {  	_ =	swait.ge [sflag:s29], $0x1  }
0xbb: {  	[sflag:s29] =	ssyncadd.s32 $0xFFFFFFFF  }
0xbc: {  	_ =	strace $0x90000057  }
0xbd: {  	_ =	sfence  }
0xbe: {  	s30 =	sld [smem:$0x0];
	_ =	sdelay $0x2  }
0xbf: {  	s31 =	sshll.u32 s1, $0xD;
	s1 =	sshrl.u32 s1, $0x2  }
0xc0: {  	s3 =	sand.u32 $0x4000, s31;
	s1 =	sadd.s32 s1, s30  }
0xc1: {  	s0 =	sor.u32 s3, s0;
	s1 =	sshll.u32 s1, $0x11  }
0xc2: {  	s0 =	sor.u32 s1, s0  }
0xc3: {  	s0 =	sadd.s32 $0x8F2B, s0  }
0xc4: {  	[sflag:s0] =	ssyncadd.remote.s32 $0x1  }
0xc5: {  	_ =	sfence.sel $0xFFFF  }
0xc6: {  	[dreg:$0x0] =	wrdreg $0xFFFFFFFF;
	(pc) =	sbr.abs _section_cstart, $3  }
0xc7: {  	[dreg:$0x1] =	wrdreg $0xFFFFFFFF  }
0xc8: {  	_ =	task.clear_ibuf [dreg:s7], $0x2FFFF;
	_ =	strace $0x9FFFFFFF  }
0xc9: {  	(tm) =	ssettm $0x7FFFFFFF  }
tec
execute0_lowered:
.L_overlay_start_1:
0x0: {  	(tag) =	ssettag $0x1  }
0x1: {  	s7 =	rddreg [dreg:$0x0]  }
0x2: {  	s0 =	stileid.u32;
	s11 =	rddreg [dreg:$0x1]  }
0x3: {  	s1 =	srdreg.scid;
	s2 =	rddreg [dreg:$0x2]  }
0x4: {  	s3 =	simm.s32 $0x0;
	s21 =	simm.s32 $0x1;
	s4 =	smul.u32 $0x4E20, s0  }
0x5: {  	s23 =	simm.s32 $0x80;
	s24 =	simm.s32 $0x50;
	s6 =	smul.u32 $0x4E200, s0  }
0x6: {  	s25 =	sand.u32 $0x1, s1;
	s1 =	rddreg [dreg:$0x3];
	s8 =	smul.u32 $0x4E000, s0  }
0x7: {  	[smem:$0x7FF] =	sst s3;
	s15 =	smul.u32 $0x2700, s0;
	s31 =	sshll.u32 s0, $0x6  }
0x8: {  	p0 =	sne.s32 s0, $0xF;
	p2 =	seq.s32 s0, $0xF;
	s5 =	smul.u32 $0x2710, s25  }
0x9: {  	_ =	strace $0x80000056;
	s9 =	ssub.s32 $0x2, s25;
	s16 =	smul.u32 $0x27100, s25  }
0xa: {  	p1 =	sne.s32 s25, $0x0;
	s25 =	simm.s32 $0x0;
	s14 =	sadd.s32 s6, s7  }
0xb: {  	s6 =	sadd.s32 $0xBEE00, s7;
	s10 =	sshrl.u32 s9, $0x1;
	s8 =	sshrl.u32 s8, $0x2  }
0xc: {  	s4 =	sadd.s32 s5, s4;
	s5 =	sadd.s32 $0x97C00, s7;
	s17 =	ssub.s32 s9, s10  }
0xd: {  	s20 =	sadd.s32 s8, s2;
	s8 =	sadd.s32 s11, s15;
	s9 =	sor.u32 $0x1C01, s31  }
0xe: {  	s10 =	sadd.s32 $0x138000, s2;
	s11 =	sadd.s32 $0x27000, s11;
	s19 =	sadd.s32 s16, s14  }
.Ltmp0:
0xf: {  	s4 =	sshrl.u32 s4, $0x3;
	s12 =	sadd.s32 s5, s15;
	(pc) =	sbr.rel .LBB2_1-.Ltmp0, $4  }
0x10: {  	s16 =	sadd.s32 $0xAD6600, s19;
	s17 =	smax.u32 s17, $0x1;
	s19 =	sadd.s32 $0x1DC3600, s19  }
0x11: {  	s20 =	sshrl.u32 s20, $0x3;
	s18 =	sadd.s32 s4, s7;
	s4 =	sadd.s32 $0x70A00, s7  }
0x12: {  	s22 =	sshrl.u32 @!p0 s10, $0x3;
	s7 =	sadd.s32 $0xE6000, s7;
	s13 =	sadd.s32 s4, s15  }
0x13: {  	s14 =	sadd.s32 s7, s15;
	s15 =	sadd.s32 s6, s15;
	s18 =	sadd.s32 $0x18A00, s18  }
.LBB2_14:
0x14: {  	s26 =	sadd.s32 $0x27000, s26;
	s28 =	sshrl.u32 s10, $0x3  }
0x15: {  	[hbm:s26], [sflag:s9] =	dma.local [spmem:s28], $0x100  }
0x16: {  	_ =	swait.ge [sflag:s21], $0x100  }
0x17: {  	[sflag:s21] =	ssyncset.done $0x0  }
0x18: {  	[sflag:s21] =	ssyncadd.s32 $0xFFFFFF00  }
.LBB2_15:
0x19: {  	s25 =	sadd.s32 $0x1, s25  }
0x1a: {  	p3 =	sne.s32 s25, s17  }
.Ltmp1:
0x1b: {  	_ = 	snop;
	(pc) =	sbr.rel @!p3 .LBB2_16-.Ltmp1, $1  }
0x1c: {  	_ =	sdelay $0x3  }
.LBB2_1:
0x1d: {  	[spmem:s20], [sflag:s9] =	dma.local [hbm:s8], $0x2700  }
0x1e: {  	_ =	swait.ge [sflag:s21], $0x2700  }
0x1f: {  	[sflag:s21] =	ssyncset.done $0x0  }
0x20: {  	s26 =	simm.s32 @!p0 $0x1;
	[sflag:s21] =	ssyncadd.s32 $0xFFFFD900  }
0x21: {  	[spmem:s22], [sflag:s9] =	dma.local @!p0 [hbm:s11], $0x100  }
0x22: {  	_ =	swait.ge @!p0 [sflag:s26], $0x100  }
0x23: {  	[sflag:s26] =	ssyncset.done @!p0 $0x0  }
0x24: {  	[sflag:s26] =	ssyncadd.s32 @!p0 $0xFFFFFF00  }
0x25: {  	s31 =	sadd.s32 $0x0, s18;
	[bflag:$0x0] =	sbarrier.arrive $0xFFFF  }
0x26: {  	[tilespmem:s3], [sflag:$0x1] =	stream.linear.gather [hbm4b:s31+s3], $0x50, $0x38;
	[tilespmem:$0x16100] =	vst v63  }
0x27: {  	_ =	swait.ge [sflag:s21], $0x50  }
0x28: {  	[sflag:s21] =	ssyncset.done $0x0  }
0x29: {  	[sflag:s21] =	ssyncadd.s32 $0xFFFFFFB0  }
0x2a: {  	[tilespmem:s23], [sflag:$0x1] =	stream.linear.gather [hbm4b:s16+s3], $0x2800, $0x38;
	[tilespmem:$0x16100] =	vst v63  }
0x2b: {  	_ =	swait.ge [sflag:s21], $0x2800  }
0x2c: {  	[sflag:s21] =	ssyncset.done $0x0  }
0x2d: {  	[sflag:s21] =	ssyncadd.s32 $0xFFFFD800  }
0x2e: {  	[spmem:s2] =	stream.indirect.scatter.add.f32 [tilespmem:s23], [sflag:$0x1], $0x80, s3, s24, $0xb8;
	[tilespmem:$0x16100] =	vst v63  }
0x2f: {  	s28 =	simm.s32 $0xA;
	_ =	swait.ge [sflag:s21], $0x2800  }
0x30: {  	s29 =	simm.s32 $0x14;
	s26 =	sadd.s32 $0x500, s16;
	[sflag:s21] =	ssyncset.done $0x0  }
.LBB2_2:
0x31: {  	s30 =	sadd.s32 s28, s18  }
0x32: {  	[sflag:s21] =	ssyncadd.s32 $0xFFFFD800;
	s28 =	smov.u32 s29;
	s31 =	sadd.s32 $0xA, s29  }
0x33: {  	[tilespmem:s3], [sflag:$0x1] =	stream.linear.gather [hbm4b:s30+s3], $0x50, $0x38;
	[tilespmem:$0x16100] =	vst v63  }
0x34: {  	p3 =	sne.s32 s29, $0x4D8;
	_ =	swait.ge [sflag:s21], $0x50  }
0x35: {  	[sflag:s21] =	ssyncset.done $0x0  }
0x36: {  	[sflag:s21] =	ssyncadd.s32 $0xFFFFFFB0  }
0x37: {  	[tilespmem:s23], [sflag:$0x1] =	stream.linear.gather [hbm4b:s26+s3], $0x2800, $0x38;
	[tilespmem:$0x16100] =	vst v63  }
0x38: {  	_ =	swait.ge [sflag:s21], $0x2800  }
.Ltmp2:
0x39: {  	[sflag:s21] =	ssyncset.done $0x0;
	(pc) =	sbr.rel @p3 .LBB2_2-.Ltmp2, $4  }
0x3a: {  	[sflag:s21] =	ssyncadd.s32 $0xFFFFD800  }
0x3b: {  	[spmem:s2] =	stream.indirect.scatter.add.f32 [tilespmem:s23], [sflag:$0x1], $0x80, s3, s24, $0xb8;
	[tilespmem:$0x16100] =	vst v63  }
0x3c: {  	_ =	swait.ge [sflag:s21], $0x2800  }
0x3d: {  	s29 =	smov.u32 s31;
	s26 =	sadd.s32 $0x500, s26;
	[sflag:s21] =	ssyncset.done $0x0  }
0x3e: {  	s28 =	sadd.s32 s28, s18;
	[sflag:s21] =	ssyncadd.s32 $0xFFFFD800  }
0x3f: {  	[tilespmem:s3], [sflag:$0x1] =	stream.linear.gather [hbm4b:s28+s3], $0x50, $0x38;
	[tilespmem:$0x16100] =	vst v63  }
0x40: {  	_ =	swait.ge [sflag:s21], $0x50  }
0x41: {  	[sflag:s21] =	ssyncset.done $0x0  }
0x42: {  	[sflag:s21] =	ssyncadd.s32 $0xFFFFFFB0  }
0x43: {  	[tilespmem:s23], [sflag:$0x1] =	stream.linear.gather [hbm4b:s26+s3], $0x2800, $0x38;
	[tilespmem:$0x16100] =	vst v63  }
0x44: {  	_ =	swait.ge [sflag:s21], $0x2800  }
0x45: {  	[sflag:s21] =	ssyncset.done $0x0  }
0x46: {  	[sflag:s21] =	ssyncadd.s32 $0xFFFFD800  }
0x47: {  	[spmem:s2] =	stream.indirect.scatter.add.f32 [tilespmem:s23], [sflag:$0x1], $0x80, s3, s24, $0xb8;
	[tilespmem:$0x16100] =	vst v63  }
.Ltmp3:
0x48: {  	_ =	swait.ge [sflag:s21], $0x2800;
	(pc) =	sbr.rel @p1 .LBB2_6-.Ltmp3, $3  }
0x49: {  	[sflag:s21] =	ssyncset.done $0x0  }
0x4a: {  	[sflag:s21] =	ssyncadd.s32 $0xFFFFD800  }
0x4b: {  	[bflag:$0x0] =	sbarrier.arrive $0xFFFF;
	_ =	sdelay $0x1  }
.Ltmp4:
0x4c: {  	(pc) =	sbr.rel @p2 .LBB2_7-.Ltmp4, $4  }
0x4d: {  	[hbm:s13], [sflag:s9] =	dma.local [spmem:s20], $0x2700  }
0x4e: {  	_ =	swait.ge [sflag:s21], $0x2700  }
0x4f: {  	[sflag:s21] =	ssyncset.done $0x0  }
0x50: {  	s26 =	smov.u32 s4;
	[sflag:s21] =	ssyncadd.s32 $0xFFFFD900  }
.Ltmp5:
0x51: {  	(pc) =	sbr.rel .LBB2_9-.Ltmp5, $4  }
0x52: {  	[spmem:s20], [sflag:s9] =	dma.local [hbm:s8], $0x2700  }
0x53: {  	_ =	swait.ge [sflag:s21], $0x2700  }
0x54: {  	[sflag:s21] =	ssyncset.done $0x0  }
0x55: {  	[sflag:s21] =	ssyncadd.s32 $0xFFFFD900  }
.LBB2_6:
.Ltmp6:
0x56: {  	(pc) =	sbr.rel @p0 .LBB2_8-.Ltmp6, $4  }
0x57: {  	[hbm:s12], [sflag:s9] =	dma.local [spmem:s20], $0x2700  }
0x58: {  	_ =	swait.ge [sflag:s21], $0x2700  }
0x59: {  	[sflag:s21] =	ssyncset.done $0x0  }
0x5a: {  	s26 =	smov.u32 s5;
	[sflag:s21] =	ssyncadd.s32 $0xFFFFD900  }
.LBB2_7:
0x5b: {  	s26 =	sadd.s32 $0x27000, s26;
	s28 =	sshrl.u32 s10, $0x3  }
0x5c: {  	[hbm:s26], [sflag:s9] =	dma.local [spmem:s28], $0x100  }
0x5d: {  	_ =	swait.ge [sflag:s21], $0x100  }
0x5e: {  	[sflag:s21] =	ssyncset.done $0x0  }
0x5f: {  	[sflag:s21] =	ssyncadd.s32 $0xFFFFFF00  }
0x60: {  	[spmem:s20], [sflag:s9] =	dma.local [hbm:s8], $0x2700  }
0x61: {  	_ =	swait.ge [sflag:s21], $0x2700  }
0x62: {  	[sflag:s21] =	ssyncset.done $0x0  }
.Ltmp7:
0x63: {  	[sflag:s21] =	ssyncadd.s32 $0xFFFFD900;
	(pc) =	sbr.rel .LBB2_9-.Ltmp7, $4  }
0x64: {  	[spmem:s28], [sflag:s9] =	dma.local [hbm:s11], $0x100  }
0x65: {  	_ =	swait.ge [sflag:s21], $0x100  }
0x66: {  	[sflag:s21] =	ssyncset.done $0x0  }
0x67: {  	[sflag:s21] =	ssyncadd.s32 $0xFFFFFF00  }
.LBB2_8:
0x68: {  	[spmem:s20], [sflag:s9] =	dma.local [hbm:s8], $0x2700  }
0x69: {  	_ =	swait.ge [sflag:s21], $0x2700  }
0x6a: {  	[sflag:s21] =	ssyncset.done $0x0  }
0x6b: {  	[sflag:s21] =	ssyncadd.s32 $0xFFFFD900  }
.LBB2_9:
0x6c: {  	[bflag:$0x0] =	sbarrier.arrive $0xFFFF;
	s26 =	sadd.s32 $0x0, s18  }
0x6d: {  	[tilespmem:s3], [sflag:$0x1] =	stream.linear.gather [hbm4b:s26+s3], $0x50, $0x38;
	[tilespmem:$0x16100] =	vst v63  }
0x6e: {  	_ =	swait.ge [sflag:s21], $0x50  }
0x6f: {  	[sflag:s21] =	ssyncset.done $0x0  }
0x70: {  	[sflag:s21] =	ssyncadd.s32 $0xFFFFFFB0  }
0x71: {  	[tilespmem:s23], [sflag:$0x1] =	stream.linear.gather [hbm4b:s19+s3], $0x2800, $0x38;
	[tilespmem:$0x16100] =	vst v63  }
0x72: {  	_ =	swait.ge [sflag:s21], $0x2800  }
0x73: {  	[sflag:s21] =	ssyncset.done $0x0  }
0x74: {  	[sflag:s21] =	ssyncadd.s32 $0xFFFFD800  }
0x75: {  	[spmem:s2] =	stream.indirect.scatter.add.f32 [tilespmem:s23], [sflag:$0x1], $0x80, s3, s24, $0xb8;
	[tilespmem:$0x16100] =	vst v63  }
0x76: {  	s28 =	simm.s32 $0xA;
	_ =	swait.ge [sflag:s21], $0x2800  }
0x77: {  	s29 =	simm.s32 $0x14;
	s26 =	sadd.s32 $0x500, s19;
	[sflag:s21] =	ssyncset.done $0x0  }
.LBB2_10:
0x78: {  	s30 =	sadd.s32 s28, s18  }
0x79: {  	[sflag:s21] =	ssyncadd.s32 $0xFFFFD800;
	s28 =	smov.u32 s29;
	s31 =	sadd.s32 $0xA, s29  }
0x7a: {  	[tilespmem:s3], [sflag:$0x1] =	stream.linear.gather [hbm4b:s30+s3], $0x50, $0x38;
	[tilespmem:$0x16100] =	vst v63  }
0x7b: {  	p3 =	sne.s32 s29, $0x4D8;
	_ =	swait.ge [sflag:s21], $0x50  }
0x7c: {  	[sflag:s21] =	ssyncset.done $0x0  }
0x7d: {  	[sflag:s21] =	ssyncadd.s32 $0xFFFFFFB0  }
0x7e: {  	[tilespmem:s23], [sflag:$0x1] =	stream.linear.gather [hbm4b:s26+s3], $0x2800, $0x38;
	[tilespmem:$0x16100] =	vst v63  }
0x7f: {  	_ =	swait.ge [sflag:s21], $0x2800  }
.Ltmp8:
0x80: {  	[sflag:s21] =	ssyncset.done $0x0;
	(pc) =	sbr.rel @p3 .LBB2_10-.Ltmp8, $4  }
0x81: {  	[sflag:s21] =	ssyncadd.s32 $0xFFFFD800  }
0x82: {  	[spmem:s2] =	stream.indirect.scatter.add.f32 [tilespmem:s23], [sflag:$0x1], $0x80, s3, s24, $0xb8;
	[tilespmem:$0x16100] =	vst v63  }
0x83: {  	_ =	swait.ge [sflag:s21], $0x2800  }
0x84: {  	s29 =	smov.u32 s31;
	s26 =	sadd.s32 $0x500, s26;
	[sflag:s21] =	ssyncset.done $0x0  }
0x85: {  	s28 =	sadd.s32 s28, s18;
	[sflag:s21] =	ssyncadd.s32 $0xFFFFD800  }
0x86: {  	[tilespmem:s3], [sflag:$0x1] =	stream.linear.gather [hbm4b:s28+s3], $0x50, $0x38;
	[tilespmem:$0x16100] =	vst v63  }
0x87: {  	_ =	swait.ge [sflag:s21], $0x50  }
0x88: {  	[sflag:s21] =	ssyncset.done $0x0  }
0x89: {  	[sflag:s21] =	ssyncadd.s32 $0xFFFFFFB0  }
0x8a: {  	[tilespmem:s23], [sflag:$0x1] =	stream.linear.gather [hbm4b:s26+s3], $0x2800, $0x38;
	[tilespmem:$0x16100] =	vst v63  }
0x8b: {  	_ =	swait.ge [sflag:s21], $0x2800  }
0x8c: {  	[sflag:s21] =	ssyncset.done $0x0  }
0x8d: {  	[sflag:s21] =	ssyncadd.s32 $0xFFFFD800  }
0x8e: {  	[spmem:s2] =	stream.indirect.scatter.add.f32 [tilespmem:s23], [sflag:$0x1], $0x80, s3, s24, $0xb8;
	[tilespmem:$0x16100] =	vst v63  }
.Ltmp9:
0x8f: {  	_ =	swait.ge [sflag:s21], $0x2800;
	(pc) =	sbr.rel @p1 .LBB2_13-.Ltmp9, $3  }
0x90: {  	[sflag:s21] =	ssyncset.done $0x0  }
0x91: {  	[sflag:s21] =	ssyncadd.s32 $0xFFFFD800  }
0x92: {  	[bflag:$0x0] =	sbarrier.arrive $0xFFFF;
	_ =	sdelay $0x1  }
0x93: {  	[hbm:s15], [sflag:s9] =	dma.local [spmem:s20], $0x2700  }
.Ltmp10:
0x94: {  	_ = 	snop;
	(pc) =	sbr.rel @p2 .LBB2_14-.Ltmp10, $4  }
.Ltmp11:
0x95: {  	_ = 	snop;
	(pc) =	sbr.rel @!p2 .LBB2_15-.Ltmp11, $4  }
0x96: {  	_ =	swait.ge [sflag:s21], $0x2700  }
0x97: {  	[sflag:s21] =	ssyncset.done $0x0  }
0x98: {  	s26 =	smov.u32 s6;
	[sflag:s21] =	ssyncadd.s32 $0xFFFFD900  }
0x99: {  	_ = 	snop  }
.LBB2_13:
0x9a: {  	[hbm:s14], [sflag:s9] =	dma.local [spmem:s20], $0x2700  }
.Ltmp12:
0x9b: {  	_ = 	snop;
	(pc) =	sbr.rel @p0 .LBB2_15-.Ltmp12, $4  }
.Ltmp13:
0x9c: {  	_ = 	snop;
	(pc) =	sbr.rel @!p0 .LBB2_14-.Ltmp13, $4  }
0x9d: {  	_ =	swait.ge [sflag:s21], $0x2700  }
0x9e: {  	[sflag:s21] =	ssyncset.done $0x0  }
0x9f: {  	s26 =	smov.u32 s7;
	[sflag:s21] =	ssyncadd.s32 $0xFFFFD900  }
0xa0: {  	_ = 	snop  }
.LBB2_16:
0xa1: {  	_ =	sfence.sel $0x180000  }
0xa2: {  	[bflag:$0x0] =	sbarrier.arrive $0xFFFF  }
0xa3: {  	p0 =	sne.s32 s0, $0x0;
	_ =	strace $0x90000056  }
0xa4: {  	s0 =	sadd.s32 @!p0 $0x100000, s1;
	[bflag:$0x2] =	sbarrier.arrive $0xFFFF  }
0xa5: {  	[sflag:s0] =	ssyncadd.tile.s32 @!p0 $0x1;
	_ =	shalt  }
.Lfunc_end2:
_tile_overlayer_lowered:
.L_overlay_start_2:
0xa6: {  	(tag) =	ssettag $0x2  }
0xa7: {  	s0 =	rddreg [dreg:$0x0];
	s2 =	stileid.u32  }
0xa8: {  	s1 =	rddreg [dreg:$0x1];
	p0 =	sne.s32 s2, $0x0  }
0xa9: {  	s3 =	rddreg [dreg:$0x2];
	[bflag:$0x3] =	sbarrier.arrive $0xFFFF;
	s2 =	simm.s32 @!p0 $0x1C01  }
0xaa: {  	[timem:s3], [sflag:s2] =	dma.local @!p0 [hbm:s0], s1  }
0xab: {  	s0 =	simm.s32 @!p0 $0x1  }
0xac: {  	_ =	swait.ge @!p0 [sflag:s0], s1  }
0xad: {  	s1 =	ssub.s32 @!p0 $0x0, s1;
	[sflag:s0] =	ssyncset.done @!p0 $0x0  }
0xae: {  	[sflag:s0] =	ssyncadd.s32 @!p0 s1  }
0xaf: {  	[bflag:$0x3] =	sbarrier.arrive $0xFFFF  }
0xb0: {  	_ =	shalt  }

// kernel: kernel.38.cloned.1.call-start
scs
__scs_entry_jumppad:
0x0: {  	(pc) =	sbr.rel $0x88, $3  }
0x1: {  	(tag) =	ssettag $0x0;
	lr =	simm.s32 $0x1  }
0x2: {  	[smem:$0x3F8D] =	sst lr;
	_ =	strace $0xD0000000  }
0x3: {  	_ = 	snop  }
0x4: {  	_ = 	snop  }
0x5: {  	_ = 	snop  }
0x6: {  	_ = 	snop  }
0x7: {  	_ = 	snop  }
__scs_overlays_trampoline_lowered:
0x8: {  	[smem:$0x3F9C] =	sst s0  }
0x9: {  	[smem:$0x3F9D] =	sst s1  }
0xa: {  	[smem:$0x3F9E] =	sst s2  }
0xb: {  	[smem:$0x3F9F] =	sst s3  }
0xc: {  	[smem:$0x3FA0] =	sst s4  }
0xd: {  	[smem:$0x3FA1] =	sst s5  }
0xe: {  	[smem:$0x3FA2] =	sst s6  }
0xf: {  	[smem:$0x3FA3] =	sst s7  }
0x10: {  	[smem:$0x3FA4] =	sst s8  }
0x11: {  	[smem:$0x3FA5] =	sst s9;
	s0 =	simm.s32 @!p0 $0x0  }
0x12: {  	s1 =	sld [smem:$0x3F8B];
	s0 =	simm.s32 @p0 $0x1  }
0x13: {  	[smem:$0x3FA6] =	sst s0;
	s0 =	simm.s32 @!p1 $0x0  }
0x14: {  	s2 =	sld [smem:$0x3F8A];
	s0 =	simm.s32 @p1 $0x1  }
0x15: {  	[smem:$0x3FA7] =	sst s0;
	s0 =	simm.s32 @!p2 $0x0  }
0x16: {  	s3 =	sld [smem:$0x3FDB];
	s0 =	simm.s32 @p2 $0x1  }
0x17: {  	s4 =	simm.s32 $0x1BF5;
	[smem:$0x3FA9] =	sst s0  }
0x18: {  	s0 =	sld [smem:$0x3F8C];
	_ =	swait.ge [sflag:s4], $0x0  }
0x19: {  	s7 =	sld [smem:$0x3F8D]  }
0x1a: {  	s8 =	sadd.s32 $0xFFFFE003, lr  }
0x1b: {  	s9 =	sadd.s32 $0xFFFFFEF7, lr;
	s5 =	simm.s32 $0xFFFFFFFF;
	p2 =	slt.u32 s8, $0xFFFFF086  }
0x1c: {  	p1 =	slt.u32 s9, $0xF7A;
	s5 =	simm.s32 @!p2 $0x0  }
0x1d: {  	s5 =	simm.s32 @p1 $0x1;
	p0 =	seq.s32 s7, s2  }
0x1e: {  	s7 =	smul.u32 @!p0 $0xF7A, s2;
	p2 =	seq.s32 @!p0 s5, $0x0  }
0x1f: {  	s9 =	smul.u32 $0xF7A, s1;
	s8 =	simm.s32 @!p0 $0x1BF5;
	p2 =	por !p2, p0  }
0x20: {  	[sflag:s8] =	ssyncset.s32 @!p0 $0xFFFFF086;
	s6 =	sadd.s32 @!p0 s3, s7;
	s7 =	simm.s32 @!p0 $0x108  }
0x21: {  	s3 =	sadd.s32 s3, s9;
	s6 =	sadd.s32 @!p0 $0x88, s6;
	s7 =	simm.s32 @p2 $0x1082  }
0x22: {  	[simem:s7], [sflag:s8] =	dma.local @!p0 [hbm:s6], $0xF7A  }
0x23: {  	s9 =	sor.u32 $0xD0000000, s2;
	s6 =	simm.s32 $0x108;
	_ =	swait.ge @!p0 [sflag:s8], $0x0  }
0x24: {  	s3 =	sadd.s32 $0x88, s3;
	s6 =	simm.s32 @!p1 $0x1082;
	[sflag:s4] =	ssyncset.s32 $0xFFFFF086  }
0x25: {  	[simem:s6], [sflag:s4] =	dma.local [hbm:s3], $0xF7A  }
0x26: {  	[smem:$0x3F8D] =	sst s1;
	(tag) =	ssettag s2;
	_ =	strace s9  }
0x27: {  	s1 =	sld [smem:$0x3F9D]  }
0x28: {  	s2 =	sld [smem:$0x3F9E]  }
0x29: {  	s4 =	sld [smem:$0x3FA0]  }
0x2a: {  	p0 =	seq.s32 s5, $0x0;
	s5 =	sld [smem:$0x3FA1]  }
0x2b: {  	s6 =	sld [smem:$0x3FA2]  }
0x2c: {  	s7 =	sld [smem:$0x3FA3]  }
0x2d: {  	s3 =	simm.s32 $0x108;
	s8 =	sld [smem:$0x3FA4]  }
0x2e: {  	s3 =	simm.s32 @!p0 $0x1082;
	s9 =	sld [smem:$0x3FA5]  }
0x2f: {  	lr =	sadd.s32 s0, s3;
	s0 =	sld [smem:$0x3F9C]  }
0x30: {  	s3 =	sld [smem:$0x3F9F]  }
0x31: {  	[smem:$0x3FA8] =	sst s10  }
0x32: {  	s10 =	sld [smem:$0x3FA6];
	_ =	sdelay $0x3  }
0x33: {  	p0 =	seq.s32 s10, $0x1;
	s10 =	sld [smem:$0x3FA8];
	_ =	sdelay $0x3  }
0x34: {  	[smem:$0x3FA8] =	sst s10  }
0x35: {  	s10 =	sld [smem:$0x3FA7];
	_ =	sdelay $0x3  }
0x36: {  	p1 =	seq.s32 s10, $0x1;
	s10 =	sld [smem:$0x3FA8];
	_ =	sdelay $0x3  }
0x37: {  	[smem:$0x3FA8] =	sst s10  }
0x38: {  	s10 =	sld [smem:$0x3FA9]  }
0x39: {  	_ = 	snop;
	(pc) =	sbr.ind lr, $3  }
0x3a: {  	_ = 	snop  }
0x3b: {  	_ = 	snop  }
0x3c: {  	p2 =	seq.s32 s10, $0x1;
	s10 =	sld [smem:$0x3FA8]  }
0x3d: {  	_ =	shalt  }
0x3e: {  	_ =	shalt  }
0x3f: {  	_ =	shalt  }
0x40: {  	_ =	shalt  }
0x41: {  	_ =	shalt  }
0x42: {  	_ =	shalt  }
0x43: {  	_ =	shalt  }
0x44: {  	_ =	shalt  }
0x45: {  	_ =	shalt  }
0x46: {  	_ =	shalt  }
0x47: {  	_ =	shalt  }
0x48: {  	_ =	shalt  }
0x49: {  	_ =	shalt  }
0x4a: {  	_ =	shalt  }
0x4b: {  	_ =	shalt  }
0x4c: {  	_ =	shalt  }
0x4d: {  	_ =	shalt  }
0x4e: {  	_ =	shalt  }
0x4f: {  	_ =	shalt  }
0x50: {  	_ =	shalt  }
0x51: {  	_ =	shalt  }
0x52: {  	_ =	shalt  }
0x53: {  	_ =	shalt  }
0x54: {  	_ =	shalt  }
0x55: {  	_ =	shalt  }
0x56: {  	_ =	shalt  }
0x57: {  	_ =	shalt  }
0x58: {  	_ =	shalt  }
0x59: {  	_ =	shalt  }
0x5a: {  	_ =	shalt  }
0x5b: {  	_ =	shalt  }
0x5c: {  	_ =	shalt  }
0x5d: {  	_ =	shalt  }
0x5e: {  	_ =	shalt  }
0x5f: {  	_ =	shalt  }
0x60: {  	_ =	shalt  }
0x61: {  	_ =	shalt  }
0x62: {  	_ =	shalt  }
0x63: {  	_ =	shalt  }
0x64: {  	_ =	shalt  }
0x65: {  	_ =	shalt  }
0x66: {  	_ =	shalt  }
0x67: {  	_ =	shalt  }
0x68: {  	_ =	shalt  }
0x69: {  	_ =	shalt  }
0x6a: {  	_ =	shalt  }
0x6b: {  	_ =	shalt  }
0x6c: {  	_ =	shalt  }
0x6d: {  	_ =	shalt  }
0x6e: {  	_ =	shalt  }
0x6f: {  	_ =	shalt  }
0x70: {  	_ =	shalt  }
0x71: {  	_ =	shalt  }
0x72: {  	_ =	shalt  }
0x73: {  	_ =	shalt  }
0x74: {  	_ =	shalt  }
0x75: {  	_ =	shalt  }
0x76: {  	_ =	shalt  }
0x77: {  	_ =	shalt  }
0x78: {  	_ =	shalt  }
0x79: {  	_ =	shalt  }
0x7a: {  	_ =	shalt  }
0x7b: {  	_ =	shalt  }
0x7c: {  	_ =	shalt  }
0x7d: {  	_ =	shalt  }
0x7e: {  	_ =	shalt  }
0x7f: {  	_ =	shalt  }
0x80: {  	_ =	shalt  }
0x81: {  	_ =	shalt  }
0x82: {  	_ =	shalt  }
0x83: {  	_ =	shalt  }
0x84: {  	_ =	shalt  }
0x85: {  	_ =	shalt  }
0x86: {  	_ =	shalt  }
0x87: {  	_ =	shalt  }
.Lfunc_end0:
.L_simem_size_0:
called_computation.6_lowered:
.L_overlay_start_0:
0x88: {  	s2 =	sld [smem:$0x3FD9]  }
0x89: {  	s3 =	sld [smem:$0x3FFE];
	_ =	sdelay $0x1  }
0x8a: {  	s1 =	srdreg.scid  }
0x8b: {  	s0 =	sand.u32 $0x1, s1  }
0x8c: {  	s16 =	sshll.u32 s0, $0xA;
	s2 =	sadd.s32 s3, s2  }
0x8d: {  	s2 =	sadd.s32 s2, s16  }
0x8e: {  	[smem:$0x3FB4] =	sst s2  }
0x8f: {  	_ = 	snop  }
0x90: {  	(tm) =	ssettm $0x1  }
0x91: {  	s17 =	sld [smem:$0x3FFB];
	_ =	sdelay $0x3  }
0x92: {  	_ =	strace s17  }
0x93: {  	s2 =	sld [smem:$0x3FFC];
	_ =	sdelay $0x3  }
0x94: {  	_ =	strace s2  }
0x95: {  	s2 =	sld [smem:$0x3FFD];
	_ =	sdelay $0x3  }
0x96: {  	_ =	strace s2  }
0x97: {  	_ =	strace $0x8FFFFFFF  }
0x98: {  	s18 =	sld [smem:$0x3FDB];
	_ =	sdelay $0x1  }
0x99: {  	s19 =	simm.s32 $_scs_section_size  }
0x9a: {  	s4 =	simm.s32 $_size__tile_overlayer_lowered;
	s5 =	simm.s32 $_tile_overlayer_lowered  }
0x9b: {  	s22 =	simm.s32 $0x1BFF;
	s21 =	sshll.u32 s5, $0x1;
	s2 =	sadd.s32 s19, s18  }
0x9c: {  	s6 =	simm.s32 $0x0;
	s20 =	sshll.u32 s4, $0x1;
	s4 =	sadd.s32 s21, s2  }
0x9d: {  	[timem:s6], [sflag:s22] =	dma.local [hbm:s4], s20  }
0x9e: {  	_ =	swait.ge [sflag:s22], s20  }
0x9f: {  	s3 =	ssub.s32 $0x0, s20;
	[sflag:s22] =	ssyncset.done $0x0  }
0xa0: {  	[sflag:s22] =	ssyncadd.s32 s3;
	_ =	sdelay $0x1  }
0xa1: {  	s23 =	simm.s32 $0x1B8B  }
0xa2: {  	_ =	swait.ge [sflag:s23], $0x1  }
0xa3: {  	[sflag:s23] =	ssyncset.done $0x0  }
0xa4: {  	s25 =	simm.s32 $0x1B8E;
	s24 =	sld [smem:$0x3FFE];
	[sflag:s23] =	ssyncadd.s32 $0xFFFFFFFF  }
0xa5: {  	s26 =	simm.s32 $execute0_lowered;
	[smem:$0x3FD2] =	sst s25  }
0xa6: {  	s4 =	sshll.u32 s26, $0x1;
	_ =	strace $0x80000058;
	[dreg:$0x1] =	wrdreg $0xFFFFFFFF  }
0xa7: {  	s28 =	simm.s32 $_size_execute0_lowered;
	s2 =	sadd.s32 s2, s4;
	[dreg:$0x0] =	wrdreg $0x0  }
0xa8: {  	s4 =	sshll.u32 s28, $0x1;
	[dreg:$0x2] =	wrdreg s2  }
0xa9: {  	[dreg:$0x3] =	wrdreg s4  }
0xaa: {  	[dreg:$0x4] =	wrdreg $0xC0  }
0xab: {  	_ =	task [dreg:s6], $0x5FFFF  }
0xac: {  	[dreg:$0x1] =	wrdreg $0xFFFFFFFF  }
0xad: {  	[dreg:$0x0] =	wrdreg $0x60  }
0xae: {  	[dreg:$0x2] =	wrdreg s24  }
0xaf: {  	[dreg:$0x3] =	wrdreg $0x9  }
0xb0: {  	_ =	task.clear_ibuf [dreg:s6], $0x4FFFF;
	_ =	strace $0x90000058  }
0xb1: {  	s29 =	simm.s32 $0x9;
	_ =	strace $0x8000005A  }
0xb2: {  	_ =	swait.ge [sflag:s29], $0x1  }
0xb3: {  	[sflag:s29] =	ssyncadd.s32 $0xFFFFFFFF  }
0xb4: {  	_ =	strace $0x9000005A  }
0xb5: {  	_ =	sfence  }
0xb6: {  	s30 =	sld [smem:$0x0];
	_ =	sdelay $0x2  }
0xb7: {  	s31 =	sshll.u32 s1, $0xD;
	s1 =	sshrl.u32 s1, $0x2  }
0xb8: {  	s3 =	sand.u32 $0x4000, s31;
	s1 =	sadd.s32 s1, s30  }
0xb9: {  	s0 =	sor.u32 s3, s0;
	s1 =	sshll.u32 s1, $0x11  }
0xba: {  	s0 =	sor.u32 s1, s0  }
0xbb: {  	s0 =	sadd.s32 $0x8F2B, s0  }
0xbc: {  	[sflag:s0] =	ssyncadd.remote.s32 $0x1  }
0xbd: {  	_ =	sfence.sel $0xFFFF  }
0xbe: {  	[dreg:$0x0] =	wrdreg $0xFFFFFFFF;
	(pc) =	sbr.abs _section_cstart, $3  }
0xbf: {  	[dreg:$0x1] =	wrdreg $0xFFFFFFFF  }
0xc0: {  	_ =	task.clear_ibuf [dreg:s6], $0x2FFFF;
	_ =	strace $0x9FFFFFFF  }
0xc1: {  	(tm) =	ssettm $0x7FFFFFFF  }
tec
execute0_lowered:
.L_overlay_start_1:
0x0: {  	(tag) =	ssettag $0x1  }
0x1: {  	s0 =	rddreg [dreg:$0x0];
	s3 =	srdreg.scid  }
0x2: {  	s1 =	stileid.u32;
	s2 =	simm.s32 $0x0;
	s26 =	simm.s32 $0x80  }
0x3: {  	s30 =	simm.s32 $0x900;
	s31 =	simm.s32 $0x1100;
	s11 =	simm.s32 $0x2900  }
0x4: {  	s12 =	simm.s32 $0x3100;
	s13 =	simm.s32 $0x3900;
	s14 =	simm.s32 $0x4100  }
0x5: {  	s15 =	simm.s32 $0x4900;
	s16 =	simm.s32 $0x5100;
	s17 =	simm.s32 $0x5900  }
0x6: {  	s18 =	simm.s32 $0x6100;
	s19 =	simm.s32 $0x6900;
	s20 =	simm.s32 $0x7100  }
0x7: {  	s28 =	simm.s32 $0x2;
	s29 =	simm.s32 $0x0;
	s4 =	sand.u32 $0x1, s3  }
0x8: {  	s5 =	smul.u32 $0x4E20, s1;
	[smem:$0x7FF] =	sst s2;
	s3 =	sadd.s32 $0x70A00, s0  }
0x9: {  	s21 =	smul.u32 $0x9C400, s1;
	_ =	strace $0x80000059;
	[dreg:$0x4] =	wrdreg s26  }
0xa: {  	s6 =	smul.u32 $0x2710, s4;
	s7 =	ssub.s32 $0x2, s4;
	[dreg:$0x5] =	wrdreg s30  }
0xb: {  	s9 =	smul.u32 $0x4E200, s4;
	[dreg:$0x6] =	wrdreg s31;
	s8 =	sshrl.u32 s7, $0x1  }
0xc: {  	s26 =	simm.s32 $0x1;
	s5 =	sadd.s32 s6, s5;
	s22 =	ssub.s32 s7, s8  }
0xd: {  	s7 =	simm.s32 $0x3;
	s8 =	simm.s32 $0x100;
	s5 =	sshrl.u32 s5, $0x3  }
0xe: {  	s23 =	smax.u32 s22, $0x1;
	s22 =	simm.s32 $0x8100;
	s10 =	sadd.s32 s5, s0  }
0xf: {  	s0 =	sadd.s32 s21, s0;
	[dreg:$0x7] =	wrdreg s23;
	s21 =	simm.s32 $0x7900  }
0x10: {  	s23 =	simm.s32 $0x8900;
	s0 =	sadd.s32 s9, s0;
	s24 =	sadd.s32 $0x18A00, s10  }
0x11: {  	v2 =	vlaneseq.u32;
	s25 =	sadd.s32 $0xEC00, s10;
	s9 =	simm.s32 $0x1900;
	s10 =	simm.s32 $0x2100  }
0x12: {  	vm0 =	vmmov $0xffff;
	v1 =	vshrl.u32 v2, $0x3;
	s5 =	sadd.s32 $0x112600, s0;
	[dreg:$0x2] =	wrdreg s24;
	s6 =	sadd.s32 $0x13FF600, s0  }
0x13: {  	v0 =	vand.u32 $0x7, v2;
	v2 =	vor.u32 $0x8, v2;
	v1 =	vmul.u32 $0x8, v1;
	[dreg:$0x3] =	wrdreg s25;
	s24 =	simm.s32 $0x9100;
	s25 =	simm.s32 $0x9900  }
.LBB2_1:
0x14: {  	s30 =	smov.u32 s6;
	s31 =	smov.u32 s5;
	s0 =	simm.s32 $0x0  }
.LBB2_2:
0x15: {  	s1 =	rddreg [dreg:$0x3]  }
0x16: {  	s1 =	sadd.s32 s0, s1  }
0x17: {  	[tilespmem:s2], [sflag:$0x3] =	stream.linear.gather [hbm4b:s1+s2], $0x50, $0x38;
	[tilespmem:$0xA100] =	vst v63  }
0x18: {  	_ =	swait.ge [sflag:s7], $0x50  }
0x19: {  	s1 =	rddreg [dreg:$0x2];
	[sflag:s7] =	ssyncset.done $0x0  }
0x1a: {  	s4 =	rddreg [dreg:$0x4];
	[sflag:s7] =	ssyncadd.s32 $0xFFFFFFB0;
	s1 =	sadd.s32 s0, s1  }
0x1b: {  	[tilespmem:s4], [sflag:$0x3] =	stream.linear.gather [hbm4b:s1+s2], $0x50, $0x38;
	[tilespmem:$0xA100] =	vst v63  }
0x1c: {  	_ =	swait.ge [sflag:s7], $0x50  }
0x1d: {  	[sflag:s7] =	ssyncset.done $0x0  }
0x1e: {  	[sflag:s7] =	ssyncadd.s32 $0xFFFFFFB0  }
0x1f: {  	v3 =	vld [tilespmem:$0x0];
	_ =	sdelay $0x4  }
0x20: {  	v4 =	vshll.u32 v3, $0x1  }
0x21: {  	v3 =	vand.u32 $0x7, v3;
	v4 =	vand.u32 $0xFFFFFFF0, v4  }
0x22: {  	v3 =	vor.u32 v3, v4  }
0x23: {  	v4 =	vperm.xlane v3, v0;
	_ =	sdelay $0x1  }
0x24: {  	v3 =	vperm.xlane v3, v2;
	v4 =	vadd.s32 v1, v4;
	_ =	sdelay $0x1  }
0x25: {  	v3 =	vadd.s32 v1, v3;
	_ =	sdelay $0x2  }
0x26: {  	[tilespmem:s8], [sflag:$0x1] =	stream.indirect_vreg.gather [hbm4b:s3+s2], $0x80, v4, vm0, $0xb8;
	[tilespmem:$0xA100] =	vst v63  }
0x27: {  	s4 =	rddreg [dreg:$0x5]  }
0x28: {  	[tilespmem:s4], [sflag:$0x1] =	stream.indirect_vreg.gather [hbm4b:s3+s2], $0x80, v3, vm0, $0xb8;
	[tilespmem:$0xA100] =	vst v63  }
0x29: {  	v3 =	vld [tilespmem:$0x10];
	_ =	sdelay $0x4  }
0x2a: {  	v55 =	vshll.u32 v3, $0x1  }
0x2b: {  	v3 =	vand.u32 $0x7, v3;
	v4 =	vand.u32 $0xFFFFFFF0, v55  }
0x2c: {  	v3 =	vor.u32 v3, v4  }
0x2d: {  	v4 =	vperm.xlane v3, v0;
	_ =	sdelay $0x1  }
0x2e: {  	v3 =	vperm.xlane v3, v2;
	v4 =	vadd.s32 v1, v4;
	_ =	sdelay $0x1  }
0x2f: {  	v3 =	vadd.s32 v1, v3;
	_ =	sdelay $0x1  }
0x30: {  	s4 =	rddreg [dreg:$0x6]  }
0x31: {  	[tilespmem:s4], [sflag:$0x1] =	stream.indirect_vreg.gather [hbm4b:s3+s2], $0x80, v4, vm0, $0xb8;
	[tilespmem:$0xA100] =	vst v63  }
0x32: {  	_ = 	snop  }
0x33: {  	[tilespmem:s9], [sflag:$0x1] =	stream.indirect_vreg.gather [hbm4b:s3+s2], $0x80, v3, vm0, $0xb8;
	[tilespmem:$0xA100] =	vst v63  }
0x34: {  	v3 =	vld [tilespmem:$0x20];
	_ =	sdelay $0x4  }
0x35: {  	v56 =	vshll.u32 v3, $0x1  }
0x36: {  	v3 =	vand.u32 $0x7, v3;
	v4 =	vand.u32 $0xFFFFFFF0, v56  }
0x37: {  	v3 =	vor.u32 v3, v4  }
0x38: {  	v4 =	vperm.xlane v3, v0;
	_ =	sdelay $0x1  }
0x39: {  	v3 =	vperm.xlane v3, v2;
	v4 =	vadd.s32 v1, v4;
	_ =	sdelay $0x1  }
0x3a: {  	v3 =	vadd.s32 v1, v3;
	_ =	sdelay $0x2  }
0x3b: {  	[tilespmem:s10], [sflag:$0x1] =	stream.indirect_vreg.gather [hbm4b:s3+s2], $0x80, v4, vm0, $0xb8;
	[tilespmem:$0xA100] =	vst v63  }
0x3c: {  	_ = 	snop  }
0x3d: {  	[tilespmem:s11], [sflag:$0x1] =	stream.indirect_vreg.gather [hbm4b:s3+s2], $0x80, v3, vm0, $0xb8;
	[tilespmem:$0xA100] =	vst v63  }
0x3e: {  	v3 =	vld [tilespmem:$0x30];
	_ =	sdelay $0x4  }
0x3f: {  	v57 =	vshll.u32 v3, $0x1  }
0x40: {  	v3 =	vand.u32 $0x7, v3;
	v4 =	vand.u32 $0xFFFFFFF0, v57  }
0x41: {  	v3 =	vor.u32 v3, v4  }
0x42: {  	v4 =	vperm.xlane v3, v0;
	_ =	sdelay $0x1  }
0x43: {  	v3 =	vperm.xlane v3, v2;
	v4 =	vadd.s32 v1, v4;
	_ =	sdelay $0x1  }
0x44: {  	v3 =	vadd.s32 v1, v3;
	_ =	sdelay $0x2  }
0x45: {  	[tilespmem:s12], [sflag:$0x1] =	stream.indirect_vreg.gather [hbm4b:s3+s2], $0x80, v4, vm0, $0xb8;
	[tilespmem:$0xA100] =	vst v63  }
0x46: {  	_ = 	snop  }
0x47: {  	[tilespmem:s13], [sflag:$0x1] =	stream.indirect_vreg.gather [hbm4b:s3+s2], $0x80, v3, vm0, $0xb8;
	[tilespmem:$0xA100] =	vst v63  }
0x48: {  	v3 =	vld [tilespmem:$0x40];
	_ =	sdelay $0x4  }
0x49: {  	v58 =	vshll.u32 v3, $0x1  }
0x4a: {  	v3 =	vand.u32 $0x7, v3;
	v4 =	vand.u32 $0xFFFFFFF0, v58  }
0x4b: {  	v3 =	vor.u32 v3, v4  }
0x4c: {  	v4 =	vperm.xlane v3, v0;
	_ =	sdelay $0x1  }
0x4d: {  	v3 =	vperm.xlane v3, v2;
	v4 =	vadd.s32 v1, v4;
	_ =	sdelay $0x1  }
0x4e: {  	v3 =	vadd.s32 v1, v3;
	_ =	sdelay $0x2  }
0x4f: {  	[tilespmem:s14], [sflag:$0x1] =	stream.indirect_vreg.gather [hbm4b:s3+s2], $0x80, v4, vm0, $0xb8;
	[tilespmem:$0xA100] =	vst v63  }
0x50: {  	_ = 	snop  }
0x51: {  	[tilespmem:s15], [sflag:$0x1] =	stream.indirect_vreg.gather [hbm4b:s3+s2], $0x80, v3, vm0, $0xb8;
	[tilespmem:$0xA100] =	vst v63  }
0x52: {  	v3 =	vld [tilespmem:$0x80];
	_ =	sdelay $0x4  }
0x53: {  	v59 =	vshll.u32 v3, $0x1  }
0x54: {  	v3 =	vand.u32 $0x7, v3;
	v4 =	vand.u32 $0xFFFFFFF0, v59  }
0x55: {  	v3 =	vor.u32 v3, v4  }
0x56: {  	v4 =	vperm.xlane v3, v0;
	_ =	sdelay $0x1  }
0x57: {  	v3 =	vperm.xlane v3, v2;
	v4 =	vadd.s32 v1, v4;
	_ =	sdelay $0x1  }
0x58: {  	v3 =	vadd.s32 v1, v3;
	_ =	sdelay $0x2  }
0x59: {  	[tilespmem:s16], [sflag:$0x2] =	stream.indirect_vreg.gather [hbm4b:s3+s2], $0x80, v4, vm0, $0xb8;
	[tilespmem:$0xA100] =	vst v63  }
0x5a: {  	_ = 	snop  }
0x5b: {  	[tilespmem:s17], [sflag:$0x2] =	stream.indirect_vreg.gather [hbm4b:s3+s2], $0x80, v3, vm0, $0xb8;
	[tilespmem:$0xA100] =	vst v63  }
0x5c: {  	v3 =	vld [tilespmem:$0x90];
	_ =	sdelay $0x4  }
0x5d: {  	v60 =	vshll.u32 v3, $0x1  }
0x5e: {  	v3 =	vand.u32 $0x7, v3;
	v4 =	vand.u32 $0xFFFFFFF0, v60  }
0x5f: {  	v3 =	vor.u32 v3, v4  }
0x60: {  	v4 =	vperm.xlane v3, v0;
	_ =	sdelay $0x1  }
0x61: {  	v3 =	vperm.xlane v3, v2;
	v4 =	vadd.s32 v1, v4;
	_ =	sdelay $0x1  }
0x62: {  	v3 =	vadd.s32 v1, v3;
	_ =	sdelay $0x2  }
0x63: {  	[tilespmem:s18], [sflag:$0x2] =	stream.indirect_vreg.gather [hbm4b:s3+s2], $0x80, v4, vm0, $0xb8;
	[tilespmem:$0xA100] =	vst v63  }
0x64: {  	_ = 	snop  }
0x65: {  	[tilespmem:s19], [sflag:$0x2] =	stream.indirect_vreg.gather [hbm4b:s3+s2], $0x80, v3, vm0, $0xb8;
	[tilespmem:$0xA100] =	vst v63  }
0x66: {  	v3 =	vld [tilespmem:$0xA0];
	_ =	sdelay $0x4  }
0x67: {  	v61 =	vshll.u32 v3, $0x1  }
0x68: {  	v3 =	vand.u32 $0x7, v3;
	v4 =	vand.u32 $0xFFFFFFF0, v61  }
0x69: {  	v3 =	vor.u32 v3, v4  }
0x6a: {  	v4 =	vperm.xlane v3, v0;
	_ =	sdelay $0x1  }
0x6b: {  	v3 =	vperm.xlane v3, v2;
	v4 =	vadd.s32 v1, v4;
	_ =	sdelay $0x1  }
0x6c: {  	v3 =	vadd.s32 v1, v3;
	_ =	sdelay $0x2  }
0x6d: {  	[tilespmem:s20], [sflag:$0x2] =	stream.indirect_vreg.gather [hbm4b:s3+s2], $0x80, v4, vm0, $0xb8;
	[tilespmem:$0xA100] =	vst v63  }
0x6e: {  	_ = 	snop  }
0x6f: {  	[tilespmem:s21], [sflag:$0x2] =	stream.indirect_vreg.gather [hbm4b:s3+s2], $0x80, v3, vm0, $0xb8;
	[tilespmem:$0xA100] =	vst v63  }
0x70: {  	v3 =	vld [tilespmem:$0xB0];
	_ =	sdelay $0x4  }
0x71: {  	v62 =	vshll.u32 v3, $0x1  }
0x72: {  	v3 =	vand.u32 $0x7, v3;
	v4 =	vand.u32 $0xFFFFFFF0, v62  }
0x73: {  	v3 =	vor.u32 v3, v4  }
0x74: {  	v4 =	vperm.xlane v3, v0;
	_ =	sdelay $0x1  }
0x75: {  	v3 =	vperm.xlane v3, v2;
	v4 =	vadd.s32 v1, v4;
	_ =	sdelay $0x1  }
0x76: {  	v3 =	vadd.s32 v1, v3;
	_ =	sdelay $0x2  }
0x77: {  	[tilespmem:s22], [sflag:$0x2] =	stream.indirect_vreg.gather [hbm4b:s3+s2], $0x80, v4, vm0, $0xb8;
	[tilespmem:$0xA100] =	vst v63  }
0x78: {  	_ = 	snop  }
0x79: {  	[tilespmem:s23], [sflag:$0x2] =	stream.indirect_vreg.gather [hbm4b:s3+s2], $0x80, v3, vm0, $0xb8;
	[tilespmem:$0xA100] =	vst v63  }
0x7a: {  	v3 =	vld [tilespmem:$0xC0];
	_ =	sdelay $0x4  }
0x7b: {  	v63 =	vshll.u32 v3, $0x1  }
0x7c: {  	v3 =	vand.u32 $0x7, v3;
	v4 =	vand.u32 $0xFFFFFFF0, v63  }
0x7d: {  	v3 =	vor.u32 v3, v4  }
0x7e: {  	v4 =	vperm.xlane v3, v0;
	_ =	sdelay $0x1  }
0x7f: {  	v3 =	vperm.xlane v3, v2;
	v4 =	vadd.s32 v1, v4;
	_ =	sdelay $0x1  }
0x80: {  	v3 =	vadd.s32 v1, v3;
	_ =	sdelay $0x2  }
0x81: {  	[tilespmem:s24], [sflag:$0x2] =	stream.indirect_vreg.gather [hbm4b:s3+s2], $0x80, v4, vm0, $0xb8;
	[tilespmem:$0xA100] =	vst v63  }
0x82: {  	_ = 	snop  }
0x83: {  	[tilespmem:s25], [sflag:$0x2] =	stream.indirect_vreg.gather [hbm4b:s3+s2], $0x80, v3, vm0, $0xb8;
	[tilespmem:$0xA100] =	vst v63  }
0x84: {  	_ =	swait.ge [sflag:s26], $0x5000  }
0x85: {  	[sflag:s26] =	ssyncset.done $0x0  }
0x86: {  	[sflag:s26] =	ssyncadd.s32 $0xFFFFB000  }
0x87: {  	[hbm4b:s31+s2] =	stream.linear.scatter [tilespmem:s8], [sflag:$0x3], $0x5000, $0x38;
	[tilespmem:$0xA100] =	vst v63  }
0x88: {  	_ =	swait.ge [sflag:s7], $0x5000  }
0x89: {  	[sflag:s7] =	ssyncset.done $0x0  }
0x8a: {  	[sflag:s7] =	ssyncadd.s32 $0xFFFFB000  }
0x8b: {  	_ =	swait.ge [sflag:s28], $0x5000  }
0x8c: {  	p0 =	sne.s32 s0, $0x4D8;
	[sflag:s28] =	ssyncset.done $0x0  }
.Ltmp0:
0x8d: {  	[sflag:s28] =	ssyncadd.s32 $0xFFFFB000;
	(pc) =	sbr.rel @p0 .LBB2_2-.Ltmp0, $4  }
0x8e: {  	[hbm4b:s30+s2] =	stream.linear.scatter [tilespmem:s16], [sflag:$0x3], $0x5000, $0x38;
	[tilespmem:$0xA100] =	vst v63  }
0x8f: {  	_ =	swait.ge [sflag:s7], $0x5000  }
0x90: {  	s0 =	sadd.s32 $0xA, s0;
	[sflag:s7] =	ssyncset.done $0x0  }
0x91: {  	s31 =	sadd.s32 $0xA00, s31;
	s30 =	sadd.s32 $0xA00, s30;
	[sflag:s7] =	ssyncadd.s32 $0xFFFFB000  }
0x92: {  	s29 =	sadd.s32 $0x1, s29;
	s0 =	rddreg [dreg:$0x7]  }
0x93: {  	p0 =	sne.s32 s29, s0  }
.Ltmp1:
0x94: {  	_ = 	snop;
	(pc) =	sbr.rel @p0 .LBB2_1-.Ltmp1, $1  }
0x95: {  	_ =	sdelay $0x3  }
0x96: {  	_ =	sfence.sel $0x180000  }
0x97: {  	[bflag:$0x0] =	sbarrier.arrive $0xFFFF  }
0x98: {  	_ =	strace $0x90000059  }
0x99: {  	s0 =	stileid.u32;
	[bflag:$0x2] =	sbarrier.arrive $0xFFFF  }
0x9a: {  	p0 =	sne.s32 s0, $0x0;
	s0 =	rddreg [dreg:$0x1]  }
0x9b: {  	s0 =	sadd.s32 @!p0 $0x100000, s0  }
0x9c: {  	[sflag:s0] =	ssyncadd.tile.s32 @!p0 $0x1;
	_ =	shalt  }
.Lfunc_end2:
_tile_overlayer_lowered:
.L_overlay_start_2:
0x9d: {  	(tag) =	ssettag $0x2  }
0x9e: {  	s0 =	rddreg [dreg:$0x0];
	s2 =	stileid.u32  }
0x9f: {  	s1 =	rddreg [dreg:$0x1];
	p0 =	sne.s32 s2, $0x0  }
0xa0: {  	s3 =	rddreg [dreg:$0x2];
	[bflag:$0x3] =	sbarrier.arrive $0xFFFF;
	s2 =	simm.s32 @!p0 $0x1C03  }
0xa1: {  	[timem:s3], [sflag:s2] =	dma.local @!p0 [hbm:s0], s1  }
0xa2: {  	s0 =	simm.s32 @!p0 $0x3  }
0xa3: {  	_ =	swait.ge @!p0 [sflag:s0], s1  }
0xa4: {  	s1 =	ssub.s32 @!p0 $0x0, s1;
	[sflag:s0] =	ssyncset.done @!p0 $0x0  }
0xa5: {  	[sflag:s0] =	ssyncadd.s32 @!p0 s1  }
0xa6: {  	[bflag:$0x3] =	sbarrier.arrive $0xFFFF  }
0xa7: {  	_ =	shalt  }

// kernel: kernel.41.cloned.1.call-start
scs
__scs_entry_jumppad:
0x0: {  	(pc) =	sbr.rel $0x88, $3  }
0x1: {  	(tag) =	ssettag $0x0;
	lr =	simm.s32 $0x1  }
0x2: {  	[smem:$0x3F8D] =	sst lr;
	_ =	strace $0xD0000000  }
0x3: {  	_ = 	snop  }
0x4: {  	_ = 	snop  }
0x5: {  	_ = 	snop  }
0x6: {  	_ = 	snop  }
0x7: {  	_ = 	snop  }
__scs_overlays_trampoline_lowered:
0x8: {  	[smem:$0x3F9C] =	sst s0  }
0x9: {  	[smem:$0x3F9D] =	sst s1  }
0xa: {  	[smem:$0x3F9E] =	sst s2  }
0xb: {  	[smem:$0x3F9F] =	sst s3  }
0xc: {  	[smem:$0x3FA0] =	sst s4  }
0xd: {  	[smem:$0x3FA1] =	sst s5  }
0xe: {  	[smem:$0x3FA2] =	sst s6  }
0xf: {  	[smem:$0x3FA3] =	sst s7  }
0x10: {  	[smem:$0x3FA4] =	sst s8  }
0x11: {  	[smem:$0x3FA5] =	sst s9;
	s0 =	simm.s32 @!p0 $0x0  }
0x12: {  	s1 =	sld [smem:$0x3F8B];
	s0 =	simm.s32 @p0 $0x1  }
0x13: {  	[smem:$0x3FA6] =	sst s0;
	s0 =	simm.s32 @!p1 $0x0  }
0x14: {  	s2 =	sld [smem:$0x3F8A];
	s0 =	simm.s32 @p1 $0x1  }
0x15: {  	[smem:$0x3FA7] =	sst s0;
	s0 =	simm.s32 @!p2 $0x0  }
0x16: {  	s3 =	sld [smem:$0x3FDB];
	s0 =	simm.s32 @p2 $0x1  }
0x17: {  	s4 =	simm.s32 $0x1BF5;
	[smem:$0x3FA9] =	sst s0  }
0x18: {  	s0 =	sld [smem:$0x3F8C];
	_ =	swait.ge [sflag:s4], $0x0  }
0x19: {  	s7 =	sld [smem:$0x3F8D]  }
0x1a: {  	s8 =	sadd.s32 $0xFFFFE003, lr  }
0x1b: {  	s9 =	sadd.s32 $0xFFFFFEF7, lr;
	s5 =	simm.s32 $0xFFFFFFFF;
	p2 =	slt.u32 s8, $0xFFFFF086  }
0x1c: {  	p1 =	slt.u32 s9, $0xF7A;
	s5 =	simm.s32 @!p2 $0x0  }
0x1d: {  	s5 =	simm.s32 @p1 $0x1;
	p0 =	seq.s32 s7, s2  }
0x1e: {  	s7 =	smul.u32 @!p0 $0xF7A, s2;
	p2 =	seq.s32 @!p0 s5, $0x0  }
0x1f: {  	s9 =	smul.u32 $0xF7A, s1;
	s8 =	simm.s32 @!p0 $0x1BF5;
	p2 =	por !p2, p0  }
0x20: {  	[sflag:s8] =	ssyncset.s32 @!p0 $0xFFFFF086;
	s6 =	sadd.s32 @!p0 s3, s7;
	s7 =	simm.s32 @!p0 $0x108  }
0x21: {  	s3 =	sadd.s32 s3, s9;
	s6 =	sadd.s32 @!p0 $0x88, s6;
	s7 =	simm.s32 @p2 $0x1082  }
0x22: {  	[simem:s7], [sflag:s8] =	dma.local @!p0 [hbm:s6], $0xF7A  }
0x23: {  	s9 =	sor.u32 $0xD0000000, s2;
	s6 =	simm.s32 $0x108;
	_ =	swait.ge @!p0 [sflag:s8], $0x0  }
0x24: {  	s3 =	sadd.s32 $0x88, s3;
	s6 =	simm.s32 @!p1 $0x1082;
	[sflag:s4] =	ssyncset.s32 $0xFFFFF086  }
0x25: {  	[simem:s6], [sflag:s4] =	dma.local [hbm:s3], $0xF7A  }
0x26: {  	[smem:$0x3F8D] =	sst s1;
	(tag) =	ssettag s2;
	_ =	strace s9  }
0x27: {  	s1 =	sld [smem:$0x3F9D]  }
0x28: {  	s2 =	sld [smem:$0x3F9E]  }
0x29: {  	s4 =	sld [smem:$0x3FA0]  }
0x2a: {  	p0 =	seq.s32 s5, $0x0;
	s5 =	sld [smem:$0x3FA1]  }
0x2b: {  	s6 =	sld [smem:$0x3FA2]  }
0x2c: {  	s7 =	sld [smem:$0x3FA3]  }
0x2d: {  	s3 =	simm.s32 $0x108;
	s8 =	sld [smem:$0x3FA4]  }
0x2e: {  	s3 =	simm.s32 @!p0 $0x1082;
	s9 =	sld [smem:$0x3FA5]  }
0x2f: {  	lr =	sadd.s32 s0, s3;
	s0 =	sld [smem:$0x3F9C]  }
0x30: {  	s3 =	sld [smem:$0x3F9F]  }
0x31: {  	[smem:$0x3FA8] =	sst s10  }
0x32: {  	s10 =	sld [smem:$0x3FA6];
	_ =	sdelay $0x3  }
0x33: {  	p0 =	seq.s32 s10, $0x1;
	s10 =	sld [smem:$0x3FA8];
	_ =	sdelay $0x3  }
0x34: {  	[smem:$0x3FA8] =	sst s10  }
0x35: {  	s10 =	sld [smem:$0x3FA7];
	_ =	sdelay $0x3  }
0x36: {  	p1 =	seq.s32 s10, $0x1;
	s10 =	sld [smem:$0x3FA8];
	_ =	sdelay $0x3  }
0x37: {  	[smem:$0x3FA8] =	sst s10  }
0x38: {  	s10 =	sld [smem:$0x3FA9]  }
0x39: {  	_ = 	snop;
	(pc) =	sbr.ind lr, $3  }
0x3a: {  	_ = 	snop  }
0x3b: {  	_ = 	snop  }
0x3c: {  	p2 =	seq.s32 s10, $0x1;
	s10 =	sld [smem:$0x3FA8]  }
0x3d: {  	_ =	shalt  }
0x3e: {  	_ =	shalt  }
0x3f: {  	_ =	shalt  }
0x40: {  	_ =	shalt  }
0x41: {  	_ =	shalt  }
0x42: {  	_ =	shalt  }
0x43: {  	_ =	shalt  }
0x44: {  	_ =	shalt  }
0x45: {  	_ =	shalt  }
0x46: {  	_ =	shalt  }
0x47: {  	_ =	shalt  }
0x48: {  	_ =	shalt  }
0x49: {  	_ =	shalt  }
0x4a: {  	_ =	shalt  }
0x4b: {  	_ =	shalt  }
0x4c: {  	_ =	shalt  }
0x4d: {  	_ =	shalt  }
0x4e: {  	_ =	shalt  }
0x4f: {  	_ =	shalt  }
0x50: {  	_ =	shalt  }
0x51: {  	_ =	shalt  }
0x52: {  	_ =	shalt  }
0x53: {  	_ =	shalt  }
0x54: {  	_ =	shalt  }
0x55: {  	_ =	shalt  }
0x56: {  	_ =	shalt  }
0x57: {  	_ =	shalt  }
0x58: {  	_ =	shalt  }
0x59: {  	_ =	shalt  }
0x5a: {  	_ =	shalt  }
0x5b: {  	_ =	shalt  }
0x5c: {  	_ =	shalt  }
0x5d: {  	_ =	shalt  }
0x5e: {  	_ =	shalt  }
0x5f: {  	_ =	shalt  }
0x60: {  	_ =	shalt  }
0x61: {  	_ =	shalt  }
0x62: {  	_ =	shalt  }
0x63: {  	_ =	shalt  }
0x64: {  	_ =	shalt  }
0x65: {  	_ =	shalt  }
0x66: {  	_ =	shalt  }
0x67: {  	_ =	shalt  }
0x68: {  	_ =	shalt  }
0x69: {  	_ =	shalt  }
0x6a: {  	_ =	shalt  }
0x6b: {  	_ =	shalt  }
0x6c: {  	_ =	shalt  }
0x6d: {  	_ =	shalt  }
0x6e: {  	_ =	shalt  }
0x6f: {  	_ =	shalt  }
0x70: {  	_ =	shalt  }
0x71: {  	_ =	shalt  }
0x72: {  	_ =	shalt  }
0x73: {  	_ =	shalt  }
0x74: {  	_ =	shalt  }
0x75: {  	_ =	shalt  }
0x76: {  	_ =	shalt  }
0x77: {  	_ =	shalt  }
0x78: {  	_ =	shalt  }
0x79: {  	_ =	shalt  }
0x7a: {  	_ =	shalt  }
0x7b: {  	_ =	shalt  }
0x7c: {  	_ =	shalt  }
0x7d: {  	_ =	shalt  }
0x7e: {  	_ =	shalt  }
0x7f: {  	_ =	shalt  }
0x80: {  	_ =	shalt  }
0x81: {  	_ =	shalt  }
0x82: {  	_ =	shalt  }
0x83: {  	_ =	shalt  }
0x84: {  	_ =	shalt  }
0x85: {  	_ =	shalt  }
0x86: {  	_ =	shalt  }
0x87: {  	_ =	shalt  }
.Lfunc_end0:
.L_simem_size_0:
called_computation.7_lowered:
.L_overlay_start_0:
0x88: {  	s2 =	sld [smem:$0x3FD9]  }
0x89: {  	s3 =	sld [smem:$0x3FFE];
	_ =	sdelay $0x1  }
0x8a: {  	s1 =	srdreg.scid  }
0x8b: {  	s0 =	sand.u32 $0x1, s1  }
0x8c: {  	s14 =	sshll.u32 s0, $0xA;
	s2 =	sadd.s32 s3, s2  }
0x8d: {  	s2 =	sadd.s32 s2, s14  }
0x8e: {  	[smem:$0x3FB4] =	sst s2  }
0x8f: {  	_ = 	snop  }
0x90: {  	s2 =	sld [smem:$0x3FD0];
	_ =	sdelay $0x2  }
0x91: {  	s15 =	simm.s32 $0xA;
	s4 =	simm.s32 $0x10  }
0x92: {  	[smem:s4], [sflag:s15] =	dma.local [hbm:s2], $0x1  }
0x93: {  	_ =	swait.eq [sflag:s15], $0x1  }
0x94: {  	[sflag:s15] =	ssyncset.done $0x0  }
0x95: {  	[sflag:s15] =	ssyncadd.s32 $0xFFFFFFFF  }
0x96: {  	s16 =	sld [smem:$0x10];
	(tm) =	ssettm $0x1  }
0x97: {  	s17 =	sld [smem:$0x3FFB];
	_ =	sdelay $0x3  }
0x98: {  	_ =	strace s17  }
0x99: {  	s3 =	sld [smem:$0x3FFC];
	_ =	sdelay $0x3  }
0x9a: {  	_ =	strace s3  }
0x9b: {  	s3 =	sld [smem:$0x3FFD];
	_ =	sdelay $0x3  }
0x9c: {  	_ =	strace s3  }
0x9d: {  	_ =	strace $0x8FFFFFFF  }
0x9e: {  	s18 =	sld [smem:$0x3FDB];
	_ =	sdelay $0x1  }
0x9f: {  	s19 =	simm.s32 $_scs_section_size  }
0xa0: {  	s5 =	simm.s32 $_size__tile_overlayer_lowered;
	s6 =	simm.s32 $_tile_overlayer_lowered  }
0xa1: {  	s22 =	simm.s32 $0x1BFF;
	s21 =	sshll.u32 s6, $0x1;
	s3 =	sadd.s32 s19, s18  }
0xa2: {  	s7 =	simm.s32 $0x0;
	s20 =	sshll.u32 s5, $0x1;
	s5 =	sadd.s32 s21, s3  }
0xa3: {  	[timem:s7], [sflag:s22] =	dma.local [hbm:s5], s20  }
0xa4: {  	_ =	swait.ge [sflag:s22], s20  }
0xa5: {  	s4 =	ssub.s32 $0x0, s20;
	[sflag:s22] =	ssyncset.done $0x0  }
0xa6: {  	[sflag:s22] =	ssyncadd.s32 s4;
	_ =	sdelay $0x1  }
0xa7: {  	s23 =	simm.s32 $0x1B8B  }
0xa8: {  	_ =	swait.ge [sflag:s23], $0x1  }
0xa9: {  	[sflag:s23] =	ssyncset.done $0x0  }
0xaa: {  	s25 =	simm.s32 $0x1B8E;
	s24 =	sld [smem:$0x3FFE];
	[sflag:s23] =	ssyncadd.s32 $0xFFFFFFFF  }
0xab: {  	s26 =	simm.s32 $execute0_lowered;
	[smem:$0x3FD2] =	sst s25  }
0xac: {  	s5 =	sshll.u32 s26, $0x1;
	_ =	strace $0x8000005B;
	[dreg:$0x1] =	wrdreg $0xFFFFFFFF  }
0xad: {  	s28 =	simm.s32 $_size_execute0_lowered;
	s3 =	sadd.s32 s3, s5;
	[dreg:$0x0] =	wrdreg $0x0  }
0xae: {  	s5 =	sshll.u32 s28, $0x1;
	[dreg:$0x2] =	wrdreg s3  }
0xaf: {  	[dreg:$0x3] =	wrdreg s5  }
0xb0: {  	[dreg:$0x4] =	wrdreg $0xC0  }
0xb1: {  	_ =	task [dreg:s7], $0x5FFFF  }
0xb2: {  	[dreg:$0x1] =	wrdreg $0xFFFFFFFF  }
0xb3: {  	[dreg:$0x0] =	wrdreg $0x60  }
0xb4: {  	[dreg:$0x2] =	wrdreg s24  }
0xb5: {  	[dreg:$0x3] =	wrdreg s16  }
0xb6: {  	[dreg:$0x4] =	wrdreg $0x28800  }
0xb7: {  	[dreg:$0x5] =	wrdreg $0x9  }
0xb8: {  	_ =	task.clear_ibuf [dreg:s7], $0x6FFFF;
	_ =	strace $0x9000005B  }
0xb9: {  	s29 =	simm.s32 $0x9;
	_ =	strace $0x8000005D  }
0xba: {  	_ =	swait.ge [sflag:s29], $0x1  }
0xbb: {  	[sflag:s29] =	ssyncadd.s32 $0xFFFFFFFF  }
0xbc: {  	_ =	strace $0x9000005D  }
0xbd: {  	_ =	sfence  }
0xbe: {  	s30 =	sld [smem:$0x0];
	_ =	sdelay $0x2  }
0xbf: {  	s31 =	sshll.u32 s1, $0xD;
	s1 =	sshrl.u32 s1, $0x2  }
0xc0: {  	s3 =	sand.u32 $0x4000, s31;
	s1 =	sadd.s32 s1, s30  }
0xc1: {  	s0 =	sor.u32 s3, s0;
	s1 =	sshll.u32 s1, $0x11  }
0xc2: {  	s0 =	sor.u32 s1, s0  }
0xc3: {  	s0 =	sadd.s32 $0x8F2B, s0  }
0xc4: {  	[sflag:s0] =	ssyncadd.remote.s32 $0x1  }
0xc5: {  	_ =	sfence.sel $0xFFFF  }
0xc6: {  	[dreg:$0x0] =	wrdreg $0xFFFFFFFF;
	(pc) =	sbr.abs _section_cstart, $3  }
0xc7: {  	[dreg:$0x1] =	wrdreg $0xFFFFFFFF  }
0xc8: {  	_ =	task.clear_ibuf [dreg:s7], $0x2FFFF;
	_ =	strace $0x9FFFFFFF  }
0xc9: {  	(tm) =	ssettm $0x7FFFFFFF  }
tec
execute0_lowered:
.L_overlay_start_1:
0x0: {  	(tag) =	ssettag $0x1  }
0x1: {  	s7 =	rddreg [dreg:$0x0]  }
0x2: {  	s0 =	stileid.u32;
	s11 =	rddreg [dreg:$0x1]  }
0x3: {  	s1 =	srdreg.scid;
	s2 =	rddreg [dreg:$0x2]  }
0x4: {  	s3 =	simm.s32 $0x0;
	s21 =	simm.s32 $0x1;
	s4 =	smul.u32 $0x4E20, s0  }
0x5: {  	s23 =	simm.s32 $0x80;
	s24 =	simm.s32 $0x50;
	s6 =	smul.u32 $0x4E200, s0  }
0x6: {  	s25 =	sand.u32 $0x1, s1;
	s1 =	rddreg [dreg:$0x3];
	s8 =	smul.u32 $0x4E000, s0  }
0x7: {  	[smem:$0x7FF] =	sst s3;
	s15 =	smul.u32 $0x2700, s0;
	s31 =	sshll.u32 s0, $0x6  }
0x8: {  	p0 =	sne.s32 s0, $0xF;
	p2 =	seq.s32 s0, $0xF;
	s5 =	smul.u32 $0x2710, s25  }
0x9: {  	_ =	strace $0x8000005C;
	s9 =	ssub.s32 $0x2, s25;
	s16 =	smul.u32 $0x27100, s25  }
0xa: {  	p1 =	sne.s32 s25, $0x0;
	s25 =	simm.s32 $0x0;
	s14 =	sadd.s32 s6, s7  }
0xb: {  	s6 =	sadd.s32 $0xE5E00, s7;
	s10 =	sshrl.u32 s9, $0x1;
	s8 =	sshrl.u32 s8, $0x2  }
0xc: {  	s4 =	sadd.s32 s5, s4;
	s5 =	sadd.s32 $0xBEC00, s7;
	s17 =	ssub.s32 s9, s10  }
0xd: {  	s20 =	sadd.s32 s8, s2;
	s8 =	sadd.s32 s11, s15;
	s9 =	sor.u32 $0x1C01, s31  }
0xe: {  	s10 =	sadd.s32 $0x138000, s2;
	s11 =	sadd.s32 $0x27000, s11;
	s19 =	sadd.s32 s16, s14  }
.Ltmp0:
0xf: {  	s4 =	sshrl.u32 s4, $0x3;
	s12 =	sadd.s32 s5, s15;
	(pc) =	sbr.rel .LBB2_1-.Ltmp0, $4  }
0x10: {  	s16 =	sadd.s32 $0xAD6600, s19;
	s17 =	smax.u32 s17, $0x1;
	s19 =	sadd.s32 $0x1DC3600, s19  }
0x11: {  	s20 =	sshrl.u32 s20, $0x3;
	s18 =	sadd.s32 s4, s7;
	s4 =	sadd.s32 $0x22800, s7  }
0x12: {  	s22 =	sshrl.u32 @!p0 s10, $0x3;
	s7 =	sadd.s32 $0x112600, s7;
	s13 =	sadd.s32 s4, s15  }
0x13: {  	s14 =	sadd.s32 s7, s15;
	s15 =	sadd.s32 s6, s15;
	s18 =	sadd.s32 $0x18A00, s18  }
.LBB2_14:
0x14: {  	s26 =	sadd.s32 $0x27000, s26;
	s28 =	sshrl.u32 s10, $0x3  }
0x15: {  	[hbm:s26], [sflag:s9] =	dma.local [spmem:s28], $0x100  }
0x16: {  	_ =	swait.ge [sflag:s21], $0x100  }
0x17: {  	[sflag:s21] =	ssyncset.done $0x0  }
0x18: {  	[sflag:s21] =	ssyncadd.s32 $0xFFFFFF00  }
.LBB2_15:
0x19: {  	s25 =	sadd.s32 $0x1, s25  }
0x1a: {  	p3 =	sne.s32 s25, s17  }
.Ltmp1:
0x1b: {  	_ = 	snop;
	(pc) =	sbr.rel @!p3 .LBB2_16-.Ltmp1, $1  }
0x1c: {  	_ =	sdelay $0x3  }
.LBB2_1:
0x1d: {  	[spmem:s20], [sflag:s9] =	dma.local [hbm:s8], $0x2700  }
0x1e: {  	_ =	swait.ge [sflag:s21], $0x2700  }
0x1f: {  	[sflag:s21] =	ssyncset.done $0x0  }
0x20: {  	s26 =	simm.s32 @!p0 $0x1;
	[sflag:s21] =	ssyncadd.s32 $0xFFFFD900  }
0x21: {  	[spmem:s22], [sflag:s9] =	dma.local @!p0 [hbm:s11], $0x100  }
0x22: {  	_ =	swait.ge @!p0 [sflag:s26], $0x100  }
0x23: {  	[sflag:s26] =	ssyncset.done @!p0 $0x0  }
0x24: {  	[sflag:s26] =	ssyncadd.s32 @!p0 $0xFFFFFF00  }
0x25: {  	s31 =	sadd.s32 $0x0, s18;
	[bflag:$0x0] =	sbarrier.arrive $0xFFFF  }
0x26: {  	[tilespmem:s3], [sflag:$0x1] =	stream.linear.gather [hbm4b:s31+s3], $0x50, $0x38;
	[tilespmem:$0x16100] =	vst v63  }
0x27: {  	_ =	swait.ge [sflag:s21], $0x50  }
0x28: {  	[sflag:s21] =	ssyncset.done $0x0  }
0x29: {  	[sflag:s21] =	ssyncadd.s32 $0xFFFFFFB0  }
0x2a: {  	[tilespmem:s23], [sflag:$0x1] =	stream.linear.gather [hbm4b:s16+s3], $0x2800, $0x38;
	[tilespmem:$0x16100] =	vst v63  }
0x2b: {  	_ =	swait.ge [sflag:s21], $0x2800  }
0x2c: {  	[sflag:s21] =	ssyncset.done $0x0  }
0x2d: {  	[sflag:s21] =	ssyncadd.s32 $0xFFFFD800  }
0x2e: {  	[spmem:s2] =	stream.indirect.scatter.add.f32 [tilespmem:s23], [sflag:$0x1], $0x80, s3, s24, $0xb8;
	[tilespmem:$0x16100] =	vst v63  }
0x2f: {  	s28 =	simm.s32 $0xA;
	_ =	swait.ge [sflag:s21], $0x2800  }
0x30: {  	s29 =	simm.s32 $0x14;
	s26 =	sadd.s32 $0x500, s16;
	[sflag:s21] =	ssyncset.done $0x0  }
.LBB2_2:
0x31: {  	s30 =	sadd.s32 s28, s18  }
0x32: {  	[sflag:s21] =	ssyncadd.s32 $0xFFFFD800;
	s28 =	smov.u32 s29;
	s31 =	sadd.s32 $0xA, s29  }
0x33: {  	[tilespmem:s3], [sflag:$0x1] =	stream.linear.gather [hbm4b:s30+s3], $0x50, $0x38;
	[tilespmem:$0x16100] =	vst v63  }
0x34: {  	p3 =	sne.s32 s29, $0x4D8;
	_ =	swait.ge [sflag:s21], $0x50  }
0x35: {  	[sflag:s21] =	ssyncset.done $0x0  }
0x36: {  	[sflag:s21] =	ssyncadd.s32 $0xFFFFFFB0  }
0x37: {  	[tilespmem:s23], [sflag:$0x1] =	stream.linear.gather [hbm4b:s26+s3], $0x2800, $0x38;
	[tilespmem:$0x16100] =	vst v63  }
0x38: {  	_ =	swait.ge [sflag:s21], $0x2800  }
.Ltmp2:
0x39: {  	[sflag:s21] =	ssyncset.done $0x0;
	(pc) =	sbr.rel @p3 .LBB2_2-.Ltmp2, $4  }
0x3a: {  	[sflag:s21] =	ssyncadd.s32 $0xFFFFD800  }
0x3b: {  	[spmem:s2] =	stream.indirect.scatter.add.f32 [tilespmem:s23], [sflag:$0x1], $0x80, s3, s24, $0xb8;
	[tilespmem:$0x16100] =	vst v63  }
0x3c: {  	_ =	swait.ge [sflag:s21], $0x2800  }
0x3d: {  	s29 =	smov.u32 s31;
	s26 =	sadd.s32 $0x500, s26;
	[sflag:s21] =	ssyncset.done $0x0  }
0x3e: {  	s28 =	sadd.s32 s28, s18;
	[sflag:s21] =	ssyncadd.s32 $0xFFFFD800  }
0x3f: {  	[tilespmem:s3], [sflag:$0x1] =	stream.linear.gather [hbm4b:s28+s3], $0x50, $0x38;
	[tilespmem:$0x16100] =	vst v63  }
0x40: {  	_ =	swait.ge [sflag:s21], $0x50  }
0x41: {  	[sflag:s21] =	ssyncset.done $0x0  }
0x42: {  	[sflag:s21] =	ssyncadd.s32 $0xFFFFFFB0  }
0x43: {  	[tilespmem:s23], [sflag:$0x1] =	stream.linear.gather [hbm4b:s26+s3], $0x2800, $0x38;
	[tilespmem:$0x16100] =	vst v63  }
0x44: {  	_ =	swait.ge [sflag:s21], $0x2800  }
0x45: {  	[sflag:s21] =	ssyncset.done $0x0  }
0x46: {  	[sflag:s21] =	ssyncadd.s32 $0xFFFFD800  }
0x47: {  	[spmem:s2] =	stream.indirect.scatter.add.f32 [tilespmem:s23], [sflag:$0x1], $0x80, s3, s24, $0xb8;
	[tilespmem:$0x16100] =	vst v63  }
.Ltmp3:
0x48: {  	_ =	swait.ge [sflag:s21], $0x2800;
	(pc) =	sbr.rel @p1 .LBB2_6-.Ltmp3, $3  }
0x49: {  	[sflag:s21] =	ssyncset.done $0x0  }
0x4a: {  	[sflag:s21] =	ssyncadd.s32 $0xFFFFD800  }
0x4b: {  	[bflag:$0x0] =	sbarrier.arrive $0xFFFF;
	_ =	sdelay $0x1  }
.Ltmp4:
0x4c: {  	(pc) =	sbr.rel @p2 .LBB2_7-.Ltmp4, $4  }
0x4d: {  	[hbm:s13], [sflag:s9] =	dma.local [spmem:s20], $0x2700  }
0x4e: {  	_ =	swait.ge [sflag:s21], $0x2700  }
0x4f: {  	[sflag:s21] =	ssyncset.done $0x0  }
0x50: {  	s26 =	smov.u32 s4;
	[sflag:s21] =	ssyncadd.s32 $0xFFFFD900  }
.Ltmp5:
0x51: {  	(pc) =	sbr.rel .LBB2_9-.Ltmp5, $4  }
0x52: {  	[spmem:s20], [sflag:s9] =	dma.local [hbm:s8], $0x2700  }
0x53: {  	_ =	swait.ge [sflag:s21], $0x2700  }
0x54: {  	[sflag:s21] =	ssyncset.done $0x0  }
0x55: {  	[sflag:s21] =	ssyncadd.s32 $0xFFFFD900  }
.LBB2_6:
.Ltmp6:
0x56: {  	(pc) =	sbr.rel @p0 .LBB2_8-.Ltmp6, $4  }
0x57: {  	[hbm:s12], [sflag:s9] =	dma.local [spmem:s20], $0x2700  }
0x58: {  	_ =	swait.ge [sflag:s21], $0x2700  }
0x59: {  	[sflag:s21] =	ssyncset.done $0x0  }
0x5a: {  	s26 =	smov.u32 s5;
	[sflag:s21] =	ssyncadd.s32 $0xFFFFD900  }
.LBB2_7:
0x5b: {  	s26 =	sadd.s32 $0x27000, s26;
	s28 =	sshrl.u32 s10, $0x3  }
0x5c: {  	[hbm:s26], [sflag:s9] =	dma.local [spmem:s28], $0x100  }
0x5d: {  	_ =	swait.ge [sflag:s21], $0x100  }
0x5e: {  	[sflag:s21] =	ssyncset.done $0x0  }
0x5f: {  	[sflag:s21] =	ssyncadd.s32 $0xFFFFFF00  }
0x60: {  	[spmem:s20], [sflag:s9] =	dma.local [hbm:s8], $0x2700  }
0x61: {  	_ =	swait.ge [sflag:s21], $0x2700  }
0x62: {  	[sflag:s21] =	ssyncset.done $0x0  }
.Ltmp7:
0x63: {  	[sflag:s21] =	ssyncadd.s32 $0xFFFFD900;
	(pc) =	sbr.rel .LBB2_9-.Ltmp7, $4  }
0x64: {  	[spmem:s28], [sflag:s9] =	dma.local [hbm:s11], $0x100  }
0x65: {  	_ =	swait.ge [sflag:s21], $0x100  }
0x66: {  	[sflag:s21] =	ssyncset.done $0x0  }
0x67: {  	[sflag:s21] =	ssyncadd.s32 $0xFFFFFF00  }
.LBB2_8:
0x68: {  	[spmem:s20], [sflag:s9] =	dma.local [hbm:s8], $0x2700  }
0x69: {  	_ =	swait.ge [sflag:s21], $0x2700  }
0x6a: {  	[sflag:s21] =	ssyncset.done $0x0  }
0x6b: {  	[sflag:s21] =	ssyncadd.s32 $0xFFFFD900  }
.LBB2_9:
0x6c: {  	[bflag:$0x0] =	sbarrier.arrive $0xFFFF;
	s26 =	sadd.s32 $0x0, s18  }
0x6d: {  	[tilespmem:s3], [sflag:$0x1] =	stream.linear.gather [hbm4b:s26+s3], $0x50, $0x38;
	[tilespmem:$0x16100] =	vst v63  }
0x6e: {  	_ =	swait.ge [sflag:s21], $0x50  }
0x6f: {  	[sflag:s21] =	ssyncset.done $0x0  }
0x70: {  	[sflag:s21] =	ssyncadd.s32 $0xFFFFFFB0  }
0x71: {  	[tilespmem:s23], [sflag:$0x1] =	stream.linear.gather [hbm4b:s19+s3], $0x2800, $0x38;
	[tilespmem:$0x16100] =	vst v63  }
0x72: {  	_ =	swait.ge [sflag:s21], $0x2800  }
0x73: {  	[sflag:s21] =	ssyncset.done $0x0  }
0x74: {  	[sflag:s21] =	ssyncadd.s32 $0xFFFFD800  }
0x75: {  	[spmem:s2] =	stream.indirect.scatter.add.f32 [tilespmem:s23], [sflag:$0x1], $0x80, s3, s24, $0xb8;
	[tilespmem:$0x16100] =	vst v63  }
0x76: {  	s28 =	simm.s32 $0xA;
	_ =	swait.ge [sflag:s21], $0x2800  }
0x77: {  	s29 =	simm.s32 $0x14;
	s26 =	sadd.s32 $0x500, s19;
	[sflag:s21] =	ssyncset.done $0x0  }
.LBB2_10:
0x78: {  	s30 =	sadd.s32 s28, s18  }
0x79: {  	[sflag:s21] =	ssyncadd.s32 $0xFFFFD800;
	s28 =	smov.u32 s29;
	s31 =	sadd.s32 $0xA, s29  }
0x7a: {  	[tilespmem:s3], [sflag:$0x1] =	stream.linear.gather [hbm4b:s30+s3], $0x50, $0x38;
	[tilespmem:$0x16100] =	vst v63  }
0x7b: {  	p3 =	sne.s32 s29, $0x4D8;
	_ =	swait.ge [sflag:s21], $0x50  }
0x7c: {  	[sflag:s21] =	ssyncset.done $0x0  }
0x7d: {  	[sflag:s21] =	ssyncadd.s32 $0xFFFFFFB0  }
0x7e: {  	[tilespmem:s23], [sflag:$0x1] =	stream.linear.gather [hbm4b:s26+s3], $0x2800, $0x38;
	[tilespmem:$0x16100] =	vst v63  }
0x7f: {  	_ =	swait.ge [sflag:s21], $0x2800  }
.Ltmp8:
0x80: {  	[sflag:s21] =	ssyncset.done $0x0;
	(pc) =	sbr.rel @p3 .LBB2_10-.Ltmp8, $4  }
0x81: {  	[sflag:s21] =	ssyncadd.s32 $0xFFFFD800  }
0x82: {  	[spmem:s2] =	stream.indirect.scatter.add.f32 [tilespmem:s23], [sflag:$0x1], $0x80, s3, s24, $0xb8;
	[tilespmem:$0x16100] =	vst v63  }
0x83: {  	_ =	swait.ge [sflag:s21], $0x2800  }
0x84: {  	s29 =	smov.u32 s31;
	s26 =	sadd.s32 $0x500, s26;
	[sflag:s21] =	ssyncset.done $0x0  }
0x85: {  	s28 =	sadd.s32 s28, s18;
	[sflag:s21] =	ssyncadd.s32 $0xFFFFD800  }
0x86: {  	[tilespmem:s3], [sflag:$0x1] =	stream.linear.gather [hbm4b:s28+s3], $0x50, $0x38;
	[tilespmem:$0x16100] =	vst v63  }
0x87: {  	_ =	swait.ge [sflag:s21], $0x50  }
0x88: {  	[sflag:s21] =	ssyncset.done $0x0  }
0x89: {  	[sflag:s21] =	ssyncadd.s32 $0xFFFFFFB0  }
0x8a: {  	[tilespmem:s23], [sflag:$0x1] =	stream.linear.gather [hbm4b:s26+s3], $0x2800, $0x38;
	[tilespmem:$0x16100] =	vst v63  }
0x8b: {  	_ =	swait.ge [sflag:s21], $0x2800  }
0x8c: {  	[sflag:s21] =	ssyncset.done $0x0  }
0x8d: {  	[sflag:s21] =	ssyncadd.s32 $0xFFFFD800  }
0x8e: {  	[spmem:s2] =	stream.indirect.scatter.add.f32 [tilespmem:s23], [sflag:$0x1], $0x80, s3, s24, $0xb8;
	[tilespmem:$0x16100] =	vst v63  }
.Ltmp9:
0x8f: {  	_ =	swait.ge [sflag:s21], $0x2800;
	(pc) =	sbr.rel @p1 .LBB2_13-.Ltmp9, $3  }
0x90: {  	[sflag:s21] =	ssyncset.done $0x0  }
0x91: {  	[sflag:s21] =	ssyncadd.s32 $0xFFFFD800  }
0x92: {  	[bflag:$0x0] =	sbarrier.arrive $0xFFFF;
	_ =	sdelay $0x1  }
0x93: {  	[hbm:s15], [sflag:s9] =	dma.local [spmem:s20], $0x2700  }
.Ltmp10:
0x94: {  	_ = 	snop;
	(pc) =	sbr.rel @p2 .LBB2_14-.Ltmp10, $4  }
.Ltmp11:
0x95: {  	_ = 	snop;
	(pc) =	sbr.rel @!p2 .LBB2_15-.Ltmp11, $4  }
0x96: {  	_ =	swait.ge [sflag:s21], $0x2700  }
0x97: {  	[sflag:s21] =	ssyncset.done $0x0  }
0x98: {  	s26 =	smov.u32 s6;
	[sflag:s21] =	ssyncadd.s32 $0xFFFFD900  }
0x99: {  	_ = 	snop  }
.LBB2_13:
0x9a: {  	[hbm:s14], [sflag:s9] =	dma.local [spmem:s20], $0x2700  }
.Ltmp12:
0x9b: {  	_ = 	snop;
	(pc) =	sbr.rel @p0 .LBB2_15-.Ltmp12, $4  }
.Ltmp13:
0x9c: {  	_ = 	snop;
	(pc) =	sbr.rel @!p0 .LBB2_14-.Ltmp13, $4  }
0x9d: {  	_ =	swait.ge [sflag:s21], $0x2700  }
0x9e: {  	[sflag:s21] =	ssyncset.done $0x0  }
0x9f: {  	s26 =	smov.u32 s7;
	[sflag:s21] =	ssyncadd.s32 $0xFFFFD900  }
0xa0: {  	_ = 	snop  }
.LBB2_16:
0xa1: {  	_ =	sfence.sel $0x180000  }
0xa2: {  	[bflag:$0x0] =	sbarrier.arrive $0xFFFF  }
0xa3: {  	p0 =	sne.s32 s0, $0x0;
	_ =	strace $0x9000005C  }
0xa4: {  	s0 =	sadd.s32 @!p0 $0x100000, s1;
	[bflag:$0x2] =	sbarrier.arrive $0xFFFF  }
0xa5: {  	[sflag:s0] =	ssyncadd.tile.s32 @!p0 $0x1;
	_ =	shalt  }
.Lfunc_end2:
_tile_overlayer_lowered:
.L_overlay_start_2:
0xa6: {  	(tag) =	ssettag $0x2  }
0xa7: {  	s0 =	rddreg [dreg:$0x0];
	s2 =	stileid.u32  }
0xa8: {  	s1 =	rddreg [dreg:$0x1];
	p0 =	sne.s32 s2, $0x0  }
0xa9: {  	s3 =	rddreg [dreg:$0x2];
	[bflag:$0x3] =	sbarrier.arrive $0xFFFF;
	s2 =	simm.s32 @!p0 $0x1C01  }
0xaa: {  	[timem:s3], [sflag:s2] =	dma.local @!p0 [hbm:s0], s1  }
0xab: {  	s0 =	simm.s32 @!p0 $0x1  }
0xac: {  	_ =	swait.ge @!p0 [sflag:s0], s1  }
0xad: {  	s1 =	ssub.s32 @!p0 $0x0, s1;
	[sflag:s0] =	ssyncset.done @!p0 $0x0  }
0xae: {  	[sflag:s0] =	ssyncadd.s32 @!p0 s1  }
0xaf: {  	[bflag:$0x3] =	sbarrier.arrive $0xFFFF  }
0xb0: {  	_ =	shalt  }

</sc_bundles>
